<compile_context>
chip_gen: v7x
topology: tpu7x:2x2x1
jax: 0.10.2.dev20260603
libtpu: 0.0.44.dev20260713+nightly
codegen_flags: <defaults>
</compile_context>

<pallas_src>
import functools

import jax
import jax.numpy as jnp
from jax import lax
from jax.experimental import pallas as pl
from jax.experimental.pallas import tpu as pltpu
from jax.experimental.pallas import tpu_sc as plsc

NC = 2
NS = 16
NW = NC * NS
F = 64
CW = 80
PW = 32


def _dgt(a, b):
    return lax.dot_general(a, b, (((1,), (1,)), ((), ())),
                           preferred_element_type=jnp.float32)


def _mesh():
    return plsc.VectorSubcoreMesh(core_axis_name="c", subcore_axis_name="s")



def _proj_body(x_ref, wl_ref, bl_ref, wr_ref, br_ref, xl_ref, xr_ref):
    xb = x_ref[...]
    xl_ref[...] = _dgt(xb, wl_ref[...]) + bl_ref[...]
    xr_ref[...] = _dgt(xb, wr_ref[...]) + br_ref[...]


def _proj(x, Wl, bl, Wr, br, blk=1000):
    n, k = x.shape
    f = Wl.shape[0]
    return pl.pallas_call(
        _proj_body,
        grid=(n // blk,),
        in_specs=[
            pl.BlockSpec((blk, k), lambda i: (i, 0)),
            pl.BlockSpec((f, k), lambda i: (0, 0)),
            pl.BlockSpec((1, f), lambda i: (0, 0)),
            pl.BlockSpec((f, k), lambda i: (0, 0)),
            pl.BlockSpec((1, f), lambda i: (0, 0)),
        ],
        out_specs=[pl.BlockSpec((blk, f), lambda i: (i, 0)),
                   pl.BlockSpec((blk, f), lambda i: (i, 0))],
        out_shape=[jax.ShapeDtypeStruct((n, f), jnp.float32)] * 2,
    )(x, Wl, bl.reshape(1, -1), Wr, br.reshape(1, -1))


def _me_body(ea_ref, w1_ref, w2_ref, m1_ref, m2_ref):
    ea = ea_ref[...]
    m1_ref[...] = _dgt(ea, w1_ref[...])
    m2_ref[...] = _dgt(ea, w2_ref[...])


def _me2(ea, We1, We2, blk=4000):
    e, k = ea.shape
    f = We1.shape[0]
    return pl.pallas_call(
        _me_body,
        grid=(e // blk,),
        in_specs=[
            pl.BlockSpec((blk, k), lambda i: (i, 0)),
            pl.BlockSpec((f, k), lambda i: (0, 0)),
            pl.BlockSpec((f, k), lambda i: (0, 0)),
        ],
        out_specs=[pl.BlockSpec((blk, f), lambda i: (i, 0)),
                   pl.BlockSpec((blk, f), lambda i: (i, 0))],
        out_shape=[jax.ShapeDtypeStruct((e, f), jnp.float32)] * 2,
    )(ea, We1, We2)


def _loopme_body(pacc_ref, w1_ref, w2_ref, l1_ref, l2_ref):
    p = pacc_ref[...]
    s = p[0] + p[1]
    cnt = jnp.clip(s[:, 16:17], 1.0, None)
    la = s[:, :16] / cnt
    l1_ref[...] = _dgt(la, w1_ref[...])
    l2_ref[...] = _dgt(la, w2_ref[...])


def _loopme(pacc, We1, We2, n, blk=1000):
    f = We1.shape[0]
    return pl.pallas_call(
        _loopme_body,
        grid=(n // blk,),
        in_specs=[
            pl.BlockSpec((2, blk, PW), lambda i: (0, i, 0)),
            pl.BlockSpec((f, 16), lambda i: (0, 0)),
            pl.BlockSpec((f, 16), lambda i: (0, 0)),
        ],
        out_specs=[pl.BlockSpec((blk, f), lambda i: (i, 0)),
                   pl.BlockSpec((blk, f), lambda i: (i, 0))],
        out_shape=[jax.ShapeDtypeStruct((n, f), jnp.float32)] * 2,
    )(pacc, We1, We2)


def _node_h(acc, xl, xr, lme, att, bias):
    ms = xl + xr + lme
    ms = jnp.where(ms > 0, ms, 0.2 * ms)
    aes = jnp.exp(jnp.sum(ms * att, axis=-1, keepdims=True))
    num = acc[0, :, :F] + acc[1, :, :F] + xl * aes
    den = acc[0, :, F:F + 1] + acc[1, :, F:F + 1] + aes + 1e-16
    return jnp.maximum(num / den + bias, 0.0)


def _epi_body(acc_ref, xl_ref, xr_ref, lme_ref, att_ref, bias_ref,
              wl_ref, bl_ref, wr_ref, br_ref, xl2_ref, xr2_ref):
    h = _node_h(acc_ref[...], xl_ref[...], xr_ref[...], lme_ref[...],
                att_ref[...], bias_ref[...])
    xl2_ref[...] = _dgt(h, wl_ref[...]) + bl_ref[...]
    xr2_ref[...] = _dgt(h, wr_ref[...]) + br_ref[...]


def _epi(acc, xl, xr, lme, att, bias, Wl, bl, Wr, br, blk=1000):
    n = xl.shape[0]
    f = F
    return pl.pallas_call(
        _epi_body,
        grid=(n // blk,),
        in_specs=[
            pl.BlockSpec((2, blk, CW), lambda i: (0, i, 0)),
            pl.BlockSpec((blk, f), lambda i: (i, 0)),
            pl.BlockSpec((blk, f), lambda i: (i, 0)),
            pl.BlockSpec((blk, f), lambda i: (i, 0)),
            pl.BlockSpec((1, f), lambda i: (0, 0)),
            pl.BlockSpec((1, f), lambda i: (0, 0)),
            pl.BlockSpec((f, f), lambda i: (0, 0)),
            pl.BlockSpec((1, f), lambda i: (0, 0)),
            pl.BlockSpec((f, f), lambda i: (0, 0)),
            pl.BlockSpec((1, f), lambda i: (0, 0)),
        ],
        out_specs=[pl.BlockSpec((blk, f), lambda i: (i, 0)),
                   pl.BlockSpec((blk, f), lambda i: (i, 0))],
        out_shape=[jax.ShapeDtypeStruct((n, f), jnp.float32)] * 2,
    )(acc, xl, xr, lme, att.reshape(1, -1), bias.reshape(1, -1),
      Wl, bl.reshape(1, -1), Wr, br.reshape(1, -1))


def _head_body(acc_ref, xl_ref, xr_ref, lme_ref, att_ref, bias_ref, y_ref,
               w0_ref, b0_ref, w1a_ref, w1b_ref, b1_ref, w2_ref, b2_ref,
               out_ref):
    h2 = _node_h(acc_ref[...], xl_ref[...], xr_ref[...], lme_ref[...],
                 att_ref[...], bias_ref[...])
    y2 = jnp.maximum(_dgt(y_ref[...], w0_ref[...]) + b0_ref[...], 0.0)
    hc = jnp.maximum(_dgt(h2, w1a_ref[...]) + _dgt(y2, w1b_ref[...])
                     + b1_ref[...], 0.0)
    o = _dgt(hc, w2_ref[...]) + b2_ref[...]
    out_ref[...] = jnp.concatenate([o, jnp.zeros_like(o)], axis=1)


def _head(acc, xl, xr, lme, att, bias, y, W0, b0, W1, b1, W2, b2, blk=1000):
    n = xl.shape[0]
    f = F
    W1a = W1[:, :f]
    W1b = W1[:, f:]
    return pl.pallas_call(
        _head_body,
        grid=(n // blk,),
        in_specs=[
            pl.BlockSpec((2, blk, CW), lambda i: (0, i, 0)),
            pl.BlockSpec((blk, f), lambda i: (i, 0)),
            pl.BlockSpec((blk, f), lambda i: (i, 0)),
            pl.BlockSpec((blk, f), lambda i: (i, 0)),
            pl.BlockSpec((1, f), lambda i: (0, 0)),
            pl.BlockSpec((1, f), lambda i: (0, 0)),
            pl.BlockSpec((blk, 2), lambda i: (i, 0)),
            pl.BlockSpec((2, 2), lambda i: (0, 0)),
            pl.BlockSpec((1, 2), lambda i: (0, 0)),
            pl.BlockSpec((32, f), lambda i: (0, 0)),
            pl.BlockSpec((32, 2), lambda i: (0, 0)),
            pl.BlockSpec((1, 32), lambda i: (0, 0)),
            pl.BlockSpec((8, 32), lambda i: (0, 0)),
            pl.BlockSpec((1, 8), lambda i: (0, 0)),
        ],
        out_specs=[pl.BlockSpec((blk, 16), lambda i: (i, 0))],
        out_shape=[jax.ShapeDtypeStruct((n, 16), jnp.float32)],
    )(acc, xl, xr, lme, att.reshape(1, -1), bias.reshape(1, -1),
      y, W0, b0.reshape(1, -1), W1a, W1b, b1.reshape(1, -1),
      W2, b2.reshape(1, -1))[0]



def _p0(dst, ea, zeros, npad):
    e = dst.shape[0]
    ept = e // NW
    b0 = 400
    npt = npad // NS

    @functools.partial(
        pl.kernel,
        out_type=jax.ShapeDtypeStruct((2, npad, PW), jnp.float32),
        mesh=_mesh(),
        compiler_params=pltpu.CompilerParams(needs_layout_passes=False, use_tc_tiling_on_sc=False),
        scratch_types=[
            pltpu.VMEM((b0,), jnp.int32),
            pltpu.VMEM((b0, 16), jnp.float32),
            pltpu.VMEM((b0, PW), jnp.float32),
            pltpu.VMEM_SHARED((npad, PW), jnp.float32),
        ],
    )
    def k(dst_h, ea_h, z_h, out_h, idx_v, ea_v, con_v, acc_s):
        cid = lax.axis_index("c")
        sid = lax.axis_index("s")
        wid = cid * NS + sid
        r0 = pl.multiple_of(sid * npt, 8)
        pltpu.sync_copy(z_h.at[pl.ds(r0, npt)], acc_s.at[pl.ds(r0, npt)])
        iota = lax.iota(jnp.int32, 16)
        one0 = jnp.where(iota == 0, 1.0, 0.0).astype(jnp.float32)
        plsc.subcore_barrier()

        def blk(b, _):
            eb = pl.multiple_of(wid * ept + b * b0, 8)
            pltpu.sync_copy(dst_h.at[pl.ds(eb, b0)], idx_v)
            pltpu.sync_copy(ea_h.at[pl.ds(eb, b0)], ea_v)

            def cp(r, _):
                con_v[r, pl.ds(0, 16)] = ea_v[r, :]
                con_v[r, pl.ds(16, 16)] = one0
                return 0

            lax.fori_loop(0, b0, cp, 0)
            pltpu.sync_copy(con_v, acc_s.at[idx_v], add=True)
            return 0

        lax.fori_loop(0, ept // b0, blk, 0)
        plsc.subcore_barrier()
        pltpu.sync_copy(acc_s.at[pl.ds(r0, npt)], out_h.at[cid, pl.ds(r0, npt)])

    return k(dst, ea, zeros)


def _edge_pass(xl, xr, me, src, dst, att, zeros):
    npad = zeros.shape[0]
    e = src.shape[0]
    ept = e // NW
    bsz = 80
    grp = bsz // 16
    npt = npad // NS

    nb = ept // bsz
    assert nb % 2 == 1 and nb >= 3

    @functools.partial(
        pl.kernel,
        out_type=jax.ShapeDtypeStruct((2, npad, CW), jnp.float32),
        mesh=_mesh(),
        compiler_params=pltpu.CompilerParams(needs_layout_passes=False, use_tc_tiling_on_sc=False),
        scratch_types=[
            [pltpu.VMEM((bsz,), jnp.int32)] * 2,
            [pltpu.VMEM((bsz,), jnp.int32)] * 2,
            [pltpu.VMEM((bsz, F), jnp.float32)] * 2,
            [pltpu.VMEM((bsz, F), jnp.float32)] * 2,
            [pltpu.VMEM((bsz, F), jnp.float32)] * 2,
            [pltpu.VMEM((bsz, CW), jnp.float32)] * 2,
            pltpu.VMEM((F,), jnp.float32),
            pltpu.VMEM_SHARED((npad, CW), jnp.float32),
            [pltpu.SemaphoreType.DMA] * 2,
            [pltpu.SemaphoreType.DMA] * 2,
            [pltpu.SemaphoreType.DMA] * 2,
            [pltpu.SemaphoreType.DMA] * 2,
            [pltpu.SemaphoreType.DMA] * 2,
        ],
    )
    def k(xl_h, xr_h, me_h, src_h, dst_h, att_h, z_h, out_h,
          sidx, didx, xlb, xrb, meb, con, att_v,
          acc_s, semi, semxl, semxr, semme, semsc):
        cid = lax.axis_index("c")
        sid = lax.axis_index("s")
        wid = cid * NS + sid
        r0 = pl.multiple_of(sid * npt, 8)
        pltpu.sync_copy(z_h.at[pl.ds(r0, npt)], acc_s.at[pl.ds(r0, npt)])
        pltpu.sync_copy(att_h, att_v)
        plsc.subcore_barrier()
        iota = lax.iota(jnp.int32, 16)
        zero16 = jnp.zeros((16,), jnp.float32)
        one0 = jnp.where(iota == 0, 1.0, 0.0).astype(jnp.float32)

        def ebase(bb):
            return pl.multiple_of(wid * ept + bb * bsz, 8)

        def issue_idx(s, bb):
            eb = ebase(bb)
            pltpu.async_copy(src_h.at[pl.ds(eb, bsz)], sidx[s], semi[s])
            pltpu.async_copy(dst_h.at[pl.ds(eb, bsz)], didx[s], semi[s])

        def wait_idx(s):
            pltpu.make_async_copy(src_h.at[pl.ds(0, bsz)], sidx[s], semi[s]).wait()
            pltpu.make_async_copy(dst_h.at[pl.ds(0, bsz)], didx[s], semi[s]).wait()

        def issue_gather(s, bb):
            eb = ebase(bb)
            pltpu.async_copy(xl_h.at[sidx[s]], xlb[s], semxl[s])
            pltpu.async_copy(xr_h.at[didx[s]], xrb[s], semxr[s])
            pltpu.async_copy(me_h.at[pl.ds(eb, bsz)], meb[s], semme[s])

        def wait_gather(s):
            pltpu.make_async_copy(xl_h.at[sidx[s]], xlb[s], semxl[s]).wait()
            pltpu.make_async_copy(xr_h.at[didx[s]], xrb[s], semxr[s]).wait()
            pltpu.make_async_copy(me_h.at[pl.ds(0, bsz)], meb[s], semme[s]).wait()

        def issue_scatter(s):
            pltpu.async_copy(con[s], acc_s.at[didx[s]], semsc[s], add=True)

        def wait_scatter(s):
            pltpu.make_async_copy(con[s], acc_s.at[didx[s]], semsc[s]).wait()

        def compute(s):
            xl_v, xr_v, me_v, con_v = xlb[s], xrb[s], meb[s], con[s]
            nch = F // 16
            att_c = [att_v[pl.ds(kk * 16, 16)] for kk in range(nch)]
            unroll = 4

            def eloop(it, _):
                for u in range(unroll):
                    r = it * unroll + u
                    xs = [xl_v[r, pl.ds(kk * 16, 16)] for kk in range(nch)]
                    acc = zero16
                    for kk in range(nch):
                        mm = (xs[kk] + xr_v[r, pl.ds(kk * 16, 16)]
                              + me_v[r, pl.ds(kk * 16, 16)])
                        mm = jnp.where(mm > 0, mm, 0.2 * mm)
                        acc = acc + mm * att_c[kk]
                    alpha = jnp.sum(acc)
                    bc = jnp.exp(jnp.broadcast_to(alpha, (16,)))
                    for kk in range(nch):
                        con_v[r, pl.ds(kk * 16, 16)] = xs[kk] * bc
                    con_v[r, pl.ds(F, 16)] = bc * one0
                return 0

            lax.fori_loop(0, bsz // unroll, eloop, 0)

        pltpu.sync_copy(src_h.at[pl.ds(ebase(0), bsz)], sidx[0])
        pltpu.sync_copy(dst_h.at[pl.ds(ebase(0), bsz)], didx[0])
        issue_gather(0, 0)
        issue_idx(1, 1)
        wait_gather(0)
        compute(0)
        issue_scatter(0)
        wait_idx(1)
        issue_gather(1, 1)

        def pair(i, _):
            bb = 2 * i + 2
            wait_scatter(0)
            issue_idx(0, bb)
            wait_gather(1)
            compute(1)
            issue_scatter(1)
            wait_idx(0)
            issue_gather(0, bb)
            wait_scatter(1)

            @pl.when(bb + 1 < nb)
            def _():
                issue_idx(1, bb + 1)

            wait_gather(0)
            compute(0)
            issue_scatter(0)

            @pl.when(bb + 1 < nb)
            def _():
                wait_idx(1)
                issue_gather(1, bb + 1)

            return 0

        lax.fori_loop(0, (nb - 1) // 2, pair, 0)
        wait_scatter(0)
        plsc.subcore_barrier()
        pltpu.sync_copy(acc_s.at[pl.ds(r0, npt)], out_h.at[cid, pl.ds(r0, npt)])

    return k(xl, xr, me, src, dst, att, zeros)


def _gather_rows(tab, idx):
    kn = idx.shape[0]
    kpt = kn // NW

    @functools.partial(
        pl.kernel,
        out_type=jax.ShapeDtypeStruct((kn, 16), jnp.float32),
        mesh=_mesh(),
        compiler_params=pltpu.CompilerParams(needs_layout_passes=False, use_tc_tiling_on_sc=False),
        scratch_types=[
            pltpu.VMEM((kpt,), jnp.int32),
            pltpu.VMEM((kpt, 16), jnp.float32),
            pltpu.SemaphoreType.DMA,
        ],
    )
    def k(tab_h, idx_h, out_h, idx_v, rows_v, sem):
        cid = lax.axis_index("c")
        sid = lax.axis_index("s")
        base = pl.multiple_of((cid * NS + sid) * kpt, 8)
        pltpu.sync_copy(idx_h.at[pl.ds(base, kpt)], idx_v)
        pltpu.async_copy(tab_h.at[idx_v], rows_v, sem).wait()
        pltpu.sync_copy(rows_v, out_h.at[pl.ds(base, kpt)])

    return k(tab, idx)



def kernel(x, edge_index, edge_attr, y, node_idx,
           Wl1, bl1, Wr1, br1, We1, att1, bias1,
           Wl2, bl2, Wr2, br2, We2, att2, bias2,
           W0, b0, W1, b1, W2, b2):
    n = x.shape[0]
    npad = ((n + 8 * NS - 1) // (8 * NS)) * (8 * NS)
    src = edge_index[0].astype(jnp.int32)
    dst = edge_index[1].astype(jnp.int32)
    node_idx = node_idx.astype(jnp.int32)

    zeros_cw = jnp.zeros((npad, CW), jnp.float32)
    zeros_pw = jnp.zeros((npad, PW), jnp.float32)

    xl1, xr1 = _proj(x, Wl1, bl1, Wr1, br1)
    me1, me2 = _me2(edge_attr, We1, We2)
    pacc = _p0(dst, edge_attr, zeros_pw, npad)
    lme1, lme2 = _loopme(pacc, We1, We2, n)

    acc1 = _edge_pass(xl1, xr1, me1, src, dst, att1, zeros_cw)
    xl2, xr2 = _epi(acc1, xl1, xr1, lme1, att1, bias1, Wl2, bl2, Wr2, br2)
    acc2 = _edge_pass(xl2, xr2, me2, src, dst, att2, zeros_cw)
    outp = _head(acc2, xl2, xr2, lme2, att2, bias2, y, W0, b0, W1, b1, W2, b2)
    sel = _gather_rows(outp, node_idx)
    return sel[:, :8]

# --- scband reference (transcript-rebuilt; emitter-appended) ---
"""Pipeline reference for scband-gnn-45775761440951 (READ-ONLY COPY).

The authoritative reference and input builder live on the scoring server;
editing this copy changes nothing except your own understanding.
"""

import jax, jax.numpy as jnp
import numpy as np

N = 10000
E = 320000

def setup_inputs(seed: int = 0):
    key = jax.random.key(seed)
    ks = jax.random.split(key, 32)
    s = 0.1
    x = jax.random.normal(ks[0], (N, 128), dtype=jnp.float32)
    src = jax.random.randint(ks[1], (E,), 0, N)
    off = jax.random.randint(ks[2], (E,), 1, N)
    dst = (src + off) % N  # guarantees no self-loops (PyG GATv2Conv removes then re-adds them)
    edge_index = jnp.stack([src, dst]).astype(jnp.int32)
    edge_attr = jax.random.normal(ks[3], (E, 16), dtype=jnp.float32)
    y = jax.random.normal(ks[4], (N, 2), dtype=jnp.float32)
    node_idx = jax.random.randint(ks[5], (1024,), 0, N)
    inp = {
        'x': x, 'edge_index': edge_index, 'edge_attr': edge_attr, 'y': y, 'node_idx': node_idx,
        'Wl1': jax.random.normal(ks[6], (64, 128)) * s, 'bl1': jnp.zeros((64,)),
        'Wr1': jax.random.normal(ks[7], (64, 128)) * s, 'br1': jnp.zeros((64,)),
        'We1': jax.random.normal(ks[8], (64, 16)) * s, 'att1': jax.random.normal(ks[9], (64,)) * s,
        'bias1': jnp.zeros((64,)),
        'Wl2': jax.random.normal(ks[10], (64, 64)) * s, 'bl2': jnp.zeros((64,)),
        'Wr2': jax.random.normal(ks[11], (64, 64)) * s, 'br2': jnp.zeros((64,)),
        'We2': jax.random.normal(ks[12], (64, 16)) * s, 'att2': jax.random.normal(ks[13], (64,)) * s,
        'bias2': jnp.zeros((64,)),
        'W0': jax.random.normal(ks[14], (2, 2)) * s, 'b0': jnp.zeros((2,)),
        'W1': jax.random.normal(ks[15], (32, 66)) * s, 'b1': jnp.zeros((32,)),
        'W2': jax.random.normal(ks[16], (8, 32)) * s, 'b2': jnp.zeros((8,)),
    }
    return inp

def gatv2_layer(x, src, dst, edge_attr, Wl, bl, Wr, br, We, att, bias):
    n = x.shape[0]
    # add self-loops with fill_value='mean' (mean of incoming edge_attr per dst node)
    ones = jnp.ones((edge_attr.shape[0],), dtype=x.dtype)
    cnt = jax.ops.segment_sum(ones, dst, num_segments=n)
    loop_attr = jax.ops.segment_sum(edge_attr, dst, num_segments=n) / jnp.clip(cnt, 1.0, None)[:, None]
    ar = jnp.arange(n, dtype=src.dtype)
    src_f = jnp.concatenate([src, ar])
    dst_f = jnp.concatenate([dst, ar])
    ea = jnp.concatenate([edge_attr, loop_attr], axis=0)
    xl = x @ Wl.T + bl
    xr = x @ Wr.T + br
    m = xl[src_f] + xr[dst_f] + ea @ We.T
    m = jnp.where(m > 0, m, 0.2 * m)  # leaky_relu(0.2)
    alpha = (m * att).sum(-1)
    amax = jax.ops.segment_max(alpha, dst_f, num_segments=n)
    ae = jnp.exp(alpha - amax[dst_f])
    asum = jax.ops.segment_sum(ae, dst_f, num_segments=n)
    a = ae / (asum[dst_f] + 1e-16)
    out = jax.ops.segment_sum(xl[src_f] * a[:, None], dst_f, num_segments=n)
    return out + bias

def reference(x, edge_index, edge_attr, y, node_idx, Wl1, bl1, Wr1, br1, We1, att1, bias1, Wl2, bl2, Wr2, br2, We2, att2, bias2, W0, b0, W1, b1, W2, b2):
    src, dst = edge_index[0], edge_index[1]
    h = jax.nn.relu(gatv2_layer(x, src, dst, edge_attr, Wl1, bl1, Wr1, br1, We1, att1, bias1))
    h = jax.nn.relu(gatv2_layer(h, src, dst, edge_attr, Wl2, bl2, Wr2, br2, We2, att2, bias2))
    y2 = y.reshape(-1, 2)
    rf = h.shape[0] // y2.shape[0]
    y2 = jnp.repeat(y2, rf, axis=0)
    y2 = jax.nn.relu(y2 @ W0.T + b0)
    hc = jnp.concatenate([h, y2], axis=1)
    hc = jax.nn.relu(hc @ W1.T + b1)
    out = hc @ W2.T + b2
    return out[node_idx]

if __name__ == "__main__":
    import jax
    _d = setup_inputs()
    print(jax.jit(kernel)(*tuple(_d.values())))

</pallas_src>

<mosaic_0001>
#map = affine_map<(d0, d1) -> (0)>
#map1 = affine_map<(d0, d1) -> (0, 0)>
#map2 = affine_map<(d0, d1) -> (0, 0, 0)>
module attributes {stable_mosaic.version = 14 : i64} {
  func.func @k(%arg0: i32, %arg1: i32, %arg2: memref<320000xi32, #tpu.memory_space<hbm>>, %arg3: memref<320000x16xf32, #tpu.memory_space<hbm>>, %arg4: memref<10112x32xf32, #tpu.memory_space<hbm>>, %arg5: memref<2x10112x32xf32, #tpu.memory_space<hbm>>, %arg6: memref<400xi32, #tpu.memory_space<vmem>>, %arg7: memref<400x16xf32, #tpu.memory_space<vmem>>, %arg8: memref<400x32xf32, #tpu.memory_space<vmem>>, %arg9: memref<10112x32xf32, #tpu.memory_space<vmem_shared>>) attributes {dimension_semantics = [#tpu.dimension_semantics<core_parallel>, #tpu.dimension_semantics<subcore_parallel>], iteration_bounds = array<i64: 2, 16>, scalar_prefetch = 0 : i64, scratch_operands = 4 : i64, tpu.core_type = #tpu.core_type<sc_vector_subcore>, window_params = [{transform_indices = #map}, {transform_indices = #map1}, {transform_indices = #map1}, {transform_indices = #map2}]} {
    %mul3A = arith.constant 16 : i32
    %mul3A_0 = arith.muli %arg0, %mul3A : i32
    %add3A = arith.addi %mul3A_0, %arg1 : i32
    %mul3A_1 = arith.constant 632 : i32
    %mul3A_2 = arith.muli %arg1, %mul3A_1 : i32
    %multiple_of3A = tpu.assume_multiple %mul3A_2, 8 : i32
    "tpu.region"() ({
      %run_scoped3A = tpu.sem_alloc : memref<!tpu.dma_semaphore, #tpu.memory_space<semaphore_mem>>
      %dma_start3A = arith.constant 0 : i32
      %dma_start3A_14 = tpu.memref_slice %arg9[%multiple_of3A, %dma_start3A] : memref<10112x32xf32, #tpu.memory_space<vmem_shared>> -> memref<632x32xf32, #tpu.memory_space<vmem_shared>>
      %dma_start3A_15 = arith.constant 0 : i32
      %dma_start3A_16 = tpu.memref_slice %arg4[%multiple_of3A, %dma_start3A_15] : memref<10112x32xf32, #tpu.memory_space<hbm>> -> memref<632x32xf32, #tpu.memory_space<hbm>>
      tpu.enqueue_dma source(%dma_start3A_16 : memref<632x32xf32, #tpu.memory_space<hbm>>) target(%dma_start3A_14 : memref<632x32xf32, #tpu.memory_space<vmem_shared>>) target_semaphore(%run_scoped3A : memref<!tpu.dma_semaphore, #tpu.memory_space<semaphore_mem>>)
      %dma_wait3A = arith.constant 0 : i32
      %dma_wait3A_17 = tpu.memref_slice %arg9[%multiple_of3A, %dma_wait3A] : memref<10112x32xf32, #tpu.memory_space<vmem_shared>> -> memref<632x32xf32, #tpu.memory_space<vmem_shared>>
      %dma_wait3A_18 = arith.constant 0 : i32
      %dma_wait3A_19 = tpu.memref_slice %arg4[%multiple_of3A, %dma_wait3A_18] : memref<10112x32xf32, #tpu.memory_space<hbm>> -> memref<632x32xf32, #tpu.memory_space<hbm>>
      tpu.wait_dma2 semaphore(%run_scoped3A : memref<!tpu.dma_semaphore, #tpu.memory_space<semaphore_mem>>) src(%dma_wait3A_19 : memref<632x32xf32, #tpu.memory_space<hbm>>) dst(%dma_wait3A_17 : memref<632x32xf32, #tpu.memory_space<vmem_shared>>)
      tpu.yield
    }) : () -> ()
    %iota3A = tpu.iota {dimensions = array<i32: 0>} : vector<16xi32>
    %eq3A = arith.constant 0 : i32
    %eq3A_3 = vector.broadcast %eq3A : i32 to vector<16xi32>
    %eq3A_4 = arith.cmpi eq, %iota3A, %eq3A_3 : vector<16xi32>
    %jit3A = arith.constant 1.000000e+00 : f32
    %jit3A_5 = arith.constant 0.000000e+00 : f32
    %broadcast_in_dim3A = vector.broadcast %jit3A : f32 to vector<16xf32>
    %broadcast_in_dim3A_6 = vector.broadcast %jit3A_5 : f32 to vector<16xf32>
    %select_n3A = arith.select %eq3A_4, %broadcast_in_dim3A, %broadcast_in_dim3A_6 : vector<16xi1>, vector<16xf32>
    %barrier3A = arith.constant 0 : index
    tpu.barrier barrier_id(%barrier3A)
    %scan3A = arith.constant 0 : i32
    %scan3A_7 = arith.constant 0 : i32
    %scan3A_8 = arith.constant 25 : i32
    %scan3A_9 = arith.addi %scan3A_7, %scan3A_8 : i32
    %scan3A_10 = arith.constant 1 : i32
    %scan3A_11 = scf.for %scan3A_14 = %scan3A_7 to %scan3A_9 step %scan3A_10 iter_args(%scan3A_15 = %scan3A) -> (i32)  : i32 {
      %mul3A_16 = arith.constant 10000 : i32
      %mul3A_17 = arith.muli %add3A, %mul3A_16 : i32
      %mul3A_18 = arith.constant 400 : i32
      %mul3A_19 = arith.muli %scan3A_14, %mul3A_18 : i32
      %add3A_20 = arith.addi %mul3A_17, %mul3A_19 : i32
      %multiple_of3A_21 = tpu.assume_multiple %add3A_20, 8 : i32
      "tpu.region"() ({
        %run_scoped3A = tpu.sem_alloc : memref<!tpu.dma_semaphore, #tpu.memory_space<semaphore_mem>>
        %dma_start3A = tpu.memref_slice %arg2[%multiple_of3A_21] : memref<320000xi32, #tpu.memory_space<hbm>> -> memref<400xi32, #tpu.memory_space<hbm>>
        %dma_start3A_30 = tpu.memref_slice %arg2[%multiple_of3A_21] : memref<320000xi32, #tpu.memory_space<hbm>> -> memref<400xi32, #tpu.memory_space<hbm>>
        tpu.enqueue_dma source(%dma_start3A_30 : memref<400xi32, #tpu.memory_space<hbm>>) target(%arg6 : memref<400xi32, #tpu.memory_space<vmem>>) target_semaphore(%run_scoped3A : memref<!tpu.dma_semaphore, #tpu.memory_space<semaphore_mem>>)
        %dma_wait3A = tpu.memref_slice %arg2[%multiple_of3A_21] : memref<320000xi32, #tpu.memory_space<hbm>> -> memref<400xi32, #tpu.memory_space<hbm>>
        %dma_wait3A_31 = tpu.memref_slice %arg2[%multiple_of3A_21] : memref<320000xi32, #tpu.memory_space<hbm>> -> memref<400xi32, #tpu.memory_space<hbm>>
        tpu.wait_dma2 semaphore(%run_scoped3A : memref<!tpu.dma_semaphore, #tpu.memory_space<semaphore_mem>>) src(%dma_wait3A_31 : memref<400xi32, #tpu.memory_space<hbm>>) dst(%arg6 : memref<400xi32, #tpu.memory_space<vmem>>)
        tpu.yield
      }) : () -> ()
      "tpu.region"() ({
        %run_scoped3A = tpu.sem_alloc : memref<!tpu.dma_semaphore, #tpu.memory_space<semaphore_mem>>
        %dma_start3A = arith.constant 0 : i32
        %dma_start3A_30 = tpu.memref_slice %arg3[%multiple_of3A_21, %dma_start3A] : memref<320000x16xf32, #tpu.memory_space<hbm>> -> memref<400x16xf32, #tpu.memory_space<hbm>>
        %dma_start3A_31 = arith.constant 0 : i32
        %dma_start3A_32 = tpu.memref_slice %arg3[%multiple_of3A_21, %dma_start3A_31] : memref<320000x16xf32, #tpu.memory_space<hbm>> -> memref<400x16xf32, #tpu.memory_space<hbm>>
        tpu.enqueue_dma source(%dma_start3A_32 : memref<400x16xf32, #tpu.memory_space<hbm>>) target(%arg7 : memref<400x16xf32, #tpu.memory_space<vmem>>) target_semaphore(%run_scoped3A : memref<!tpu.dma_semaphore, #tpu.memory_space<semaphore_mem>>)
        %dma_wait3A = arith.constant 0 : i32
        %dma_wait3A_33 = tpu.memref_slice %arg3[%multiple_of3A_21, %dma_wait3A] : memref<320000x16xf32, #tpu.memory_space<hbm>> -> memref<400x16xf32, #tpu.memory_space<hbm>>
        %dma_wait3A_34 = arith.constant 0 : i32
        %dma_wait3A_35 = tpu.memref_slice %arg3[%multiple_of3A_21, %dma_wait3A_34] : memref<320000x16xf32, #tpu.memory_space<hbm>> -> memref<400x16xf32, #tpu.memory_space<hbm>>
        tpu.wait_dma2 semaphore(%run_scoped3A : memref<!tpu.dma_semaphore, #tpu.memory_space<semaphore_mem>>) src(%dma_wait3A_35 : memref<400x16xf32, #tpu.memory_space<hbm>>) dst(%arg7 : memref<400x16xf32, #tpu.memory_space<vmem>>)
        tpu.yield
      }) : () -> ()
      %scan3A_22 = arith.constant 0 : i32
      %scan3A_23 = arith.constant 0 : i32
      %scan3A_24 = arith.constant 400 : i32
      %scan3A_25 = arith.addi %scan3A_23, %scan3A_24 : i32
      %scan3A_26 = arith.constant 1 : i32
      %scan3A_27 = scf.for %scan3A_30 = %scan3A_23 to %scan3A_25 step %scan3A_26 iter_args(%scan3A_31 = %scan3A_22) -> (i32)  : i32 {
        %get3A = arith.index_cast %scan3A_30 : i32 to index
        %get3A_32 = arith.constant 0 : index
        %get3A_33 = tpu.vector_load %arg7[%get3A, %get3A_32] {strides = array<i32>} : memref<400x16xf32, #tpu.memory_space<vmem>>, vector<16xf32>,
        %swap3A = arith.index_cast %scan3A_30 : i32 to index
        %swap3A_34 = arith.constant 0 : index
        %swap3A_35 = tpu.vector_load %arg8[%swap3A, %swap3A_34] {strides = array<i32>} : memref<400x32xf32, #tpu.memory_space<vmem>>, vector<16xf32>,
        tpu.vector_store %arg8[%swap3A, %swap3A_34], %get3A_33 {strides = array<i32>} : memref<400x32xf32, #tpu.memory_space<vmem>>, vector<16xf32>,
        %swap3A_36 = arith.index_cast %scan3A_30 : i32 to index
        %swap3A_37 = arith.constant 16 : index
        %swap3A_38 = tpu.vector_load %arg8[%swap3A_36, %swap3A_37] {strides = array<i32>} : memref<400x32xf32, #tpu.memory_space<vmem>>, vector<16xf32>,
        tpu.vector_store %arg8[%swap3A_36, %swap3A_37], %select_n3A {strides = array<i32>} : memref<400x32xf32, #tpu.memory_space<vmem>>, vector<16xf32>,
        %scan3A_39 = arith.constant 0 : i32
        scf.yield %scan3A_39 : i32
      }
      %scan3A_28 = arith.constant 400 : i32
      "tpu.region"() ({
        %run_scoped3A = tpu.sem_alloc : memref<!tpu.dma_semaphore, #tpu.memory_space<semaphore_mem>>
        %dma_start3A = arith.constant 0 : i32
        %dma_start3A_30 = arith.constant 0 : i32
        %dma_start3A_31 = tpu.memref_slice %arg9[%dma_start3A, %dma_start3A_30] : memref<10112x32xf32, #tpu.memory_space<vmem_shared>> -> memref<10112x32xf32, #tpu.memory_space<vmem_shared>>
        tpu.enqueue_indirect_dma source(%arg8 : memref<400x32xf32, #tpu.memory_space<vmem>>) target(%dma_start3A_31 : memref<10112x32xf32, #tpu.memory_space<vmem_shared>>) offsets(%arg6 : memref<400xi32, #tpu.memory_space<vmem>>) semaphore(%run_scoped3A : memref<!tpu.dma_semaphore, #tpu.memory_space<semaphore_mem>>) {add = true}
        %dma_wait3A = arith.constant 0 : i32
        %dma_wait3A_32 = arith.constant 0 : i32
        %dma_wait3A_33 = tpu.memref_slice %arg9[%dma_wait3A, %dma_wait3A_32] : memref<10112x32xf32, #tpu.memory_space<vmem_shared>> -> memref<10112x32xf32, #tpu.memory_space<vmem_shared>>
        tpu.wait_indirect_dma semaphore(%run_scoped3A : memref<!tpu.dma_semaphore, #tpu.memory_space<semaphore_mem>>) src(%arg8 : memref<400x32xf32, #tpu.memory_space<vmem>>) dst(%dma_wait3A_33 : memref<10112x32xf32, #tpu.memory_space<vmem_shared>>)
        tpu.yield
      }) : () -> ()
      %scan3A_29 = arith.constant 0 : i32
      scf.yield %scan3A_29 : i32
    }
    %scan3A_12 = arith.constant 25 : i32
    %barrier3A_13 = arith.constant 0 : index
    tpu.barrier barrier_id(%barrier3A_13)
    "tpu.region"() ({
      %run_scoped3A = tpu.sem_alloc : memref<!tpu.dma_semaphore, #tpu.memory_space<semaphore_mem>>
      %dma_start3A = arith.constant 0 : i32
      %dma_start3A_14 = tpu.memref_slice %arg5[%arg0, %multiple_of3A, %dma_start3A] : memref<2x10112x32xf32, #tpu.memory_space<hbm>> -> memref<1x632x32xf32, #tpu.memory_space<hbm>>
      %dma_start3A_15 = tpu.memref_squeeze %dma_start3A_14 : memref<1x632x32xf32, #tpu.memory_space<hbm>> -> memref<632x32xf32, #tpu.memory_space<hbm>>
      %dma_start3A_16 = arith.constant 0 : i32
      %dma_start3A_17 = tpu.memref_slice %arg9[%multiple_of3A, %dma_start3A_16] : memref<10112x32xf32, #tpu.memory_space<vmem_shared>> -> memref<632x32xf32, #tpu.memory_space<vmem_shared>>
      tpu.enqueue_dma source(%dma_start3A_17 : memref<632x32xf32, #tpu.memory_space<vmem_shared>>) target(%dma_start3A_15 : memref<632x32xf32, #tpu.memory_space<hbm>>) target_semaphore(%run_scoped3A : memref<!tpu.dma_semaphore, #tpu.memory_space<semaphore_mem>>)
      %dma_wait3A = arith.constant 0 : i32
      %dma_wait3A_18 = tpu.memref_slice %arg5[%arg0, %multiple_of3A, %dma_wait3A] : memref<2x10112x32xf32, #tpu.memory_space<hbm>> -> memref<1x632x32xf32, #tpu.memory_space<hbm>>
      %dma_wait3A_19 = tpu.memref_squeeze %dma_wait3A_18 : memref<1x632x32xf32, #tpu.memory_space<hbm>> -> memref<632x32xf32, #tpu.memory_space<hbm>>
      %dma_wait3A_20 = arith.constant 0 : i32
      %dma_wait3A_21 = tpu.memref_slice %arg9[%multiple_of3A, %dma_wait3A_20] : memref<10112x32xf32, #tpu.memory_space<vmem_shared>> -> memref<632x32xf32, #tpu.memory_space<vmem_shared>>
      tpu.wait_dma2 semaphore(%run_scoped3A : memref<!tpu.dma_semaphore, #tpu.memory_space<semaphore_mem>>) src(%dma_wait3A_21 : memref<632x32xf32, #tpu.memory_space<vmem_shared>>) dst(%dma_wait3A_19 : memref<632x32xf32, #tpu.memory_space<hbm>>)
      tpu.yield
    }) : () -> ()
    return
  }
}

#map = affine_map<(d0, d1) -> (0, 0)>
#map1 = affine_map<(d0, d1) -> (0)>
#map2 = affine_map<(d0, d1) -> (0, 0, 0)>
module attributes {stable_mosaic.version = 14 : i64} {
  func.func @k(%arg0: i32, %arg1: i32, %arg2: memref<10000x64xf32, #tpu.memory_space<hbm>>, %arg3: memref<10000x64xf32, #tpu.memory_space<hbm>>, %arg4: memref<320000x64xf32, #tpu.memory_space<hbm>>, %arg5: memref<320000xi32, #tpu.memory_space<hbm>>, %arg6: memref<320000xi32, #tpu.memory_space<hbm>>, %arg7: memref<64xf32, #tpu.memory_space<hbm>>, %arg8: memref<10112x80xf32, #tpu.memory_space<hbm>>, %arg9: memref<2x10112x80xf32, #tpu.memory_space<hbm>>, %arg10: memref<80xi32, #tpu.memory_space<vmem>>, %arg11: memref<80xi32, #tpu.memory_space<vmem>>, %arg12: memref<80xi32, #tpu.memory_space<vmem>>, %arg13: memref<80xi32, #tpu.memory_space<vmem>>, %arg14: memref<80x64xf32, #tpu.memory_space<vmem>>, %arg15: memref<80x64xf32, #tpu.memory_space<vmem>>, %arg16: memref<80x64xf32, #tpu.memory_space<vmem>>, %arg17: memref<80x64xf32, #tpu.memory_space<vmem>>, %arg18: memref<80x64xf32, #tpu.memory_space<vmem>>, %arg19: memref<80x64xf32, #tpu.memory_space<vmem>>, %arg20: memref<80x80xf32, #tpu.memory_space<vmem>>, %arg21: memref<80x80xf32, #tpu.memory_space<vmem>>, %arg22: memref<64xf32, #tpu.memory_space<vmem>>, %arg23: memref<10112x80xf32, #tpu.memory_space<vmem_shared>>, %arg24: memref<!tpu.dma_semaphore, #tpu.memory_space<semaphore_mem>>, %arg25: memref<!tpu.dma_semaphore, #tpu.memory_space<semaphore_mem>>, %arg26: memref<!tpu.dma_semaphore, #tpu.memory_space<semaphore_mem>>, %arg27: memref<!tpu.dma_semaphore, #tpu.memory_space<semaphore_mem>>, %arg28: memref<!tpu.dma_semaphore, #tpu.memory_space<semaphore_mem>>, %arg29: memref<!tpu.dma_semaphore, #tpu.memory_space<semaphore_mem>>, %arg30: memref<!tpu.dma_semaphore, #tpu.memory_space<semaphore_mem>>, %arg31: memref<!tpu.dma_semaphore, #tpu.memory_space<semaphore_mem>>, %arg32: memref<!tpu.dma_semaphore, #tpu.memory_space<semaphore_mem>>, %arg33: memref<!tpu.dma_semaphore, #tpu.memory_space<semaphore_mem>>) attributes {dimension_semantics = [#tpu.dimension_semantics<core_parallel>, #tpu.dimension_semantics<subcore_parallel>], iteration_bounds = array<i64: 2, 16>, scalar_prefetch = 0 : i64, scratch_operands = 24 : i64, tpu.core_type = #tpu.core_type<sc_vector_subcore>, window_params = [{transform_indices = #map}, {transform_indices = #map}, {transform_indices = #map}, {transform_indices = #map1}, {transform_indices = #map1}, {transform_indices = #map1}, {transform_indices = #map}, {transform_indices = #map2}]} {
    %mul3A = arith.constant 16 : i32
    %mul3A_0 = arith.muli %arg0, %mul3A : i32
    %add3A = arith.addi %mul3A_0, %arg1 : i32
    %mul3A_1 = arith.constant 632 : i32
    %mul3A_2 = arith.muli %arg1, %mul3A_1 : i32
    %multiple_of3A = tpu.assume_multiple %mul3A_2, 8 : i32
    "tpu.region"() ({
      %run_scoped3A = tpu.sem_alloc : memref<!tpu.dma_semaphore, #tpu.memory_space<semaphore_mem>>
      %dma_start3A_103 = arith.constant 0 : i32
      %dma_start3A_104 = tpu.memref_slice %arg23[%multiple_of3A, %dma_start3A_103] : memref<10112x80xf32, #tpu.memory_space<vmem_shared>> -> memref<632x80xf32, #tpu.memory_space<vmem_shared>>
      %dma_start3A_105 = arith.constant 0 : i32
      %dma_start3A_106 = tpu.memref_slice %arg8[%multiple_of3A, %dma_start3A_105] : memref<10112x80xf32, #tpu.memory_space<hbm>> -> memref<632x80xf32, #tpu.memory_space<hbm>>
      tpu.enqueue_dma source(%dma_start3A_106 : memref<632x80xf32, #tpu.memory_space<hbm>>) target(%dma_start3A_104 : memref<632x80xf32, #tpu.memory_space<vmem_shared>>) target_semaphore(%run_scoped3A : memref<!tpu.dma_semaphore, #tpu.memory_space<semaphore_mem>>)
      %dma_wait3A_107 = arith.constant 0 : i32
      %dma_wait3A_108 = tpu.memref_slice %arg23[%multiple_of3A, %dma_wait3A_107] : memref<10112x80xf32, #tpu.memory_space<vmem_shared>> -> memref<632x80xf32, #tpu.memory_space<vmem_shared>>
      %dma_wait3A_109 = arith.constant 0 : i32
      %dma_wait3A_110 = tpu.memref_slice %arg8[%multiple_of3A, %dma_wait3A_109] : memref<10112x80xf32, #tpu.memory_space<hbm>> -> memref<632x80xf32, #tpu.memory_space<hbm>>
      tpu.wait_dma2 semaphore(%run_scoped3A : memref<!tpu.dma_semaphore, #tpu.memory_space<semaphore_mem>>) src(%dma_wait3A_110 : memref<632x80xf32, #tpu.memory_space<hbm>>) dst(%dma_wait3A_108 : memref<632x80xf32, #tpu.memory_space<vmem_shared>>)
      tpu.yield
    }) : () -> ()
    "tpu.region"() ({
      %run_scoped3A = tpu.sem_alloc : memref<!tpu.dma_semaphore, #tpu.memory_space<semaphore_mem>>
      tpu.enqueue_dma source(%arg7 : memref<64xf32, #tpu.memory_space<hbm>>) target(%arg22 : memref<64xf32, #tpu.memory_space<vmem>>) target_semaphore(%run_scoped3A : memref<!tpu.dma_semaphore, #tpu.memory_space<semaphore_mem>>)
      tpu.wait_dma2 semaphore(%run_scoped3A : memref<!tpu.dma_semaphore, #tpu.memory_space<semaphore_mem>>) src(%arg7 : memref<64xf32, #tpu.memory_space<hbm>>) dst(%arg22 : memref<64xf32, #tpu.memory_space<vmem>>)
      tpu.yield
    }) : () -> ()
    %barrier3A = arith.constant 0 : index
    tpu.barrier barrier_id(%barrier3A)
    %iota3A = tpu.iota {dimensions = array<i32: 0>} : vector<16xi32>
    %broadcast_in_dim3A = arith.constant 0.000000e+00 : f32
    %broadcast_in_dim3A_3 = vector.broadcast %broadcast_in_dim3A : f32 to vector<16xf32>
    %eq3A = arith.constant 0 : i32
    %eq3A_4 = vector.broadcast %eq3A : i32 to vector<16xi32>
    %eq3A_5 = arith.cmpi eq, %iota3A, %eq3A_4 : vector<16xi32>
    %jit3A = arith.constant 1.000000e+00 : f32
    %jit3A_6 = arith.constant 0.000000e+00 : f32
    %broadcast_in_dim3A_7 = vector.broadcast %jit3A : f32 to vector<16xf32>
    %broadcast_in_dim3A_8 = vector.broadcast %jit3A_6 : f32 to vector<16xf32>
    %select_n3A = arith.select %eq3A_5, %broadcast_in_dim3A_7, %broadcast_in_dim3A_8 : vector<16xi1>, vector<16xf32>
    %mul3A_9 = arith.constant 10000 : i32
    %mul3A_10 = arith.muli %add3A, %mul3A_9 : i32
    %add3A_11 = arith.constant 0 : i32
    %add3A_12 = arith.addi %mul3A_10, %add3A_11 : i32
    %multiple_of3A_13 = tpu.assume_multiple %add3A_12, 8 : i32
    "tpu.region"() ({
      %run_scoped3A = tpu.sem_alloc : memref<!tpu.dma_semaphore, #tpu.memory_space<semaphore_mem>>
      %dma_start3A_103 = tpu.memref_slice %arg5[%multiple_of3A_13] : memref<320000xi32, #tpu.memory_space<hbm>> -> memref<80xi32, #tpu.memory_space<hbm>>
      %dma_start3A_104 = tpu.memref_slice %arg5[%multiple_of3A_13] : memref<320000xi32, #tpu.memory_space<hbm>> -> memref<80xi32, #tpu.memory_space<hbm>>
      tpu.enqueue_dma source(%dma_start3A_104 : memref<80xi32, #tpu.memory_space<hbm>>) target(%arg10 : memref<80xi32, #tpu.memory_space<vmem>>) target_semaphore(%run_scoped3A : memref<!tpu.dma_semaphore, #tpu.memory_space<semaphore_mem>>)
      %dma_wait3A_105 = tpu.memref_slice %arg5[%multiple_of3A_13] : memref<320000xi32, #tpu.memory_space<hbm>> -> memref<80xi32, #tpu.memory_space<hbm>>
      %dma_wait3A_106 = tpu.memref_slice %arg5[%multiple_of3A_13] : memref<320000xi32, #tpu.memory_space<hbm>> -> memref<80xi32, #tpu.memory_space<hbm>>
      tpu.wait_dma2 semaphore(%run_scoped3A : memref<!tpu.dma_semaphore, #tpu.memory_space<semaphore_mem>>) src(%dma_wait3A_106 : memref<80xi32, #tpu.memory_space<hbm>>) dst(%arg10 : memref<80xi32, #tpu.memory_space<vmem>>)
      tpu.yield
    }) : () -> ()
    %mul3A_14 = arith.constant 10000 : i32
    %mul3A_15 = arith.muli %add3A, %mul3A_14 : i32
    %add3A_16 = arith.constant 0 : i32
    %add3A_17 = arith.addi %mul3A_15, %add3A_16 : i32
    %multiple_of3A_18 = tpu.assume_multiple %add3A_17, 8 : i32
    "tpu.region"() ({
      %run_scoped3A = tpu.sem_alloc : memref<!tpu.dma_semaphore, #tpu.memory_space<semaphore_mem>>
      %dma_start3A_103 = tpu.memref_slice %arg6[%multiple_of3A_18] : memref<320000xi32, #tpu.memory_space<hbm>> -> memref<80xi32, #tpu.memory_space<hbm>>
      %dma_start3A_104 = tpu.memref_slice %arg6[%multiple_of3A_18] : memref<320000xi32, #tpu.memory_space<hbm>> -> memref<80xi32, #tpu.memory_space<hbm>>
      tpu.enqueue_dma source(%dma_start3A_104 : memref<80xi32, #tpu.memory_space<hbm>>) target(%arg12 : memref<80xi32, #tpu.memory_space<vmem>>) target_semaphore(%run_scoped3A : memref<!tpu.dma_semaphore, #tpu.memory_space<semaphore_mem>>)
      %dma_wait3A_105 = tpu.memref_slice %arg6[%multiple_of3A_18] : memref<320000xi32, #tpu.memory_space<hbm>> -> memref<80xi32, #tpu.memory_space<hbm>>
      %dma_wait3A_106 = tpu.memref_slice %arg6[%multiple_of3A_18] : memref<320000xi32, #tpu.memory_space<hbm>> -> memref<80xi32, #tpu.memory_space<hbm>>
      tpu.wait_dma2 semaphore(%run_scoped3A : memref<!tpu.dma_semaphore, #tpu.memory_space<semaphore_mem>>) src(%dma_wait3A_106 : memref<80xi32, #tpu.memory_space<hbm>>) dst(%arg12 : memref<80xi32, #tpu.memory_space<vmem>>)
      tpu.yield
    }) : () -> ()
    %mul3A_19 = arith.constant 10000 : i32
    %mul3A_20 = arith.muli %add3A, %mul3A_19 : i32
    %add3A_21 = arith.constant 0 : i32
    %add3A_22 = arith.addi %mul3A_20, %add3A_21 : i32
    %multiple_of3A_23 = tpu.assume_multiple %add3A_22, 8 : i32
    %dma_start3A = arith.constant 0 : i32
    %dma_start3A_24 = arith.constant 0 : i32
    %dma_start3A_25 = tpu.memref_slice %arg2[%dma_start3A, %dma_start3A_24] : memref<10000x64xf32, #tpu.memory_space<hbm>> -> memref<10000x64xf32, #tpu.memory_space<hbm>>
    tpu.enqueue_indirect_dma source(%dma_start3A_25 : memref<10000x64xf32, #tpu.memory_space<hbm>>) target(%arg14 : memref<80x64xf32, #tpu.memory_space<vmem>>) offsets(%arg10 : memref<80xi32, #tpu.memory_space<vmem>>) semaphore(%arg26 : memref<!tpu.dma_semaphore, #tpu.memory_space<semaphore_mem>>)
    %dma_start3A_26 = arith.constant 0 : i32
    %dma_start3A_27 = arith.constant 0 : i32
    %dma_start3A_28 = tpu.memref_slice %arg3[%dma_start3A_26, %dma_start3A_27] : memref<10000x64xf32, #tpu.memory_space<hbm>> -> memref<10000x64xf32, #tpu.memory_space<hbm>>
    tpu.enqueue_indirect_dma source(%dma_start3A_28 : memref<10000x64xf32, #tpu.memory_space<hbm>>) target(%arg16 : memref<80x64xf32, #tpu.memory_space<vmem>>) offsets(%arg12 : memref<80xi32, #tpu.memory_space<vmem>>) semaphore(%arg28 : memref<!tpu.dma_semaphore, #tpu.memory_space<semaphore_mem>>)
    %dma_start3A_29 = arith.constant 0 : i32
    %dma_start3A_30 = tpu.memref_slice %arg4[%multiple_of3A_23, %dma_start3A_29] : memref<320000x64xf32, #tpu.memory_space<hbm>> -> memref<80x64xf32, #tpu.memory_space<hbm>>
    %dma_start3A_31 = arith.constant 0 : i32
    %dma_start3A_32 = tpu.memref_slice %arg4[%multiple_of3A_23, %dma_start3A_31] : memref<320000x64xf32, #tpu.memory_space<hbm>> -> memref<80x64xf32, #tpu.memory_space<hbm>>
    tpu.enqueue_dma source(%dma_start3A_32 : memref<80x64xf32, #tpu.memory_space<hbm>>) target(%arg18 : memref<80x64xf32, #tpu.memory_space<vmem>>) target_semaphore(%arg30 : memref<!tpu.dma_semaphore, #tpu.memory_space<semaphore_mem>>)
    %mul3A_33 = arith.constant 10000 : i32
    %mul3A_34 = arith.muli %add3A, %mul3A_33 : i32
    %add3A_35 = arith.constant 80 : i32
    %add3A_36 = arith.addi %mul3A_34, %add3A_35 : i32
    %multiple_of3A_37 = tpu.assume_multiple %add3A_36, 8 : i32
    %dma_start3A_38 = tpu.memref_slice %arg5[%multiple_of3A_37] : memref<320000xi32, #tpu.memory_space<hbm>> -> memref<80xi32, #tpu.memory_space<hbm>>
    %dma_start3A_39 = tpu.memref_slice %arg5[%multiple_of3A_37] : memref<320000xi32, #tpu.memory_space<hbm>> -> memref<80xi32, #tpu.memory_space<hbm>>
    tpu.enqueue_dma source(%dma_start3A_39 : memref<80xi32, #tpu.memory_space<hbm>>) target(%arg11 : memref<80xi32, #tpu.memory_space<vmem>>) target_semaphore(%arg25 : memref<!tpu.dma_semaphore, #tpu.memory_space<semaphore_mem>>)
    %dma_start3A_40 = tpu.memref_slice %arg6[%multiple_of3A_37] : memref<320000xi32, #tpu.memory_space<hbm>> -> memref<80xi32, #tpu.memory_space<hbm>>
    %dma_start3A_41 = tpu.memref_slice %arg6[%multiple_of3A_37] : memref<320000xi32, #tpu.memory_space<hbm>> -> memref<80xi32, #tpu.memory_space<hbm>>
    tpu.enqueue_dma source(%dma_start3A_41 : memref<80xi32, #tpu.memory_space<hbm>>) target(%arg13 : memref<80xi32, #tpu.memory_space<vmem>>) target_semaphore(%arg25 : memref<!tpu.dma_semaphore, #tpu.memory_space<semaphore_mem>>)
    %dma_wait3A = arith.constant 0 : i32
    %dma_wait3A_42 = arith.constant 0 : i32
    %dma_wait3A_43 = tpu.memref_slice %arg2[%dma_wait3A, %dma_wait3A_42] : memref<10000x64xf32, #tpu.memory_space<hbm>> -> memref<10000x64xf32, #tpu.memory_space<hbm>>
    tpu.wait_indirect_dma semaphore(%arg26 : memref<!tpu.dma_semaphore, #tpu.memory_space<semaphore_mem>>) src(%dma_wait3A_43 : memref<10000x64xf32, #tpu.memory_space<hbm>>) dst(%arg14 : memref<80x64xf32, #tpu.memory_space<vmem>>)
    %dma_wait3A_44 = arith.constant 0 : i32
    %dma_wait3A_45 = arith.constant 0 : i32
    %dma_wait3A_46 = tpu.memref_slice %arg3[%dma_wait3A_44, %dma_wait3A_45] : memref<10000x64xf32, #tpu.memory_space<hbm>> -> memref<10000x64xf32, #tpu.memory_space<hbm>>
    tpu.wait_indirect_dma semaphore(%arg28 : memref<!tpu.dma_semaphore, #tpu.memory_space<semaphore_mem>>) src(%dma_wait3A_46 : memref<10000x64xf32, #tpu.memory_space<hbm>>) dst(%arg16 : memref<80x64xf32, #tpu.memory_space<vmem>>)
    %dma_wait3A_47 = arith.constant 0 : i32
    %dma_wait3A_48 = arith.constant 0 : i32
    %dma_wait3A_49 = tpu.memref_slice %arg4[%dma_wait3A_47, %dma_wait3A_48] : memref<320000x64xf32, #tpu.memory_space<hbm>> -> memref<80x64xf32, #tpu.memory_space<hbm>>
    %dma_wait3A_50 = arith.constant 0 : i32
    %dma_wait3A_51 = arith.constant 0 : i32
    %dma_wait3A_52 = tpu.memref_slice %arg4[%dma_wait3A_50, %dma_wait3A_51] : memref<320000x64xf32, #tpu.memory_space<hbm>> -> memref<80x64xf32, #tpu.memory_space<hbm>>
    tpu.wait_dma2 semaphore(%arg30 : memref<!tpu.dma_semaphore, #tpu.memory_space<semaphore_mem>>) src(%dma_wait3A_52 : memref<80x64xf32, #tpu.memory_space<hbm>>) dst(%arg18 : memref<80x64xf32, #tpu.memory_space<vmem>>)
    %get3A = arith.constant 0 : index
    %get3A_53 = tpu.vector_load %arg22[%get3A] {strides = array<i32>} : memref<64xf32, #tpu.memory_space<vmem>>, vector<16xf32>,
    %get3A_54 = arith.constant 16 : index
    %get3A_55 = tpu.vector_load %arg22[%get3A_54] {strides = array<i32>} : memref<64xf32, #tpu.memory_space<vmem>>, vector<16xf32>,
    %get3A_56 = arith.constant 32 : index
    %get3A_57 = tpu.vector_load %arg22[%get3A_56] {strides = array<i32>} : memref<64xf32, #tpu.memory_space<vmem>>, vector<16xf32>,
    %get3A_58 = arith.constant 48 : index
    %get3A_59 = tpu.vector_load %arg22[%get3A_58] {strides = array<i32>} : memref<64xf32, #tpu.memory_space<vmem>>, vector<16xf32>,
    %scan3A = arith.constant 0 : i32
    %scan3A_60 = arith.constant 0 : i32
    %scan3A_61 = arith.constant 20 : i32
    %scan3A_62 = arith.addi %scan3A_60, %scan3A_61 : i32
    %scan3A_63 = arith.constant 1 : i32
    %scan3A_64 = scf.for %scan3A_103 = %scan3A_60 to %scan3A_62 step %scan3A_63 iter_args(%scan3A_104 = %scan3A) -> (i32)  : i32 {
      %mul3A_105 = arith.constant 4 : i32
      %mul3A_106 = arith.muli %scan3A_103, %mul3A_105 : i32
      %add3A_107 = arith.constant 0 : i32
      %add3A_108 = arith.addi %mul3A_106, %add3A_107 : i32
      %get3A_109 = arith.index_cast %add3A_108 : i32 to index
      %get3A_110 = arith.constant 0 : index
      %get3A_111 = tpu.vector_load %arg14[%get3A_109, %get3A_110] {strides = array<i32>} : memref<80x64xf32, #tpu.memory_space<vmem>>, vector<16xf32>,
      %get3A_112 = arith.index_cast %add3A_108 : i32 to index
      %get3A_113 = arith.constant 16 : index
      %get3A_114 = tpu.vector_load %arg14[%get3A_112, %get3A_113] {strides = array<i32>} : memref<80x64xf32, #tpu.memory_space<vmem>>, vector<16xf32>,
      %get3A_115 = arith.index_cast %add3A_108 : i32 to index
      %get3A_116 = arith.constant 32 : index
      %get3A_117 = tpu.vector_load %arg14[%get3A_115, %get3A_116] {strides = array<i32>} : memref<80x64xf32, #tpu.memory_space<vmem>>, vector<16xf32>,
      %get3A_118 = arith.index_cast %add3A_108 : i32 to index
      %get3A_119 = arith.constant 48 : index
      %get3A_120 = tpu.vector_load %arg14[%get3A_118, %get3A_119] {strides = array<i32>} : memref<80x64xf32, #tpu.memory_space<vmem>>, vector<16xf32>,
      %get3A_121 = arith.index_cast %add3A_108 : i32 to index
      %get3A_122 = arith.constant 0 : index
      %get3A_123 = tpu.vector_load %arg16[%get3A_121, %get3A_122] {strides = array<i32>} : memref<80x64xf32, #tpu.memory_space<vmem>>, vector<16xf32>,
      %add3A_124 = arith.addf %get3A_111, %get3A_123 : vector<16xf32>
      %get3A_125 = arith.index_cast %add3A_108 : i32 to index
      %get3A_126 = arith.constant 0 : index
      %get3A_127 = tpu.vector_load %arg18[%get3A_125, %get3A_126] {strides = array<i32>} : memref<80x64xf32, #tpu.memory_space<vmem>>, vector<16xf32>,
      %add3A_128 = arith.addf %add3A_124, %get3A_127 : vector<16xf32>
      %gt3A = arith.constant 0.000000e+00 : f32
      %gt3A_129 = vector.broadcast %gt3A : f32 to vector<16xf32>
      %gt3A_130 = arith.cmpf ogt, %add3A_128, %gt3A_129 : vector<16xf32>
      %mul3A_131 = arith.constant 2.000000e-01 : f32
      %mul3A_132 = vector.broadcast %mul3A_131 : f32 to vector<16xf32>
      %mul3A_133 = arith.mulf %mul3A_132, %add3A_128 : vector<16xf32>
      %select_n3A_134 = arith.select %gt3A_130, %add3A_128, %mul3A_133 : vector<16xi1>, vector<16xf32>
      %mul3A_135 = arith.mulf %select_n3A_134, %get3A_53 : vector<16xf32>
      %add3A_136 = arith.addf %broadcast_in_dim3A_3, %mul3A_135 : vector<16xf32>
      %get3A_137 = arith.index_cast %add3A_108 : i32 to index
      %get3A_138 = arith.constant 16 : index
      %get3A_139 = tpu.vector_load %arg16[%get3A_137, %get3A_138] {strides = array<i32>} : memref<80x64xf32, #tpu.memory_space<vmem>>, vector<16xf32>,
      %add3A_140 = arith.addf %get3A_114, %get3A_139 : vector<16xf32>
      %get3A_141 = arith.index_cast %add3A_108 : i32 to index
      %get3A_142 = arith.constant 16 : index
      %get3A_143 = tpu.vector_load %arg18[%get3A_141, %get3A_142] {strides = array<i32>} : memref<80x64xf32, #tpu.memory_space<vmem>>, vector<16xf32>,
      %add3A_144 = arith.addf %add3A_140, %get3A_143 : vector<16xf32>
      %gt3A_145 = arith.constant 0.000000e+00 : f32
      %gt3A_146 = vector.broadcast %gt3A_145 : f32 to vector<16xf32>
      %gt3A_147 = arith.cmpf ogt, %add3A_144, %gt3A_146 : vector<16xf32>
      %mul3A_148 = arith.constant 2.000000e-01 : f32
      %mul3A_149 = vector.broadcast %mul3A_148 : f32 to vector<16xf32>
      %mul3A_150 = arith.mulf %mul3A_149, %add3A_144 : vector<16xf32>
      %select_n3A_151 = arith.select %gt3A_147, %add3A_144, %mul3A_150 : vector<16xi1>, vector<16xf32>
      %mul3A_152 = arith.mulf %select_n3A_151, %get3A_55 : vector<16xf32>
      %add3A_153 = arith.addf %add3A_136, %mul3A_152 : vector<16xf32>
      %get3A_154 = arith.index_cast %add3A_108 : i32 to index
      %get3A_155 = arith.constant 32 : index
      %get3A_156 = tpu.vector_load %arg16[%get3A_154, %get3A_155] {strides = array<i32>} : memref<80x64xf32, #tpu.memory_space<vmem>>, vector<16xf32>,
      %add3A_157 = arith.addf %get3A_117, %get3A_156 : vector<16xf32>
      %get3A_158 = arith.index_cast %add3A_108 : i32 to index
      %get3A_159 = arith.constant 32 : index
      %get3A_160 = tpu.vector_load %arg18[%get3A_158, %get3A_159] {strides = array<i32>} : memref<80x64xf32, #tpu.memory_space<vmem>>, vector<16xf32>,
      %add3A_161 = arith.addf %add3A_157, %get3A_160 : vector<16xf32>
      %gt3A_162 = arith.constant 0.000000e+00 : f32
      %gt3A_163 = vector.broadcast %gt3A_162 : f32 to vector<16xf32>
      %gt3A_164 = arith.cmpf ogt, %add3A_161, %gt3A_163 : vector<16xf32>
      %mul3A_165 = arith.constant 2.000000e-01 : f32
      %mul3A_166 = vector.broadcast %mul3A_165 : f32 to vector<16xf32>
      %mul3A_167 = arith.mulf %mul3A_166, %add3A_161 : vector<16xf32>
      %select_n3A_168 = arith.select %gt3A_164, %add3A_161, %mul3A_167 : vector<16xi1>, vector<16xf32>
      %mul3A_169 = arith.mulf %select_n3A_168, %get3A_57 : vector<16xf32>
      %add3A_170 = arith.addf %add3A_153, %mul3A_169 : vector<16xf32>
      %get3A_171 = arith.index_cast %add3A_108 : i32 to index
      %get3A_172 = arith.constant 48 : index
      %get3A_173 = tpu.vector_load %arg16[%get3A_171, %get3A_172] {strides = array<i32>} : memref<80x64xf32, #tpu.memory_space<vmem>>, vector<16xf32>,
      %add3A_174 = arith.addf %get3A_120, %get3A_173 : vector<16xf32>
      %get3A_175 = arith.index_cast %add3A_108 : i32 to index
      %get3A_176 = arith.constant 48 : index
      %get3A_177 = tpu.vector_load %arg18[%get3A_175, %get3A_176] {strides = array<i32>} : memref<80x64xf32, #tpu.memory_space<vmem>>, vector<16xf32>,
      %add3A_178 = arith.addf %add3A_174, %get3A_177 : vector<16xf32>
      %gt3A_179 = arith.constant 0.000000e+00 : f32
      %gt3A_180 = vector.broadcast %gt3A_179 : f32 to vector<16xf32>
      %gt3A_181 = arith.cmpf ogt, %add3A_178, %gt3A_180 : vector<16xf32>
      %mul3A_182 = arith.constant 2.000000e-01 : f32
      %mul3A_183 = vector.broadcast %mul3A_182 : f32 to vector<16xf32>
      %mul3A_184 = arith.mulf %mul3A_183, %add3A_178 : vector<16xf32>
      %select_n3A_185 = arith.select %gt3A_181, %add3A_178, %mul3A_184 : vector<16xi1>, vector<16xf32>
      %mul3A_186 = arith.mulf %select_n3A_185, %get3A_59 : vector<16xf32>
      %add3A_187 = arith.addf %add3A_170, %mul3A_186 : vector<16xf32>
      %reduce_sum3A = arith.constant true
      %reduce_sum3A_188 = vector.broadcast %reduce_sum3A : i1 to vector<16xi1>
      %reduce_sum3A_189 = tpu.scan <sum>, %add3A_187 masked %reduce_sum3A_188 : vector<16xf32>, vector<16xi1> -> vector<16xf32>
      %reduce_sum3A_190 = vector.extract %reduce_sum3A_189[15] : f32 from vector<16xf32>
      %broadcast_in_dim3A_191 = vector.broadcast %reduce_sum3A_190 : f32 to vector<16xf32>
      %exp3A = math.exp %broadcast_in_dim3A_191 : vector<16xf32>
      %mul3A_192 = arith.mulf %get3A_111, %exp3A : vector<16xf32>
      %swap3A = arith.index_cast %add3A_108 : i32 to index
      %swap3A_193 = arith.constant 0 : index
      %swap3A_194 = tpu.vector_load %arg20[%swap3A, %swap3A_193] {strides = array<i32>} : memref<80x80xf32, #tpu.memory_space<vmem>>, vector<16xf32>,
      tpu.vector_store %arg20[%swap3A, %swap3A_193], %mul3A_192 {strides = array<i32>} : memref<80x80xf32, #tpu.memory_space<vmem>>, vector<16xf32>,
      %mul3A_195 = arith.mulf %get3A_114, %exp3A : vector<16xf32>
      %swap3A_196 = arith.index_cast %add3A_108 : i32 to index
      %swap3A_197 = arith.constant 16 : index
      %swap3A_198 = tpu.vector_load %arg20[%swap3A_196, %swap3A_197] {strides = array<i32>} : memref<80x80xf32, #tpu.memory_space<vmem>>, vector<16xf32>,
      tpu.vector_store %arg20[%swap3A_196, %swap3A_197], %mul3A_195 {strides = array<i32>} : memref<80x80xf32, #tpu.memory_space<vmem>>, vector<16xf32>,
      %mul3A_199 = arith.mulf %get3A_117, %exp3A : vector<16xf32>
      %swap3A_200 = arith.index_cast %add3A_108 : i32 to index
      %swap3A_201 = arith.constant 32 : index
      %swap3A_202 = tpu.vector_load %arg20[%swap3A_200, %swap3A_201] {strides = array<i32>} : memref<80x80xf32, #tpu.memory_space<vmem>>, vector<16xf32>,
      tpu.vector_store %arg20[%swap3A_200, %swap3A_201], %mul3A_199 {strides = array<i32>} : memref<80x80xf32, #tpu.memory_space<vmem>>, vector<16xf32>,
      %mul3A_203 = arith.mulf %get3A_120, %exp3A : vector<16xf32>
      %swap3A_204 = arith.index_cast %add3A_108 : i32 to index
      %swap3A_205 = arith.constant 48 : index
      %swap3A_206 = tpu.vector_load %arg20[%swap3A_204, %swap3A_205] {strides = array<i32>} : memref<80x80xf32, #tpu.memory_space<vmem>>, vector<16xf32>,
      tpu.vector_store %arg20[%swap3A_204, %swap3A_205], %mul3A_203 {strides = array<i32>} : memref<80x80xf32, #tpu.memory_space<vmem>>, vector<16xf32>,
      %mul3A_207 = arith.mulf %exp3A, %select_n3A : vector<16xf32>
      %swap3A_208 = arith.index_cast %add3A_108 : i32 to index
      %swap3A_209 = arith.constant 64 : index
      %swap3A_210 = tpu.vector_load %arg20[%swap3A_208, %swap3A_209] {strides = array<i32>} : memref<80x80xf32, #tpu.memory_space<vmem>>, vector<16xf32>,
      tpu.vector_store %arg20[%swap3A_208, %swap3A_209], %mul3A_207 {strides = array<i32>} : memref<80x80xf32, #tpu.memory_space<vmem>>, vector<16xf32>,
      %mul3A_211 = arith.constant 4 : i32
      %mul3A_212 = arith.muli %scan3A_103, %mul3A_211 : i32
      %add3A_213 = arith.constant 1 : i32
      %add3A_214 = arith.addi %mul3A_212, %add3A_213 : i32
      %get3A_215 = arith.index_cast %add3A_214 : i32 to index
      %get3A_216 = arith.constant 0 : index
      %get3A_217 = tpu.vector_load %arg14[%get3A_215, %get3A_216] {strides = array<i32>} : memref<80x64xf32, #tpu.memory_space<vmem>>, vector<16xf32>,
      %get3A_218 = arith.index_cast %add3A_214 : i32 to index
      %get3A_219 = arith.constant 16 : index
      %get3A_220 = tpu.vector_load %arg14[%get3A_218, %get3A_219] {strides = array<i32>} : memref<80x64xf32, #tpu.memory_space<vmem>>, vector<16xf32>,
      %get3A_221 = arith.index_cast %add3A_214 : i32 to index
      %get3A_222 = arith.constant 32 : index
      %get3A_223 = tpu.vector_load %arg14[%get3A_221, %get3A_222] {strides = array<i32>} : memref<80x64xf32, #tpu.memory_space<vmem>>, vector<16xf32>,
      %get3A_224 = arith.index_cast %add3A_214 : i32 to index
      %get3A_225 = arith.constant 48 : index
      %get3A_226 = tpu.vector_load %arg14[%get3A_224, %get3A_225] {strides = array<i32>} : memref<80x64xf32, #tpu.memory_space<vmem>>, vector<16xf32>,
      %get3A_227 = arith.index_cast %add3A_214 : i32 to index
      %get3A_228 = arith.constant 0 : index
      %get3A_229 = tpu.vector_load %arg16[%get3A_227, %get3A_228] {strides = array<i32>} : memref<80x64xf32, #tpu.memory_space<vmem>>, vector<16xf32>,
      %add3A_230 = arith.addf %get3A_217, %get3A_229 : vector<16xf32>
      %get3A_231 = arith.index_cast %add3A_214 : i32 to index
      %get3A_232 = arith.constant 0 : index
      %get3A_233 = tpu.vector_load %arg18[%get3A_231, %get3A_232] {strides = array<i32>} : memref<80x64xf32, #tpu.memory_space<vmem>>, vector<16xf32>,
      %add3A_234 = arith.addf %add3A_230, %get3A_233 : vector<16xf32>
      %gt3A_235 = arith.constant 0.000000e+00 : f32
      %gt3A_236 = vector.broadcast %gt3A_235 : f32 to vector<16xf32>
      %gt3A_237 = arith.cmpf ogt, %add3A_234, %gt3A_236 : vector<16xf32>
      %mul3A_238 = arith.constant 2.000000e-01 : f32
      %mul3A_239 = vector.broadcast %mul3A_238 : f32 to vector<16xf32>
      %mul3A_240 = arith.mulf %mul3A_239, %add3A_234 : vector<16xf32>
      %select_n3A_241 = arith.select %gt3A_237, %add3A_234, %mul3A_240 : vector<16xi1>, vector<16xf32>
      %mul3A_242 = arith.mulf %select_n3A_241, %get3A_53 : vector<16xf32>
      %add3A_243 = arith.addf %broadcast_in_dim3A_3, %mul3A_242 : vector<16xf32>
      %get3A_244 = arith.index_cast %add3A_214 : i32 to index
      %get3A_245 = arith.constant 16 : index
      %get3A_246 = tpu.vector_load %arg16[%get3A_244, %get3A_245] {strides = array<i32>} : memref<80x64xf32, #tpu.memory_space<vmem>>, vector<16xf32>,
      %add3A_247 = arith.addf %get3A_220, %get3A_246 : vector<16xf32>
      %get3A_248 = arith.index_cast %add3A_214 : i32 to index
      %get3A_249 = arith.constant 16 : index
      %get3A_250 = tpu.vector_load %arg18[%get3A_248, %get3A_249] {strides = array<i32>} : memref<80x64xf32, #tpu.memory_space<vmem>>, vector<16xf32>,
      %add3A_251 = arith.addf %add3A_247, %get3A_250 : vector<16xf32>
      %gt3A_252 = arith.constant 0.000000e+00 : f32
      %gt3A_253 = vector.broadcast %gt3A_252 : f32 to vector<16xf32>
      %gt3A_254 = arith.cmpf ogt, %add3A_251, %gt3A_253 : vector<16xf32>
      %mul3A_255 = arith.constant 2.000000e-01 : f32
      %mul3A_256 = vector.broadcast %mul3A_255 : f32 to vector<16xf32>
      %mul3A_257 = arith.mulf %mul3A_256, %add3A_251 : vector<16xf32>
      %select_n3A_258 = arith.select %gt3A_254, %add3A_251, %mul3A_257 : vector<16xi1>, vector<16xf32>
      %mul3A_259 = arith.mulf %select_n3A_258, %get3A_55 : vector<16xf32>
      %add3A_260 = arith.addf %add3A_243, %mul3A_259 : vector<16xf32>
      %get3A_261 = arith.index_cast %add3A_214 : i32 to index
      %get3A_262 = arith.constant 32 : index
      %get3A_263 = tpu.vector_load %arg16[%get3A_261, %get3A_262] {strides = array<i32>} : memref<80x64xf32, #tpu.memory_space<vmem>>, vector<16xf32>,
      %add3A_264 = arith.addf %get3A_223, %get3A_263 : vector<16xf32>
      %get3A_265 = arith.index_cast %add3A_214 : i32 to index
      %get3A_266 = arith.constant 32 : index
      %get3A_267 = tpu.vector_load %arg18[%get3A_265, %get3A_266] {strides = array<i32>} : memref<80x64xf32, #tpu.memory_space<vmem>>, vector<16xf32>,
      %add3A_268 = arith.addf %add3A_264, %get3A_267 : vector<16xf32>
      %gt3A_269 = arith.constant 0.000000e+00 : f32
      %gt3A_270 = vector.broadcast %gt3A_269 : f32 to vector<16xf32>
      %gt3A_271 = arith.cmpf ogt, %add3A_268, %gt3A_270 : vector<16xf32>
      %mul3A_272 = arith.constant 2.000000e-01 : f32
      %mul3A_273 = vector.broadcast %mul3A_272 : f32 to vector<16xf32>
      %mul3A_274 = arith.mulf %mul3A_273, %add3A_268 : vector<16xf32>
      %select_n3A_275 = arith.select %gt3A_271, %add3A_268, %mul3A_274 : vector<16xi1>, vector<16xf32>
      %mul3A_276 = arith.mulf %select_n3A_275, %get3A_57 : vector<16xf32>
      %add3A_277 = arith.addf %add3A_260, %mul3A_276 : vector<16xf32>
      %get3A_278 = arith.index_cast %add3A_214 : i32 to index
      %get3A_279 = arith.constant 48 : index
      %get3A_280 = tpu.vector_load %arg16[%get3A_278, %get3A_279] {strides = array<i32>} : memref<80x64xf32, #tpu.memory_space<vmem>>, vector<16xf32>,
      %add3A_281 = arith.addf %get3A_226, %get3A_280 : vector<16xf32>
      %get3A_282 = arith.index_cast %add3A_214 : i32 to index
      %get3A_283 = arith.constant 48 : index
      %get3A_284 = tpu.vector_load %arg18[%get3A_282, %get3A_283] {strides = array<i32>} : memref<80x64xf32, #tpu.memory_space<vmem>>, vector<16xf32>,
      %add3A_285 = arith.addf %add3A_281, %get3A_284 : vector<16xf32>
      %gt3A_286 = arith.constant 0.000000e+00 : f32
      %gt3A_287 = vector.broadcast %gt3A_286 : f32 to vector<16xf32>
      %gt3A_288 = arith.cmpf ogt, %add3A_285, %gt3A_287 : vector<16xf32>
      %mul3A_289 = arith.constant 2.000000e-01 : f32
      %mul3A_290 = vector.broadcast %mul3A_289 : f32 to vector<16xf32>
      %mul3A_291 = arith.mulf %mul3A_290, %add3A_285 : vector<16xf32>
      %select_n3A_292 = arith.select %gt3A_288, %add3A_285, %mul3A_291 : vector<16xi1>, vector<16xf32>
      %mul3A_293 = arith.mulf %select_n3A_292, %get3A_59 : vector<16xf32>
      %add3A_294 = arith.addf %add3A_277, %mul3A_293 : vector<16xf32>
      %reduce_sum3A_295 = arith.constant true
      %reduce_sum3A_296 = vector.broadcast %reduce_sum3A_295 : i1 to vector<16xi1>
      %reduce_sum3A_297 = tpu.scan <sum>, %add3A_294 masked %reduce_sum3A_296 : vector<16xf32>, vector<16xi1> -> vector<16xf32>
      %reduce_sum3A_298 = vector.extract %reduce_sum3A_297[15] : f32 from vector<16xf32>
      %broadcast_in_dim3A_299 = vector.broadcast %reduce_sum3A_298 : f32 to vector<16xf32>
      %exp3A_300 = math.exp %broadcast_in_dim3A_299 : vector<16xf32>
      %mul3A_301 = arith.mulf %get3A_217, %exp3A_300 : vector<16xf32>
      %swap3A_302 = arith.index_cast %add3A_214 : i32 to index
      %swap3A_303 = arith.constant 0 : index
      %swap3A_304 = tpu.vector_load %arg20[%swap3A_302, %swap3A_303] {strides = array<i32>} : memref<80x80xf32, #tpu.memory_space<vmem>>, vector<16xf32>,
      tpu.vector_store %arg20[%swap3A_302, %swap3A_303], %mul3A_301 {strides = array<i32>} : memref<80x80xf32, #tpu.memory_space<vmem>>, vector<16xf32>,
      %mul3A_305 = arith.mulf %get3A_220, %exp3A_300 : vector<16xf32>
      %swap3A_306 = arith.index_cast %add3A_214 : i32 to index
      %swap3A_307 = arith.constant 16 : index
      %swap3A_308 = tpu.vector_load %arg20[%swap3A_306, %swap3A_307] {strides = array<i32>} : memref<80x80xf32, #tpu.memory_space<vmem>>, vector<16xf32>,
      tpu.vector_store %arg20[%swap3A_306, %swap3A_307], %mul3A_305 {strides = array<i32>} : memref<80x80xf32, #tpu.memory_space<vmem>>, vector<16xf32>,
      %mul3A_309 = arith.mulf %get3A_223, %exp3A_300 : vector<16xf32>
      %swap3A_310 = arith.index_cast %add3A_214 : i32 to index
      %swap3A_311 = arith.constant 32 : index
      %swap3A_312 = tpu.vector_load %arg20[%swap3A_310, %swap3A_311] {strides = array<i32>} : memref<80x80xf32, #tpu.memory_space<vmem>>, vector<16xf32>,
      tpu.vector_store %arg20[%swap3A_310, %swap3A_311], %mul3A_309 {strides = array<i32>} : memref<80x80xf32, #tpu.memory_space<vmem>>, vector<16xf32>,
      %mul3A_313 = arith.mulf %get3A_226, %exp3A_300 : vector<16xf32>
      %swap3A_314 = arith.index_cast %add3A_214 : i32 to index
      %swap3A_315 = arith.constant 48 : index
      %swap3A_316 = tpu.vector_load %arg20[%swap3A_314, %swap3A_315] {strides = array<i32>} : memref<80x80xf32, #tpu.memory_space<vmem>>, vector<16xf32>,
      tpu.vector_store %arg20[%swap3A_314, %swap3A_315], %mul3A_313 {strides = array<i32>} : memref<80x80xf32, #tpu.memory_space<vmem>>, vector<16xf32>,
      %mul3A_317 = arith.mulf %exp3A_300, %select_n3A : vector<16xf32>
      %swap3A_318 = arith.index_cast %add3A_214 : i32 to index
      %swap3A_319 = arith.constant 64 : index
      %swap3A_320 = tpu.vector_load %arg20[%swap3A_318, %swap3A_319] {strides = array<i32>} : memref<80x80xf32, #tpu.memory_space<vmem>>, vector<16xf32>,
      tpu.vector_store %arg20[%swap3A_318, %swap3A_319], %mul3A_317 {strides = array<i32>} : memref<80x80xf32, #tpu.memory_space<vmem>>, vector<16xf32>,
      %mul3A_321 = arith.constant 4 : i32
      %mul3A_322 = arith.muli %scan3A_103, %mul3A_321 : i32
      %add3A_323 = arith.constant 2 : i32
      %add3A_324 = arith.addi %mul3A_322, %add3A_323 : i32
      %get3A_325 = arith.index_cast %add3A_324 : i32 to index
      %get3A_326 = arith.constant 0 : index
      %get3A_327 = tpu.vector_load %arg14[%get3A_325, %get3A_326] {strides = array<i32>} : memref<80x64xf32, #tpu.memory_space<vmem>>, vector<16xf32>,
      %get3A_328 = arith.index_cast %add3A_324 : i32 to index
      %get3A_329 = arith.constant 16 : index
      %get3A_330 = tpu.vector_load %arg14[%get3A_328, %get3A_329] {strides = array<i32>} : memref<80x64xf32, #tpu.memory_space<vmem>>, vector<16xf32>,
      %get3A_331 = arith.index_cast %add3A_324 : i32 to index
      %get3A_332 = arith.constant 32 : index
      %get3A_333 = tpu.vector_load %arg14[%get3A_331, %get3A_332] {strides = array<i32>} : memref<80x64xf32, #tpu.memory_space<vmem>>, vector<16xf32>,
      %get3A_334 = arith.index_cast %add3A_324 : i32 to index
      %get3A_335 = arith.constant 48 : index
      %get3A_336 = tpu.vector_load %arg14[%get3A_334, %get3A_335] {strides = array<i32>} : memref<80x64xf32, #tpu.memory_space<vmem>>, vector<16xf32>,
      %get3A_337 = arith.index_cast %add3A_324 : i32 to index
      %get3A_338 = arith.constant 0 : index
      %get3A_339 = tpu.vector_load %arg16[%get3A_337, %get3A_338] {strides = array<i32>} : memref<80x64xf32, #tpu.memory_space<vmem>>, vector<16xf32>,
      %add3A_340 = arith.addf %get3A_327, %get3A_339 : vector<16xf32>
      %get3A_341 = arith.index_cast %add3A_324 : i32 to index
      %get3A_342 = arith.constant 0 : index
      %get3A_343 = tpu.vector_load %arg18[%get3A_341, %get3A_342] {strides = array<i32>} : memref<80x64xf32, #tpu.memory_space<vmem>>, vector<16xf32>,
      %add3A_344 = arith.addf %add3A_340, %get3A_343 : vector<16xf32>
      %gt3A_345 = arith.constant 0.000000e+00 : f32
      %gt3A_346 = vector.broadcast %gt3A_345 : f32 to vector<16xf32>
      %gt3A_347 = arith.cmpf ogt, %add3A_344, %gt3A_346 : vector<16xf32>
      %mul3A_348 = arith.constant 2.000000e-01 : f32
      %mul3A_349 = vector.broadcast %mul3A_348 : f32 to vector<16xf32>
      %mul3A_350 = arith.mulf %mul3A_349, %add3A_344 : vector<16xf32>
      %select_n3A_351 = arith.select %gt3A_347, %add3A_344, %mul3A_350 : vector<16xi1>, vector<16xf32>
      %mul3A_352 = arith.mulf %select_n3A_351, %get3A_53 : vector<16xf32>
      %add3A_353 = arith.addf %broadcast_in_dim3A_3, %mul3A_352 : vector<16xf32>
      %get3A_354 = arith.index_cast %add3A_324 : i32 to index
      %get3A_355 = arith.constant 16 : index
      %get3A_356 = tpu.vector_load %arg16[%get3A_354, %get3A_355] {strides = array<i32>} : memref<80x64xf32, #tpu.memory_space<vmem>>, vector<16xf32>,
      %add3A_357 = arith.addf %get3A_330, %get3A_356 : vector<16xf32>
      %get3A_358 = arith.index_cast %add3A_324 : i32 to index
      %get3A_359 = arith.constant 16 : index
      %get3A_360 = tpu.vector_load %arg18[%get3A_358, %get3A_359] {strides = array<i32>} : memref<80x64xf32, #tpu.memory_space<vmem>>, vector<16xf32>,
      %add3A_361 = arith.addf %add3A_357, %get3A_360 : vector<16xf32>
      %gt3A_362 = arith.constant 0.000000e+00 : f32
      %gt3A_363 = vector.broadcast %gt3A_362 : f32 to vector<16xf32>
      %gt3A_364 = arith.cmpf ogt, %add3A_361, %gt3A_363 : vector<16xf32>
      %mul3A_365 = arith.constant 2.000000e-01 : f32
      %mul3A_366 = vector.broadcast %mul3A_365 : f32 to vector<16xf32>
      %mul3A_367 = arith.mulf %mul3A_366, %add3A_361 : vector<16xf32>
      %select_n3A_368 = arith.select %gt3A_364, %add3A_361, %mul3A_367 : vector<16xi1>, vector<16xf32>
      %mul3A_369 = arith.mulf %select_n3A_368, %get3A_55 : vector<16xf32>
      %add3A_370 = arith.addf %add3A_353, %mul3A_369 : vector<16xf32>
      %get3A_371 = arith.index_cast %add3A_324 : i32 to index
      %get3A_372 = arith.constant 32 : index
      %get3A_373 = tpu.vector_load %arg16[%get3A_371, %get3A_372] {strides = array<i32>} : memref<80x64xf32, #tpu.memory_space<vmem>>, vector<16xf32>,
      %add3A_374 = arith.addf %get3A_333, %get3A_373 : vector<16xf32>
      %get3A_375 = arith.index_cast %add3A_324 : i32 to index
      %get3A_376 = arith.constant 32 : index
      %get3A_377 = tpu.vector_load %arg18[%get3A_375, %get3A_376] {strides = array<i32>} : memref<80x64xf32, #tpu.memory_space<vmem>>, vector<16xf32>,
      %add3A_378 = arith.addf %add3A_374, %get3A_377 : vector<16xf32>
      %gt3A_379 = arith.constant 0.000000e+00 : f32
      %gt3A_380 = vector.broadcast %gt3A_379 : f32 to vector<16xf32>
      %gt3A_381 = arith.cmpf ogt, %add3A_378, %gt3A_380 : vector<16xf32>
      %mul3A_382 = arith.constant 2.000000e-01 : f32
      %mul3A_383 = vector.broadcast %mul3A_382 : f32 to vector<16xf32>
      %mul3A_384 = arith.mulf %mul3A_383, %add3A_378 : vector<16xf32>
      %select_n3A_385 = arith.select %gt3A_381, %add3A_378, %mul3A_384 : vector<16xi1>, vector<16xf32>
      %mul3A_386 = arith.mulf %select_n3A_385, %get3A_57 : vector<16xf32>
      %add3A_387 = arith.addf %add3A_370, %mul3A_386 : vector<16xf32>
      %get3A_388 = arith.index_cast %add3A_324 : i32 to index
      %get3A_389 = arith.constant 48 : index
      %get3A_390 = tpu.vector_load %arg16[%get3A_388, %get3A_389] {strides = array<i32>} : memref<80x64xf32, #tpu.memory_space<vmem>>, vector<16xf32>,
      %add3A_391 = arith.addf %get3A_336, %get3A_390 : vector<16xf32>
      %get3A_392 = arith.index_cast %add3A_324 : i32 to index
      %get3A_393 = arith.constant 48 : index
      %get3A_394 = tpu.vector_load %arg18[%get3A_392, %get3A_393] {strides = array<i32>} : memref<80x64xf32, #tpu.memory_space<vmem>>, vector<16xf32>,
      %add3A_395 = arith.addf %add3A_391, %get3A_394 : vector<16xf32>
      %gt3A_396 = arith.constant 0.000000e+00 : f32
      %gt3A_397 = vector.broadcast %gt3A_396 : f32 to vector<16xf32>
      %gt3A_398 = arith.cmpf ogt, %add3A_395, %gt3A_397 : vector<16xf32>
      %mul3A_399 = arith.constant 2.000000e-01 : f32
      %mul3A_400 = vector.broadcast %mul3A_399 : f32 to vector<16xf32>
      %mul3A_401 = arith.mulf %mul3A_400, %add3A_395 : vector<16xf32>
      %select_n3A_402 = arith.select %gt3A_398, %add3A_395, %mul3A_401 : vector<16xi1>, vector<16xf32>
      %mul3A_403 = arith.mulf %select_n3A_402, %get3A_59 : vector<16xf32>
      %add3A_404 = arith.addf %add3A_387, %mul3A_403 : vector<16xf32>
      %reduce_sum3A_405 = arith.constant true
      %reduce_sum3A_406 = vector.broadcast %reduce_sum3A_405 : i1 to vector<16xi1>
      %reduce_sum3A_407 = tpu.scan <sum>, %add3A_404 masked %reduce_sum3A_406 : vector<16xf32>, vector<16xi1> -> vector<16xf32>
      %reduce_sum3A_408 = vector.extract %reduce_sum3A_407[15] : f32 from vector<16xf32>
      %broadcast_in_dim3A_409 = vector.broadcast %reduce_sum3A_408 : f32 to vector<16xf32>
      %exp3A_410 = math.exp %broadcast_in_dim3A_409 : vector<16xf32>
      %mul3A_411 = arith.mulf %get3A_327, %exp3A_410 : vector<16xf32>
      %swap3A_412 = arith.index_cast %add3A_324 : i32 to index
      %swap3A_413 = arith.constant 0 : index
      %swap3A_414 = tpu.vector_load %arg20[%swap3A_412, %swap3A_413] {strides = array<i32>} : memref<80x80xf32, #tpu.memory_space<vmem>>, vector<16xf32>,
      tpu.vector_store %arg20[%swap3A_412, %swap3A_413], %mul3A_411 {strides = array<i32>} : memref<80x80xf32, #tpu.memory_space<vmem>>, vector<16xf32>,
      %mul3A_415 = arith.mulf %get3A_330, %exp3A_410 : vector<16xf32>
      %swap3A_416 = arith.index_cast %add3A_324 : i32 to index
      %swap3A_417 = arith.constant 16 : index
      %swap3A_418 = tpu.vector_load %arg20[%swap3A_416, %swap3A_417] {strides = array<i32>} : memref<80x80xf32, #tpu.memory_space<vmem>>, vector<16xf32>,
      tpu.vector_store %arg20[%swap3A_416, %swap3A_417], %mul3A_415 {strides = array<i32>} : memref<80x80xf32, #tpu.memory_space<vmem>>, vector<16xf32>,
      %mul3A_419 = arith.mulf %get3A_333, %exp3A_410 : vector<16xf32>
      %swap3A_420 = arith.index_cast %add3A_324 : i32 to index
      %swap3A_421 = arith.constant 32 : index
      %swap3A_422 = tpu.vector_load %arg20[%swap3A_420, %swap3A_421] {strides = array<i32>} : memref<80x80xf32, #tpu.memory_space<vmem>>, vector<16xf32>,
      tpu.vector_store %arg20[%swap3A_420, %swap3A_421], %mul3A_419 {strides = array<i32>} : memref<80x80xf32, #tpu.memory_space<vmem>>, vector<16xf32>,
      %mul3A_423 = arith.mulf %get3A_336, %exp3A_410 : vector<16xf32>
      %swap3A_424 = arith.index_cast %add3A_324 : i32 to index
      %swap3A_425 = arith.constant 48 : index
      %swap3A_426 = tpu.vector_load %arg20[%swap3A_424, %swap3A_425] {strides = array<i32>} : memref<80x80xf32, #tpu.memory_space<vmem>>, vector<16xf32>,
      tpu.vector_store %arg20[%swap3A_424, %swap3A_425], %mul3A_423 {strides = array<i32>} : memref<80x80xf32, #tpu.memory_space<vmem>>, vector<16xf32>,
      %mul3A_427 = arith.mulf %exp3A_410, %select_n3A : vector<16xf32>
      %swap3A_428 = arith.index_cast %add3A_324 : i32 to index
      %swap3A_429 = arith.constant 64 : index
      %swap3A_430 = tpu.vector_load %arg20[%swap3A_428, %swap3A_429] {strides = array<i32>} : memref<80x80xf32, #tpu.memory_space<vmem>>, vector<16xf32>,
      tpu.vector_store %arg20[%swap3A_428, %swap3A_429], %mul3A_427 {strides = array<i32>} : memref<80x80xf32, #tpu.memory_space<vmem>>, vector<16xf32>,
      %mul3A_431 = arith.constant 4 : i32
      %mul3A_432 = arith.muli %scan3A_103, %mul3A_431 : i32
      %add3A_433 = arith.constant 3 : i32
      %add3A_434 = arith.addi %mul3A_432, %add3A_433 : i32
      %get3A_435 = arith.index_cast %add3A_434 : i32 to index
      %get3A_436 = arith.constant 0 : index
      %get3A_437 = tpu.vector_load %arg14[%get3A_435, %get3A_436] {strides = array<i32>} : memref<80x64xf32, #tpu.memory_space<vmem>>, vector<16xf32>,
      %get3A_438 = arith.index_cast %add3A_434 : i32 to index
      %get3A_439 = arith.constant 16 : index
      %get3A_440 = tpu.vector_load %arg14[%get3A_438, %get3A_439] {strides = array<i32>} : memref<80x64xf32, #tpu.memory_space<vmem>>, vector<16xf32>,
      %get3A_441 = arith.index_cast %add3A_434 : i32 to index
      %get3A_442 = arith.constant 32 : index
      %get3A_443 = tpu.vector_load %arg14[%get3A_441, %get3A_442] {strides = array<i32>} : memref<80x64xf32, #tpu.memory_space<vmem>>, vector<16xf32>,
      %get3A_444 = arith.index_cast %add3A_434 : i32 to index
      %get3A_445 = arith.constant 48 : index
      %get3A_446 = tpu.vector_load %arg14[%get3A_444, %get3A_445] {strides = array<i32>} : memref<80x64xf32, #tpu.memory_space<vmem>>, vector<16xf32>,
      %get3A_447 = arith.index_cast %add3A_434 : i32 to index
      %get3A_448 = arith.constant 0 : index
      %get3A_449 = tpu.vector_load %arg16[%get3A_447, %get3A_448] {strides = array<i32>} : memref<80x64xf32, #tpu.memory_space<vmem>>, vector<16xf32>,
      %add3A_450 = arith.addf %get3A_437, %get3A_449 : vector<16xf32>
      %get3A_451 = arith.index_cast %add3A_434 : i32 to index
      %get3A_452 = arith.constant 0 : index
      %get3A_453 = tpu.vector_load %arg18[%get3A_451, %get3A_452] {strides = array<i32>} : memref<80x64xf32, #tpu.memory_space<vmem>>, vector<16xf32>,
      %add3A_454 = arith.addf %add3A_450, %get3A_453 : vector<16xf32>
      %gt3A_455 = arith.constant 0.000000e+00 : f32
      %gt3A_456 = vector.broadcast %gt3A_455 : f32 to vector<16xf32>
      %gt3A_457 = arith.cmpf ogt, %add3A_454, %gt3A_456 : vector<16xf32>
      %mul3A_458 = arith.constant 2.000000e-01 : f32
      %mul3A_459 = vector.broadcast %mul3A_458 : f32 to vector<16xf32>
      %mul3A_460 = arith.mulf %mul3A_459, %add3A_454 : vector<16xf32>
      %select_n3A_461 = arith.select %gt3A_457, %add3A_454, %mul3A_460 : vector<16xi1>, vector<16xf32>
      %mul3A_462 = arith.mulf %select_n3A_461, %get3A_53 : vector<16xf32>
      %add3A_463 = arith.addf %broadcast_in_dim3A_3, %mul3A_462 : vector<16xf32>
      %get3A_464 = arith.index_cast %add3A_434 : i32 to index
      %get3A_465 = arith.constant 16 : index
      %get3A_466 = tpu.vector_load %arg16[%get3A_464, %get3A_465] {strides = array<i32>} : memref<80x64xf32, #tpu.memory_space<vmem>>, vector<16xf32>,
      %add3A_467 = arith.addf %get3A_440, %get3A_466 : vector<16xf32>
      %get3A_468 = arith.index_cast %add3A_434 : i32 to index
      %get3A_469 = arith.constant 16 : index
      %get3A_470 = tpu.vector_load %arg18[%get3A_468, %get3A_469] {strides = array<i32>} : memref<80x64xf32, #tpu.memory_space<vmem>>, vector<16xf32>,
      %add3A_471 = arith.addf %add3A_467, %get3A_470 : vector<16xf32>
      %gt3A_472 = arith.constant 0.000000e+00 : f32
      %gt3A_473 = vector.broadcast %gt3A_472 : f32 to vector<16xf32>
      %gt3A_474 = arith.cmpf ogt, %add3A_471, %gt3A_473 : vector<16xf32>
      %mul3A_475 = arith.constant 2.000000e-01 : f32
      %mul3A_476 = vector.broadcast %mul3A_475 : f32 to vector<16xf32>
      %mul3A_477 = arith.mulf %mul3A_476, %add3A_471 : vector<16xf32>
      %select_n3A_478 = arith.select %gt3A_474, %add3A_471, %mul3A_477 : vector<16xi1>, vector<16xf32>
      %mul3A_479 = arith.mulf %select_n3A_478, %get3A_55 : vector<16xf32>
      %add3A_480 = arith.addf %add3A_463, %mul3A_479 : vector<16xf32>
      %get3A_481 = arith.index_cast %add3A_434 : i32 to index
      %get3A_482 = arith.constant 32 : index
      %get3A_483 = tpu.vector_load %arg16[%get3A_481, %get3A_482] {strides = array<i32>} : memref<80x64xf32, #tpu.memory_space<vmem>>, vector<16xf32>,
      %add3A_484 = arith.addf %get3A_443, %get3A_483 : vector<16xf32>
      %get3A_485 = arith.index_cast %add3A_434 : i32 to index
      %get3A_486 = arith.constant 32 : index
      %get3A_487 = tpu.vector_load %arg18[%get3A_485, %get3A_486] {strides = array<i32>} : memref<80x64xf32, #tpu.memory_space<vmem>>, vector<16xf32>,
      %add3A_488 = arith.addf %add3A_484, %get3A_487 : vector<16xf32>
      %gt3A_489 = arith.constant 0.000000e+00 : f32
      %gt3A_490 = vector.broadcast %gt3A_489 : f32 to vector<16xf32>
      %gt3A_491 = arith.cmpf ogt, %add3A_488, %gt3A_490 : vector<16xf32>
      %mul3A_492 = arith.constant 2.000000e-01 : f32
      %mul3A_493 = vector.broadcast %mul3A_492 : f32 to vector<16xf32>
      %mul3A_494 = arith.mulf %mul3A_493, %add3A_488 : vector<16xf32>
      %select_n3A_495 = arith.select %gt3A_491, %add3A_488, %mul3A_494 : vector<16xi1>, vector<16xf32>
      %mul3A_496 = arith.mulf %select_n3A_495, %get3A_57 : vector<16xf32>
      %add3A_497 = arith.addf %add3A_480, %mul3A_496 : vector<16xf32>
      %get3A_498 = arith.index_cast %add3A_434 : i32 to index
      %get3A_499 = arith.constant 48 : index
      %get3A_500 = tpu.vector_load %arg16[%get3A_498, %get3A_499] {strides = array<i32>} : memref<80x64xf32, #tpu.memory_space<vmem>>, vector<16xf32>,
      %add3A_501 = arith.addf %get3A_446, %get3A_500 : vector<16xf32>
      %get3A_502 = arith.index_cast %add3A_434 : i32 to index
      %get3A_503 = arith.constant 48 : index
      %get3A_504 = tpu.vector_load %arg18[%get3A_502, %get3A_503] {strides = array<i32>} : memref<80x64xf32, #tpu.memory_space<vmem>>, vector<16xf32>,
      %add3A_505 = arith.addf %add3A_501, %get3A_504 : vector<16xf32>
      %gt3A_506 = arith.constant 0.000000e+00 : f32
      %gt3A_507 = vector.broadcast %gt3A_506 : f32 to vector<16xf32>
      %gt3A_508 = arith.cmpf ogt, %add3A_505, %gt3A_507 : vector<16xf32>
      %mul3A_509 = arith.constant 2.000000e-01 : f32
      %mul3A_510 = vector.broadcast %mul3A_509 : f32 to vector<16xf32>
      %mul3A_511 = arith.mulf %mul3A_510, %add3A_505 : vector<16xf32>
      %select_n3A_512 = arith.select %gt3A_508, %add3A_505, %mul3A_511 : vector<16xi1>, vector<16xf32>
      %mul3A_513 = arith.mulf %select_n3A_512, %get3A_59 : vector<16xf32>
      %add3A_514 = arith.addf %add3A_497, %mul3A_513 : vector<16xf32>
      %reduce_sum3A_515 = arith.constant true
      %reduce_sum3A_516 = vector.broadcast %reduce_sum3A_515 : i1 to vector<16xi1>
      %reduce_sum3A_517 = tpu.scan <sum>, %add3A_514 masked %reduce_sum3A_516 : vector<16xf32>, vector<16xi1> -> vector<16xf32>
      %reduce_sum3A_518 = vector.extract %reduce_sum3A_517[15] : f32 from vector<16xf32>
      %broadcast_in_dim3A_519 = vector.broadcast %reduce_sum3A_518 : f32 to vector<16xf32>
      %exp3A_520 = math.exp %broadcast_in_dim3A_519 : vector<16xf32>
      %mul3A_521 = arith.mulf %get3A_437, %exp3A_520 : vector<16xf32>
      %swap3A_522 = arith.index_cast %add3A_434 : i32 to index
      %swap3A_523 = arith.constant 0 : index
      %swap3A_524 = tpu.vector_load %arg20[%swap3A_522, %swap3A_523] {strides = array<i32>} : memref<80x80xf32, #tpu.memory_space<vmem>>, vector<16xf32>,
      tpu.vector_store %arg20[%swap3A_522, %swap3A_523], %mul3A_521 {strides = array<i32>} : memref<80x80xf32, #tpu.memory_space<vmem>>, vector<16xf32>,
      %mul3A_525 = arith.mulf %get3A_440, %exp3A_520 : vector<16xf32>
      %swap3A_526 = arith.index_cast %add3A_434 : i32 to index
      %swap3A_527 = arith.constant 16 : index
      %swap3A_528 = tpu.vector_load %arg20[%swap3A_526, %swap3A_527] {strides = array<i32>} : memref<80x80xf32, #tpu.memory_space<vmem>>, vector<16xf32>,
      tpu.vector_store %arg20[%swap3A_526, %swap3A_527], %mul3A_525 {strides = array<i32>} : memref<80x80xf32, #tpu.memory_space<vmem>>, vector<16xf32>,
      %mul3A_529 = arith.mulf %get3A_443, %exp3A_520 : vector<16xf32>
      %swap3A_530 = arith.index_cast %add3A_434 : i32 to index
      %swap3A_531 = arith.constant 32 : index
      %swap3A_532 = tpu.vector_load %arg20[%swap3A_530, %swap3A_531] {strides = array<i32>} : memref<80x80xf32, #tpu.memory_space<vmem>>, vector<16xf32>,
      tpu.vector_store %arg20[%swap3A_530, %swap3A_531], %mul3A_529 {strides = array<i32>} : memref<80x80xf32, #tpu.memory_space<vmem>>, vector<16xf32>,
      %mul3A_533 = arith.mulf %get3A_446, %exp3A_520 : vector<16xf32>
      %swap3A_534 = arith.index_cast %add3A_434 : i32 to index
      %swap3A_535 = arith.constant 48 : index
      %swap3A_536 = tpu.vector_load %arg20[%swap3A_534, %swap3A_535] {strides = array<i32>} : memref<80x80xf32, #tpu.memory_space<vmem>>, vector<16xf32>,
      tpu.vector_store %arg20[%swap3A_534, %swap3A_535], %mul3A_533 {strides = array<i32>} : memref<80x80xf32, #tpu.memory_space<vmem>>, vector<16xf32>,
      %mul3A_537 = arith.mulf %exp3A_520, %select_n3A : vector<16xf32>
      %swap3A_538 = arith.index_cast %add3A_434 : i32 to index
      %swap3A_539 = arith.constant 64 : index
      %swap3A_540 = tpu.vector_load %arg20[%swap3A_538, %swap3A_539] {strides = array<i32>} : memref<80x80xf32, #tpu.memory_space<vmem>>, vector<16xf32>,
      tpu.vector_store %arg20[%swap3A_538, %swap3A_539], %mul3A_537 {strides = array<i32>} : memref<80x80xf32, #tpu.memory_space<vmem>>, vector<16xf32>,
      %scan3A_541 = arith.constant 0 : i32
      scf.yield %scan3A_541 : i32
    }
    %scan3A_65 = arith.constant 20 : i32
    %dma_start3A_66 = arith.constant 0 : i32
    %dma_start3A_67 = arith.constant 0 : i32
    %dma_start3A_68 = tpu.memref_slice %arg23[%dma_start3A_66, %dma_start3A_67] : memref<10112x80xf32, #tpu.memory_space<vmem_shared>> -> memref<10112x80xf32, #tpu.memory_space<vmem_shared>>
    tpu.enqueue_indirect_dma source(%arg20 : memref<80x80xf32, #tpu.memory_space<vmem>>) target(%dma_start3A_68 : memref<10112x80xf32, #tpu.memory_space<vmem_shared>>) offsets(%arg12 : memref<80xi32, #tpu.memory_space<vmem>>) semaphore(%arg32 : memref<!tpu.dma_semaphore, #tpu.memory_space<semaphore_mem>>) {add = true}
    %dma_wait3A_69 = arith.constant 0 : i32
    %dma_wait3A_70 = tpu.memref_slice %arg5[%dma_wait3A_69] : memref<320000xi32, #tpu.memory_space<hbm>> -> memref<80xi32, #tpu.memory_space<hbm>>
    %dma_wait3A_71 = arith.constant 0 : i32
    %dma_wait3A_72 = tpu.memref_slice %arg5[%dma_wait3A_71] : memref<320000xi32, #tpu.memory_space<hbm>> -> memref<80xi32, #tpu.memory_space<hbm>>
    tpu.wait_dma2 semaphore(%arg25 : memref<!tpu.dma_semaphore, #tpu.memory_space<semaphore_mem>>) src(%dma_wait3A_72 : memref<80xi32, #tpu.memory_space<hbm>>) dst(%arg11 : memref<80xi32, #tpu.memory_space<vmem>>)
    %dma_wait3A_73 = arith.constant 0 : i32
    %dma_wait3A_74 = tpu.memref_slice %arg6[%dma_wait3A_73] : memref<320000xi32, #tpu.memory_space<hbm>> -> memref<80xi32, #tpu.memory_space<hbm>>
    %dma_wait3A_75 = arith.constant 0 : i32
    %dma_wait3A_76 = tpu.memref_slice %arg6[%dma_wait3A_75] : memref<320000xi32, #tpu.memory_space<hbm>> -> memref<80xi32, #tpu.memory_space<hbm>>
    tpu.wait_dma2 semaphore(%arg25 : memref<!tpu.dma_semaphore, #tpu.memory_space<semaphore_mem>>) src(%dma_wait3A_76 : memref<80xi32, #tpu.memory_space<hbm>>) dst(%arg13 : memref<80xi32, #tpu.memory_space<vmem>>)
    %mul3A_77 = arith.constant 10000 : i32
    %mul3A_78 = arith.muli %add3A, %mul3A_77 : i32
    %add3A_79 = arith.constant 80 : i32
    %add3A_80 = arith.addi %mul3A_78, %add3A_79 : i32
    %multiple_of3A_81 = tpu.assume_multiple %add3A_80, 8 : i32
    %dma_start3A_82 = arith.constant 0 : i32
    %dma_start3A_83 = arith.constant 0 : i32
    %dma_start3A_84 = tpu.memref_slice %arg2[%dma_start3A_82, %dma_start3A_83] : memref<10000x64xf32, #tpu.memory_space<hbm>> -> memref<10000x64xf32, #tpu.memory_space<hbm>>
    tpu.enqueue_indirect_dma source(%dma_start3A_84 : memref<10000x64xf32, #tpu.memory_space<hbm>>) target(%arg15 : memref<80x64xf32, #tpu.memory_space<vmem>>) offsets(%arg11 : memref<80xi32, #tpu.memory_space<vmem>>) semaphore(%arg27 : memref<!tpu.dma_semaphore, #tpu.memory_space<semaphore_mem>>)
    %dma_start3A_85 = arith.constant 0 : i32
    %dma_start3A_86 = arith.constant 0 : i32
    %dma_start3A_87 = tpu.memref_slice %arg3[%dma_start3A_85, %dma_start3A_86] : memref<10000x64xf32, #tpu.memory_space<hbm>> -> memref<10000x64xf32, #tpu.memory_space<hbm>>
    tpu.enqueue_indirect_dma source(%dma_start3A_87 : memref<10000x64xf32, #tpu.memory_space<hbm>>) target(%arg17 : memref<80x64xf32, #tpu.memory_space<vmem>>) offsets(%arg13 : memref<80xi32, #tpu.memory_space<vmem>>) semaphore(%arg29 : memref<!tpu.dma_semaphore, #tpu.memory_space<semaphore_mem>>)
    %dma_start3A_88 = arith.constant 0 : i32
    %dma_start3A_89 = tpu.memref_slice %arg4[%multiple_of3A_81, %dma_start3A_88] : memref<320000x64xf32, #tpu.memory_space<hbm>> -> memref<80x64xf32, #tpu.memory_space<hbm>>
    %dma_start3A_90 = arith.constant 0 : i32
    %dma_start3A_91 = tpu.memref_slice %arg4[%multiple_of3A_81, %dma_start3A_90] : memref<320000x64xf32, #tpu.memory_space<hbm>> -> memref<80x64xf32, #tpu.memory_space<hbm>>
    tpu.enqueue_dma source(%dma_start3A_91 : memref<80x64xf32, #tpu.memory_space<hbm>>) target(%arg19 : memref<80x64xf32, #tpu.memory_space<vmem>>) target_semaphore(%arg31 : memref<!tpu.dma_semaphore, #tpu.memory_space<semaphore_mem>>)
    %scan3A_92 = arith.constant 0 : i32
    %scan3A_93 = arith.constant 0 : i32
    %scan3A_94 = arith.constant 62 : i32
    %scan3A_95 = arith.addi %scan3A_93, %scan3A_94 : i32
    %scan3A_96 = arith.constant 1 : i32
    %scan3A_97 = scf.for %scan3A_103 = %scan3A_93 to %scan3A_95 step %scan3A_96 iter_args(%scan3A_104 = %scan3A_92) -> (i32)  : i32 {
      %mul3A_105 = arith.constant 2 : i32
      %mul3A_106 = arith.muli %mul3A_105, %scan3A_103 : i32
      %add3A_107 = arith.constant 2 : i32
      %add3A_108 = arith.addi %mul3A_106, %add3A_107 : i32
      %dma_wait3A_109 = arith.constant 0 : i32
      %dma_wait3A_110 = arith.constant 0 : i32
      %dma_wait3A_111 = tpu.memref_slice %arg23[%dma_wait3A_109, %dma_wait3A_110] : memref<10112x80xf32, #tpu.memory_space<vmem_shared>> -> memref<10112x80xf32, #tpu.memory_space<vmem_shared>>
      tpu.wait_indirect_dma semaphore(%arg32 : memref<!tpu.dma_semaphore, #tpu.memory_space<semaphore_mem>>) src(%arg20 : memref<80x80xf32, #tpu.memory_space<vmem>>) dst(%dma_wait3A_111 : memref<10112x80xf32, #tpu.memory_space<vmem_shared>>)
      %mul3A_112 = arith.constant 10000 : i32
      %mul3A_113 = arith.muli %add3A, %mul3A_112 : i32
      %mul3A_114 = arith.constant 80 : i32
      %mul3A_115 = arith.muli %add3A_108, %mul3A_114 : i32
      %add3A_116 = arith.addi %mul3A_113, %mul3A_115 : i32
      %multiple_of3A_117 = tpu.assume_multiple %add3A_116, 8 : i32
      %dma_start3A_118 = tpu.memref_slice %arg5[%multiple_of3A_117] : memref<320000xi32, #tpu.memory_space<hbm>> -> memref<80xi32, #tpu.memory_space<hbm>>
      %dma_start3A_119 = tpu.memref_slice %arg5[%multiple_of3A_117] : memref<320000xi32, #tpu.memory_space<hbm>> -> memref<80xi32, #tpu.memory_space<hbm>>
      tpu.enqueue_dma source(%dma_start3A_119 : memref<80xi32, #tpu.memory_space<hbm>>) target(%arg10 : memref<80xi32, #tpu.memory_space<vmem>>) target_semaphore(%arg24 : memref<!tpu.dma_semaphore, #tpu.memory_space<semaphore_mem>>)
      %dma_start3A_120 = tpu.memref_slice %arg6[%multiple_of3A_117] : memref<320000xi32, #tpu.memory_space<hbm>> -> memref<80xi32, #tpu.memory_space<hbm>>
      %dma_start3A_121 = tpu.memref_slice %arg6[%multiple_of3A_117] : memref<320000xi32, #tpu.memory_space<hbm>> -> memref<80xi32, #tpu.memory_space<hbm>>
      tpu.enqueue_dma source(%dma_start3A_121 : memref<80xi32, #tpu.memory_space<hbm>>) target(%arg12 : memref<80xi32, #tpu.memory_space<vmem>>) target_semaphore(%arg24 : memref<!tpu.dma_semaphore, #tpu.memory_space<semaphore_mem>>)
      %dma_wait3A_122 = arith.constant 0 : i32
      %dma_wait3A_123 = arith.constant 0 : i32
      %dma_wait3A_124 = tpu.memref_slice %arg2[%dma_wait3A_122, %dma_wait3A_123] : memref<10000x64xf32, #tpu.memory_space<hbm>> -> memref<10000x64xf32, #tpu.memory_space<hbm>>
      tpu.wait_indirect_dma semaphore(%arg27 : memref<!tpu.dma_semaphore, #tpu.memory_space<semaphore_mem>>) src(%dma_wait3A_124 : memref<10000x64xf32, #tpu.memory_space<hbm>>) dst(%arg15 : memref<80x64xf32, #tpu.memory_space<vmem>>)
      %dma_wait3A_125 = arith.constant 0 : i32
      %dma_wait3A_126 = arith.constant 0 : i32
      %dma_wait3A_127 = tpu.memref_slice %arg3[%dma_wait3A_125, %dma_wait3A_126] : memref<10000x64xf32, #tpu.memory_space<hbm>> -> memref<10000x64xf32, #tpu.memory_space<hbm>>
      tpu.wait_indirect_dma semaphore(%arg29 : memref<!tpu.dma_semaphore, #tpu.memory_space<semaphore_mem>>) src(%dma_wait3A_127 : memref<10000x64xf32, #tpu.memory_space<hbm>>) dst(%arg17 : memref<80x64xf32, #tpu.memory_space<vmem>>)
      %dma_wait3A_128 = arith.constant 0 : i32
      %dma_wait3A_129 = arith.constant 0 : i32
      %dma_wait3A_130 = tpu.memref_slice %arg4[%dma_wait3A_128, %dma_wait3A_129] : memref<320000x64xf32, #tpu.memory_space<hbm>> -> memref<80x64xf32, #tpu.memory_space<hbm>>
      %dma_wait3A_131 = arith.constant 0 : i32
      %dma_wait3A_132 = arith.constant 0 : i32
      %dma_wait3A_133 = tpu.memref_slice %arg4[%dma_wait3A_131, %dma_wait3A_132] : memref<320000x64xf32, #tpu.memory_space<hbm>> -> memref<80x64xf32, #tpu.memory_space<hbm>>
      tpu.wait_dma2 semaphore(%arg31 : memref<!tpu.dma_semaphore, #tpu.memory_space<semaphore_mem>>) src(%dma_wait3A_133 : memref<80x64xf32, #tpu.memory_space<hbm>>) dst(%arg19 : memref<80x64xf32, #tpu.memory_space<vmem>>)
      %get3A_134 = arith.constant 0 : index
      %get3A_135 = tpu.vector_load %arg22[%get3A_134] {strides = array<i32>} : memref<64xf32, #tpu.memory_space<vmem>>, vector<16xf32>,
      %get3A_136 = arith.constant 16 : index
      %get3A_137 = tpu.vector_load %arg22[%get3A_136] {strides = array<i32>} : memref<64xf32, #tpu.memory_space<vmem>>, vector<16xf32>,
      %get3A_138 = arith.constant 32 : index
      %get3A_139 = tpu.vector_load %arg22[%get3A_138] {strides = array<i32>} : memref<64xf32, #tpu.memory_space<vmem>>, vector<16xf32>,
      %get3A_140 = arith.constant 48 : index
      %get3A_141 = tpu.vector_load %arg22[%get3A_140] {strides = array<i32>} : memref<64xf32, #tpu.memory_space<vmem>>, vector<16xf32>,
      %scan3A_142 = arith.constant 0 : i32
      %scan3A_143 = arith.constant 0 : i32
      %scan3A_144 = arith.constant 20 : i32
      %scan3A_145 = arith.addi %scan3A_143, %scan3A_144 : i32
      %scan3A_146 = arith.constant 1 : i32
      %scan3A_147 = scf.for %scan3A_221 = %scan3A_143 to %scan3A_145 step %scan3A_146 iter_args(%scan3A_222 = %scan3A_142) -> (i32)  : i32 {
        %mul3A_223 = arith.constant 4 : i32
        %mul3A_224 = arith.muli %scan3A_221, %mul3A_223 : i32
        %add3A_225 = arith.constant 0 : i32
        %add3A_226 = arith.addi %mul3A_224, %add3A_225 : i32
        %get3A_227 = arith.index_cast %add3A_226 : i32 to index
        %get3A_228 = arith.constant 0 : index
        %get3A_229 = tpu.vector_load %arg15[%get3A_227, %get3A_228] {strides = array<i32>} : memref<80x64xf32, #tpu.memory_space<vmem>>, vector<16xf32>,
        %get3A_230 = arith.index_cast %add3A_226 : i32 to index
        %get3A_231 = arith.constant 16 : index
        %get3A_232 = tpu.vector_load %arg15[%get3A_230, %get3A_231] {strides = array<i32>} : memref<80x64xf32, #tpu.memory_space<vmem>>, vector<16xf32>,
        %get3A_233 = arith.index_cast %add3A_226 : i32 to index
        %get3A_234 = arith.constant 32 : index
        %get3A_235 = tpu.vector_load %arg15[%get3A_233, %get3A_234] {strides = array<i32>} : memref<80x64xf32, #tpu.memory_space<vmem>>, vector<16xf32>,
        %get3A_236 = arith.index_cast %add3A_226 : i32 to index
        %get3A_237 = arith.constant 48 : index
        %get3A_238 = tpu.vector_load %arg15[%get3A_236, %get3A_237] {strides = array<i32>} : memref<80x64xf32, #tpu.memory_space<vmem>>, vector<16xf32>,
        %get3A_239 = arith.index_cast %add3A_226 : i32 to index
        %get3A_240 = arith.constant 0 : index
        %get3A_241 = tpu.vector_load %arg17[%get3A_239, %get3A_240] {strides = array<i32>} : memref<80x64xf32, #tpu.memory_space<vmem>>, vector<16xf32>,
        %add3A_242 = arith.addf %get3A_229, %get3A_241 : vector<16xf32>
        %get3A_243 = arith.index_cast %add3A_226 : i32 to index
        %get3A_244 = arith.constant 0 : index
        %get3A_245 = tpu.vector_load %arg19[%get3A_243, %get3A_244] {strides = array<i32>} : memref<80x64xf32, #tpu.memory_space<vmem>>, vector<16xf32>,
        %add3A_246 = arith.addf %add3A_242, %get3A_245 : vector<16xf32>
        %gt3A = arith.constant 0.000000e+00 : f32
        %gt3A_247 = vector.broadcast %gt3A : f32 to vector<16xf32>
        %gt3A_248 = arith.cmpf ogt, %add3A_246, %gt3A_247 : vector<16xf32>
        %mul3A_249 = arith.constant 2.000000e-01 : f32
        %mul3A_250 = vector.broadcast %mul3A_249 : f32 to vector<16xf32>
        %mul3A_251 = arith.mulf %mul3A_250, %add3A_246 : vector<16xf32>
        %select_n3A_252 = arith.select %gt3A_248, %add3A_246, %mul3A_251 : vector<16xi1>, vector<16xf32>
        %mul3A_253 = arith.mulf %select_n3A_252, %get3A_135 : vector<16xf32>
        %add3A_254 = arith.addf %broadcast_in_dim3A_3, %mul3A_253 : vector<16xf32>
        %get3A_255 = arith.index_cast %add3A_226 : i32 to index
        %get3A_256 = arith.constant 16 : index
        %get3A_257 = tpu.vector_load %arg17[%get3A_255, %get3A_256] {strides = array<i32>} : memref<80x64xf32, #tpu.memory_space<vmem>>, vector<16xf32>,
        %add3A_258 = arith.addf %get3A_232, %get3A_257 : vector<16xf32>
        %get3A_259 = arith.index_cast %add3A_226 : i32 to index
        %get3A_260 = arith.constant 16 : index
        %get3A_261 = tpu.vector_load %arg19[%get3A_259, %get3A_260] {strides = array<i32>} : memref<80x64xf32, #tpu.memory_space<vmem>>, vector<16xf32>,
        %add3A_262 = arith.addf %add3A_258, %get3A_261 : vector<16xf32>
        %gt3A_263 = arith.constant 0.000000e+00 : f32
        %gt3A_264 = vector.broadcast %gt3A_263 : f32 to vector<16xf32>
        %gt3A_265 = arith.cmpf ogt, %add3A_262, %gt3A_264 : vector<16xf32>
        %mul3A_266 = arith.constant 2.000000e-01 : f32
        %mul3A_267 = vector.broadcast %mul3A_266 : f32 to vector<16xf32>
        %mul3A_268 = arith.mulf %mul3A_267, %add3A_262 : vector<16xf32>
        %select_n3A_269 = arith.select %gt3A_265, %add3A_262, %mul3A_268 : vector<16xi1>, vector<16xf32>
        %mul3A_270 = arith.mulf %select_n3A_269, %get3A_137 : vector<16xf32>
        %add3A_271 = arith.addf %add3A_254, %mul3A_270 : vector<16xf32>
        %get3A_272 = arith.index_cast %add3A_226 : i32 to index
        %get3A_273 = arith.constant 32 : index
        %get3A_274 = tpu.vector_load %arg17[%get3A_272, %get3A_273] {strides = array<i32>} : memref<80x64xf32, #tpu.memory_space<vmem>>, vector<16xf32>,
        %add3A_275 = arith.addf %get3A_235, %get3A_274 : vector<16xf32>
        %get3A_276 = arith.index_cast %add3A_226 : i32 to index
        %get3A_277 = arith.constant 32 : index
        %get3A_278 = tpu.vector_load %arg19[%get3A_276, %get3A_277] {strides = array<i32>} : memref<80x64xf32, #tpu.memory_space<vmem>>, vector<16xf32>,
        %add3A_279 = arith.addf %add3A_275, %get3A_278 : vector<16xf32>
        %gt3A_280 = arith.constant 0.000000e+00 : f32
        %gt3A_281 = vector.broadcast %gt3A_280 : f32 to vector<16xf32>
        %gt3A_282 = arith.cmpf ogt, %add3A_279, %gt3A_281 : vector<16xf32>
        %mul3A_283 = arith.constant 2.000000e-01 : f32
        %mul3A_284 = vector.broadcast %mul3A_283 : f32 to vector<16xf32>
        %mul3A_285 = arith.mulf %mul3A_284, %add3A_279 : vector<16xf32>
        %select_n3A_286 = arith.select %gt3A_282, %add3A_279, %mul3A_285 : vector<16xi1>, vector<16xf32>
        %mul3A_287 = arith.mulf %select_n3A_286, %get3A_139 : vector<16xf32>
        %add3A_288 = arith.addf %add3A_271, %mul3A_287 : vector<16xf32>
        %get3A_289 = arith.index_cast %add3A_226 : i32 to index
        %get3A_290 = arith.constant 48 : index
        %get3A_291 = tpu.vector_load %arg17[%get3A_289, %get3A_290] {strides = array<i32>} : memref<80x64xf32, #tpu.memory_space<vmem>>, vector<16xf32>,
        %add3A_292 = arith.addf %get3A_238, %get3A_291 : vector<16xf32>
        %get3A_293 = arith.index_cast %add3A_226 : i32 to index
        %get3A_294 = arith.constant 48 : index
        %get3A_295 = tpu.vector_load %arg19[%get3A_293, %get3A_294] {strides = array<i32>} : memref<80x64xf32, #tpu.memory_space<vmem>>, vector<16xf32>,
        %add3A_296 = arith.addf %add3A_292, %get3A_295 : vector<16xf32>
        %gt3A_297 = arith.constant 0.000000e+00 : f32
        %gt3A_298 = vector.broadcast %gt3A_297 : f32 to vector<16xf32>
        %gt3A_299 = arith.cmpf ogt, %add3A_296, %gt3A_298 : vector<16xf32>
        %mul3A_300 = arith.constant 2.000000e-01 : f32
        %mul3A_301 = vector.broadcast %mul3A_300 : f32 to vector<16xf32>
        %mul3A_302 = arith.mulf %mul3A_301, %add3A_296 : vector<16xf32>
        %select_n3A_303 = arith.select %gt3A_299, %add3A_296, %mul3A_302 : vector<16xi1>, vector<16xf32>
        %mul3A_304 = arith.mulf %select_n3A_303, %get3A_141 : vector<16xf32>
        %add3A_305 = arith.addf %add3A_288, %mul3A_304 : vector<16xf32>
        %reduce_sum3A = arith.constant true
        %reduce_sum3A_306 = vector.broadcast %reduce_sum3A : i1 to vector<16xi1>
        %reduce_sum3A_307 = tpu.scan <sum>, %add3A_305 masked %reduce_sum3A_306 : vector<16xf32>, vector<16xi1> -> vector<16xf32>
        %reduce_sum3A_308 = vector.extract %reduce_sum3A_307[15] : f32 from vector<16xf32>
        %broadcast_in_dim3A_309 = vector.broadcast %reduce_sum3A_308 : f32 to vector<16xf32>
        %exp3A = math.exp %broadcast_in_dim3A_309 : vector<16xf32>
        %mul3A_310 = arith.mulf %get3A_229, %exp3A : vector<16xf32>
        %swap3A = arith.index_cast %add3A_226 : i32 to index
        %swap3A_311 = arith.constant 0 : index
        %swap3A_312 = tpu.vector_load %arg21[%swap3A, %swap3A_311] {strides = array<i32>} : memref<80x80xf32, #tpu.memory_space<vmem>>, vector<16xf32>,
        tpu.vector_store %arg21[%swap3A, %swap3A_311], %mul3A_310 {strides = array<i32>} : memref<80x80xf32, #tpu.memory_space<vmem>>, vector<16xf32>,
        %mul3A_313 = arith.mulf %get3A_232, %exp3A : vector<16xf32>
        %swap3A_314 = arith.index_cast %add3A_226 : i32 to index
        %swap3A_315 = arith.constant 16 : index
        %swap3A_316 = tpu.vector_load %arg21[%swap3A_314, %swap3A_315] {strides = array<i32>} : memref<80x80xf32, #tpu.memory_space<vmem>>, vector<16xf32>,
        tpu.vector_store %arg21[%swap3A_314, %swap3A_315], %mul3A_313 {strides = array<i32>} : memref<80x80xf32, #tpu.memory_space<vmem>>, vector<16xf32>,
        %mul3A_317 = arith.mulf %get3A_235, %exp3A : vector<16xf32>
        %swap3A_318 = arith.index_cast %add3A_226 : i32 to index
        %swap3A_319 = arith.constant 32 : index
        %swap3A_320 = tpu.vector_load %arg21[%swap3A_318, %swap3A_319] {strides = array<i32>} : memref<80x80xf32, #tpu.memory_space<vmem>>, vector<16xf32>,
        tpu.vector_store %arg21[%swap3A_318, %swap3A_319], %mul3A_317 {strides = array<i32>} : memref<80x80xf32, #tpu.memory_space<vmem>>, vector<16xf32>,
        %mul3A_321 = arith.mulf %get3A_238, %exp3A : vector<16xf32>
        %swap3A_322 = arith.index_cast %add3A_226 : i32 to index
        %swap3A_323 = arith.constant 48 : index
        %swap3A_324 = tpu.vector_load %arg21[%swap3A_322, %swap3A_323] {strides = array<i32>} : memref<80x80xf32, #tpu.memory_space<vmem>>, vector<16xf32>,
        tpu.vector_store %arg21[%swap3A_322, %swap3A_323], %mul3A_321 {strides = array<i32>} : memref<80x80xf32, #tpu.memory_space<vmem>>, vector<16xf32>,
        %mul3A_325 = arith.mulf %exp3A, %select_n3A : vector<16xf32>
        %swap3A_326 = arith.index_cast %add3A_226 : i32 to index
        %swap3A_327 = arith.constant 64 : index
        %swap3A_328 = tpu.vector_load %arg21[%swap3A_326, %swap3A_327] {strides = array<i32>} : memref<80x80xf32, #tpu.memory_space<vmem>>, vector<16xf32>,
        tpu.vector_store %arg21[%swap3A_326, %swap3A_327], %mul3A_325 {strides = array<i32>} : memref<80x80xf32, #tpu.memory_space<vmem>>, vector<16xf32>,
        %mul3A_329 = arith.constant 4 : i32
        %mul3A_330 = arith.muli %scan3A_221, %mul3A_329 : i32
        %add3A_331 = arith.constant 1 : i32
        %add3A_332 = arith.addi %mul3A_330, %add3A_331 : i32
        %get3A_333 = arith.index_cast %add3A_332 : i32 to index
        %get3A_334 = arith.constant 0 : index
        %get3A_335 = tpu.vector_load %arg15[%get3A_333, %get3A_334] {strides = array<i32>} : memref<80x64xf32, #tpu.memory_space<vmem>>, vector<16xf32>,
        %get3A_336 = arith.index_cast %add3A_332 : i32 to index
        %get3A_337 = arith.constant 16 : index
        %get3A_338 = tpu.vector_load %arg15[%get3A_336, %get3A_337] {strides = array<i32>} : memref<80x64xf32, #tpu.memory_space<vmem>>, vector<16xf32>,
        %get3A_339 = arith.index_cast %add3A_332 : i32 to index
        %get3A_340 = arith.constant 32 : index
        %get3A_341 = tpu.vector_load %arg15[%get3A_339, %get3A_340] {strides = array<i32>} : memref<80x64xf32, #tpu.memory_space<vmem>>, vector<16xf32>,
        %get3A_342 = arith.index_cast %add3A_332 : i32 to index
        %get3A_343 = arith.constant 48 : index
        %get3A_344 = tpu.vector_load %arg15[%get3A_342, %get3A_343] {strides = array<i32>} : memref<80x64xf32, #tpu.memory_space<vmem>>, vector<16xf32>,
        %get3A_345 = arith.index_cast %add3A_332 : i32 to index
        %get3A_346 = arith.constant 0 : index
        %get3A_347 = tpu.vector_load %arg17[%get3A_345, %get3A_346] {strides = array<i32>} : memref<80x64xf32, #tpu.memory_space<vmem>>, vector<16xf32>,
        %add3A_348 = arith.addf %get3A_335, %get3A_347 : vector<16xf32>
        %get3A_349 = arith.index_cast %add3A_332 : i32 to index
        %get3A_350 = arith.constant 0 : index
        %get3A_351 = tpu.vector_load %arg19[%get3A_349, %get3A_350] {strides = array<i32>} : memref<80x64xf32, #tpu.memory_space<vmem>>, vector<16xf32>,
        %add3A_352 = arith.addf %add3A_348, %get3A_351 : vector<16xf32>
        %gt3A_353 = arith.constant 0.000000e+00 : f32
        %gt3A_354 = vector.broadcast %gt3A_353 : f32 to vector<16xf32>
        %gt3A_355 = arith.cmpf ogt, %add3A_352, %gt3A_354 : vector<16xf32>
        %mul3A_356 = arith.constant 2.000000e-01 : f32
        %mul3A_357 = vector.broadcast %mul3A_356 : f32 to vector<16xf32>
        %mul3A_358 = arith.mulf %mul3A_357, %add3A_352 : vector<16xf32>
        %select_n3A_359 = arith.select %gt3A_355, %add3A_352, %mul3A_358 : vector<16xi1>, vector<16xf32>
        %mul3A_360 = arith.mulf %select_n3A_359, %get3A_135 : vector<16xf32>
        %add3A_361 = arith.addf %broadcast_in_dim3A_3, %mul3A_360 : vector<16xf32>
        %get3A_362 = arith.index_cast %add3A_332 : i32 to index
        %get3A_363 = arith.constant 16 : index
        %get3A_364 = tpu.vector_load %arg17[%get3A_362, %get3A_363] {strides = array<i32>} : memref<80x64xf32, #tpu.memory_space<vmem>>, vector<16xf32>,
        %add3A_365 = arith.addf %get3A_338, %get3A_364 : vector<16xf32>
        %get3A_366 = arith.index_cast %add3A_332 : i32 to index
        %get3A_367 = arith.constant 16 : index
        %get3A_368 = tpu.vector_load %arg19[%get3A_366, %get3A_367] {strides = array<i32>} : memref<80x64xf32, #tpu.memory_space<vmem>>, vector<16xf32>,
        %add3A_369 = arith.addf %add3A_365, %get3A_368 : vector<16xf32>
        %gt3A_370 = arith.constant 0.000000e+00 : f32
        %gt3A_371 = vector.broadcast %gt3A_370 : f32 to vector<16xf32>
        %gt3A_372 = arith.cmpf ogt, %add3A_369, %gt3A_371 : vector<16xf32>
        %mul3A_373 = arith.constant 2.000000e-01 : f32
        %mul3A_374 = vector.broadcast %mul3A_373 : f32 to vector<16xf32>
        %mul3A_375 = arith.mulf %mul3A_374, %add3A_369 : vector<16xf32>
        %select_n3A_376 = arith.select %gt3A_372, %add3A_369, %mul3A_375 : vector<16xi1>, vector<16xf32>
        %mul3A_377 = arith.mulf %select_n3A_376, %get3A_137 : vector<16xf32>
        %add3A_378 = arith.addf %add3A_361, %mul3A_377 : vector<16xf32>
        %get3A_379 = arith.index_cast %add3A_332 : i32 to index
        %get3A_380 = arith.constant 32 : index
        %get3A_381 = tpu.vector_load %arg17[%get3A_379, %get3A_380] {strides = array<i32>} : memref<80x64xf32, #tpu.memory_space<vmem>>, vector<16xf32>,
        %add3A_382 = arith.addf %get3A_341, %get3A_381 : vector<16xf32>
        %get3A_383 = arith.index_cast %add3A_332 : i32 to index
        %get3A_384 = arith.constant 32 : index
        %get3A_385 = tpu.vector_load %arg19[%get3A_383, %get3A_384] {strides = array<i32>} : memref<80x64xf32, #tpu.memory_space<vmem>>, vector<16xf32>,
        %add3A_386 = arith.addf %add3A_382, %get3A_385 : vector<16xf32>
        %gt3A_387 = arith.constant 0.000000e+00 : f32
        %gt3A_388 = vector.broadcast %gt3A_387 : f32 to vector<16xf32>
        %gt3A_389 = arith.cmpf ogt, %add3A_386, %gt3A_388 : vector<16xf32>
        %mul3A_390 = arith.constant 2.000000e-01 : f32
        %mul3A_391 = vector.broadcast %mul3A_390 : f32 to vector<16xf32>
        %mul3A_392 = arith.mulf %mul3A_391, %add3A_386 : vector<16xf32>
        %select_n3A_393 = arith.select %gt3A_389, %add3A_386, %mul3A_392 : vector<16xi1>, vector<16xf32>
        %mul3A_394 = arith.mulf %select_n3A_393, %get3A_139 : vector<16xf32>
        %add3A_395 = arith.addf %add3A_378, %mul3A_394 : vector<16xf32>
        %get3A_396 = arith.index_cast %add3A_332 : i32 to index
        %get3A_397 = arith.constant 48 : index
        %get3A_398 = tpu.vector_load %arg17[%get3A_396, %get3A_397] {strides = array<i32>} : memref<80x64xf32, #tpu.memory_space<vmem>>, vector<16xf32>,
        %add3A_399 = arith.addf %get3A_344, %get3A_398 : vector<16xf32>
        %get3A_400 = arith.index_cast %add3A_332 : i32 to index
        %get3A_401 = arith.constant 48 : index
        %get3A_402 = tpu.vector_load %arg19[%get3A_400, %get3A_401] {strides = array<i32>} : memref<80x64xf32, #tpu.memory_space<vmem>>, vector<16xf32>,
        %add3A_403 = arith.addf %add3A_399, %get3A_402 : vector<16xf32>
        %gt3A_404 = arith.constant 0.000000e+00 : f32
        %gt3A_405 = vector.broadcast %gt3A_404 : f32 to vector<16xf32>
        %gt3A_406 = arith.cmpf ogt, %add3A_403, %gt3A_405 : vector<16xf32>
        %mul3A_407 = arith.constant 2.000000e-01 : f32
        %mul3A_408 = vector.broadcast %mul3A_407 : f32 to vector<16xf32>
        %mul3A_409 = arith.mulf %mul3A_408, %add3A_403 : vector<16xf32>
        %select_n3A_410 = arith.select %gt3A_406, %add3A_403, %mul3A_409 : vector<16xi1>, vector<16xf32>
        %mul3A_411 = arith.mulf %select_n3A_410, %get3A_141 : vector<16xf32>
        %add3A_412 = arith.addf %add3A_395, %mul3A_411 : vector<16xf32>
        %reduce_sum3A_413 = arith.constant true
        %reduce_sum3A_414 = vector.broadcast %reduce_sum3A_413 : i1 to vector<16xi1>
        %reduce_sum3A_415 = tpu.scan <sum>, %add3A_412 masked %reduce_sum3A_414 : vector<16xf32>, vector<16xi1> -> vector<16xf32>
        %reduce_sum3A_416 = vector.extract %reduce_sum3A_415[15] : f32 from vector<16xf32>
        %broadcast_in_dim3A_417 = vector.broadcast %reduce_sum3A_416 : f32 to vector<16xf32>
        %exp3A_418 = math.exp %broadcast_in_dim3A_417 : vector<16xf32>
        %mul3A_419 = arith.mulf %get3A_335, %exp3A_418 : vector<16xf32>
        %swap3A_420 = arith.index_cast %add3A_332 : i32 to index
        %swap3A_421 = arith.constant 0 : index
        %swap3A_422 = tpu.vector_load %arg21[%swap3A_420, %swap3A_421] {strides = array<i32>} : memref<80x80xf32, #tpu.memory_space<vmem>>, vector<16xf32>,
        tpu.vector_store %arg21[%swap3A_420, %swap3A_421], %mul3A_419 {strides = array<i32>} : memref<80x80xf32, #tpu.memory_space<vmem>>, vector<16xf32>,
        %mul3A_423 = arith.mulf %get3A_338, %exp3A_418 : vector<16xf32>
        %swap3A_424 = arith.index_cast %add3A_332 : i32 to index
        %swap3A_425 = arith.constant 16 : index
        %swap3A_426 = tpu.vector_load %arg21[%swap3A_424, %swap3A_425] {strides = array<i32>} : memref<80x80xf32, #tpu.memory_space<vmem>>, vector<16xf32>,
        tpu.vector_store %arg21[%swap3A_424, %swap3A_425], %mul3A_423 {strides = array<i32>} : memref<80x80xf32, #tpu.memory_space<vmem>>, vector<16xf32>,
        %mul3A_427 = arith.mulf %get3A_341, %exp3A_418 : vector<16xf32>
        %swap3A_428 = arith.index_cast %add3A_332 : i32 to index
        %swap3A_429 = arith.constant 32 : index
        %swap3A_430 = tpu.vector_load %arg21[%swap3A_428, %swap3A_429] {strides = array<i32>} : memref<80x80xf32, #tpu.memory_space<vmem>>, vector<16xf32>,
        tpu.vector_store %arg21[%swap3A_428, %swap3A_429], %mul3A_427 {strides = array<i32>} : memref<80x80xf32, #tpu.memory_space<vmem>>, vector<16xf32>,
        %mul3A_431 = arith.mulf %get3A_344, %exp3A_418 : vector<16xf32>
        %swap3A_432 = arith.index_cast %add3A_332 : i32 to index
        %swap3A_433 = arith.constant 48 : index
        %swap3A_434 = tpu.vector_load %arg21[%swap3A_432, %swap3A_433] {strides = array<i32>} : memref<80x80xf32, #tpu.memory_space<vmem>>, vector<16xf32>,
        tpu.vector_store %arg21[%swap3A_432, %swap3A_433], %mul3A_431 {strides = array<i32>} : memref<80x80xf32, #tpu.memory_space<vmem>>, vector<16xf32>,
        %mul3A_435 = arith.mulf %exp3A_418, %select_n3A : vector<16xf32>
        %swap3A_436 = arith.index_cast %add3A_332 : i32 to index
        %swap3A_437 = arith.constant 64 : index
        %swap3A_438 = tpu.vector_load %arg21[%swap3A_436, %swap3A_437] {strides = array<i32>} : memref<80x80xf32, #tpu.memory_space<vmem>>, vector<16xf32>,
        tpu.vector_store %arg21[%swap3A_436, %swap3A_437], %mul3A_435 {strides = array<i32>} : memref<80x80xf32, #tpu.memory_space<vmem>>, vector<16xf32>,
        %mul3A_439 = arith.constant 4 : i32
        %mul3A_440 = arith.muli %scan3A_221, %mul3A_439 : i32
        %add3A_441 = arith.constant 2 : i32
        %add3A_442 = arith.addi %mul3A_440, %add3A_441 : i32
        %get3A_443 = arith.index_cast %add3A_442 : i32 to index
        %get3A_444 = arith.constant 0 : index
        %get3A_445 = tpu.vector_load %arg15[%get3A_443, %get3A_444] {strides = array<i32>} : memref<80x64xf32, #tpu.memory_space<vmem>>, vector<16xf32>,
        %get3A_446 = arith.index_cast %add3A_442 : i32 to index
        %get3A_447 = arith.constant 16 : index
        %get3A_448 = tpu.vector_load %arg15[%get3A_446, %get3A_447] {strides = array<i32>} : memref<80x64xf32, #tpu.memory_space<vmem>>, vector<16xf32>,
        %get3A_449 = arith.index_cast %add3A_442 : i32 to index
        %get3A_450 = arith.constant 32 : index
        %get3A_451 = tpu.vector_load %arg15[%get3A_449, %get3A_450] {strides = array<i32>} : memref<80x64xf32, #tpu.memory_space<vmem>>, vector<16xf32>,
        %get3A_452 = arith.index_cast %add3A_442 : i32 to index
        %get3A_453 = arith.constant 48 : index
        %get3A_454 = tpu.vector_load %arg15[%get3A_452, %get3A_453] {strides = array<i32>} : memref<80x64xf32, #tpu.memory_space<vmem>>, vector<16xf32>,
        %get3A_455 = arith.index_cast %add3A_442 : i32 to index
        %get3A_456 = arith.constant 0 : index
        %get3A_457 = tpu.vector_load %arg17[%get3A_455, %get3A_456] {strides = array<i32>} : memref<80x64xf32, #tpu.memory_space<vmem>>, vector<16xf32>,
        %add3A_458 = arith.addf %get3A_445, %get3A_457 : vector<16xf32>
        %get3A_459 = arith.index_cast %add3A_442 : i32 to index
        %get3A_460 = arith.constant 0 : index
        %get3A_461 = tpu.vector_load %arg19[%get3A_459, %get3A_460] {strides = array<i32>} : memref<80x64xf32, #tpu.memory_space<vmem>>, vector<16xf32>,
        %add3A_462 = arith.addf %add3A_458, %get3A_461 : vector<16xf32>
        %gt3A_463 = arith.constant 0.000000e+00 : f32
        %gt3A_464 = vector.broadcast %gt3A_463 : f32 to vector<16xf32>
        %gt3A_465 = arith.cmpf ogt, %add3A_462, %gt3A_464 : vector<16xf32>
        %mul3A_466 = arith.constant 2.000000e-01 : f32
        %mul3A_467 = vector.broadcast %mul3A_466 : f32 to vector<16xf32>
        %mul3A_468 = arith.mulf %mul3A_467, %add3A_462 : vector<16xf32>
        %select_n3A_469 = arith.select %gt3A_465, %add3A_462, %mul3A_468 : vector<16xi1>, vector<16xf32>
        %mul3A_470 = arith.mulf %select_n3A_469, %get3A_135 : vector<16xf32>
        %add3A_471 = arith.addf %broadcast_in_dim3A_3, %mul3A_470 : vector<16xf32>
        %get3A_472 = arith.index_cast %add3A_442 : i32 to index
        %get3A_473 = arith.constant 16 : index
        %get3A_474 = tpu.vector_load %arg17[%get3A_472, %get3A_473] {strides = array<i32>} : memref<80x64xf32, #tpu.memory_space<vmem>>, vector<16xf32>,
        %add3A_475 = arith.addf %get3A_448, %get3A_474 : vector<16xf32>
        %get3A_476 = arith.index_cast %add3A_442 : i32 to index
        %get3A_477 = arith.constant 16 : index
        %get3A_478 = tpu.vector_load %arg19[%get3A_476, %get3A_477] {strides = array<i32>} : memref<80x64xf32, #tpu.memory_space<vmem>>, vector<16xf32>,
        %add3A_479 = arith.addf %add3A_475, %get3A_478 : vector<16xf32>
        %gt3A_480 = arith.constant 0.000000e+00 : f32
        %gt3A_481 = vector.broadcast %gt3A_480 : f32 to vector<16xf32>
        %gt3A_482 = arith.cmpf ogt, %add3A_479, %gt3A_481 : vector<16xf32>
        %mul3A_483 = arith.constant 2.000000e-01 : f32
        %mul3A_484 = vector.broadcast %mul3A_483 : f32 to vector<16xf32>
        %mul3A_485 = arith.mulf %mul3A_484, %add3A_479 : vector<16xf32>
        %select_n3A_486 = arith.select %gt3A_482, %add3A_479, %mul3A_485 : vector<16xi1>, vector<16xf32>
        %mul3A_487 = arith.mulf %select_n3A_486, %get3A_137 : vector<16xf32>
        %add3A_488 = arith.addf %add3A_471, %mul3A_487 : vector<16xf32>
        %get3A_489 = arith.index_cast %add3A_442 : i32 to index
        %get3A_490 = arith.constant 32 : index
        %get3A_491 = tpu.vector_load %arg17[%get3A_489, %get3A_490] {strides = array<i32>} : memref<80x64xf32, #tpu.memory_space<vmem>>, vector<16xf32>,
        %add3A_492 = arith.addf %get3A_451, %get3A_491 : vector<16xf32>
        %get3A_493 = arith.index_cast %add3A_442 : i32 to index
        %get3A_494 = arith.constant 32 : index
        %get3A_495 = tpu.vector_load %arg19[%get3A_493, %get3A_494] {strides = array<i32>} : memref<80x64xf32, #tpu.memory_space<vmem>>, vector<16xf32>,
        %add3A_496 = arith.addf %add3A_492, %get3A_495 : vector<16xf32>
        %gt3A_497 = arith.constant 0.000000e+00 : f32
        %gt3A_498 = vector.broadcast %gt3A_497 : f32 to vector<16xf32>
        %gt3A_499 = arith.cmpf ogt, %add3A_496, %gt3A_498 : vector<16xf32>
        %mul3A_500 = arith.constant 2.000000e-01 : f32
        %mul3A_501 = vector.broadcast %mul3A_500 : f32 to vector<16xf32>
        %mul3A_502 = arith.mulf %mul3A_501, %add3A_496 : vector<16xf32>
        %select_n3A_503 = arith.select %gt3A_499, %add3A_496, %mul3A_502 : vector<16xi1>, vector<16xf32>
        %mul3A_504 = arith.mulf %select_n3A_503, %get3A_139 : vector<16xf32>
        %add3A_505 = arith.addf %add3A_488, %mul3A_504 : vector<16xf32>
        %get3A_506 = arith.index_cast %add3A_442 : i32 to index
        %get3A_507 = arith.constant 48 : index
        %get3A_508 = tpu.vector_load %arg17[%get3A_506, %get3A_507] {strides = array<i32>} : memref<80x64xf32, #tpu.memory_space<vmem>>, vector<16xf32>,
        %add3A_509 = arith.addf %get3A_454, %get3A_508 : vector<16xf32>
        %get3A_510 = arith.index_cast %add3A_442 : i32 to index
        %get3A_511 = arith.constant 48 : index
        %get3A_512 = tpu.vector_load %arg19[%get3A_510, %get3A_511] {strides = array<i32>} : memref<80x64xf32, #tpu.memory_space<vmem>>, vector<16xf32>,
        %add3A_513 = arith.addf %add3A_509, %get3A_512 : vector<16xf32>
        %gt3A_514 = arith.constant 0.000000e+00 : f32
        %gt3A_515 = vector.broadcast %gt3A_514 : f32 to vector<16xf32>
        %gt3A_516 = arith.cmpf ogt, %add3A_513, %gt3A_515 : vector<16xf32>
        %mul3A_517 = arith.constant 2.000000e-01 : f32
        %mul3A_518 = vector.broadcast %mul3A_517 : f32 to vector<16xf32>
        %mul3A_519 = arith.mulf %mul3A_518, %add3A_513 : vector<16xf32>
        %select_n3A_520 = arith.select %gt3A_516, %add3A_513, %mul3A_519 : vector<16xi1>, vector<16xf32>
        %mul3A_521 = arith.mulf %select_n3A_520, %get3A_141 : vector<16xf32>
        %add3A_522 = arith.addf %add3A_505, %mul3A_521 : vector<16xf32>
        %reduce_sum3A_523 = arith.constant true
        %reduce_sum3A_524 = vector.broadcast %reduce_sum3A_523 : i1 to vector<16xi1>
        %reduce_sum3A_525 = tpu.scan <sum>, %add3A_522 masked %reduce_sum3A_524 : vector<16xf32>, vector<16xi1> -> vector<16xf32>
        %reduce_sum3A_526 = vector.extract %reduce_sum3A_525[15] : f32 from vector<16xf32>
        %broadcast_in_dim3A_527 = vector.broadcast %reduce_sum3A_526 : f32 to vector<16xf32>
        %exp3A_528 = math.exp %broadcast_in_dim3A_527 : vector<16xf32>
        %mul3A_529 = arith.mulf %get3A_445, %exp3A_528 : vector<16xf32>
        %swap3A_530 = arith.index_cast %add3A_442 : i32 to index
        %swap3A_531 = arith.constant 0 : index
        %swap3A_532 = tpu.vector_load %arg21[%swap3A_530, %swap3A_531] {strides = array<i32>} : memref<80x80xf32, #tpu.memory_space<vmem>>, vector<16xf32>,
        tpu.vector_store %arg21[%swap3A_530, %swap3A_531], %mul3A_529 {strides = array<i32>} : memref<80x80xf32, #tpu.memory_space<vmem>>, vector<16xf32>,
        %mul3A_533 = arith.mulf %get3A_448, %exp3A_528 : vector<16xf32>
        %swap3A_534 = arith.index_cast %add3A_442 : i32 to index
        %swap3A_535 = arith.constant 16 : index
        %swap3A_536 = tpu.vector_load %arg21[%swap3A_534, %swap3A_535] {strides = array<i32>} : memref<80x80xf32, #tpu.memory_space<vmem>>, vector<16xf32>,
        tpu.vector_store %arg21[%swap3A_534, %swap3A_535], %mul3A_533 {strides = array<i32>} : memref<80x80xf32, #tpu.memory_space<vmem>>, vector<16xf32>,
        %mul3A_537 = arith.mulf %get3A_451, %exp3A_528 : vector<16xf32>
        %swap3A_538 = arith.index_cast %add3A_442 : i32 to index
        %swap3A_539 = arith.constant 32 : index
        %swap3A_540 = tpu.vector_load %arg21[%swap3A_538, %swap3A_539] {strides = array<i32>} : memref<80x80xf32, #tpu.memory_space<vmem>>, vector<16xf32>,
        tpu.vector_store %arg21[%swap3A_538, %swap3A_539], %mul3A_537 {strides = array<i32>} : memref<80x80xf32, #tpu.memory_space<vmem>>, vector<16xf32>,
        %mul3A_541 = arith.mulf %get3A_454, %exp3A_528 : vector<16xf32>
        %swap3A_542 = arith.index_cast %add3A_442 : i32 to index
        %swap3A_543 = arith.constant 48 : index
        %swap3A_544 = tpu.vector_load %arg21[%swap3A_542, %swap3A_543] {strides = array<i32>} : memref<80x80xf32, #tpu.memory_space<vmem>>, vector<16xf32>,
        tpu.vector_store %arg21[%swap3A_542, %swap3A_543], %mul3A_541 {strides = array<i32>} : memref<80x80xf32, #tpu.memory_space<vmem>>, vector<16xf32>,
        %mul3A_545 = arith.mulf %exp3A_528, %select_n3A : vector<16xf32>
        %swap3A_546 = arith.index_cast %add3A_442 : i32 to index
        %swap3A_547 = arith.constant 64 : index
        %swap3A_548 = tpu.vector_load %arg21[%swap3A_546, %swap3A_547] {strides = array<i32>} : memref<80x80xf32, #tpu.memory_space<vmem>>, vector<16xf32>,
        tpu.vector_store %arg21[%swap3A_546, %swap3A_547], %mul3A_545 {strides = array<i32>} : memref<80x80xf32, #tpu.memory_space<vmem>>, vector<16xf32>,
        %mul3A_549 = arith.constant 4 : i32
        %mul3A_550 = arith.muli %scan3A_221, %mul3A_549 : i32
        %add3A_551 = arith.constant 3 : i32
        %add3A_552 = arith.addi %mul3A_550, %add3A_551 : i32
        %get3A_553 = arith.index_cast %add3A_552 : i32 to index
        %get3A_554 = arith.constant 0 : index
        %get3A_555 = tpu.vector_load %arg15[%get3A_553, %get3A_554] {strides = array<i32>} : memref<80x64xf32, #tpu.memory_space<vmem>>, vector<16xf32>,
        %get3A_556 = arith.index_cast %add3A_552 : i32 to index
        %get3A_557 = arith.constant 16 : index
        %get3A_558 = tpu.vector_load %arg15[%get3A_556, %get3A_557] {strides = array<i32>} : memref<80x64xf32, #tpu.memory_space<vmem>>, vector<16xf32>,
        %get3A_559 = arith.index_cast %add3A_552 : i32 to index
        %get3A_560 = arith.constant 32 : index
        %get3A_561 = tpu.vector_load %arg15[%get3A_559, %get3A_560] {strides = array<i32>} : memref<80x64xf32, #tpu.memory_space<vmem>>, vector<16xf32>,
        %get3A_562 = arith.index_cast %add3A_552 : i32 to index
        %get3A_563 = arith.constant 48 : index
        %get3A_564 = tpu.vector_load %arg15[%get3A_562, %get3A_563] {strides = array<i32>} : memref<80x64xf32, #tpu.memory_space<vmem>>, vector<16xf32>,
        %get3A_565 = arith.index_cast %add3A_552 : i32 to index
        %get3A_566 = arith.constant 0 : index
        %get3A_567 = tpu.vector_load %arg17[%get3A_565, %get3A_566] {strides = array<i32>} : memref<80x64xf32, #tpu.memory_space<vmem>>, vector<16xf32>,
        %add3A_568 = arith.addf %get3A_555, %get3A_567 : vector<16xf32>
        %get3A_569 = arith.index_cast %add3A_552 : i32 to index
        %get3A_570 = arith.constant 0 : index
        %get3A_571 = tpu.vector_load %arg19[%get3A_569, %get3A_570] {strides = array<i32>} : memref<80x64xf32, #tpu.memory_space<vmem>>, vector<16xf32>,
        %add3A_572 = arith.addf %add3A_568, %get3A_571 : vector<16xf32>
        %gt3A_573 = arith.constant 0.000000e+00 : f32
        %gt3A_574 = vector.broadcast %gt3A_573 : f32 to vector<16xf32>
        %gt3A_575 = arith.cmpf ogt, %add3A_572, %gt3A_574 : vector<16xf32>
        %mul3A_576 = arith.constant 2.000000e-01 : f32
        %mul3A_577 = vector.broadcast %mul3A_576 : f32 to vector<16xf32>
        %mul3A_578 = arith.mulf %mul3A_577, %add3A_572 : vector<16xf32>
        %select_n3A_579 = arith.select %gt3A_575, %add3A_572, %mul3A_578 : vector<16xi1>, vector<16xf32>
        %mul3A_580 = arith.mulf %select_n3A_579, %get3A_135 : vector<16xf32>
        %add3A_581 = arith.addf %broadcast_in_dim3A_3, %mul3A_580 : vector<16xf32>
        %get3A_582 = arith.index_cast %add3A_552 : i32 to index
        %get3A_583 = arith.constant 16 : index
        %get3A_584 = tpu.vector_load %arg17[%get3A_582, %get3A_583] {strides = array<i32>} : memref<80x64xf32, #tpu.memory_space<vmem>>, vector<16xf32>,
        %add3A_585 = arith.addf %get3A_558, %get3A_584 : vector<16xf32>
        %get3A_586 = arith.index_cast %add3A_552 : i32 to index
        %get3A_587 = arith.constant 16 : index
        %get3A_588 = tpu.vector_load %arg19[%get3A_586, %get3A_587] {strides = array<i32>} : memref<80x64xf32, #tpu.memory_space<vmem>>, vector<16xf32>,
        %add3A_589 = arith.addf %add3A_585, %get3A_588 : vector<16xf32>
        %gt3A_590 = arith.constant 0.000000e+00 : f32
        %gt3A_591 = vector.broadcast %gt3A_590 : f32 to vector<16xf32>
        %gt3A_592 = arith.cmpf ogt, %add3A_589, %gt3A_591 : vector<16xf32>
        %mul3A_593 = arith.constant 2.000000e-01 : f32
        %mul3A_594 = vector.broadcast %mul3A_593 : f32 to vector<16xf32>
        %mul3A_595 = arith.mulf %mul3A_594, %add3A_589 : vector<16xf32>
        %select_n3A_596 = arith.select %gt3A_592, %add3A_589, %mul3A_595 : vector<16xi1>, vector<16xf32>
        %mul3A_597 = arith.mulf %select_n3A_596, %get3A_137 : vector<16xf32>
        %add3A_598 = arith.addf %add3A_581, %mul3A_597 : vector<16xf32>
        %get3A_599 = arith.index_cast %add3A_552 : i32 to index
        %get3A_600 = arith.constant 32 : index
        %get3A_601 = tpu.vector_load %arg17[%get3A_599, %get3A_600] {strides = array<i32>} : memref<80x64xf32, #tpu.memory_space<vmem>>, vector<16xf32>,
        %add3A_602 = arith.addf %get3A_561, %get3A_601 : vector<16xf32>
        %get3A_603 = arith.index_cast %add3A_552 : i32 to index
        %get3A_604 = arith.constant 32 : index
        %get3A_605 = tpu.vector_load %arg19[%get3A_603, %get3A_604] {strides = array<i32>} : memref<80x64xf32, #tpu.memory_space<vmem>>, vector<16xf32>,
        %add3A_606 = arith.addf %add3A_602, %get3A_605 : vector<16xf32>
        %gt3A_607 = arith.constant 0.000000e+00 : f32
        %gt3A_608 = vector.broadcast %gt3A_607 : f32 to vector<16xf32>
        %gt3A_609 = arith.cmpf ogt, %add3A_606, %gt3A_608 : vector<16xf32>
        %mul3A_610 = arith.constant 2.000000e-01 : f32
        %mul3A_611 = vector.broadcast %mul3A_610 : f32 to vector<16xf32>
        %mul3A_612 = arith.mulf %mul3A_611, %add3A_606 : vector<16xf32>
        %select_n3A_613 = arith.select %gt3A_609, %add3A_606, %mul3A_612 : vector<16xi1>, vector<16xf32>
        %mul3A_614 = arith.mulf %select_n3A_613, %get3A_139 : vector<16xf32>
        %add3A_615 = arith.addf %add3A_598, %mul3A_614 : vector<16xf32>
        %get3A_616 = arith.index_cast %add3A_552 : i32 to index
        %get3A_617 = arith.constant 48 : index
        %get3A_618 = tpu.vector_load %arg17[%get3A_616, %get3A_617] {strides = array<i32>} : memref<80x64xf32, #tpu.memory_space<vmem>>, vector<16xf32>,
        %add3A_619 = arith.addf %get3A_564, %get3A_618 : vector<16xf32>
        %get3A_620 = arith.index_cast %add3A_552 : i32 to index
        %get3A_621 = arith.constant 48 : index
        %get3A_622 = tpu.vector_load %arg19[%get3A_620, %get3A_621] {strides = array<i32>} : memref<80x64xf32, #tpu.memory_space<vmem>>, vector<16xf32>,
        %add3A_623 = arith.addf %add3A_619, %get3A_622 : vector<16xf32>
        %gt3A_624 = arith.constant 0.000000e+00 : f32
        %gt3A_625 = vector.broadcast %gt3A_624 : f32 to vector<16xf32>
        %gt3A_626 = arith.cmpf ogt, %add3A_623, %gt3A_625 : vector<16xf32>
        %mul3A_627 = arith.constant 2.000000e-01 : f32
        %mul3A_628 = vector.broadcast %mul3A_627 : f32 to vector<16xf32>
        %mul3A_629 = arith.mulf %mul3A_628, %add3A_623 : vector<16xf32>
        %select_n3A_630 = arith.select %gt3A_626, %add3A_623, %mul3A_629 : vector<16xi1>, vector<16xf32>
        %mul3A_631 = arith.mulf %select_n3A_630, %get3A_141 : vector<16xf32>
        %add3A_632 = arith.addf %add3A_615, %mul3A_631 : vector<16xf32>
        %reduce_sum3A_633 = arith.constant true
        %reduce_sum3A_634 = vector.broadcast %reduce_sum3A_633 : i1 to vector<16xi1>
        %reduce_sum3A_635 = tpu.scan <sum>, %add3A_632 masked %reduce_sum3A_634 : vector<16xf32>, vector<16xi1> -> vector<16xf32>
        %reduce_sum3A_636 = vector.extract %reduce_sum3A_635[15] : f32 from vector<16xf32>
        %broadcast_in_dim3A_637 = vector.broadcast %reduce_sum3A_636 : f32 to vector<16xf32>
        %exp3A_638 = math.exp %broadcast_in_dim3A_637 : vector<16xf32>
        %mul3A_639 = arith.mulf %get3A_555, %exp3A_638 : vector<16xf32>
        %swap3A_640 = arith.index_cast %add3A_552 : i32 to index
        %swap3A_641 = arith.constant 0 : index
        %swap3A_642 = tpu.vector_load %arg21[%swap3A_640, %swap3A_641] {strides = array<i32>} : memref<80x80xf32, #tpu.memory_space<vmem>>, vector<16xf32>,
        tpu.vector_store %arg21[%swap3A_640, %swap3A_641], %mul3A_639 {strides = array<i32>} : memref<80x80xf32, #tpu.memory_space<vmem>>, vector<16xf32>,
        %mul3A_643 = arith.mulf %get3A_558, %exp3A_638 : vector<16xf32>
        %swap3A_644 = arith.index_cast %add3A_552 : i32 to index
        %swap3A_645 = arith.constant 16 : index
        %swap3A_646 = tpu.vector_load %arg21[%swap3A_644, %swap3A_645] {strides = array<i32>} : memref<80x80xf32, #tpu.memory_space<vmem>>, vector<16xf32>,
        tpu.vector_store %arg21[%swap3A_644, %swap3A_645], %mul3A_643 {strides = array<i32>} : memref<80x80xf32, #tpu.memory_space<vmem>>, vector<16xf32>,
        %mul3A_647 = arith.mulf %get3A_561, %exp3A_638 : vector<16xf32>
        %swap3A_648 = arith.index_cast %add3A_552 : i32 to index
        %swap3A_649 = arith.constant 32 : index
        %swap3A_650 = tpu.vector_load %arg21[%swap3A_648, %swap3A_649] {strides = array<i32>} : memref<80x80xf32, #tpu.memory_space<vmem>>, vector<16xf32>,
        tpu.vector_store %arg21[%swap3A_648, %swap3A_649], %mul3A_647 {strides = array<i32>} : memref<80x80xf32, #tpu.memory_space<vmem>>, vector<16xf32>,
        %mul3A_651 = arith.mulf %get3A_564, %exp3A_638 : vector<16xf32>
        %swap3A_652 = arith.index_cast %add3A_552 : i32 to index
        %swap3A_653 = arith.constant 48 : index
        %swap3A_654 = tpu.vector_load %arg21[%swap3A_652, %swap3A_653] {strides = array<i32>} : memref<80x80xf32, #tpu.memory_space<vmem>>, vector<16xf32>,
        tpu.vector_store %arg21[%swap3A_652, %swap3A_653], %mul3A_651 {strides = array<i32>} : memref<80x80xf32, #tpu.memory_space<vmem>>, vector<16xf32>,
        %mul3A_655 = arith.mulf %exp3A_638, %select_n3A : vector<16xf32>
        %swap3A_656 = arith.index_cast %add3A_552 : i32 to index
        %swap3A_657 = arith.constant 64 : index
        %swap3A_658 = tpu.vector_load %arg21[%swap3A_656, %swap3A_657] {strides = array<i32>} : memref<80x80xf32, #tpu.memory_space<vmem>>, vector<16xf32>,
        tpu.vector_store %arg21[%swap3A_656, %swap3A_657], %mul3A_655 {strides = array<i32>} : memref<80x80xf32, #tpu.memory_space<vmem>>, vector<16xf32>,
        %scan3A_659 = arith.constant 0 : i32
        scf.yield %scan3A_659 : i32
      }
      %scan3A_148 = arith.constant 20 : i32
      %dma_start3A_149 = arith.constant 0 : i32
      %dma_start3A_150 = arith.constant 0 : i32
      %dma_start3A_151 = tpu.memref_slice %arg23[%dma_start3A_149, %dma_start3A_150] : memref<10112x80xf32, #tpu.memory_space<vmem_shared>> -> memref<10112x80xf32, #tpu.memory_space<vmem_shared>>
      tpu.enqueue_indirect_dma source(%arg21 : memref<80x80xf32, #tpu.memory_space<vmem>>) target(%dma_start3A_151 : memref<10112x80xf32, #tpu.memory_space<vmem_shared>>) offsets(%arg13 : memref<80xi32, #tpu.memory_space<vmem>>) semaphore(%arg33 : memref<!tpu.dma_semaphore, #tpu.memory_space<semaphore_mem>>) {add = true}
      %dma_wait3A_152 = arith.constant 0 : i32
      %dma_wait3A_153 = tpu.memref_slice %arg5[%dma_wait3A_152] : memref<320000xi32, #tpu.memory_space<hbm>> -> memref<80xi32, #tpu.memory_space<hbm>>
      %dma_wait3A_154 = arith.constant 0 : i32
      %dma_wait3A_155 = tpu.memref_slice %arg5[%dma_wait3A_154] : memref<320000xi32, #tpu.memory_space<hbm>> -> memref<80xi32, #tpu.memory_space<hbm>>
      tpu.wait_dma2 semaphore(%arg24 : memref<!tpu.dma_semaphore, #tpu.memory_space<semaphore_mem>>) src(%dma_wait3A_155 : memref<80xi32, #tpu.memory_space<hbm>>) dst(%arg10 : memref<80xi32, #tpu.memory_space<vmem>>)
      %dma_wait3A_156 = arith.constant 0 : i32
      %dma_wait3A_157 = tpu.memref_slice %arg6[%dma_wait3A_156] : memref<320000xi32, #tpu.memory_space<hbm>> -> memref<80xi32, #tpu.memory_space<hbm>>
      %dma_wait3A_158 = arith.constant 0 : i32
      %dma_wait3A_159 = tpu.memref_slice %arg6[%dma_wait3A_158] : memref<320000xi32, #tpu.memory_space<hbm>> -> memref<80xi32, #tpu.memory_space<hbm>>
      tpu.wait_dma2 semaphore(%arg24 : memref<!tpu.dma_semaphore, #tpu.memory_space<semaphore_mem>>) src(%dma_wait3A_159 : memref<80xi32, #tpu.memory_space<hbm>>) dst(%arg12 : memref<80xi32, #tpu.memory_space<vmem>>)
      %mul3A_160 = arith.constant 10000 : i32
      %mul3A_161 = arith.muli %add3A, %mul3A_160 : i32
      %mul3A_162 = arith.constant 80 : i32
      %mul3A_163 = arith.muli %add3A_108, %mul3A_162 : i32
      %add3A_164 = arith.addi %mul3A_161, %mul3A_163 : i32
      %multiple_of3A_165 = tpu.assume_multiple %add3A_164, 8 : i32
      %dma_start3A_166 = arith.constant 0 : i32
      %dma_start3A_167 = arith.constant 0 : i32
      %dma_start3A_168 = tpu.memref_slice %arg2[%dma_start3A_166, %dma_start3A_167] : memref<10000x64xf32, #tpu.memory_space<hbm>> -> memref<10000x64xf32, #tpu.memory_space<hbm>>
      tpu.enqueue_indirect_dma source(%dma_start3A_168 : memref<10000x64xf32, #tpu.memory_space<hbm>>) target(%arg14 : memref<80x64xf32, #tpu.memory_space<vmem>>) offsets(%arg10 : memref<80xi32, #tpu.memory_space<vmem>>) semaphore(%arg26 : memref<!tpu.dma_semaphore, #tpu.memory_space<semaphore_mem>>)
      %dma_start3A_169 = arith.constant 0 : i32
      %dma_start3A_170 = arith.constant 0 : i32
      %dma_start3A_171 = tpu.memref_slice %arg3[%dma_start3A_169, %dma_start3A_170] : memref<10000x64xf32, #tpu.memory_space<hbm>> -> memref<10000x64xf32, #tpu.memory_space<hbm>>
      tpu.enqueue_indirect_dma source(%dma_start3A_171 : memref<10000x64xf32, #tpu.memory_space<hbm>>) target(%arg16 : memref<80x64xf32, #tpu.memory_space<vmem>>) offsets(%arg12 : memref<80xi32, #tpu.memory_space<vmem>>) semaphore(%arg28 : memref<!tpu.dma_semaphore, #tpu.memory_space<semaphore_mem>>)
      %dma_start3A_172 = arith.constant 0 : i32
      %dma_start3A_173 = tpu.memref_slice %arg4[%multiple_of3A_165, %dma_start3A_172] : memref<320000x64xf32, #tpu.memory_space<hbm>> -> memref<80x64xf32, #tpu.memory_space<hbm>>
      %dma_start3A_174 = arith.constant 0 : i32
      %dma_start3A_175 = tpu.memref_slice %arg4[%multiple_of3A_165, %dma_start3A_174] : memref<320000x64xf32, #tpu.memory_space<hbm>> -> memref<80x64xf32, #tpu.memory_space<hbm>>
      tpu.enqueue_dma source(%dma_start3A_175 : memref<80x64xf32, #tpu.memory_space<hbm>>) target(%arg18 : memref<80x64xf32, #tpu.memory_space<vmem>>) target_semaphore(%arg30 : memref<!tpu.dma_semaphore, #tpu.memory_space<semaphore_mem>>)
      %dma_wait3A_176 = arith.constant 0 : i32
      %dma_wait3A_177 = arith.constant 0 : i32
      %dma_wait3A_178 = tpu.memref_slice %arg23[%dma_wait3A_176, %dma_wait3A_177] : memref<10112x80xf32, #tpu.memory_space<vmem_shared>> -> memref<10112x80xf32, #tpu.memory_space<vmem_shared>>
      tpu.wait_indirect_dma semaphore(%arg33 : memref<!tpu.dma_semaphore, #tpu.memory_space<semaphore_mem>>) src(%arg21 : memref<80x80xf32, #tpu.memory_space<vmem>>) dst(%dma_wait3A_178 : memref<10112x80xf32, #tpu.memory_space<vmem_shared>>)
      %add3A_179 = arith.constant 1 : i32
      %add3A_180 = arith.addi %add3A_108, %add3A_179 : i32
      %lt3A = arith.constant 125 : i32
      %lt3A_181 = arith.cmpi slt, %add3A_180, %lt3A : i32
      %convert_element_type3A = arith.extui %lt3A_181 : i1 to i32
      %cond3A = arith.constant 0 : i32
      %cond3A_182 = arith.cmpi ne, %convert_element_type3A, %cond3A : i32
      scf.if %cond3A_182 {
        %add3A_221 = arith.constant 1 : i32
        %add3A_222 = arith.addi %add3A_108, %add3A_221 : i32
        %mul3A_223 = arith.constant 10000 : i32
        %mul3A_224 = arith.muli %add3A, %mul3A_223 : i32
        %mul3A_225 = arith.constant 80 : i32
        %mul3A_226 = arith.muli %add3A_222, %mul3A_225 : i32
        %add3A_227 = arith.addi %mul3A_224, %mul3A_226 : i32
        %multiple_of3A_228 = tpu.assume_multiple %add3A_227, 8 : i32
        %dma_start3A_229 = tpu.memref_slice %arg5[%multiple_of3A_228] : memref<320000xi32, #tpu.memory_space<hbm>> -> memref<80xi32, #tpu.memory_space<hbm>>
        %dma_start3A_230 = tpu.memref_slice %arg5[%multiple_of3A_228] : memref<320000xi32, #tpu.memory_space<hbm>> -> memref<80xi32, #tpu.memory_space<hbm>>
        tpu.enqueue_dma source(%dma_start3A_230 : memref<80xi32, #tpu.memory_space<hbm>>) target(%arg11 : memref<80xi32, #tpu.memory_space<vmem>>) target_semaphore(%arg25 : memref<!tpu.dma_semaphore, #tpu.memory_space<semaphore_mem>>)
        %dma_start3A_231 = tpu.memref_slice %arg6[%multiple_of3A_228] : memref<320000xi32, #tpu.memory_space<hbm>> -> memref<80xi32, #tpu.memory_space<hbm>>
        %dma_start3A_232 = tpu.memref_slice %arg6[%multiple_of3A_228] : memref<320000xi32, #tpu.memory_space<hbm>> -> memref<80xi32, #tpu.memory_space<hbm>>
        tpu.enqueue_dma source(%dma_start3A_232 : memref<80xi32, #tpu.memory_space<hbm>>) target(%arg13 : memref<80xi32, #tpu.memory_space<vmem>>) target_semaphore(%arg25 : memref<!tpu.dma_semaphore, #tpu.memory_space<semaphore_mem>>)
      } else {
      }
      %dma_wait3A_183 = arith.constant 0 : i32
      %dma_wait3A_184 = arith.constant 0 : i32
      %dma_wait3A_185 = tpu.memref_slice %arg2[%dma_wait3A_183, %dma_wait3A_184] : memref<10000x64xf32, #tpu.memory_space<hbm>> -> memref<10000x64xf32, #tpu.memory_space<hbm>>
      tpu.wait_indirect_dma semaphore(%arg26 : memref<!tpu.dma_semaphore, #tpu.memory_space<semaphore_mem>>) src(%dma_wait3A_185 : memref<10000x64xf32, #tpu.memory_space<hbm>>) dst(%arg14 : memref<80x64xf32, #tpu.memory_space<vmem>>)
      %dma_wait3A_186 = arith.constant 0 : i32
      %dma_wait3A_187 = arith.constant 0 : i32
      %dma_wait3A_188 = tpu.memref_slice %arg3[%dma_wait3A_186, %dma_wait3A_187] : memref<10000x64xf32, #tpu.memory_space<hbm>> -> memref<10000x64xf32, #tpu.memory_space<hbm>>
      tpu.wait_indirect_dma semaphore(%arg28 : memref<!tpu.dma_semaphore, #tpu.memory_space<semaphore_mem>>) src(%dma_wait3A_188 : memref<10000x64xf32, #tpu.memory_space<hbm>>) dst(%arg16 : memref<80x64xf32, #tpu.memory_space<vmem>>)
      %dma_wait3A_189 = arith.constant 0 : i32
      %dma_wait3A_190 = arith.constant 0 : i32
      %dma_wait3A_191 = tpu.memref_slice %arg4[%dma_wait3A_189, %dma_wait3A_190] : memref<320000x64xf32, #tpu.memory_space<hbm>> -> memref<80x64xf32, #tpu.memory_space<hbm>>
      %dma_wait3A_192 = arith.constant 0 : i32
      %dma_wait3A_193 = arith.constant 0 : i32
      %dma_wait3A_194 = tpu.memref_slice %arg4[%dma_wait3A_192, %dma_wait3A_193] : memref<320000x64xf32, #tpu.memory_space<hbm>> -> memref<80x64xf32, #tpu.memory_space<hbm>>
      tpu.wait_dma2 semaphore(%arg30 : memref<!tpu.dma_semaphore, #tpu.memory_space<semaphore_mem>>) src(%dma_wait3A_194 : memref<80x64xf32, #tpu.memory_space<hbm>>) dst(%arg18 : memref<80x64xf32, #tpu.memory_space<vmem>>)
      %get3A_195 = arith.constant 0 : index
      %get3A_196 = tpu.vector_load %arg22[%get3A_195] {strides = array<i32>} : memref<64xf32, #tpu.memory_space<vmem>>, vector<16xf32>,
      %get3A_197 = arith.constant 16 : index
      %get3A_198 = tpu.vector_load %arg22[%get3A_197] {strides = array<i32>} : memref<64xf32, #tpu.memory_space<vmem>>, vector<16xf32>,
      %get3A_199 = arith.constant 32 : index
      %get3A_200 = tpu.vector_load %arg22[%get3A_199] {strides = array<i32>} : memref<64xf32, #tpu.memory_space<vmem>>, vector<16xf32>,
      %get3A_201 = arith.constant 48 : index
      %get3A_202 = tpu.vector_load %arg22[%get3A_201] {strides = array<i32>} : memref<64xf32, #tpu.memory_space<vmem>>, vector<16xf32>,
      %scan3A_203 = arith.constant 0 : i32
      %scan3A_204 = arith.constant 0 : i32
      %scan3A_205 = arith.constant 20 : i32
      %scan3A_206 = arith.addi %scan3A_204, %scan3A_205 : i32
      %scan3A_207 = arith.constant 1 : i32
      %scan3A_208 = scf.for %scan3A_221 = %scan3A_204 to %scan3A_206 step %scan3A_207 iter_args(%scan3A_222 = %scan3A_203) -> (i32)  : i32 {
        %mul3A_223 = arith.constant 4 : i32
        %mul3A_224 = arith.muli %scan3A_221, %mul3A_223 : i32
        %add3A_225 = arith.constant 0 : i32
        %add3A_226 = arith.addi %mul3A_224, %add3A_225 : i32
        %get3A_227 = arith.index_cast %add3A_226 : i32 to index
        %get3A_228 = arith.constant 0 : index
        %get3A_229 = tpu.vector_load %arg14[%get3A_227, %get3A_228] {strides = array<i32>} : memref<80x64xf32, #tpu.memory_space<vmem>>, vector<16xf32>,
        %get3A_230 = arith.index_cast %add3A_226 : i32 to index
        %get3A_231 = arith.constant 16 : index
        %get3A_232 = tpu.vector_load %arg14[%get3A_230, %get3A_231] {strides = array<i32>} : memref<80x64xf32, #tpu.memory_space<vmem>>, vector<16xf32>,
        %get3A_233 = arith.index_cast %add3A_226 : i32 to index
        %get3A_234 = arith.constant 32 : index
        %get3A_235 = tpu.vector_load %arg14[%get3A_233, %get3A_234] {strides = array<i32>} : memref<80x64xf32, #tpu.memory_space<vmem>>, vector<16xf32>,
        %get3A_236 = arith.index_cast %add3A_226 : i32 to index
        %get3A_237 = arith.constant 48 : index
        %get3A_238 = tpu.vector_load %arg14[%get3A_236, %get3A_237] {strides = array<i32>} : memref<80x64xf32, #tpu.memory_space<vmem>>, vector<16xf32>,
        %get3A_239 = arith.index_cast %add3A_226 : i32 to index
        %get3A_240 = arith.constant 0 : index
        %get3A_241 = tpu.vector_load %arg16[%get3A_239, %get3A_240] {strides = array<i32>} : memref<80x64xf32, #tpu.memory_space<vmem>>, vector<16xf32>,
        %add3A_242 = arith.addf %get3A_229, %get3A_241 : vector<16xf32>
        %get3A_243 = arith.index_cast %add3A_226 : i32 to index
        %get3A_244 = arith.constant 0 : index
        %get3A_245 = tpu.vector_load %arg18[%get3A_243, %get3A_244] {strides = array<i32>} : memref<80x64xf32, #tpu.memory_space<vmem>>, vector<16xf32>,
        %add3A_246 = arith.addf %add3A_242, %get3A_245 : vector<16xf32>
        %gt3A = arith.constant 0.000000e+00 : f32
        %gt3A_247 = vector.broadcast %gt3A : f32 to vector<16xf32>
        %gt3A_248 = arith.cmpf ogt, %add3A_246, %gt3A_247 : vector<16xf32>
        %mul3A_249 = arith.constant 2.000000e-01 : f32
        %mul3A_250 = vector.broadcast %mul3A_249 : f32 to vector<16xf32>
        %mul3A_251 = arith.mulf %mul3A_250, %add3A_246 : vector<16xf32>
        %select_n3A_252 = arith.select %gt3A_248, %add3A_246, %mul3A_251 : vector<16xi1>, vector<16xf32>
        %mul3A_253 = arith.mulf %select_n3A_252, %get3A_196 : vector<16xf32>
        %add3A_254 = arith.addf %broadcast_in_dim3A_3, %mul3A_253 : vector<16xf32>
        %get3A_255 = arith.index_cast %add3A_226 : i32 to index
        %get3A_256 = arith.constant 16 : index
        %get3A_257 = tpu.vector_load %arg16[%get3A_255, %get3A_256] {strides = array<i32>} : memref<80x64xf32, #tpu.memory_space<vmem>>, vector<16xf32>,
        %add3A_258 = arith.addf %get3A_232, %get3A_257 : vector<16xf32>
        %get3A_259 = arith.index_cast %add3A_226 : i32 to index
        %get3A_260 = arith.constant 16 : index
        %get3A_261 = tpu.vector_load %arg18[%get3A_259, %get3A_260] {strides = array<i32>} : memref<80x64xf32, #tpu.memory_space<vmem>>, vector<16xf32>,
        %add3A_262 = arith.addf %add3A_258, %get3A_261 : vector<16xf32>
        %gt3A_263 = arith.constant 0.000000e+00 : f32
        %gt3A_264 = vector.broadcast %gt3A_263 : f32 to vector<16xf32>
        %gt3A_265 = arith.cmpf ogt, %add3A_262, %gt3A_264 : vector<16xf32>
        %mul3A_266 = arith.constant 2.000000e-01 : f32
        %mul3A_267 = vector.broadcast %mul3A_266 : f32 to vector<16xf32>
        %mul3A_268 = arith.mulf %mul3A_267, %add3A_262 : vector<16xf32>
        %select_n3A_269 = arith.select %gt3A_265, %add3A_262, %mul3A_268 : vector<16xi1>, vector<16xf32>
        %mul3A_270 = arith.mulf %select_n3A_269, %get3A_198 : vector<16xf32>
        %add3A_271 = arith.addf %add3A_254, %mul3A_270 : vector<16xf32>
        %get3A_272 = arith.index_cast %add3A_226 : i32 to index
        %get3A_273 = arith.constant 32 : index
        %get3A_274 = tpu.vector_load %arg16[%get3A_272, %get3A_273] {strides = array<i32>} : memref<80x64xf32, #tpu.memory_space<vmem>>, vector<16xf32>,
        %add3A_275 = arith.addf %get3A_235, %get3A_274 : vector<16xf32>
        %get3A_276 = arith.index_cast %add3A_226 : i32 to index
        %get3A_277 = arith.constant 32 : index
        %get3A_278 = tpu.vector_load %arg18[%get3A_276, %get3A_277] {strides = array<i32>} : memref<80x64xf32, #tpu.memory_space<vmem>>, vector<16xf32>,
        %add3A_279 = arith.addf %add3A_275, %get3A_278 : vector<16xf32>
        %gt3A_280 = arith.constant 0.000000e+00 : f32
        %gt3A_281 = vector.broadcast %gt3A_280 : f32 to vector<16xf32>
        %gt3A_282 = arith.cmpf ogt, %add3A_279, %gt3A_281 : vector<16xf32>
        %mul3A_283 = arith.constant 2.000000e-01 : f32
        %mul3A_284 = vector.broadcast %mul3A_283 : f32 to vector<16xf32>
        %mul3A_285 = arith.mulf %mul3A_284, %add3A_279 : vector<16xf32>
        %select_n3A_286 = arith.select %gt3A_282, %add3A_279, %mul3A_285 : vector<16xi1>, vector<16xf32>
        %mul3A_287 = arith.mulf %select_n3A_286, %get3A_200 : vector<16xf32>
        %add3A_288 = arith.addf %add3A_271, %mul3A_287 : vector<16xf32>
        %get3A_289 = arith.index_cast %add3A_226 : i32 to index
        %get3A_290 = arith.constant 48 : index
        %get3A_291 = tpu.vector_load %arg16[%get3A_289, %get3A_290] {strides = array<i32>} : memref<80x64xf32, #tpu.memory_space<vmem>>, vector<16xf32>,
        %add3A_292 = arith.addf %get3A_238, %get3A_291 : vector<16xf32>
        %get3A_293 = arith.index_cast %add3A_226 : i32 to index
        %get3A_294 = arith.constant 48 : index
        %get3A_295 = tpu.vector_load %arg18[%get3A_293, %get3A_294] {strides = array<i32>} : memref<80x64xf32, #tpu.memory_space<vmem>>, vector<16xf32>,
        %add3A_296 = arith.addf %add3A_292, %get3A_295 : vector<16xf32>
        %gt3A_297 = arith.constant 0.000000e+00 : f32
        %gt3A_298 = vector.broadcast %gt3A_297 : f32 to vector<16xf32>
        %gt3A_299 = arith.cmpf ogt, %add3A_296, %gt3A_298 : vector<16xf32>
        %mul3A_300 = arith.constant 2.000000e-01 : f32
        %mul3A_301 = vector.broadcast %mul3A_300 : f32 to vector<16xf32>
        %mul3A_302 = arith.mulf %mul3A_301, %add3A_296 : vector<16xf32>
        %select_n3A_303 = arith.select %gt3A_299, %add3A_296, %mul3A_302 : vector<16xi1>, vector<16xf32>
        %mul3A_304 = arith.mulf %select_n3A_303, %get3A_202 : vector<16xf32>
        %add3A_305 = arith.addf %add3A_288, %mul3A_304 : vector<16xf32>
        %reduce_sum3A = arith.constant true
        %reduce_sum3A_306 = vector.broadcast %reduce_sum3A : i1 to vector<16xi1>
        %reduce_sum3A_307 = tpu.scan <sum>, %add3A_305 masked %reduce_sum3A_306 : vector<16xf32>, vector<16xi1> -> vector<16xf32>
        %reduce_sum3A_308 = vector.extract %reduce_sum3A_307[15] : f32 from vector<16xf32>
        %broadcast_in_dim3A_309 = vector.broadcast %reduce_sum3A_308 : f32 to vector<16xf32>
        %exp3A = math.exp %broadcast_in_dim3A_309 : vector<16xf32>
        %mul3A_310 = arith.mulf %get3A_229, %exp3A : vector<16xf32>
        %swap3A = arith.index_cast %add3A_226 : i32 to index
        %swap3A_311 = arith.constant 0 : index
        %swap3A_312 = tpu.vector_load %arg20[%swap3A, %swap3A_311] {strides = array<i32>} : memref<80x80xf32, #tpu.memory_space<vmem>>, vector<16xf32>,
        tpu.vector_store %arg20[%swap3A, %swap3A_311], %mul3A_310 {strides = array<i32>} : memref<80x80xf32, #tpu.memory_space<vmem>>, vector<16xf32>,
        %mul3A_313 = arith.mulf %get3A_232, %exp3A : vector<16xf32>
        %swap3A_314 = arith.index_cast %add3A_226 : i32 to index
        %swap3A_315 = arith.constant 16 : index
        %swap3A_316 = tpu.vector_load %arg20[%swap3A_314, %swap3A_315] {strides = array<i32>} : memref<80x80xf32, #tpu.memory_space<vmem>>, vector<16xf32>,
        tpu.vector_store %arg20[%swap3A_314, %swap3A_315], %mul3A_313 {strides = array<i32>} : memref<80x80xf32, #tpu.memory_space<vmem>>, vector<16xf32>,
        %mul3A_317 = arith.mulf %get3A_235, %exp3A : vector<16xf32>
        %swap3A_318 = arith.index_cast %add3A_226 : i32 to index
        %swap3A_319 = arith.constant 32 : index
        %swap3A_320 = tpu.vector_load %arg20[%swap3A_318, %swap3A_319] {strides = array<i32>} : memref<80x80xf32, #tpu.memory_space<vmem>>, vector<16xf32>,
        tpu.vector_store %arg20[%swap3A_318, %swap3A_319], %mul3A_317 {strides = array<i32>} : memref<80x80xf32, #tpu.memory_space<vmem>>, vector<16xf32>,
        %mul3A_321 = arith.mulf %get3A_238, %exp3A : vector<16xf32>
        %swap3A_322 = arith.index_cast %add3A_226 : i32 to index
        %swap3A_323 = arith.constant 48 : index
        %swap3A_324 = tpu.vector_load %arg20[%swap3A_322, %swap3A_323] {strides = array<i32>} : memref<80x80xf32, #tpu.memory_space<vmem>>, vector<16xf32>,
        tpu.vector_store %arg20[%swap3A_322, %swap3A_323], %mul3A_321 {strides = array<i32>} : memref<80x80xf32, #tpu.memory_space<vmem>>, vector<16xf32>,
        %mul3A_325 = arith.mulf %exp3A, %select_n3A : vector<16xf32>
        %swap3A_326 = arith.index_cast %add3A_226 : i32 to index
        %swap3A_327 = arith.constant 64 : index
        %swap3A_328 = tpu.vector_load %arg20[%swap3A_326, %swap3A_327] {strides = array<i32>} : memref<80x80xf32, #tpu.memory_space<vmem>>, vector<16xf32>,
        tpu.vector_store %arg20[%swap3A_326, %swap3A_327], %mul3A_325 {strides = array<i32>} : memref<80x80xf32, #tpu.memory_space<vmem>>, vector<16xf32>,
        %mul3A_329 = arith.constant 4 : i32
        %mul3A_330 = arith.muli %scan3A_221, %mul3A_329 : i32
        %add3A_331 = arith.constant 1 : i32
        %add3A_332 = arith.addi %mul3A_330, %add3A_331 : i32
        %get3A_333 = arith.index_cast %add3A_332 : i32 to index
        %get3A_334 = arith.constant 0 : index
        %get3A_335 = tpu.vector_load %arg14[%get3A_333, %get3A_334] {strides = array<i32>} : memref<80x64xf32, #tpu.memory_space<vmem>>, vector<16xf32>,
        %get3A_336 = arith.index_cast %add3A_332 : i32 to index
        %get3A_337 = arith.constant 16 : index
        %get3A_338 = tpu.vector_load %arg14[%get3A_336, %get3A_337] {strides = array<i32>} : memref<80x64xf32, #tpu.memory_space<vmem>>, vector<16xf32>,
        %get3A_339 = arith.index_cast %add3A_332 : i32 to index
        %get3A_340 = arith.constant 32 : index
        %get3A_341 = tpu.vector_load %arg14[%get3A_339, %get3A_340] {strides = array<i32>} : memref<80x64xf32, #tpu.memory_space<vmem>>, vector<16xf32>,
        %get3A_342 = arith.index_cast %add3A_332 : i32 to index
        %get3A_343 = arith.constant 48 : index
        %get3A_344 = tpu.vector_load %arg14[%get3A_342, %get3A_343] {strides = array<i32>} : memref<80x64xf32, #tpu.memory_space<vmem>>, vector<16xf32>,
        %get3A_345 = arith.index_cast %add3A_332 : i32 to index
        %get3A_346 = arith.constant 0 : index
        %get3A_347 = tpu.vector_load %arg16[%get3A_345, %get3A_346] {strides = array<i32>} : memref<80x64xf32, #tpu.memory_space<vmem>>, vector<16xf32>,
        %add3A_348 = arith.addf %get3A_335, %get3A_347 : vector<16xf32>
        %get3A_349 = arith.index_cast %add3A_332 : i32 to index
        %get3A_350 = arith.constant 0 : index
        %get3A_351 = tpu.vector_load %arg18[%get3A_349, %get3A_350] {strides = array<i32>} : memref<80x64xf32, #tpu.memory_space<vmem>>, vector<16xf32>,
        %add3A_352 = arith.addf %add3A_348, %get3A_351 : vector<16xf32>
        %gt3A_353 = arith.constant 0.000000e+00 : f32
        %gt3A_354 = vector.broadcast %gt3A_353 : f32 to vector<16xf32>
        %gt3A_355 = arith.cmpf ogt, %add3A_352, %gt3A_354 : vector<16xf32>
        %mul3A_356 = arith.constant 2.000000e-01 : f32
        %mul3A_357 = vector.broadcast %mul3A_356 : f32 to vector<16xf32>
        %mul3A_358 = arith.mulf %mul3A_357, %add3A_352 : vector<16xf32>
        %select_n3A_359 = arith.select %gt3A_355, %add3A_352, %mul3A_358 : vector<16xi1>, vector<16xf32>
        %mul3A_360 = arith.mulf %select_n3A_359, %get3A_196 : vector<16xf32>
        %add3A_361 = arith.addf %broadcast_in_dim3A_3, %mul3A_360 : vector<16xf32>
        %get3A_362 = arith.index_cast %add3A_332 : i32 to index
        %get3A_363 = arith.constant 16 : index
        %get3A_364 = tpu.vector_load %arg16[%get3A_362, %get3A_363] {strides = array<i32>} : memref<80x64xf32, #tpu.memory_space<vmem>>, vector<16xf32>,
        %add3A_365 = arith.addf %get3A_338, %get3A_364 : vector<16xf32>
        %get3A_366 = arith.index_cast %add3A_332 : i32 to index
        %get3A_367 = arith.constant 16 : index
        %get3A_368 = tpu.vector_load %arg18[%get3A_366, %get3A_367] {strides = array<i32>} : memref<80x64xf32, #tpu.memory_space<vmem>>, vector<16xf32>,
        %add3A_369 = arith.addf %add3A_365, %get3A_368 : vector<16xf32>
        %gt3A_370 = arith.constant 0.000000e+00 : f32
        %gt3A_371 = vector.broadcast %gt3A_370 : f32 to vector<16xf32>
        %gt3A_372 = arith.cmpf ogt, %add3A_369, %gt3A_371 : vector<16xf32>
        %mul3A_373 = arith.constant 2.000000e-01 : f32
        %mul3A_374 = vector.broadcast %mul3A_373 : f32 to vector<16xf32>
        %mul3A_375 = arith.mulf %mul3A_374, %add3A_369 : vector<16xf32>
        %select_n3A_376 = arith.select %gt3A_372, %add3A_369, %mul3A_375 : vector<16xi1>, vector<16xf32>
        %mul3A_377 = arith.mulf %select_n3A_376, %get3A_198 : vector<16xf32>
        %add3A_378 = arith.addf %add3A_361, %mul3A_377 : vector<16xf32>
        %get3A_379 = arith.index_cast %add3A_332 : i32 to index
        %get3A_380 = arith.constant 32 : index
        %get3A_381 = tpu.vector_load %arg16[%get3A_379, %get3A_380] {strides = array<i32>} : memref<80x64xf32, #tpu.memory_space<vmem>>, vector<16xf32>,
        %add3A_382 = arith.addf %get3A_341, %get3A_381 : vector<16xf32>
        %get3A_383 = arith.index_cast %add3A_332 : i32 to index
        %get3A_384 = arith.constant 32 : index
        %get3A_385 = tpu.vector_load %arg18[%get3A_383, %get3A_384] {strides = array<i32>} : memref<80x64xf32, #tpu.memory_space<vmem>>, vector<16xf32>,
        %add3A_386 = arith.addf %add3A_382, %get3A_385 : vector<16xf32>
        %gt3A_387 = arith.constant 0.000000e+00 : f32
        %gt3A_388 = vector.broadcast %gt3A_387 : f32 to vector<16xf32>
        %gt3A_389 = arith.cmpf ogt, %add3A_386, %gt3A_388 : vector<16xf32>
        %mul3A_390 = arith.constant 2.000000e-01 : f32
        %mul3A_391 = vector.broadcast %mul3A_390 : f32 to vector<16xf32>
        %mul3A_392 = arith.mulf %mul3A_391, %add3A_386 : vector<16xf32>
        %select_n3A_393 = arith.select %gt3A_389, %add3A_386, %mul3A_392 : vector<16xi1>, vector<16xf32>
        %mul3A_394 = arith.mulf %select_n3A_393, %get3A_200 : vector<16xf32>
        %add3A_395 = arith.addf %add3A_378, %mul3A_394 : vector<16xf32>
        %get3A_396 = arith.index_cast %add3A_332 : i32 to index
        %get3A_397 = arith.constant 48 : index
        %get3A_398 = tpu.vector_load %arg16[%get3A_396, %get3A_397] {strides = array<i32>} : memref<80x64xf32, #tpu.memory_space<vmem>>, vector<16xf32>,
        %add3A_399 = arith.addf %get3A_344, %get3A_398 : vector<16xf32>
        %get3A_400 = arith.index_cast %add3A_332 : i32 to index
        %get3A_401 = arith.constant 48 : index
        %get3A_402 = tpu.vector_load %arg18[%get3A_400, %get3A_401] {strides = array<i32>} : memref<80x64xf32, #tpu.memory_space<vmem>>, vector<16xf32>,
        %add3A_403 = arith.addf %add3A_399, %get3A_402 : vector<16xf32>
        %gt3A_404 = arith.constant 0.000000e+00 : f32
        %gt3A_405 = vector.broadcast %gt3A_404 : f32 to vector<16xf32>
        %gt3A_406 = arith.cmpf ogt, %add3A_403, %gt3A_405 : vector<16xf32>
        %mul3A_407 = arith.constant 2.000000e-01 : f32
        %mul3A_408 = vector.broadcast %mul3A_407 : f32 to vector<16xf32>
        %mul3A_409 = arith.mulf %mul3A_408, %add3A_403 : vector<16xf32>
        %select_n3A_410 = arith.select %gt3A_406, %add3A_403, %mul3A_409 : vector<16xi1>, vector<16xf32>
        %mul3A_411 = arith.mulf %select_n3A_410, %get3A_202 : vector<16xf32>
        %add3A_412 = arith.addf %add3A_395, %mul3A_411 : vector<16xf32>
        %reduce_sum3A_413 = arith.constant true
        %reduce_sum3A_414 = vector.broadcast %reduce_sum3A_413 : i1 to vector<16xi1>
        %reduce_sum3A_415 = tpu.scan <sum>, %add3A_412 masked %reduce_sum3A_414 : vector<16xf32>, vector<16xi1> -> vector<16xf32>
        %reduce_sum3A_416 = vector.extract %reduce_sum3A_415[15] : f32 from vector<16xf32>
        %broadcast_in_dim3A_417 = vector.broadcast %reduce_sum3A_416 : f32 to vector<16xf32>
        %exp3A_418 = math.exp %broadcast_in_dim3A_417 : vector<16xf32>
        %mul3A_419 = arith.mulf %get3A_335, %exp3A_418 : vector<16xf32>
        %swap3A_420 = arith.index_cast %add3A_332 : i32 to index
        %swap3A_421 = arith.constant 0 : index
        %swap3A_422 = tpu.vector_load %arg20[%swap3A_420, %swap3A_421] {strides = array<i32>} : memref<80x80xf32, #tpu.memory_space<vmem>>, vector<16xf32>,
        tpu.vector_store %arg20[%swap3A_420, %swap3A_421], %mul3A_419 {strides = array<i32>} : memref<80x80xf32, #tpu.memory_space<vmem>>, vector<16xf32>,
        %mul3A_423 = arith.mulf %get3A_338, %exp3A_418 : vector<16xf32>
        %swap3A_424 = arith.index_cast %add3A_332 : i32 to index
        %swap3A_425 = arith.constant 16 : index
        %swap3A_426 = tpu.vector_load %arg20[%swap3A_424, %swap3A_425] {strides = array<i32>} : memref<80x80xf32, #tpu.memory_space<vmem>>, vector<16xf32>,
        tpu.vector_store %arg20[%swap3A_424, %swap3A_425], %mul3A_423 {strides = array<i32>} : memref<80x80xf32, #tpu.memory_space<vmem>>, vector<16xf32>,
        %mul3A_427 = arith.mulf %get3A_341, %exp3A_418 : vector<16xf32>
        %swap3A_428 = arith.index_cast %add3A_332 : i32 to index
        %swap3A_429 = arith.constant 32 : index
        %swap3A_430 = tpu.vector_load %arg20[%swap3A_428, %swap3A_429] {strides = array<i32>} : memref<80x80xf32, #tpu.memory_space<vmem>>, vector<16xf32>,
        tpu.vector_store %arg20[%swap3A_428, %swap3A_429], %mul3A_427 {strides = array<i32>} : memref<80x80xf32, #tpu.memory_space<vmem>>, vector<16xf32>,
        %mul3A_431 = arith.mulf %get3A_344, %exp3A_418 : vector<16xf32>
        %swap3A_432 = arith.index_cast %add3A_332 : i32 to index
        %swap3A_433 = arith.constant 48 : index
        %swap3A_434 = tpu.vector_load %arg20[%swap3A_432, %swap3A_433] {strides = array<i32>} : memref<80x80xf32, #tpu.memory_space<vmem>>, vector<16xf32>,
        tpu.vector_store %arg20[%swap3A_432, %swap3A_433], %mul3A_431 {strides = array<i32>} : memref<80x80xf32, #tpu.memory_space<vmem>>, vector<16xf32>,
        %mul3A_435 = arith.mulf %exp3A_418, %select_n3A : vector<16xf32>
        %swap3A_436 = arith.index_cast %add3A_332 : i32 to index
        %swap3A_437 = arith.constant 64 : index
        %swap3A_438 = tpu.vector_load %arg20[%swap3A_436, %swap3A_437] {strides = array<i32>} : memref<80x80xf32, #tpu.memory_space<vmem>>, vector<16xf32>,
        tpu.vector_store %arg20[%swap3A_436, %swap3A_437], %mul3A_435 {strides = array<i32>} : memref<80x80xf32, #tpu.memory_space<vmem>>, vector<16xf32>,
        %mul3A_439 = arith.constant 4 : i32
        %mul3A_440 = arith.muli %scan3A_221, %mul3A_439 : i32
        %add3A_441 = arith.constant 2 : i32
        %add3A_442 = arith.addi %mul3A_440, %add3A_441 : i32
        %get3A_443 = arith.index_cast %add3A_442 : i32 to index
        %get3A_444 = arith.constant 0 : index
        %get3A_445 = tpu.vector_load %arg14[%get3A_443, %get3A_444] {strides = array<i32>} : memref<80x64xf32, #tpu.memory_space<vmem>>, vector<16xf32>,
        %get3A_446 = arith.index_cast %add3A_442 : i32 to index
        %get3A_447 = arith.constant 16 : index
        %get3A_448 = tpu.vector_load %arg14[%get3A_446, %get3A_447] {strides = array<i32>} : memref<80x64xf32, #tpu.memory_space<vmem>>, vector<16xf32>,
        %get3A_449 = arith.index_cast %add3A_442 : i32 to index
        %get3A_450 = arith.constant 32 : index
        %get3A_451 = tpu.vector_load %arg14[%get3A_449, %get3A_450] {strides = array<i32>} : memref<80x64xf32, #tpu.memory_space<vmem>>, vector<16xf32>,
        %get3A_452 = arith.index_cast %add3A_442 : i32 to index
        %get3A_453 = arith.constant 48 : index
        %get3A_454 = tpu.vector_load %arg14[%get3A_452, %get3A_453] {strides = array<i32>} : memref<80x64xf32, #tpu.memory_space<vmem>>, vector<16xf32>,
        %get3A_455 = arith.index_cast %add3A_442 : i32 to index
        %get3A_456 = arith.constant 0 : index
        %get3A_457 = tpu.vector_load %arg16[%get3A_455, %get3A_456] {strides = array<i32>} : memref<80x64xf32, #tpu.memory_space<vmem>>, vector<16xf32>,
        %add3A_458 = arith.addf %get3A_445, %get3A_457 : vector<16xf32>
        %get3A_459 = arith.index_cast %add3A_442 : i32 to index
        %get3A_460 = arith.constant 0 : index
        %get3A_461 = tpu.vector_load %arg18[%get3A_459, %get3A_460] {strides = array<i32>} : memref<80x64xf32, #tpu.memory_space<vmem>>, vector<16xf32>,
        %add3A_462 = arith.addf %add3A_458, %get3A_461 : vector<16xf32>
        %gt3A_463 = arith.constant 0.000000e+00 : f32
        %gt3A_464 = vector.broadcast %gt3A_463 : f32 to vector<16xf32>
        %gt3A_465 = arith.cmpf ogt, %add3A_462, %gt3A_464 : vector<16xf32>
        %mul3A_466 = arith.constant 2.000000e-01 : f32
        %mul3A_467 = vector.broadcast %mul3A_466 : f32 to vector<16xf32>
        %mul3A_468 = arith.mulf %mul3A_467, %add3A_462 : vector<16xf32>
        %select_n3A_469 = arith.select %gt3A_465, %add3A_462, %mul3A_468 : vector<16xi1>, vector<16xf32>
        %mul3A_470 = arith.mulf %select_n3A_469, %get3A_196 : vector<16xf32>
        %add3A_471 = arith.addf %broadcast_in_dim3A_3, %mul3A_470 : vector<16xf32>
        %get3A_472 = arith.index_cast %add3A_442 : i32 to index
        %get3A_473 = arith.constant 16 : index
        %get3A_474 = tpu.vector_load %arg16[%get3A_472, %get3A_473] {strides = array<i32>} : memref<80x64xf32, #tpu.memory_space<vmem>>, vector<16xf32>,
        %add3A_475 = arith.addf %get3A_448, %get3A_474 : vector<16xf32>
        %get3A_476 = arith.index_cast %add3A_442 : i32 to index
        %get3A_477 = arith.constant 16 : index
        %get3A_478 = tpu.vector_load %arg18[%get3A_476, %get3A_477] {strides = array<i32>} : memref<80x64xf32, #tpu.memory_space<vmem>>, vector<16xf32>,
        %add3A_479 = arith.addf %add3A_475, %get3A_478 : vector<16xf32>
        %gt3A_480 = arith.constant 0.000000e+00 : f32
        %gt3A_481 = vector.broadcast %gt3A_480 : f32 to vector<16xf32>
        %gt3A_482 = arith.cmpf ogt, %add3A_479, %gt3A_481 : vector<16xf32>
        %mul3A_483 = arith.constant 2.000000e-01 : f32
        %mul3A_484 = vector.broadcast %mul3A_483 : f32 to vector<16xf32>
        %mul3A_485 = arith.mulf %mul3A_484, %add3A_479 : vector<16xf32>
        %select_n3A_486 = arith.select %gt3A_482, %add3A_479, %mul3A_485 : vector<16xi1>, vector<16xf32>
        %mul3A_487 = arith.mulf %select_n3A_486, %get3A_198 : vector<16xf32>
        %add3A_488 = arith.addf %add3A_471, %mul3A_487 : vector<16xf32>
        %get3A_489 = arith.index_cast %add3A_442 : i32 to index
        %get3A_490 = arith.constant 32 : index
        %get3A_491 = tpu.vector_load %arg16[%get3A_489, %get3A_490] {strides = array<i32>} : memref<80x64xf32, #tpu.memory_space<vmem>>, vector<16xf32>,
        %add3A_492 = arith.addf %get3A_451, %get3A_491 : vector<16xf32>
        %get3A_493 = arith.index_cast %add3A_442 : i32 to index
        %get3A_494 = arith.constant 32 : index
        %get3A_495 = tpu.vector_load %arg18[%get3A_493, %get3A_494] {strides = array<i32>} : memref<80x64xf32, #tpu.memory_space<vmem>>, vector<16xf32>,
        %add3A_496 = arith.addf %add3A_492, %get3A_495 : vector<16xf32>
        %gt3A_497 = arith.constant 0.000000e+00 : f32
        %gt3A_498 = vector.broadcast %gt3A_497 : f32 to vector<16xf32>
        %gt3A_499 = arith.cmpf ogt, %add3A_496, %gt3A_498 : vector<16xf32>
        %mul3A_500 = arith.constant 2.000000e-01 : f32
        %mul3A_501 = vector.broadcast %mul3A_500 : f32 to vector<16xf32>
        %mul3A_502 = arith.mulf %mul3A_501, %add3A_496 : vector<16xf32>
        %select_n3A_503 = arith.select %gt3A_499, %add3A_496, %mul3A_502 : vector<16xi1>, vector<16xf32>
        %mul3A_504 = arith.mulf %select_n3A_503, %get3A_200 : vector<16xf32>
        %add3A_505 = arith.addf %add3A_488, %mul3A_504 : vector<16xf32>
        %get3A_506 = arith.index_cast %add3A_442 : i32 to index
        %get3A_507 = arith.constant 48 : index
        %get3A_508 = tpu.vector_load %arg16[%get3A_506, %get3A_507] {strides = array<i32>} : memref<80x64xf32, #tpu.memory_space<vmem>>, vector<16xf32>,
        %add3A_509 = arith.addf %get3A_454, %get3A_508 : vector<16xf32>
        %get3A_510 = arith.index_cast %add3A_442 : i32 to index
        %get3A_511 = arith.constant 48 : index
        %get3A_512 = tpu.vector_load %arg18[%get3A_510, %get3A_511] {strides = array<i32>} : memref<80x64xf32, #tpu.memory_space<vmem>>, vector<16xf32>,
        %add3A_513 = arith.addf %add3A_509, %get3A_512 : vector<16xf32>
        %gt3A_514 = arith.constant 0.000000e+00 : f32
        %gt3A_515 = vector.broadcast %gt3A_514 : f32 to vector<16xf32>
        %gt3A_516 = arith.cmpf ogt, %add3A_513, %gt3A_515 : vector<16xf32>
        %mul3A_517 = arith.constant 2.000000e-01 : f32
        %mul3A_518 = vector.broadcast %mul3A_517 : f32 to vector<16xf32>
        %mul3A_519 = arith.mulf %mul3A_518, %add3A_513 : vector<16xf32>
        %select_n3A_520 = arith.select %gt3A_516, %add3A_513, %mul3A_519 : vector<16xi1>, vector<16xf32>
        %mul3A_521 = arith.mulf %select_n3A_520, %get3A_202 : vector<16xf32>
        %add3A_522 = arith.addf %add3A_505, %mul3A_521 : vector<16xf32>
        %reduce_sum3A_523 = arith.constant true
        %reduce_sum3A_524 = vector.broadcast %reduce_sum3A_523 : i1 to vector<16xi1>
        %reduce_sum3A_525 = tpu.scan <sum>, %add3A_522 masked %reduce_sum3A_524 : vector<16xf32>, vector<16xi1> -> vector<16xf32>
        %reduce_sum3A_526 = vector.extract %reduce_sum3A_525[15] : f32 from vector<16xf32>
        %broadcast_in_dim3A_527 = vector.broadcast %reduce_sum3A_526 : f32 to vector<16xf32>
        %exp3A_528 = math.exp %broadcast_in_dim3A_527 : vector<16xf32>
        %mul3A_529 = arith.mulf %get3A_445, %exp3A_528 : vector<16xf32>
        %swap3A_530 = arith.index_cast %add3A_442 : i32 to index
        %swap3A_531 = arith.constant 0 : index
        %swap3A_532 = tpu.vector_load %arg20[%swap3A_530, %swap3A_531] {strides = array<i32>} : memref<80x80xf32, #tpu.memory_space<vmem>>, vector<16xf32>,
        tpu.vector_store %arg20[%swap3A_530, %swap3A_531], %mul3A_529 {strides = array<i32>} : memref<80x80xf32, #tpu.memory_space<vmem>>, vector<16xf32>,
        %mul3A_533 = arith.mulf %get3A_448, %exp3A_528 : vector<16xf32>
        %swap3A_534 = arith.index_cast %add3A_442 : i32 to index
        %swap3A_535 = arith.constant 16 : index
        %swap3A_536 = tpu.vector_load %arg20[%swap3A_534, %swap3A_535] {strides = array<i32>} : memref<80x80xf32, #tpu.memory_space<vmem>>, vector<16xf32>,
        tpu.vector_store %arg20[%swap3A_534, %swap3A_535], %mul3A_533 {strides = array<i32>} : memref<80x80xf32, #tpu.memory_space<vmem>>, vector<16xf32>,
        %mul3A_537 = arith.mulf %get3A_451, %exp3A_528 : vector<16xf32>
        %swap3A_538 = arith.index_cast %add3A_442 : i32 to index
        %swap3A_539 = arith.constant 32 : index
        %swap3A_540 = tpu.vector_load %arg20[%swap3A_538, %swap3A_539] {strides = array<i32>} : memref<80x80xf32, #tpu.memory_space<vmem>>, vector<16xf32>,
        tpu.vector_store %arg20[%swap3A_538, %swap3A_539], %mul3A_537 {strides = array<i32>} : memref<80x80xf32, #tpu.memory_space<vmem>>, vector<16xf32>,
        %mul3A_541 = arith.mulf %get3A_454, %exp3A_528 : vector<16xf32>
        %swap3A_542 = arith.index_cast %add3A_442 : i32 to index
        %swap3A_543 = arith.constant 48 : index
        %swap3A_544 = tpu.vector_load %arg20[%swap3A_542, %swap3A_543] {strides = array<i32>} : memref<80x80xf32, #tpu.memory_space<vmem>>, vector<16xf32>,
        tpu.vector_store %arg20[%swap3A_542, %swap3A_543], %mul3A_541 {strides = array<i32>} : memref<80x80xf32, #tpu.memory_space<vmem>>, vector<16xf32>,
        %mul3A_545 = arith.mulf %exp3A_528, %select_n3A : vector<16xf32>
        %swap3A_546 = arith.index_cast %add3A_442 : i32 to index
        %swap3A_547 = arith.constant 64 : index
        %swap3A_548 = tpu.vector_load %arg20[%swap3A_546, %swap3A_547] {strides = array<i32>} : memref<80x80xf32, #tpu.memory_space<vmem>>, vector<16xf32>,
        tpu.vector_store %arg20[%swap3A_546, %swap3A_547], %mul3A_545 {strides = array<i32>} : memref<80x80xf32, #tpu.memory_space<vmem>>, vector<16xf32>,
        %mul3A_549 = arith.constant 4 : i32
        %mul3A_550 = arith.muli %scan3A_221, %mul3A_549 : i32
        %add3A_551 = arith.constant 3 : i32
        %add3A_552 = arith.addi %mul3A_550, %add3A_551 : i32
        %get3A_553 = arith.index_cast %add3A_552 : i32 to index
        %get3A_554 = arith.constant 0 : index
        %get3A_555 = tpu.vector_load %arg14[%get3A_553, %get3A_554] {strides = array<i32>} : memref<80x64xf32, #tpu.memory_space<vmem>>, vector<16xf32>,
        %get3A_556 = arith.index_cast %add3A_552 : i32 to index
        %get3A_557 = arith.constant 16 : index
        %get3A_558 = tpu.vector_load %arg14[%get3A_556, %get3A_557] {strides = array<i32>} : memref<80x64xf32, #tpu.memory_space<vmem>>, vector<16xf32>,
        %get3A_559 = arith.index_cast %add3A_552 : i32 to index
        %get3A_560 = arith.constant 32 : index
        %get3A_561 = tpu.vector_load %arg14[%get3A_559, %get3A_560] {strides = array<i32>} : memref<80x64xf32, #tpu.memory_space<vmem>>, vector<16xf32>,
        %get3A_562 = arith.index_cast %add3A_552 : i32 to index
        %get3A_563 = arith.constant 48 : index
        %get3A_564 = tpu.vector_load %arg14[%get3A_562, %get3A_563] {strides = array<i32>} : memref<80x64xf32, #tpu.memory_space<vmem>>, vector<16xf32>,
        %get3A_565 = arith.index_cast %add3A_552 : i32 to index
        %get3A_566 = arith.constant 0 : index
        %get3A_567 = tpu.vector_load %arg16[%get3A_565, %get3A_566] {strides = array<i32>} : memref<80x64xf32, #tpu.memory_space<vmem>>, vector<16xf32>,
        %add3A_568 = arith.addf %get3A_555, %get3A_567 : vector<16xf32>
        %get3A_569 = arith.index_cast %add3A_552 : i32 to index
        %get3A_570 = arith.constant 0 : index
        %get3A_571 = tpu.vector_load %arg18[%get3A_569, %get3A_570] {strides = array<i32>} : memref<80x64xf32, #tpu.memory_space<vmem>>, vector<16xf32>,
        %add3A_572 = arith.addf %add3A_568, %get3A_571 : vector<16xf32>
        %gt3A_573 = arith.constant 0.000000e+00 : f32
        %gt3A_574 = vector.broadcast %gt3A_573 : f32 to vector<16xf32>
        %gt3A_575 = arith.cmpf ogt, %add3A_572, %gt3A_574 : vector<16xf32>
        %mul3A_576 = arith.constant 2.000000e-01 : f32
        %mul3A_577 = vector.broadcast %mul3A_576 : f32 to vector<16xf32>
        %mul3A_578 = arith.mulf %mul3A_577, %add3A_572 : vector<16xf32>
        %select_n3A_579 = arith.select %gt3A_575, %add3A_572, %mul3A_578 : vector<16xi1>, vector<16xf32>
        %mul3A_580 = arith.mulf %select_n3A_579, %get3A_196 : vector<16xf32>
        %add3A_581 = arith.addf %broadcast_in_dim3A_3, %mul3A_580 : vector<16xf32>
        %get3A_582 = arith.index_cast %add3A_552 : i32 to index
        %get3A_583 = arith.constant 16 : index
        %get3A_584 = tpu.vector_load %arg16[%get3A_582, %get3A_583] {strides = array<i32>} : memref<80x64xf32, #tpu.memory_space<vmem>>, vector<16xf32>,
        %add3A_585 = arith.addf %get3A_558, %get3A_584 : vector<16xf32>
        %get3A_586 = arith.index_cast %add3A_552 : i32 to index
        %get3A_587 = arith.constant 16 : index
        %get3A_588 = tpu.vector_load %arg18[%get3A_586, %get3A_587] {strides = array<i32>} : memref<80x64xf32, #tpu.memory_space<vmem>>, vector<16xf32>,
        %add3A_589 = arith.addf %add3A_585, %get3A_588 : vector<16xf32>
        %gt3A_590 = arith.constant 0.000000e+00 : f32
        %gt3A_591 = vector.broadcast %gt3A_590 : f32 to vector<16xf32>
        %gt3A_592 = arith.cmpf ogt, %add3A_589, %gt3A_591 : vector<16xf32>
        %mul3A_593 = arith.constant 2.000000e-01 : f32
        %mul3A_594 = vector.broadcast %mul3A_593 : f32 to vector<16xf32>
        %mul3A_595 = arith.mulf %mul3A_594, %add3A_589 : vector<16xf32>
        %select_n3A_596 = arith.select %gt3A_592, %add3A_589, %mul3A_595 : vector<16xi1>, vector<16xf32>
        %mul3A_597 = arith.mulf %select_n3A_596, %get3A_198 : vector<16xf32>
        %add3A_598 = arith.addf %add3A_581, %mul3A_597 : vector<16xf32>
        %get3A_599 = arith.index_cast %add3A_552 : i32 to index
        %get3A_600 = arith.constant 32 : index
        %get3A_601 = tpu.vector_load %arg16[%get3A_599, %get3A_600] {strides = array<i32>} : memref<80x64xf32, #tpu.memory_space<vmem>>, vector<16xf32>,
        %add3A_602 = arith.addf %get3A_561, %get3A_601 : vector<16xf32>
        %get3A_603 = arith.index_cast %add3A_552 : i32 to index
        %get3A_604 = arith.constant 32 : index
        %get3A_605 = tpu.vector_load %arg18[%get3A_603, %get3A_604] {strides = array<i32>} : memref<80x64xf32, #tpu.memory_space<vmem>>, vector<16xf32>,
        %add3A_606 = arith.addf %add3A_602, %get3A_605 : vector<16xf32>
        %gt3A_607 = arith.constant 0.000000e+00 : f32
        %gt3A_608 = vector.broadcast %gt3A_607 : f32 to vector<16xf32>
        %gt3A_609 = arith.cmpf ogt, %add3A_606, %gt3A_608 : vector<16xf32>
        %mul3A_610 = arith.constant 2.000000e-01 : f32
        %mul3A_611 = vector.broadcast %mul3A_610 : f32 to vector<16xf32>
        %mul3A_612 = arith.mulf %mul3A_611, %add3A_606 : vector<16xf32>
        %select_n3A_613 = arith.select %gt3A_609, %add3A_606, %mul3A_612 : vector<16xi1>, vector<16xf32>
        %mul3A_614 = arith.mulf %select_n3A_613, %get3A_200 : vector<16xf32>
        %add3A_615 = arith.addf %add3A_598, %mul3A_614 : vector<16xf32>
        %get3A_616 = arith.index_cast %add3A_552 : i32 to index
        %get3A_617 = arith.constant 48 : index
        %get3A_618 = tpu.vector_load %arg16[%get3A_616, %get3A_617] {strides = array<i32>} : memref<80x64xf32, #tpu.memory_space<vmem>>, vector<16xf32>,
        %add3A_619 = arith.addf %get3A_564, %get3A_618 : vector<16xf32>
        %get3A_620 = arith.index_cast %add3A_552 : i32 to index
        %get3A_621 = arith.constant 48 : index
        %get3A_622 = tpu.vector_load %arg18[%get3A_620, %get3A_621] {strides = array<i32>} : memref<80x64xf32, #tpu.memory_space<vmem>>, vector<16xf32>,
        %add3A_623 = arith.addf %add3A_619, %get3A_622 : vector<16xf32>
        %gt3A_624 = arith.constant 0.000000e+00 : f32
        %gt3A_625 = vector.broadcast %gt3A_624 : f32 to vector<16xf32>
        %gt3A_626 = arith.cmpf ogt, %add3A_623, %gt3A_625 : vector<16xf32>
        %mul3A_627 = arith.constant 2.000000e-01 : f32
        %mul3A_628 = vector.broadcast %mul3A_627 : f32 to vector<16xf32>
        %mul3A_629 = arith.mulf %mul3A_628, %add3A_623 : vector<16xf32>
        %select_n3A_630 = arith.select %gt3A_626, %add3A_623, %mul3A_629 : vector<16xi1>, vector<16xf32>
        %mul3A_631 = arith.mulf %select_n3A_630, %get3A_202 : vector<16xf32>
        %add3A_632 = arith.addf %add3A_615, %mul3A_631 : vector<16xf32>
        %reduce_sum3A_633 = arith.constant true
        %reduce_sum3A_634 = vector.broadcast %reduce_sum3A_633 : i1 to vector<16xi1>
        %reduce_sum3A_635 = tpu.scan <sum>, %add3A_632 masked %reduce_sum3A_634 : vector<16xf32>, vector<16xi1> -> vector<16xf32>
        %reduce_sum3A_636 = vector.extract %reduce_sum3A_635[15] : f32 from vector<16xf32>
        %broadcast_in_dim3A_637 = vector.broadcast %reduce_sum3A_636 : f32 to vector<16xf32>
        %exp3A_638 = math.exp %broadcast_in_dim3A_637 : vector<16xf32>
        %mul3A_639 = arith.mulf %get3A_555, %exp3A_638 : vector<16xf32>
        %swap3A_640 = arith.index_cast %add3A_552 : i32 to index
        %swap3A_641 = arith.constant 0 : index
        %swap3A_642 = tpu.vector_load %arg20[%swap3A_640, %swap3A_641] {strides = array<i32>} : memref<80x80xf32, #tpu.memory_space<vmem>>, vector<16xf32>,
        tpu.vector_store %arg20[%swap3A_640, %swap3A_641], %mul3A_639 {strides = array<i32>} : memref<80x80xf32, #tpu.memory_space<vmem>>, vector<16xf32>,
        %mul3A_643 = arith.mulf %get3A_558, %exp3A_638 : vector<16xf32>
        %swap3A_644 = arith.index_cast %add3A_552 : i32 to index
        %swap3A_645 = arith.constant 16 : index
        %swap3A_646 = tpu.vector_load %arg20[%swap3A_644, %swap3A_645] {strides = array<i32>} : memref<80x80xf32, #tpu.memory_space<vmem>>, vector<16xf32>,
        tpu.vector_store %arg20[%swap3A_644, %swap3A_645], %mul3A_643 {strides = array<i32>} : memref<80x80xf32, #tpu.memory_space<vmem>>, vector<16xf32>,
        %mul3A_647 = arith.mulf %get3A_561, %exp3A_638 : vector<16xf32>
        %swap3A_648 = arith.index_cast %add3A_552 : i32 to index
        %swap3A_649 = arith.constant 32 : index
        %swap3A_650 = tpu.vector_load %arg20[%swap3A_648, %swap3A_649] {strides = array<i32>} : memref<80x80xf32, #tpu.memory_space<vmem>>, vector<16xf32>,
        tpu.vector_store %arg20[%swap3A_648, %swap3A_649], %mul3A_647 {strides = array<i32>} : memref<80x80xf32, #tpu.memory_space<vmem>>, vector<16xf32>,
        %mul3A_651 = arith.mulf %get3A_564, %exp3A_638 : vector<16xf32>
        %swap3A_652 = arith.index_cast %add3A_552 : i32 to index
        %swap3A_653 = arith.constant 48 : index
        %swap3A_654 = tpu.vector_load %arg20[%swap3A_652, %swap3A_653] {strides = array<i32>} : memref<80x80xf32, #tpu.memory_space<vmem>>, vector<16xf32>,
        tpu.vector_store %arg20[%swap3A_652, %swap3A_653], %mul3A_651 {strides = array<i32>} : memref<80x80xf32, #tpu.memory_space<vmem>>, vector<16xf32>,
        %mul3A_655 = arith.mulf %exp3A_638, %select_n3A : vector<16xf32>
        %swap3A_656 = arith.index_cast %add3A_552 : i32 to index
        %swap3A_657 = arith.constant 64 : index
        %swap3A_658 = tpu.vector_load %arg20[%swap3A_656, %swap3A_657] {strides = array<i32>} : memref<80x80xf32, #tpu.memory_space<vmem>>, vector<16xf32>,
        tpu.vector_store %arg20[%swap3A_656, %swap3A_657], %mul3A_655 {strides = array<i32>} : memref<80x80xf32, #tpu.memory_space<vmem>>, vector<16xf32>,
        %scan3A_659 = arith.constant 0 : i32
        scf.yield %scan3A_659 : i32
      }
      %scan3A_209 = arith.constant 20 : i32
      %dma_start3A_210 = arith.constant 0 : i32
      %dma_start3A_211 = arith.constant 0 : i32
      %dma_start3A_212 = tpu.memref_slice %arg23[%dma_start3A_210, %dma_start3A_211] : memref<10112x80xf32, #tpu.memory_space<vmem_shared>> -> memref<10112x80xf32, #tpu.memory_space<vmem_shared>>
      tpu.enqueue_indirect_dma source(%arg20 : memref<80x80xf32, #tpu.memory_space<vmem>>) target(%dma_start3A_212 : memref<10112x80xf32, #tpu.memory_space<vmem_shared>>) offsets(%arg12 : memref<80xi32, #tpu.memory_space<vmem>>) semaphore(%arg32 : memref<!tpu.dma_semaphore, #tpu.memory_space<semaphore_mem>>) {add = true}
      %add3A_213 = arith.constant 1 : i32
      %add3A_214 = arith.addi %add3A_108, %add3A_213 : i32
      %lt3A_215 = arith.constant 125 : i32
      %lt3A_216 = arith.cmpi slt, %add3A_214, %lt3A_215 : i32
      %convert_element_type3A_217 = arith.extui %lt3A_216 : i1 to i32
      %cond3A_218 = arith.constant 0 : i32
      %cond3A_219 = arith.cmpi ne, %convert_element_type3A_217, %cond3A_218 : i32
      scf.if %cond3A_219 {
        %dma_wait3A_221 = arith.constant 0 : i32
        %dma_wait3A_222 = tpu.memref_slice %arg5[%dma_wait3A_221] : memref<320000xi32, #tpu.memory_space<hbm>> -> memref<80xi32, #tpu.memory_space<hbm>>
        %dma_wait3A_223 = arith.constant 0 : i32
        %dma_wait3A_224 = tpu.memref_slice %arg5[%dma_wait3A_223] : memref<320000xi32, #tpu.memory_space<hbm>> -> memref<80xi32, #tpu.memory_space<hbm>>
        tpu.wait_dma2 semaphore(%arg25 : memref<!tpu.dma_semaphore, #tpu.memory_space<semaphore_mem>>) src(%dma_wait3A_224 : memref<80xi32, #tpu.memory_space<hbm>>) dst(%arg11 : memref<80xi32, #tpu.memory_space<vmem>>)
        %dma_wait3A_225 = arith.constant 0 : i32
        %dma_wait3A_226 = tpu.memref_slice %arg6[%dma_wait3A_225] : memref<320000xi32, #tpu.memory_space<hbm>> -> memref<80xi32, #tpu.memory_space<hbm>>
        %dma_wait3A_227 = arith.constant 0 : i32
        %dma_wait3A_228 = tpu.memref_slice %arg6[%dma_wait3A_227] : memref<320000xi32, #tpu.memory_space<hbm>> -> memref<80xi32, #tpu.memory_space<hbm>>
        tpu.wait_dma2 semaphore(%arg25 : memref<!tpu.dma_semaphore, #tpu.memory_space<semaphore_mem>>) src(%dma_wait3A_228 : memref<80xi32, #tpu.memory_space<hbm>>) dst(%arg13 : memref<80xi32, #tpu.memory_space<vmem>>)
        %add3A_229 = arith.constant 1 : i32
        %add3A_230 = arith.addi %add3A_108, %add3A_229 : i32
        %mul3A_231 = arith.constant 10000 : i32
        %mul3A_232 = arith.muli %add3A, %mul3A_231 : i32
        %mul3A_233 = arith.constant 80 : i32
        %mul3A_234 = arith.muli %add3A_230, %mul3A_233 : i32
        %add3A_235 = arith.addi %mul3A_232, %mul3A_234 : i32
        %multiple_of3A_236 = tpu.assume_multiple %add3A_235, 8 : i32
        %dma_start3A_237 = arith.constant 0 : i32
        %dma_start3A_238 = arith.constant 0 : i32
        %dma_start3A_239 = tpu.memref_slice %arg2[%dma_start3A_237, %dma_start3A_238] : memref<10000x64xf32, #tpu.memory_space<hbm>> -> memref<10000x64xf32, #tpu.memory_space<hbm>>
        tpu.enqueue_indirect_dma source(%dma_start3A_239 : memref<10000x64xf32, #tpu.memory_space<hbm>>) target(%arg15 : memref<80x64xf32, #tpu.memory_space<vmem>>) offsets(%arg11 : memref<80xi32, #tpu.memory_space<vmem>>) semaphore(%arg27 : memref<!tpu.dma_semaphore, #tpu.memory_space<semaphore_mem>>)
        %dma_start3A_240 = arith.constant 0 : i32
        %dma_start3A_241 = arith.constant 0 : i32
        %dma_start3A_242 = tpu.memref_slice %arg3[%dma_start3A_240, %dma_start3A_241] : memref<10000x64xf32, #tpu.memory_space<hbm>> -> memref<10000x64xf32, #tpu.memory_space<hbm>>
        tpu.enqueue_indirect_dma source(%dma_start3A_242 : memref<10000x64xf32, #tpu.memory_space<hbm>>) target(%arg17 : memref<80x64xf32, #tpu.memory_space<vmem>>) offsets(%arg13 : memref<80xi32, #tpu.memory_space<vmem>>) semaphore(%arg29 : memref<!tpu.dma_semaphore, #tpu.memory_space<semaphore_mem>>)
        %dma_start3A_243 = arith.constant 0 : i32
        %dma_start3A_244 = tpu.memref_slice %arg4[%multiple_of3A_236, %dma_start3A_243] : memref<320000x64xf32, #tpu.memory_space<hbm>> -> memref<80x64xf32, #tpu.memory_space<hbm>>
        %dma_start3A_245 = arith.constant 0 : i32
        %dma_start3A_246 = tpu.memref_slice %arg4[%multiple_of3A_236, %dma_start3A_245] : memref<320000x64xf32, #tpu.memory_space<hbm>> -> memref<80x64xf32, #tpu.memory_space<hbm>>
        tpu.enqueue_dma source(%dma_start3A_246 : memref<80x64xf32, #tpu.memory_space<hbm>>) target(%arg19 : memref<80x64xf32, #tpu.memory_space<vmem>>) target_semaphore(%arg31 : memref<!tpu.dma_semaphore, #tpu.memory_space<semaphore_mem>>)
      } else {
      }
      %scan3A_220 = arith.constant 0 : i32
      scf.yield %scan3A_220 : i32
    }
    %scan3A_98 = arith.constant 62 : i32
    %dma_wait3A_99 = arith.constant 0 : i32
    %dma_wait3A_100 = arith.constant 0 : i32
    %dma_wait3A_101 = tpu.memref_slice %arg23[%dma_wait3A_99, %dma_wait3A_100] : memref<10112x80xf32, #tpu.memory_space<vmem_shared>> -> memref<10112x80xf32, #tpu.memory_space<vmem_shared>>
    tpu.wait_indirect_dma semaphore(%arg32 : memref<!tpu.dma_semaphore, #tpu.memory_space<semaphore_mem>>) src(%arg20 : memref<80x80xf32, #tpu.memory_space<vmem>>) dst(%dma_wait3A_101 : memref<10112x80xf32, #tpu.memory_space<vmem_shared>>)
    %barrier3A_102 = arith.constant 0 : index
    tpu.barrier barrier_id(%barrier3A_102)
    "tpu.region"() ({
      %run_scoped3A = tpu.sem_alloc : memref<!tpu.dma_semaphore, #tpu.memory_space<semaphore_mem>>
      %dma_start3A_103 = arith.constant 0 : i32
      %dma_start3A_104 = tpu.memref_slice %arg9[%arg0, %multiple_of3A, %dma_start3A_103] : memref<2x10112x80xf32, #tpu.memory_space<hbm>> -> memref<1x632x80xf32, #tpu.memory_space<hbm>>
      %dma_start3A_105 = tpu.memref_squeeze %dma_start3A_104 : memref<1x632x80xf32, #tpu.memory_space<hbm>> -> memref<632x80xf32, #tpu.memory_space<hbm>>
      %dma_start3A_106 = arith.constant 0 : i32
      %dma_start3A_107 = tpu.memref_slice %arg23[%multiple_of3A, %dma_start3A_106] : memref<10112x80xf32, #tpu.memory_space<vmem_shared>> -> memref<632x80xf32, #tpu.memory_space<vmem_shared>>
      tpu.enqueue_dma source(%dma_start3A_107 : memref<632x80xf32, #tpu.memory_space<vmem_shared>>) target(%dma_start3A_105 : memref<632x80xf32, #tpu.memory_space<hbm>>) target_semaphore(%run_scoped3A : memref<!tpu.dma_semaphore, #tpu.memory_space<semaphore_mem>>)
      %dma_wait3A_108 = arith.constant 0 : i32
      %dma_wait3A_109 = tpu.memref_slice %arg9[%arg0, %multiple_of3A, %dma_wait3A_108] : memref<2x10112x80xf32, #tpu.memory_space<hbm>> -> memref<1x632x80xf32, #tpu.memory_space<hbm>>
      %dma_wait3A_110 = tpu.memref_squeeze %dma_wait3A_109 : memref<1x632x80xf32, #tpu.memory_space<hbm>> -> memref<632x80xf32, #tpu.memory_space<hbm>>
      %dma_wait3A_111 = arith.constant 0 : i32
      %dma_wait3A_112 = tpu.memref_slice %arg23[%multiple_of3A, %dma_wait3A_111] : memref<10112x80xf32, #tpu.memory_space<vmem_shared>> -> memref<632x80xf32, #tpu.memory_space<vmem_shared>>
      tpu.wait_dma2 semaphore(%run_scoped3A : memref<!tpu.dma_semaphore, #tpu.memory_space<semaphore_mem>>) src(%dma_wait3A_112 : memref<632x80xf32, #tpu.memory_space<vmem_shared>>) dst(%dma_wait3A_110 : memref<632x80xf32, #tpu.memory_space<hbm>>)
      tpu.yield
    }) : () -> ()
    return
  }
}

#map = affine_map<(d0, d1) -> (0, 0)>
#map1 = affine_map<(d0, d1) -> (0)>
#map2 = affine_map<(d0, d1) -> (0, 0, 0)>
module attributes {stable_mosaic.version = 14 : i64} {
  func.func @k(%arg0: i32, %arg1: i32, %arg2: memref<10000x64xf32, #tpu.memory_space<hbm>>, %arg3: memref<10000x64xf32, #tpu.memory_space<hbm>>, %arg4: memref<320000x64xf32, #tpu.memory_space<hbm>>, %arg5: memref<320000xi32, #tpu.memory_space<hbm>>, %arg6: memref<320000xi32, #tpu.memory_space<hbm>>, %arg7: memref<64xf32, #tpu.memory_space<hbm>>, %arg8: memref<10112x80xf32, #tpu.memory_space<hbm>>, %arg9: memref<2x10112x80xf32, #tpu.memory_space<hbm>>, %arg10: memref<80xi32, #tpu.memory_space<vmem>>, %arg11: memref<80xi32, #tpu.memory_space<vmem>>, %arg12: memref<80xi32, #tpu.memory_space<vmem>>, %arg13: memref<80xi32, #tpu.memory_space<vmem>>, %arg14: memref<80x64xf32, #tpu.memory_space<vmem>>, %arg15: memref<80x64xf32, #tpu.memory_space<vmem>>, %arg16: memref<80x64xf32, #tpu.memory_space<vmem>>, %arg17: memref<80x64xf32, #tpu.memory_space<vmem>>, %arg18: memref<80x64xf32, #tpu.memory_space<vmem>>, %arg19: memref<80x64xf32, #tpu.memory_space<vmem>>, %arg20: memref<80x80xf32, #tpu.memory_space<vmem>>, %arg21: memref<80x80xf32, #tpu.memory_space<vmem>>, %arg22: memref<64xf32, #tpu.memory_space<vmem>>, %arg23: memref<10112x80xf32, #tpu.memory_space<vmem_shared>>, %arg24: memref<!tpu.dma_semaphore, #tpu.memory_space<semaphore_mem>>, %arg25: memref<!tpu.dma_semaphore, #tpu.memory_space<semaphore_mem>>, %arg26: memref<!tpu.dma_semaphore, #tpu.memory_space<semaphore_mem>>, %arg27: memref<!tpu.dma_semaphore, #tpu.memory_space<semaphore_mem>>, %arg28: memref<!tpu.dma_semaphore, #tpu.memory_space<semaphore_mem>>, %arg29: memref<!tpu.dma_semaphore, #tpu.memory_space<semaphore_mem>>, %arg30: memref<!tpu.dma_semaphore, #tpu.memory_space<semaphore_mem>>, %arg31: memref<!tpu.dma_semaphore, #tpu.memory_space<semaphore_mem>>, %arg32: memref<!tpu.dma_semaphore, #tpu.memory_space<semaphore_mem>>, %arg33: memref<!tpu.dma_semaphore, #tpu.memory_space<semaphore_mem>>) attributes {dimension_semantics = [#tpu.dimension_semantics<core_parallel>, #tpu.dimension_semantics<subcore_parallel>], iteration_bounds = array<i64: 2, 16>, scalar_prefetch = 0 : i64, scratch_operands = 24 : i64, tpu.core_type = #tpu.core_type<sc_vector_subcore>, window_params = [{transform_indices = #map}, {transform_indices = #map}, {transform_indices = #map}, {transform_indices = #map1}, {transform_indices = #map1}, {transform_indices = #map1}, {transform_indices = #map}, {transform_indices = #map2}]} {
    %mul3A = arith.constant 16 : i32
    %mul3A_0 = arith.muli %arg0, %mul3A : i32
    %add3A = arith.addi %mul3A_0, %arg1 : i32
    %mul3A_1 = arith.constant 632 : i32
    %mul3A_2 = arith.muli %arg1, %mul3A_1 : i32
    %multiple_of3A = tpu.assume_multiple %mul3A_2, 8 : i32
    "tpu.region"() ({
      %run_scoped3A = tpu.sem_alloc : memref<!tpu.dma_semaphore, #tpu.memory_space<semaphore_mem>>
      %dma_start3A_103 = arith.constant 0 : i32
      %dma_start3A_104 = tpu.memref_slice %arg23[%multiple_of3A, %dma_start3A_103] : memref<10112x80xf32, #tpu.memory_space<vmem_shared>> -> memref<632x80xf32, #tpu.memory_space<vmem_shared>>
      %dma_start3A_105 = arith.constant 0 : i32
      %dma_start3A_106 = tpu.memref_slice %arg8[%multiple_of3A, %dma_start3A_105] : memref<10112x80xf32, #tpu.memory_space<hbm>> -> memref<632x80xf32, #tpu.memory_space<hbm>>
      tpu.enqueue_dma source(%dma_start3A_106 : memref<632x80xf32, #tpu.memory_space<hbm>>) target(%dma_start3A_104 : memref<632x80xf32, #tpu.memory_space<vmem_shared>>) target_semaphore(%run_scoped3A : memref<!tpu.dma_semaphore, #tpu.memory_space<semaphore_mem>>)
      %dma_wait3A_107 = arith.constant 0 : i32
      %dma_wait3A_108 = tpu.memref_slice %arg23[%multiple_of3A, %dma_wait3A_107] : memref<10112x80xf32, #tpu.memory_space<vmem_shared>> -> memref<632x80xf32, #tpu.memory_space<vmem_shared>>
      %dma_wait3A_109 = arith.constant 0 : i32
      %dma_wait3A_110 = tpu.memref_slice %arg8[%multiple_of3A, %dma_wait3A_109] : memref<10112x80xf32, #tpu.memory_space<hbm>> -> memref<632x80xf32, #tpu.memory_space<hbm>>
      tpu.wait_dma2 semaphore(%run_scoped3A : memref<!tpu.dma_semaphore, #tpu.memory_space<semaphore_mem>>) src(%dma_wait3A_110 : memref<632x80xf32, #tpu.memory_space<hbm>>) dst(%dma_wait3A_108 : memref<632x80xf32, #tpu.memory_space<vmem_shared>>)
      tpu.yield
    }) : () -> ()
    "tpu.region"() ({
      %run_scoped3A = tpu.sem_alloc : memref<!tpu.dma_semaphore, #tpu.memory_space<semaphore_mem>>
      tpu.enqueue_dma source(%arg7 : memref<64xf32, #tpu.memory_space<hbm>>) target(%arg22 : memref<64xf32, #tpu.memory_space<vmem>>) target_semaphore(%run_scoped3A : memref<!tpu.dma_semaphore, #tpu.memory_space<semaphore_mem>>)
      tpu.wait_dma2 semaphore(%run_scoped3A : memref<!tpu.dma_semaphore, #tpu.memory_space<semaphore_mem>>) src(%arg7 : memref<64xf32, #tpu.memory_space<hbm>>) dst(%arg22 : memref<64xf32, #tpu.memory_space<vmem>>)
      tpu.yield
    }) : () -> ()
    %barrier3A = arith.constant 0 : index
    tpu.barrier barrier_id(%barrier3A)
    %iota3A = tpu.iota {dimensions = array<i32: 0>} : vector<16xi32>
    %broadcast_in_dim3A = arith.constant 0.000000e+00 : f32
    %broadcast_in_dim3A_3 = vector.broadcast %broadcast_in_dim3A : f32 to vector<16xf32>
    %eq3A = arith.constant 0 : i32
    %eq3A_4 = vector.broadcast %eq3A : i32 to vector<16xi32>
    %eq3A_5 = arith.cmpi eq, %iota3A, %eq3A_4 : vector<16xi32>
    %jit3A = arith.constant 1.000000e+00 : f32
    %jit3A_6 = arith.constant 0.000000e+00 : f32
    %broadcast_in_dim3A_7 = vector.broadcast %jit3A : f32 to vector<16xf32>
    %broadcast_in_dim3A_8 = vector.broadcast %jit3A_6 : f32 to vector<16xf32>
    %select_n3A = arith.select %eq3A_5, %broadcast_in_dim3A_7, %broadcast_in_dim3A_8 : vector<16xi1>, vector<16xf32>
    %mul3A_9 = arith.constant 10000 : i32
    %mul3A_10 = arith.muli %add3A, %mul3A_9 : i32
    %add3A_11 = arith.constant 0 : i32
    %add3A_12 = arith.addi %mul3A_10, %add3A_11 : i32
    %multiple_of3A_13 = tpu.assume_multiple %add3A_12, 8 : i32
    "tpu.region"() ({
      %run_scoped3A = tpu.sem_alloc : memref<!tpu.dma_semaphore, #tpu.memory_space<semaphore_mem>>
      %dma_start3A_103 = tpu.memref_slice %arg5[%multiple_of3A_13] : memref<320000xi32, #tpu.memory_space<hbm>> -> memref<80xi32, #tpu.memory_space<hbm>>
      %dma_start3A_104 = tpu.memref_slice %arg5[%multiple_of3A_13] : memref<320000xi32, #tpu.memory_space<hbm>> -> memref<80xi32, #tpu.memory_space<hbm>>
      tpu.enqueue_dma source(%dma_start3A_104 : memref<80xi32, #tpu.memory_space<hbm>>) target(%arg10 : memref<80xi32, #tpu.memory_space<vmem>>) target_semaphore(%run_scoped3A : memref<!tpu.dma_semaphore, #tpu.memory_space<semaphore_mem>>)
      %dma_wait3A_105 = tpu.memref_slice %arg5[%multiple_of3A_13] : memref<320000xi32, #tpu.memory_space<hbm>> -> memref<80xi32, #tpu.memory_space<hbm>>
      %dma_wait3A_106 = tpu.memref_slice %arg5[%multiple_of3A_13] : memref<320000xi32, #tpu.memory_space<hbm>> -> memref<80xi32, #tpu.memory_space<hbm>>
      tpu.wait_dma2 semaphore(%run_scoped3A : memref<!tpu.dma_semaphore, #tpu.memory_space<semaphore_mem>>) src(%dma_wait3A_106 : memref<80xi32, #tpu.memory_space<hbm>>) dst(%arg10 : memref<80xi32, #tpu.memory_space<vmem>>)
      tpu.yield
    }) : () -> ()
    %mul3A_14 = arith.constant 10000 : i32
    %mul3A_15 = arith.muli %add3A, %mul3A_14 : i32
    %add3A_16 = arith.constant 0 : i32
    %add3A_17 = arith.addi %mul3A_15, %add3A_16 : i32
    %multiple_of3A_18 = tpu.assume_multiple %add3A_17, 8 : i32
    "tpu.region"() ({
      %run_scoped3A = tpu.sem_alloc : memref<!tpu.dma_semaphore, #tpu.memory_space<semaphore_mem>>
      %dma_start3A_103 = tpu.memref_slice %arg6[%multiple_of3A_18] : memref<320000xi32, #tpu.memory_space<hbm>> -> memref<80xi32, #tpu.memory_space<hbm>>
      %dma_start3A_104 = tpu.memref_slice %arg6[%multiple_of3A_18] : memref<320000xi32, #tpu.memory_space<hbm>> -> memref<80xi32, #tpu.memory_space<hbm>>
      tpu.enqueue_dma source(%dma_start3A_104 : memref<80xi32, #tpu.memory_space<hbm>>) target(%arg12 : memref<80xi32, #tpu.memory_space<vmem>>) target_semaphore(%run_scoped3A : memref<!tpu.dma_semaphore, #tpu.memory_space<semaphore_mem>>)
      %dma_wait3A_105 = tpu.memref_slice %arg6[%multiple_of3A_18] : memref<320000xi32, #tpu.memory_space<hbm>> -> memref<80xi32, #tpu.memory_space<hbm>>
      %dma_wait3A_106 = tpu.memref_slice %arg6[%multiple_of3A_18] : memref<320000xi32, #tpu.memory_space<hbm>> -> memref<80xi32, #tpu.memory_space<hbm>>
      tpu.wait_dma2 semaphore(%run_scoped3A : memref<!tpu.dma_semaphore, #tpu.memory_space<semaphore_mem>>) src(%dma_wait3A_106 : memref<80xi32, #tpu.memory_space<hbm>>) dst(%arg12 : memref<80xi32, #tpu.memory_space<vmem>>)
      tpu.yield
    }) : () -> ()
    %mul3A_19 = arith.constant 10000 : i32
    %mul3A_20 = arith.muli %add3A, %mul3A_19 : i32
    %add3A_21 = arith.constant 0 : i32
    %add3A_22 = arith.addi %mul3A_20, %add3A_21 : i32
    %multiple_of3A_23 = tpu.assume_multiple %add3A_22, 8 : i32
    %dma_start3A = arith.constant 0 : i32
    %dma_start3A_24 = arith.constant 0 : i32
    %dma_start3A_25 = tpu.memref_slice %arg2[%dma_start3A, %dma_start3A_24] : memref<10000x64xf32, #tpu.memory_space<hbm>> -> memref<10000x64xf32, #tpu.memory_space<hbm>>
    tpu.enqueue_indirect_dma source(%dma_start3A_25 : memref<10000x64xf32, #tpu.memory_space<hbm>>) target(%arg14 : memref<80x64xf32, #tpu.memory_space<vmem>>) offsets(%arg10 : memref<80xi32, #tpu.memory_space<vmem>>) semaphore(%arg26 : memref<!tpu.dma_semaphore, #tpu.memory_space<semaphore_mem>>)
    %dma_start3A_26 = arith.constant 0 : i32
    %dma_start3A_27 = arith.constant 0 : i32
    %dma_start3A_28 = tpu.memref_slice %arg3[%dma_start3A_26, %dma_start3A_27] : memref<10000x64xf32, #tpu.memory_space<hbm>> -> memref<10000x64xf32, #tpu.memory_space<hbm>>
    tpu.enqueue_indirect_dma source(%dma_start3A_28 : memref<10000x64xf32, #tpu.memory_space<hbm>>) target(%arg16 : memref<80x64xf32, #tpu.memory_space<vmem>>) offsets(%arg12 : memref<80xi32, #tpu.memory_space<vmem>>) semaphore(%arg28 : memref<!tpu.dma_semaphore, #tpu.memory_space<semaphore_mem>>)
    %dma_start3A_29 = arith.constant 0 : i32
    %dma_start3A_30 = tpu.memref_slice %arg4[%multiple_of3A_23, %dma_start3A_29] : memref<320000x64xf32, #tpu.memory_space<hbm>> -> memref<80x64xf32, #tpu.memory_space<hbm>>
    %dma_start3A_31 = arith.constant 0 : i32
    %dma_start3A_32 = tpu.memref_slice %arg4[%multiple_of3A_23, %dma_start3A_31] : memref<320000x64xf32, #tpu.memory_space<hbm>> -> memref<80x64xf32, #tpu.memory_space<hbm>>
    tpu.enqueue_dma source(%dma_start3A_32 : memref<80x64xf32, #tpu.memory_space<hbm>>) target(%arg18 : memref<80x64xf32, #tpu.memory_space<vmem>>) target_semaphore(%arg30 : memref<!tpu.dma_semaphore, #tpu.memory_space<semaphore_mem>>)
    %mul3A_33 = arith.constant 10000 : i32
    %mul3A_34 = arith.muli %add3A, %mul3A_33 : i32
    %add3A_35 = arith.constant 80 : i32
    %add3A_36 = arith.addi %mul3A_34, %add3A_35 : i32
    %multiple_of3A_37 = tpu.assume_multiple %add3A_36, 8 : i32
    %dma_start3A_38 = tpu.memref_slice %arg5[%multiple_of3A_37] : memref<320000xi32, #tpu.memory_space<hbm>> -> memref<80xi32, #tpu.memory_space<hbm>>
    %dma_start3A_39 = tpu.memref_slice %arg5[%multiple_of3A_37] : memref<320000xi32, #tpu.memory_space<hbm>> -> memref<80xi32, #tpu.memory_space<hbm>>
    tpu.enqueue_dma source(%dma_start3A_39 : memref<80xi32, #tpu.memory_space<hbm>>) target(%arg11 : memref<80xi32, #tpu.memory_space<vmem>>) target_semaphore(%arg25 : memref<!tpu.dma_semaphore, #tpu.memory_space<semaphore_mem>>)
    %dma_start3A_40 = tpu.memref_slice %arg6[%multiple_of3A_37] : memref<320000xi32, #tpu.memory_space<hbm>> -> memref<80xi32, #tpu.memory_space<hbm>>
    %dma_start3A_41 = tpu.memref_slice %arg6[%multiple_of3A_37] : memref<320000xi32, #tpu.memory_space<hbm>> -> memref<80xi32, #tpu.memory_space<hbm>>
    tpu.enqueue_dma source(%dma_start3A_41 : memref<80xi32, #tpu.memory_space<hbm>>) target(%arg13 : memref<80xi32, #tpu.memory_space<vmem>>) target_semaphore(%arg25 : memref<!tpu.dma_semaphore, #tpu.memory_space<semaphore_mem>>)
    %dma_wait3A = arith.constant 0 : i32
    %dma_wait3A_42 = arith.constant 0 : i32
    %dma_wait3A_43 = tpu.memref_slice %arg2[%dma_wait3A, %dma_wait3A_42] : memref<10000x64xf32, #tpu.memory_space<hbm>> -> memref<10000x64xf32, #tpu.memory_space<hbm>>
    tpu.wait_indirect_dma semaphore(%arg26 : memref<!tpu.dma_semaphore, #tpu.memory_space<semaphore_mem>>) src(%dma_wait3A_43 : memref<10000x64xf32, #tpu.memory_space<hbm>>) dst(%arg14 : memref<80x64xf32, #tpu.memory_space<vmem>>)
    %dma_wait3A_44 = arith.constant 0 : i32
    %dma_wait3A_45 = arith.constant 0 : i32
    %dma_wait3A_46 = tpu.memref_slice %arg3[%dma_wait3A_44, %dma_wait3A_45] : memref<10000x64xf32, #tpu.memory_space<hbm>> -> memref<10000x64xf32, #tpu.memory_space<hbm>>
    tpu.wait_indirect_dma semaphore(%arg28 : memref<!tpu.dma_semaphore, #tpu.memory_space<semaphore_mem>>) src(%dma_wait3A_46 : memref<10000x64xf32, #tpu.memory_space<hbm>>) dst(%arg16 : memref<80x64xf32, #tpu.memory_space<vmem>>)
    %dma_wait3A_47 = arith.constant 0 : i32
    %dma_wait3A_48 = arith.constant 0 : i32
    %dma_wait3A_49 = tpu.memref_slice %arg4[%dma_wait3A_47, %dma_wait3A_48] : memref<320000x64xf32, #tpu.memory_space<hbm>> -> memref<80x64xf32, #tpu.memory_space<hbm>>
    %dma_wait3A_50 = arith.constant 0 : i32
    %dma_wait3A_51 = arith.constant 0 : i32
    %dma_wait3A_52 = tpu.memref_slice %arg4[%dma_wait3A_50, %dma_wait3A_51] : memref<320000x64xf32, #tpu.memory_space<hbm>> -> memref<80x64xf32, #tpu.memory_space<hbm>>
    tpu.wait_dma2 semaphore(%arg30 : memref<!tpu.dma_semaphore, #tpu.memory_space<semaphore_mem>>) src(%dma_wait3A_52 : memref<80x64xf32, #tpu.memory_space<hbm>>) dst(%arg18 : memref<80x64xf32, #tpu.memory_space<vmem>>)
    %get3A = arith.constant 0 : index
    %get3A_53 = tpu.vector_load %arg22[%get3A] {strides = array<i32>} : memref<64xf32, #tpu.memory_space<vmem>>, vector<16xf32>,
    %get3A_54 = arith.constant 16 : index
    %get3A_55 = tpu.vector_load %arg22[%get3A_54] {strides = array<i32>} : memref<64xf32, #tpu.memory_space<vmem>>, vector<16xf32>,
    %get3A_56 = arith.constant 32 : index
    %get3A_57 = tpu.vector_load %arg22[%get3A_56] {strides = array<i32>} : memref<64xf32, #tpu.memory_space<vmem>>, vector<16xf32>,
    %get3A_58 = arith.constant 48 : index
    %get3A_59 = tpu.vector_load %arg22[%get3A_58] {strides = array<i32>} : memref<64xf32, #tpu.memory_space<vmem>>, vector<16xf32>,
    %scan3A = arith.constant 0 : i32
    %scan3A_60 = arith.constant 0 : i32
    %scan3A_61 = arith.constant 20 : i32
    %scan3A_62 = arith.addi %scan3A_60, %scan3A_61 : i32
    %scan3A_63 = arith.constant 1 : i32
    %scan3A_64 = scf.for %scan3A_103 = %scan3A_60 to %scan3A_62 step %scan3A_63 iter_args(%scan3A_104 = %scan3A) -> (i32)  : i32 {
      %mul3A_105 = arith.constant 4 : i32
      %mul3A_106 = arith.muli %scan3A_103, %mul3A_105 : i32
      %add3A_107 = arith.constant 0 : i32
      %add3A_108 = arith.addi %mul3A_106, %add3A_107 : i32
      %get3A_109 = arith.index_cast %add3A_108 : i32 to index
      %get3A_110 = arith.constant 0 : index
      %get3A_111 = tpu.vector_load %arg14[%get3A_109, %get3A_110] {strides = array<i32>} : memref<80x64xf32, #tpu.memory_space<vmem>>, vector<16xf32>,
      %get3A_112 = arith.index_cast %add3A_108 : i32 to index
      %get3A_113 = arith.constant 16 : index
      %get3A_114 = tpu.vector_load %arg14[%get3A_112, %get3A_113] {strides = array<i32>} : memref<80x64xf32, #tpu.memory_space<vmem>>, vector<16xf32>,
      %get3A_115 = arith.index_cast %add3A_108 : i32 to index
      %get3A_116 = arith.constant 32 : index
      %get3A_117 = tpu.vector_load %arg14[%get3A_115, %get3A_116] {strides = array<i32>} : memref<80x64xf32, #tpu.memory_space<vmem>>, vector<16xf32>,
      %get3A_118 = arith.index_cast %add3A_108 : i32 to index
      %get3A_119 = arith.constant 48 : index
      %get3A_120 = tpu.vector_load %arg14[%get3A_118, %get3A_119] {strides = array<i32>} : memref<80x64xf32, #tpu.memory_space<vmem>>, vector<16xf32>,
      %get3A_121 = arith.index_cast %add3A_108 : i32 to index
      %get3A_122 = arith.constant 0 : index
      %get3A_123 = tpu.vector_load %arg16[%get3A_121, %get3A_122] {strides = array<i32>} : memref<80x64xf32, #tpu.memory_space<vmem>>, vector<16xf32>,
      %add3A_124 = arith.addf %get3A_111, %get3A_123 : vector<16xf32>
      %get3A_125 = arith.index_cast %add3A_108 : i32 to index
      %get3A_126 = arith.constant 0 : index
      %get3A_127 = tpu.vector_load %arg18[%get3A_125, %get3A_126] {strides = array<i32>} : memref<80x64xf32, #tpu.memory_space<vmem>>, vector<16xf32>,
      %add3A_128 = arith.addf %add3A_124, %get3A_127 : vector<16xf32>
      %gt3A = arith.constant 0.000000e+00 : f32
      %gt3A_129 = vector.broadcast %gt3A : f32 to vector<16xf32>
      %gt3A_130 = arith.cmpf ogt, %add3A_128, %gt3A_129 : vector<16xf32>
      %mul3A_131 = arith.constant 2.000000e-01 : f32
      %mul3A_132 = vector.broadcast %mul3A_131 : f32 to vector<16xf32>
      %mul3A_133 = arith.mulf %mul3A_132, %add3A_128 : vector<16xf32>
      %select_n3A_134 = arith.select %gt3A_130, %add3A_128, %mul3A_133 : vector<16xi1>, vector<16xf32>
      %mul3A_135 = arith.mulf %select_n3A_134, %get3A_53 : vector<16xf32>
      %add3A_136 = arith.addf %broadcast_in_dim3A_3, %mul3A_135 : vector<16xf32>
      %get3A_137 = arith.index_cast %add3A_108 : i32 to index
      %get3A_138 = arith.constant 16 : index
      %get3A_139 = tpu.vector_load %arg16[%get3A_137, %get3A_138] {strides = array<i32>} : memref<80x64xf32, #tpu.memory_space<vmem>>, vector<16xf32>,
      %add3A_140 = arith.addf %get3A_114, %get3A_139 : vector<16xf32>
      %get3A_141 = arith.index_cast %add3A_108 : i32 to index
      %get3A_142 = arith.constant 16 : index
      %get3A_143 = tpu.vector_load %arg18[%get3A_141, %get3A_142] {strides = array<i32>} : memref<80x64xf32, #tpu.memory_space<vmem>>, vector<16xf32>,
      %add3A_144 = arith.addf %add3A_140, %get3A_143 : vector<16xf32>
      %gt3A_145 = arith.constant 0.000000e+00 : f32
      %gt3A_146 = vector.broadcast %gt3A_145 : f32 to vector<16xf32>
      %gt3A_147 = arith.cmpf ogt, %add3A_144, %gt3A_146 : vector<16xf32>
      %mul3A_148 = arith.constant 2.000000e-01 : f32
      %mul3A_149 = vector.broadcast %mul3A_148 : f32 to vector<16xf32>
      %mul3A_150 = arith.mulf %mul3A_149, %add3A_144 : vector<16xf32>
      %select_n3A_151 = arith.select %gt3A_147, %add3A_144, %mul3A_150 : vector<16xi1>, vector<16xf32>
      %mul3A_152 = arith.mulf %select_n3A_151, %get3A_55 : vector<16xf32>
      %add3A_153 = arith.addf %add3A_136, %mul3A_152 : vector<16xf32>
      %get3A_154 = arith.index_cast %add3A_108 : i32 to index
      %get3A_155 = arith.constant 32 : index
      %get3A_156 = tpu.vector_load %arg16[%get3A_154, %get3A_155] {strides = array<i32>} : memref<80x64xf32, #tpu.memory_space<vmem>>, vector<16xf32>,
      %add3A_157 = arith.addf %get3A_117, %get3A_156 : vector<16xf32>
      %get3A_158 = arith.index_cast %add3A_108 : i32 to index
      %get3A_159 = arith.constant 32 : index
      %get3A_160 = tpu.vector_load %arg18[%get3A_158, %get3A_159] {strides = array<i32>} : memref<80x64xf32, #tpu.memory_space<vmem>>, vector<16xf32>,
      %add3A_161 = arith.addf %add3A_157, %get3A_160 : vector<16xf32>
      %gt3A_162 = arith.constant 0.000000e+00 : f32
      %gt3A_163 = vector.broadcast %gt3A_162 : f32 to vector<16xf32>
      %gt3A_164 = arith.cmpf ogt, %add3A_161, %gt3A_163 : vector<16xf32>
      %mul3A_165 = arith.constant 2.000000e-01 : f32
      %mul3A_166 = vector.broadcast %mul3A_165 : f32 to vector<16xf32>
      %mul3A_167 = arith.mulf %mul3A_166, %add3A_161 : vector<16xf32>
      %select_n3A_168 = arith.select %gt3A_164, %add3A_161, %mul3A_167 : vector<16xi1>, vector<16xf32>
      %mul3A_169 = arith.mulf %select_n3A_168, %get3A_57 : vector<16xf32>
      %add3A_170 = arith.addf %add3A_153, %mul3A_169 : vector<16xf32>
      %get3A_171 = arith.index_cast %add3A_108 : i32 to index
      %get3A_172 = arith.constant 48 : index
      %get3A_173 = tpu.vector_load %arg16[%get3A_171, %get3A_172] {strides = array<i32>} : memref<80x64xf32, #tpu.memory_space<vmem>>, vector<16xf32>,
      %add3A_174 = arith.addf %get3A_120, %get3A_173 : vector<16xf32>
      %get3A_175 = arith.index_cast %add3A_108 : i32 to index
      %get3A_176 = arith.constant 48 : index
      %get3A_177 = tpu.vector_load %arg18[%get3A_175, %get3A_176] {strides = array<i32>} : memref<80x64xf32, #tpu.memory_space<vmem>>, vector<16xf32>,
      %add3A_178 = arith.addf %add3A_174, %get3A_177 : vector<16xf32>
      %gt3A_179 = arith.constant 0.000000e+00 : f32
      %gt3A_180 = vector.broadcast %gt3A_179 : f32 to vector<16xf32>
      %gt3A_181 = arith.cmpf ogt, %add3A_178, %gt3A_180 : vector<16xf32>
      %mul3A_182 = arith.constant 2.000000e-01 : f32
      %mul3A_183 = vector.broadcast %mul3A_182 : f32 to vector<16xf32>
      %mul3A_184 = arith.mulf %mul3A_183, %add3A_178 : vector<16xf32>
      %select_n3A_185 = arith.select %gt3A_181, %add3A_178, %mul3A_184 : vector<16xi1>, vector<16xf32>
      %mul3A_186 = arith.mulf %select_n3A_185, %get3A_59 : vector<16xf32>
      %add3A_187 = arith.addf %add3A_170, %mul3A_186 : vector<16xf32>
      %reduce_sum3A = arith.constant true
      %reduce_sum3A_188 = vector.broadcast %reduce_sum3A : i1 to vector<16xi1>
      %reduce_sum3A_189 = tpu.scan <sum>, %add3A_187 masked %reduce_sum3A_188 : vector<16xf32>, vector<16xi1> -> vector<16xf32>
      %reduce_sum3A_190 = vector.extract %reduce_sum3A_189[15] : f32 from vector<16xf32>
      %broadcast_in_dim3A_191 = vector.broadcast %reduce_sum3A_190 : f32 to vector<16xf32>
      %exp3A = math.exp %broadcast_in_dim3A_191 : vector<16xf32>
      %mul3A_192 = arith.mulf %get3A_111, %exp3A : vector<16xf32>
      %swap3A = arith.index_cast %add3A_108 : i32 to index
      %swap3A_193 = arith.constant 0 : index
      %swap3A_194 = tpu.vector_load %arg20[%swap3A, %swap3A_193] {strides = array<i32>} : memref<80x80xf32, #tpu.memory_space<vmem>>, vector<16xf32>,
      tpu.vector_store %arg20[%swap3A, %swap3A_193], %mul3A_192 {strides = array<i32>} : memref<80x80xf32, #tpu.memory_space<vmem>>, vector<16xf32>,
      %mul3A_195 = arith.mulf %get3A_114, %exp3A : vector<16xf32>
      %swap3A_196 = arith.index_cast %add3A_108 : i32 to index
      %swap3A_197 = arith.constant 16 : index
      %swap3A_198 = tpu.vector_load %arg20[%swap3A_196, %swap3A_197] {strides = array<i32>} : memref<80x80xf32, #tpu.memory_space<vmem>>, vector<16xf32>,
      tpu.vector_store %arg20[%swap3A_196, %swap3A_197], %mul3A_195 {strides = array<i32>} : memref<80x80xf32, #tpu.memory_space<vmem>>, vector<16xf32>,
      %mul3A_199 = arith.mulf %get3A_117, %exp3A : vector<16xf32>
      %swap3A_200 = arith.index_cast %add3A_108 : i32 to index
      %swap3A_201 = arith.constant 32 : index
      %swap3A_202 = tpu.vector_load %arg20[%swap3A_200, %swap3A_201] {strides = array<i32>} : memref<80x80xf32, #tpu.memory_space<vmem>>, vector<16xf32>,
      tpu.vector_store %arg20[%swap3A_200, %swap3A_201], %mul3A_199 {strides = array<i32>} : memref<80x80xf32, #tpu.memory_space<vmem>>, vector<16xf32>,
      %mul3A_203 = arith.mulf %get3A_120, %exp3A : vector<16xf32>
      %swap3A_204 = arith.index_cast %add3A_108 : i32 to index
      %swap3A_205 = arith.constant 48 : index
      %swap3A_206 = tpu.vector_load %arg20[%swap3A_204, %swap3A_205] {strides = array<i32>} : memref<80x80xf32, #tpu.memory_space<vmem>>, vector<16xf32>,
      tpu.vector_store %arg20[%swap3A_204, %swap3A_205], %mul3A_203 {strides = array<i32>} : memref<80x80xf32, #tpu.memory_space<vmem>>, vector<16xf32>,
      %mul3A_207 = arith.mulf %exp3A, %select_n3A : vector<16xf32>
      %swap3A_208 = arith.index_cast %add3A_108 : i32 to index
      %swap3A_209 = arith.constant 64 : index
      %swap3A_210 = tpu.vector_load %arg20[%swap3A_208, %swap3A_209] {strides = array<i32>} : memref<80x80xf32, #tpu.memory_space<vmem>>, vector<16xf32>,
      tpu.vector_store %arg20[%swap3A_208, %swap3A_209], %mul3A_207 {strides = array<i32>} : memref<80x80xf32, #tpu.memory_space<vmem>>, vector<16xf32>,
      %mul3A_211 = arith.constant 4 : i32
      %mul3A_212 = arith.muli %scan3A_103, %mul3A_211 : i32
      %add3A_213 = arith.constant 1 : i32
      %add3A_214 = arith.addi %mul3A_212, %add3A_213 : i32
      %get3A_215 = arith.index_cast %add3A_214 : i32 to index
      %get3A_216 = arith.constant 0 : index
      %get3A_217 = tpu.vector_load %arg14[%get3A_215, %get3A_216] {strides = array<i32>} : memref<80x64xf32, #tpu.memory_space<vmem>>, vector<16xf32>,
      %get3A_218 = arith.index_cast %add3A_214 : i32 to index
      %get3A_219 = arith.constant 16 : index
      %get3A_220 = tpu.vector_load %arg14[%get3A_218, %get3A_219] {strides = array<i32>} : memref<80x64xf32, #tpu.memory_space<vmem>>, vector<16xf32>,
      %get3A_221 = arith.index_cast %add3A_214 : i32 to index
      %get3A_222 = arith.constant 32 : index
      %get3A_223 = tpu.vector_load %arg14[%get3A_221, %get3A_222] {strides = array<i32>} : memref<80x64xf32, #tpu.memory_space<vmem>>, vector<16xf32>,
      %get3A_224 = arith.index_cast %add3A_214 : i32 to index
      %get3A_225 = arith.constant 48 : index
      %get3A_226 = tpu.vector_load %arg14[%get3A_224, %get3A_225] {strides = array<i32>} : memref<80x64xf32, #tpu.memory_space<vmem>>, vector<16xf32>,
      %get3A_227 = arith.index_cast %add3A_214 : i32 to index
      %get3A_228 = arith.constant 0 : index
      %get3A_229 = tpu.vector_load %arg16[%get3A_227, %get3A_228] {strides = array<i32>} : memref<80x64xf32, #tpu.memory_space<vmem>>, vector<16xf32>,
      %add3A_230 = arith.addf %get3A_217, %get3A_229 : vector<16xf32>
      %get3A_231 = arith.index_cast %add3A_214 : i32 to index
      %get3A_232 = arith.constant 0 : index
      %get3A_233 = tpu.vector_load %arg18[%get3A_231, %get3A_232] {strides = array<i32>} : memref<80x64xf32, #tpu.memory_space<vmem>>, vector<16xf32>,
      %add3A_234 = arith.addf %add3A_230, %get3A_233 : vector<16xf32>
      %gt3A_235 = arith.constant 0.000000e+00 : f32
      %gt3A_236 = vector.broadcast %gt3A_235 : f32 to vector<16xf32>
      %gt3A_237 = arith.cmpf ogt, %add3A_234, %gt3A_236 : vector<16xf32>
      %mul3A_238 = arith.constant 2.000000e-01 : f32
      %mul3A_239 = vector.broadcast %mul3A_238 : f32 to vector<16xf32>
      %mul3A_240 = arith.mulf %mul3A_239, %add3A_234 : vector<16xf32>
      %select_n3A_241 = arith.select %gt3A_237, %add3A_234, %mul3A_240 : vector<16xi1>, vector<16xf32>
      %mul3A_242 = arith.mulf %select_n3A_241, %get3A_53 : vector<16xf32>
      %add3A_243 = arith.addf %broadcast_in_dim3A_3, %mul3A_242 : vector<16xf32>
      %get3A_244 = arith.index_cast %add3A_214 : i32 to index
      %get3A_245 = arith.constant 16 : index
      %get3A_246 = tpu.vector_load %arg16[%get3A_244, %get3A_245] {strides = array<i32>} : memref<80x64xf32, #tpu.memory_space<vmem>>, vector<16xf32>,
      %add3A_247 = arith.addf %get3A_220, %get3A_246 : vector<16xf32>
      %get3A_248 = arith.index_cast %add3A_214 : i32 to index
      %get3A_249 = arith.constant 16 : index
      %get3A_250 = tpu.vector_load %arg18[%get3A_248, %get3A_249] {strides = array<i32>} : memref<80x64xf32, #tpu.memory_space<vmem>>, vector<16xf32>,
      %add3A_251 = arith.addf %add3A_247, %get3A_250 : vector<16xf32>
      %gt3A_252 = arith.constant 0.000000e+00 : f32
      %gt3A_253 = vector.broadcast %gt3A_252 : f32 to vector<16xf32>
      %gt3A_254 = arith.cmpf ogt, %add3A_251, %gt3A_253 : vector<16xf32>
      %mul3A_255 = arith.constant 2.000000e-01 : f32
      %mul3A_256 = vector.broadcast %mul3A_255 : f32 to vector<16xf32>
      %mul3A_257 = arith.mulf %mul3A_256, %add3A_251 : vector<16xf32>
      %select_n3A_258 = arith.select %gt3A_254, %add3A_251, %mul3A_257 : vector<16xi1>, vector<16xf32>
      %mul3A_259 = arith.mulf %select_n3A_258, %get3A_55 : vector<16xf32>
      %add3A_260 = arith.addf %add3A_243, %mul3A_259 : vector<16xf32>
      %get3A_261 = arith.index_cast %add3A_214 : i32 to index
      %get3A_262 = arith.constant 32 : index
      %get3A_263 = tpu.vector_load %arg16[%get3A_261, %get3A_262] {strides = array<i32>} : memref<80x64xf32, #tpu.memory_space<vmem>>, vector<16xf32>,
      %add3A_264 = arith.addf %get3A_223, %get3A_263 : vector<16xf32>
      %get3A_265 = arith.index_cast %add3A_214 : i32 to index
      %get3A_266 = arith.constant 32 : index
      %get3A_267 = tpu.vector_load %arg18[%get3A_265, %get3A_266] {strides = array<i32>} : memref<80x64xf32, #tpu.memory_space<vmem>>, vector<16xf32>,
      %add3A_268 = arith.addf %add3A_264, %get3A_267 : vector<16xf32>
      %gt3A_269 = arith.constant 0.000000e+00 : f32
      %gt3A_270 = vector.broadcast %gt3A_269 : f32 to vector<16xf32>
      %gt3A_271 = arith.cmpf ogt, %add3A_268, %gt3A_270 : vector<16xf32>
      %mul3A_272 = arith.constant 2.000000e-01 : f32
      %mul3A_273 = vector.broadcast %mul3A_272 : f32 to vector<16xf32>
      %mul3A_274 = arith.mulf %mul3A_273, %add3A_268 : vector<16xf32>
      %select_n3A_275 = arith.select %gt3A_271, %add3A_268, %mul3A_274 : vector<16xi1>, vector<16xf32>
      %mul3A_276 = arith.mulf %select_n3A_275, %get3A_57 : vector<16xf32>
      %add3A_277 = arith.addf %add3A_260, %mul3A_276 : vector<16xf32>
      %get3A_278 = arith.index_cast %add3A_214 : i32 to index
      %get3A_279 = arith.constant 48 : index
      %get3A_280 = tpu.vector_load %arg16[%get3A_278, %get3A_279] {strides = array<i32>} : memref<80x64xf32, #tpu.memory_space<vmem>>, vector<16xf32>,
      %add3A_281 = arith.addf %get3A_226, %get3A_280 : vector<16xf32>
      %get3A_282 = arith.index_cast %add3A_214 : i32 to index
      %get3A_283 = arith.constant 48 : index
      %get3A_284 = tpu.vector_load %arg18[%get3A_282, %get3A_283] {strides = array<i32>} : memref<80x64xf32, #tpu.memory_space<vmem>>, vector<16xf32>,
      %add3A_285 = arith.addf %add3A_281, %get3A_284 : vector<16xf32>
      %gt3A_286 = arith.constant 0.000000e+00 : f32
      %gt3A_287 = vector.broadcast %gt3A_286 : f32 to vector<16xf32>
      %gt3A_288 = arith.cmpf ogt, %add3A_285, %gt3A_287 : vector<16xf32>
      %mul3A_289 = arith.constant 2.000000e-01 : f32
      %mul3A_290 = vector.broadcast %mul3A_289 : f32 to vector<16xf32>
      %mul3A_291 = arith.mulf %mul3A_290, %add3A_285 : vector<16xf32>
      %select_n3A_292 = arith.select %gt3A_288, %add3A_285, %mul3A_291 : vector<16xi1>, vector<16xf32>
      %mul3A_293 = arith.mulf %select_n3A_292, %get3A_59 : vector<16xf32>
      %add3A_294 = arith.addf %add3A_277, %mul3A_293 : vector<16xf32>
      %reduce_sum3A_295 = arith.constant true
      %reduce_sum3A_296 = vector.broadcast %reduce_sum3A_295 : i1 to vector<16xi1>
      %reduce_sum3A_297 = tpu.scan <sum>, %add3A_294 masked %reduce_sum3A_296 : vector<16xf32>, vector<16xi1> -> vector<16xf32>
      %reduce_sum3A_298 = vector.extract %reduce_sum3A_297[15] : f32 from vector<16xf32>
      %broadcast_in_dim3A_299 = vector.broadcast %reduce_sum3A_298 : f32 to vector<16xf32>
      %exp3A_300 = math.exp %broadcast_in_dim3A_299 : vector<16xf32>
      %mul3A_301 = arith.mulf %get3A_217, %exp3A_300 : vector<16xf32>
      %swap3A_302 = arith.index_cast %add3A_214 : i32 to index
      %swap3A_303 = arith.constant 0 : index
      %swap3A_304 = tpu.vector_load %arg20[%swap3A_302, %swap3A_303] {strides = array<i32>} : memref<80x80xf32, #tpu.memory_space<vmem>>, vector<16xf32>,
      tpu.vector_store %arg20[%swap3A_302, %swap3A_303], %mul3A_301 {strides = array<i32>} : memref<80x80xf32, #tpu.memory_space<vmem>>, vector<16xf32>,
      %mul3A_305 = arith.mulf %get3A_220, %exp3A_300 : vector<16xf32>
      %swap3A_306 = arith.index_cast %add3A_214 : i32 to index
      %swap3A_307 = arith.constant 16 : index
      %swap3A_308 = tpu.vector_load %arg20[%swap3A_306, %swap3A_307] {strides = array<i32>} : memref<80x80xf32, #tpu.memory_space<vmem>>, vector<16xf32>,
      tpu.vector_store %arg20[%swap3A_306, %swap3A_307], %mul3A_305 {strides = array<i32>} : memref<80x80xf32, #tpu.memory_space<vmem>>, vector<16xf32>,
      %mul3A_309 = arith.mulf %get3A_223, %exp3A_300 : vector<16xf32>
      %swap3A_310 = arith.index_cast %add3A_214 : i32 to index
      %swap3A_311 = arith.constant 32 : index
      %swap3A_312 = tpu.vector_load %arg20[%swap3A_310, %swap3A_311] {strides = array<i32>} : memref<80x80xf32, #tpu.memory_space<vmem>>, vector<16xf32>,
      tpu.vector_store %arg20[%swap3A_310, %swap3A_311], %mul3A_309 {strides = array<i32>} : memref<80x80xf32, #tpu.memory_space<vmem>>, vector<16xf32>,
      %mul3A_313 = arith.mulf %get3A_226, %exp3A_300 : vector<16xf32>
      %swap3A_314 = arith.index_cast %add3A_214 : i32 to index
      %swap3A_315 = arith.constant 48 : index
      %swap3A_316 = tpu.vector_load %arg20[%swap3A_314, %swap3A_315] {strides = array<i32>} : memref<80x80xf32, #tpu.memory_space<vmem>>, vector<16xf32>,
      tpu.vector_store %arg20[%swap3A_314, %swap3A_315], %mul3A_313 {strides = array<i32>} : memref<80x80xf32, #tpu.memory_space<vmem>>, vector<16xf32>,
      %mul3A_317 = arith.mulf %exp3A_300, %select_n3A : vector<16xf32>
      %swap3A_318 = arith.index_cast %add3A_214 : i32 to index
      %swap3A_319 = arith.constant 64 : index
      %swap3A_320 = tpu.vector_load %arg20[%swap3A_318, %swap3A_319] {strides = array<i32>} : memref<80x80xf32, #tpu.memory_space<vmem>>, vector<16xf32>,
      tpu.vector_store %arg20[%swap3A_318, %swap3A_319], %mul3A_317 {strides = array<i32>} : memref<80x80xf32, #tpu.memory_space<vmem>>, vector<16xf32>,
      %mul3A_321 = arith.constant 4 : i32
      %mul3A_322 = arith.muli %scan3A_103, %mul3A_321 : i32
      %add3A_323 = arith.constant 2 : i32
      %add3A_324 = arith.addi %mul3A_322, %add3A_323 : i32
      %get3A_325 = arith.index_cast %add3A_324 : i32 to index
      %get3A_326 = arith.constant 0 : index
      %get3A_327 = tpu.vector_load %arg14[%get3A_325, %get3A_326] {strides = array<i32>} : memref<80x64xf32, #tpu.memory_space<vmem>>, vector<16xf32>,
      %get3A_328 = arith.index_cast %add3A_324 : i32 to index
      %get3A_329 = arith.constant 16 : index
      %get3A_330 = tpu.vector_load %arg14[%get3A_328, %get3A_329] {strides = array<i32>} : memref<80x64xf32, #tpu.memory_space<vmem>>, vector<16xf32>,
      %get3A_331 = arith.index_cast %add3A_324 : i32 to index
      %get3A_332 = arith.constant 32 : index
      %get3A_333 = tpu.vector_load %arg14[%get3A_331, %get3A_332] {strides = array<i32>} : memref<80x64xf32, #tpu.memory_space<vmem>>, vector<16xf32>,
      %get3A_334 = arith.index_cast %add3A_324 : i32 to index
      %get3A_335 = arith.constant 48 : index
      %get3A_336 = tpu.vector_load %arg14[%get3A_334, %get3A_335] {strides = array<i32>} : memref<80x64xf32, #tpu.memory_space<vmem>>, vector<16xf32>,
      %get3A_337 = arith.index_cast %add3A_324 : i32 to index
      %get3A_338 = arith.constant 0 : index
      %get3A_339 = tpu.vector_load %arg16[%get3A_337, %get3A_338] {strides = array<i32>} : memref<80x64xf32, #tpu.memory_space<vmem>>, vector<16xf32>,
      %add3A_340 = arith.addf %get3A_327, %get3A_339 : vector<16xf32>
      %get3A_341 = arith.index_cast %add3A_324 : i32 to index
      %get3A_342 = arith.constant 0 : index
      %get3A_343 = tpu.vector_load %arg18[%get3A_341, %get3A_342] {strides = array<i32>} : memref<80x64xf32, #tpu.memory_space<vmem>>, vector<16xf32>,
      %add3A_344 = arith.addf %add3A_340, %get3A_343 : vector<16xf32>
      %gt3A_345 = arith.constant 0.000000e+00 : f32
      %gt3A_346 = vector.broadcast %gt3A_345 : f32 to vector<16xf32>
      %gt3A_347 = arith.cmpf ogt, %add3A_344, %gt3A_346 : vector<16xf32>
      %mul3A_348 = arith.constant 2.000000e-01 : f32
      %mul3A_349 = vector.broadcast %mul3A_348 : f32 to vector<16xf32>
      %mul3A_350 = arith.mulf %mul3A_349, %add3A_344 : vector<16xf32>
      %select_n3A_351 = arith.select %gt3A_347, %add3A_344, %mul3A_350 : vector<16xi1>, vector<16xf32>
      %mul3A_352 = arith.mulf %select_n3A_351, %get3A_53 : vector<16xf32>
      %add3A_353 = arith.addf %broadcast_in_dim3A_3, %mul3A_352 : vector<16xf32>
      %get3A_354 = arith.index_cast %add3A_324 : i32 to index
      %get3A_355 = arith.constant 16 : index
      %get3A_356 = tpu.vector_load %arg16[%get3A_354, %get3A_355] {strides = array<i32>} : memref<80x64xf32, #tpu.memory_space<vmem>>, vector<16xf32>,
      %add3A_357 = arith.addf %get3A_330, %get3A_356 : vector<16xf32>
      %get3A_358 = arith.index_cast %add3A_324 : i32 to index
      %get3A_359 = arith.constant 16 : index
      %get3A_360 = tpu.vector_load %arg18[%get3A_358, %get3A_359] {strides = array<i32>} : memref<80x64xf32, #tpu.memory_space<vmem>>, vector<16xf32>,
      %add3A_361 = arith.addf %add3A_357, %get3A_360 : vector<16xf32>
      %gt3A_362 = arith.constant 0.000000e+00 : f32
      %gt3A_363 = vector.broadcast %gt3A_362 : f32 to vector<16xf32>
      %gt3A_364 = arith.cmpf ogt, %add3A_361, %gt3A_363 : vector<16xf32>
      %mul3A_365 = arith.constant 2.000000e-01 : f32
      %mul3A_366 = vector.broadcast %mul3A_365 : f32 to vector<16xf32>
      %mul3A_367 = arith.mulf %mul3A_366, %add3A_361 : vector<16xf32>
      %select_n3A_368 = arith.select %gt3A_364, %add3A_361, %mul3A_367 : vector<16xi1>, vector<16xf32>
      %mul3A_369 = arith.mulf %select_n3A_368, %get3A_55 : vector<16xf32>
      %add3A_370 = arith.addf %add3A_353, %mul3A_369 : vector<16xf32>
      %get3A_371 = arith.index_cast %add3A_324 : i32 to index
      %get3A_372 = arith.constant 32 : index
      %get3A_373 = tpu.vector_load %arg16[%get3A_371, %get3A_372] {strides = array<i32>} : memref<80x64xf32, #tpu.memory_space<vmem>>, vector<16xf32>,
      %add3A_374 = arith.addf %get3A_333, %get3A_373 : vector<16xf32>
      %get3A_375 = arith.index_cast %add3A_324 : i32 to index
      %get3A_376 = arith.constant 32 : index
      %get3A_377 = tpu.vector_load %arg18[%get3A_375, %get3A_376] {strides = array<i32>} : memref<80x64xf32, #tpu.memory_space<vmem>>, vector<16xf32>,
      %add3A_378 = arith.addf %add3A_374, %get3A_377 : vector<16xf32>
      %gt3A_379 = arith.constant 0.000000e+00 : f32
      %gt3A_380 = vector.broadcast %gt3A_379 : f32 to vector<16xf32>
      %gt3A_381 = arith.cmpf ogt, %add3A_378, %gt3A_380 : vector<16xf32>
      %mul3A_382 = arith.constant 2.000000e-01 : f32
      %mul3A_383 = vector.broadcast %mul3A_382 : f32 to vector<16xf32>
      %mul3A_384 = arith.mulf %mul3A_383, %add3A_378 : vector<16xf32>
      %select_n3A_385 = arith.select %gt3A_381, %add3A_378, %mul3A_384 : vector<16xi1>, vector<16xf32>
      %mul3A_386 = arith.mulf %select_n3A_385, %get3A_57 : vector<16xf32>
      %add3A_387 = arith.addf %add3A_370, %mul3A_386 : vector<16xf32>
      %get3A_388 = arith.index_cast %add3A_324 : i32 to index
      %get3A_389 = arith.constant 48 : index
      %get3A_390 = tpu.vector_load %arg16[%get3A_388, %get3A_389] {strides = array<i32>} : memref<80x64xf32, #tpu.memory_space<vmem>>, vector<16xf32>,
      %add3A_391 = arith.addf %get3A_336, %get3A_390 : vector<16xf32>
      %get3A_392 = arith.index_cast %add3A_324 : i32 to index
      %get3A_393 = arith.constant 48 : index
      %get3A_394 = tpu.vector_load %arg18[%get3A_392, %get3A_393] {strides = array<i32>} : memref<80x64xf32, #tpu.memory_space<vmem>>, vector<16xf32>,
      %add3A_395 = arith.addf %add3A_391, %get3A_394 : vector<16xf32>
      %gt3A_396 = arith.constant 0.000000e+00 : f32
      %gt3A_397 = vector.broadcast %gt3A_396 : f32 to vector<16xf32>
      %gt3A_398 = arith.cmpf ogt, %add3A_395, %gt3A_397 : vector<16xf32>
      %mul3A_399 = arith.constant 2.000000e-01 : f32
      %mul3A_400 = vector.broadcast %mul3A_399 : f32 to vector<16xf32>
      %mul3A_401 = arith.mulf %mul3A_400, %add3A_395 : vector<16xf32>
      %select_n3A_402 = arith.select %gt3A_398, %add3A_395, %mul3A_401 : vector<16xi1>, vector<16xf32>
      %mul3A_403 = arith.mulf %select_n3A_402, %get3A_59 : vector<16xf32>
      %add3A_404 = arith.addf %add3A_387, %mul3A_403 : vector<16xf32>
      %reduce_sum3A_405 = arith.constant true
      %reduce_sum3A_406 = vector.broadcast %reduce_sum3A_405 : i1 to vector<16xi1>
      %reduce_sum3A_407 = tpu.scan <sum>, %add3A_404 masked %reduce_sum3A_406 : vector<16xf32>, vector<16xi1> -> vector<16xf32>
      %reduce_sum3A_408 = vector.extract %reduce_sum3A_407[15] : f32 from vector<16xf32>
      %broadcast_in_dim3A_409 = vector.broadcast %reduce_sum3A_408 : f32 to vector<16xf32>
      %exp3A_410 = math.exp %broadcast_in_dim3A_409 : vector<16xf32>
      %mul3A_411 = arith.mulf %get3A_327, %exp3A_410 : vector<16xf32>
      %swap3A_412 = arith.index_cast %add3A_324 : i32 to index
      %swap3A_413 = arith.constant 0 : index
      %swap3A_414 = tpu.vector_load %arg20[%swap3A_412, %swap3A_413] {strides = array<i32>} : memref<80x80xf32, #tpu.memory_space<vmem>>, vector<16xf32>,
      tpu.vector_store %arg20[%swap3A_412, %swap3A_413], %mul3A_411 {strides = array<i32>} : memref<80x80xf32, #tpu.memory_space<vmem>>, vector<16xf32>,
      %mul3A_415 = arith.mulf %get3A_330, %exp3A_410 : vector<16xf32>
      %swap3A_416 = arith.index_cast %add3A_324 : i32 to index
      %swap3A_417 = arith.constant 16 : index
      %swap3A_418 = tpu.vector_load %arg20[%swap3A_416, %swap3A_417] {strides = array<i32>} : memref<80x80xf32, #tpu.memory_space<vmem>>, vector<16xf32>,
      tpu.vector_store %arg20[%swap3A_416, %swap3A_417], %mul3A_415 {strides = array<i32>} : memref<80x80xf32, #tpu.memory_space<vmem>>, vector<16xf32>,
      %mul3A_419 = arith.mulf %get3A_333, %exp3A_410 : vector<16xf32>
      %swap3A_420 = arith.index_cast %add3A_324 : i32 to index
      %swap3A_421 = arith.constant 32 : index
      %swap3A_422 = tpu.vector_load %arg20[%swap3A_420, %swap3A_421] {strides = array<i32>} : memref<80x80xf32, #tpu.memory_space<vmem>>, vector<16xf32>,
      tpu.vector_store %arg20[%swap3A_420, %swap3A_421], %mul3A_419 {strides = array<i32>} : memref<80x80xf32, #tpu.memory_space<vmem>>, vector<16xf32>,
      %mul3A_423 = arith.mulf %get3A_336, %exp3A_410 : vector<16xf32>
      %swap3A_424 = arith.index_cast %add3A_324 : i32 to index
      %swap3A_425 = arith.constant 48 : index
      %swap3A_426 = tpu.vector_load %arg20[%swap3A_424, %swap3A_425] {strides = array<i32>} : memref<80x80xf32, #tpu.memory_space<vmem>>, vector<16xf32>,
      tpu.vector_store %arg20[%swap3A_424, %swap3A_425], %mul3A_423 {strides = array<i32>} : memref<80x80xf32, #tpu.memory_space<vmem>>, vector<16xf32>,
      %mul3A_427 = arith.mulf %exp3A_410, %select_n3A : vector<16xf32>
      %swap3A_428 = arith.index_cast %add3A_324 : i32 to index
      %swap3A_429 = arith.constant 64 : index
      %swap3A_430 = tpu.vector_load %arg20[%swap3A_428, %swap3A_429] {strides = array<i32>} : memref<80x80xf32, #tpu.memory_space<vmem>>, vector<16xf32>,
      tpu.vector_store %arg20[%swap3A_428, %swap3A_429], %mul3A_427 {strides = array<i32>} : memref<80x80xf32, #tpu.memory_space<vmem>>, vector<16xf32>,
      %mul3A_431 = arith.constant 4 : i32
      %mul3A_432 = arith.muli %scan3A_103, %mul3A_431 : i32
      %add3A_433 = arith.constant 3 : i32
      %add3A_434 = arith.addi %mul3A_432, %add3A_433 : i32
      %get3A_435 = arith.index_cast %add3A_434 : i32 to index
      %get3A_436 = arith.constant 0 : index
      %get3A_437 = tpu.vector_load %arg14[%get3A_435, %get3A_436] {strides = array<i32>} : memref<80x64xf32, #tpu.memory_space<vmem>>, vector<16xf32>,
      %get3A_438 = arith.index_cast %add3A_434 : i32 to index
      %get3A_439 = arith.constant 16 : index
      %get3A_440 = tpu.vector_load %arg14[%get3A_438, %get3A_439] {strides = array<i32>} : memref<80x64xf32, #tpu.memory_space<vmem>>, vector<16xf32>,
      %get3A_441 = arith.index_cast %add3A_434 : i32 to index
      %get3A_442 = arith.constant 32 : index
      %get3A_443 = tpu.vector_load %arg14[%get3A_441, %get3A_442] {strides = array<i32>} : memref<80x64xf32, #tpu.memory_space<vmem>>, vector<16xf32>,
      %get3A_444 = arith.index_cast %add3A_434 : i32 to index
      %get3A_445 = arith.constant 48 : index
      %get3A_446 = tpu.vector_load %arg14[%get3A_444, %get3A_445] {strides = array<i32>} : memref<80x64xf32, #tpu.memory_space<vmem>>, vector<16xf32>,
      %get3A_447 = arith.index_cast %add3A_434 : i32 to index
      %get3A_448 = arith.constant 0 : index
      %get3A_449 = tpu.vector_load %arg16[%get3A_447, %get3A_448] {strides = array<i32>} : memref<80x64xf32, #tpu.memory_space<vmem>>, vector<16xf32>,
      %add3A_450 = arith.addf %get3A_437, %get3A_449 : vector<16xf32>
      %get3A_451 = arith.index_cast %add3A_434 : i32 to index
      %get3A_452 = arith.constant 0 : index
      %get3A_453 = tpu.vector_load %arg18[%get3A_451, %get3A_452] {strides = array<i32>} : memref<80x64xf32, #tpu.memory_space<vmem>>, vector<16xf32>,
      %add3A_454 = arith.addf %add3A_450, %get3A_453 : vector<16xf32>
      %gt3A_455 = arith.constant 0.000000e+00 : f32
      %gt3A_456 = vector.broadcast %gt3A_455 : f32 to vector<16xf32>
      %gt3A_457 = arith.cmpf ogt, %add3A_454, %gt3A_456 : vector<16xf32>
      %mul3A_458 = arith.constant 2.000000e-01 : f32
      %mul3A_459 = vector.broadcast %mul3A_458 : f32 to vector<16xf32>
      %mul3A_460 = arith.mulf %mul3A_459, %add3A_454 : vector<16xf32>
      %select_n3A_461 = arith.select %gt3A_457, %add3A_454, %mul3A_460 : vector<16xi1>, vector<16xf32>
      %mul3A_462 = arith.mulf %select_n3A_461, %get3A_53 : vector<16xf32>
      %add3A_463 = arith.addf %broadcast_in_dim3A_3, %mul3A_462 : vector<16xf32>
      %get3A_464 = arith.index_cast %add3A_434 : i32 to index
      %get3A_465 = arith.constant 16 : index
      %get3A_466 = tpu.vector_load %arg16[%get3A_464, %get3A_465] {strides = array<i32>} : memref<80x64xf32, #tpu.memory_space<vmem>>, vector<16xf32>,
      %add3A_467 = arith.addf %get3A_440, %get3A_466 : vector<16xf32>
      %get3A_468 = arith.index_cast %add3A_434 : i32 to index
      %get3A_469 = arith.constant 16 : index
      %get3A_470 = tpu.vector_load %arg18[%get3A_468, %get3A_469] {strides = array<i32>} : memref<80x64xf32, #tpu.memory_space<vmem>>, vector<16xf32>,
      %add3A_471 = arith.addf %add3A_467, %get3A_470 : vector<16xf32>
      %gt3A_472 = arith.constant 0.000000e+00 : f32
      %gt3A_473 = vector.broadcast %gt3A_472 : f32 to vector<16xf32>
      %gt3A_474 = arith.cmpf ogt, %add3A_471, %gt3A_473 : vector<16xf32>
      %mul3A_475 = arith.constant 2.000000e-01 : f32
      %mul3A_476 = vector.broadcast %mul3A_475 : f32 to vector<16xf32>
      %mul3A_477 = arith.mulf %mul3A_476, %add3A_471 : vector<16xf32>
      %select_n3A_478 = arith.select %gt3A_474, %add3A_471, %mul3A_477 : vector<16xi1>, vector<16xf32>
      %mul3A_479 = arith.mulf %select_n3A_478, %get3A_55 : vector<16xf32>
      %add3A_480 = arith.addf %add3A_463, %mul3A_479 : vector<16xf32>
      %get3A_481 = arith.index_cast %add3A_434 : i32 to index
      %get3A_482 = arith.constant 32 : index
      %get3A_483 = tpu.vector_load %arg16[%get3A_481, %get3A_482] {strides = array<i32>} : memref<80x64xf32, #tpu.memory_space<vmem>>, vector<16xf32>,
      %add3A_484 = arith.addf %get3A_443, %get3A_483 : vector<16xf32>
      %get3A_485 = arith.index_cast %add3A_434 : i32 to index
      %get3A_486 = arith.constant 32 : index
      %get3A_487 = tpu.vector_load %arg18[%get3A_485, %get3A_486] {strides = array<i32>} : memref<80x64xf32, #tpu.memory_space<vmem>>, vector<16xf32>,
      %add3A_488 = arith.addf %add3A_484, %get3A_487 : vector<16xf32>
      %gt3A_489 = arith.constant 0.000000e+00 : f32
      %gt3A_490 = vector.broadcast %gt3A_489 : f32 to vector<16xf32>
      %gt3A_491 = arith.cmpf ogt, %add3A_488, %gt3A_490 : vector<16xf32>
      %mul3A_492 = arith.constant 2.000000e-01 : f32
      %mul3A_493 = vector.broadcast %mul3A_492 : f32 to vector<16xf32>
      %mul3A_494 = arith.mulf %mul3A_493, %add3A_488 : vector<16xf32>
      %select_n3A_495 = arith.select %gt3A_491, %add3A_488, %mul3A_494 : vector<16xi1>, vector<16xf32>
      %mul3A_496 = arith.mulf %select_n3A_495, %get3A_57 : vector<16xf32>
      %add3A_497 = arith.addf %add3A_480, %mul3A_496 : vector<16xf32>
      %get3A_498 = arith.index_cast %add3A_434 : i32 to index
      %get3A_499 = arith.constant 48 : index
      %get3A_500 = tpu.vector_load %arg16[%get3A_498, %get3A_499] {strides = array<i32>} : memref<80x64xf32, #tpu.memory_space<vmem>>, vector<16xf32>,
      %add3A_501 = arith.addf %get3A_446, %get3A_500 : vector<16xf32>
      %get3A_502 = arith.index_cast %add3A_434 : i32 to index
      %get3A_503 = arith.constant 48 : index
      %get3A_504 = tpu.vector_load %arg18[%get3A_502, %get3A_503] {strides = array<i32>} : memref<80x64xf32, #tpu.memory_space<vmem>>, vector<16xf32>,
      %add3A_505 = arith.addf %add3A_501, %get3A_504 : vector<16xf32>
      %gt3A_506 = arith.constant 0.000000e+00 : f32
      %gt3A_507 = vector.broadcast %gt3A_506 : f32 to vector<16xf32>
      %gt3A_508 = arith.cmpf ogt, %add3A_505, %gt3A_507 : vector<16xf32>
      %mul3A_509 = arith.constant 2.000000e-01 : f32
      %mul3A_510 = vector.broadcast %mul3A_509 : f32 to vector<16xf32>
      %mul3A_511 = arith.mulf %mul3A_510, %add3A_505 : vector<16xf32>
      %select_n3A_512 = arith.select %gt3A_508, %add3A_505, %mul3A_511 : vector<16xi1>, vector<16xf32>
      %mul3A_513 = arith.mulf %select_n3A_512, %get3A_59 : vector<16xf32>
      %add3A_514 = arith.addf %add3A_497, %mul3A_513 : vector<16xf32>
      %reduce_sum3A_515 = arith.constant true
      %reduce_sum3A_516 = vector.broadcast %reduce_sum3A_515 : i1 to vector<16xi1>
      %reduce_sum3A_517 = tpu.scan <sum>, %add3A_514 masked %reduce_sum3A_516 : vector<16xf32>, vector<16xi1> -> vector<16xf32>
      %reduce_sum3A_518 = vector.extract %reduce_sum3A_517[15] : f32 from vector<16xf32>
      %broadcast_in_dim3A_519 = vector.broadcast %reduce_sum3A_518 : f32 to vector<16xf32>
      %exp3A_520 = math.exp %broadcast_in_dim3A_519 : vector<16xf32>
      %mul3A_521 = arith.mulf %get3A_437, %exp3A_520 : vector<16xf32>
      %swap3A_522 = arith.index_cast %add3A_434 : i32 to index
      %swap3A_523 = arith.constant 0 : index
      %swap3A_524 = tpu.vector_load %arg20[%swap3A_522, %swap3A_523] {strides = array<i32>} : memref<80x80xf32, #tpu.memory_space<vmem>>, vector<16xf32>,
      tpu.vector_store %arg20[%swap3A_522, %swap3A_523], %mul3A_521 {strides = array<i32>} : memref<80x80xf32, #tpu.memory_space<vmem>>, vector<16xf32>,
      %mul3A_525 = arith.mulf %get3A_440, %exp3A_520 : vector<16xf32>
      %swap3A_526 = arith.index_cast %add3A_434 : i32 to index
      %swap3A_527 = arith.constant 16 : index
      %swap3A_528 = tpu.vector_load %arg20[%swap3A_526, %swap3A_527] {strides = array<i32>} : memref<80x80xf32, #tpu.memory_space<vmem>>, vector<16xf32>,
      tpu.vector_store %arg20[%swap3A_526, %swap3A_527], %mul3A_525 {strides = array<i32>} : memref<80x80xf32, #tpu.memory_space<vmem>>, vector<16xf32>,
      %mul3A_529 = arith.mulf %get3A_443, %exp3A_520 : vector<16xf32>
      %swap3A_530 = arith.index_cast %add3A_434 : i32 to index
      %swap3A_531 = arith.constant 32 : index
      %swap3A_532 = tpu.vector_load %arg20[%swap3A_530, %swap3A_531] {strides = array<i32>} : memref<80x80xf32, #tpu.memory_space<vmem>>, vector<16xf32>,
      tpu.vector_store %arg20[%swap3A_530, %swap3A_531], %mul3A_529 {strides = array<i32>} : memref<80x80xf32, #tpu.memory_space<vmem>>, vector<16xf32>,
      %mul3A_533 = arith.mulf %get3A_446, %exp3A_520 : vector<16xf32>
      %swap3A_534 = arith.index_cast %add3A_434 : i32 to index
      %swap3A_535 = arith.constant 48 : index
      %swap3A_536 = tpu.vector_load %arg20[%swap3A_534, %swap3A_535] {strides = array<i32>} : memref<80x80xf32, #tpu.memory_space<vmem>>, vector<16xf32>,
      tpu.vector_store %arg20[%swap3A_534, %swap3A_535], %mul3A_533 {strides = array<i32>} : memref<80x80xf32, #tpu.memory_space<vmem>>, vector<16xf32>,
      %mul3A_537 = arith.mulf %exp3A_520, %select_n3A : vector<16xf32>
      %swap3A_538 = arith.index_cast %add3A_434 : i32 to index
      %swap3A_539 = arith.constant 64 : index
      %swap3A_540 = tpu.vector_load %arg20[%swap3A_538, %swap3A_539] {strides = array<i32>} : memref<80x80xf32, #tpu.memory_space<vmem>>, vector<16xf32>,
      tpu.vector_store %arg20[%swap3A_538, %swap3A_539], %mul3A_537 {strides = array<i32>} : memref<80x80xf32, #tpu.memory_space<vmem>>, vector<16xf32>,
      %scan3A_541 = arith.constant 0 : i32
      scf.yield %scan3A_541 : i32
    }
    %scan3A_65 = arith.constant 20 : i32
    %dma_start3A_66 = arith.constant 0 : i32
    %dma_start3A_67 = arith.constant 0 : i32
    %dma_start3A_68 = tpu.memref_slice %arg23[%dma_start3A_66, %dma_start3A_67] : memref<10112x80xf32, #tpu.memory_space<vmem_shared>> -> memref<10112x80xf32, #tpu.memory_space<vmem_shared>>
    tpu.enqueue_indirect_dma source(%arg20 : memref<80x80xf32, #tpu.memory_space<vmem>>) target(%dma_start3A_68 : memref<10112x80xf32, #tpu.memory_space<vmem_shared>>) offsets(%arg12 : memref<80xi32, #tpu.memory_space<vmem>>) semaphore(%arg32 : memref<!tpu.dma_semaphore, #tpu.memory_space<semaphore_mem>>) {add = true}
    %dma_wait3A_69 = arith.constant 0 : i32
    %dma_wait3A_70 = tpu.memref_slice %arg5[%dma_wait3A_69] : memref<320000xi32, #tpu.memory_space<hbm>> -> memref<80xi32, #tpu.memory_space<hbm>>
    %dma_wait3A_71 = arith.constant 0 : i32
    %dma_wait3A_72 = tpu.memref_slice %arg5[%dma_wait3A_71] : memref<320000xi32, #tpu.memory_space<hbm>> -> memref<80xi32, #tpu.memory_space<hbm>>
    tpu.wait_dma2 semaphore(%arg25 : memref<!tpu.dma_semaphore, #tpu.memory_space<semaphore_mem>>) src(%dma_wait3A_72 : memref<80xi32, #tpu.memory_space<hbm>>) dst(%arg11 : memref<80xi32, #tpu.memory_space<vmem>>)
    %dma_wait3A_73 = arith.constant 0 : i32
    %dma_wait3A_74 = tpu.memref_slice %arg6[%dma_wait3A_73] : memref<320000xi32, #tpu.memory_space<hbm>> -> memref<80xi32, #tpu.memory_space<hbm>>
    %dma_wait3A_75 = arith.constant 0 : i32
    %dma_wait3A_76 = tpu.memref_slice %arg6[%dma_wait3A_75] : memref<320000xi32, #tpu.memory_space<hbm>> -> memref<80xi32, #tpu.memory_space<hbm>>
    tpu.wait_dma2 semaphore(%arg25 : memref<!tpu.dma_semaphore, #tpu.memory_space<semaphore_mem>>) src(%dma_wait3A_76 : memref<80xi32, #tpu.memory_space<hbm>>) dst(%arg13 : memref<80xi32, #tpu.memory_space<vmem>>)
    %mul3A_77 = arith.constant 10000 : i32
    %mul3A_78 = arith.muli %add3A, %mul3A_77 : i32
    %add3A_79 = arith.constant 80 : i32
    %add3A_80 = arith.addi %mul3A_78, %add3A_79 : i32
    %multiple_of3A_81 = tpu.assume_multiple %add3A_80, 8 : i32
    %dma_start3A_82 = arith.constant 0 : i32
    %dma_start3A_83 = arith.constant 0 : i32
    %dma_start3A_84 = tpu.memref_slice %arg2[%dma_start3A_82, %dma_start3A_83] : memref<10000x64xf32, #tpu.memory_space<hbm>> -> memref<10000x64xf32, #tpu.memory_space<hbm>>
    tpu.enqueue_indirect_dma source(%dma_start3A_84 : memref<10000x64xf32, #tpu.memory_space<hbm>>) target(%arg15 : memref<80x64xf32, #tpu.memory_space<vmem>>) offsets(%arg11 : memref<80xi32, #tpu.memory_space<vmem>>) semaphore(%arg27 : memref<!tpu.dma_semaphore, #tpu.memory_space<semaphore_mem>>)
    %dma_start3A_85 = arith.constant 0 : i32
    %dma_start3A_86 = arith.constant 0 : i32
    %dma_start3A_87 = tpu.memref_slice %arg3[%dma_start3A_85, %dma_start3A_86] : memref<10000x64xf32, #tpu.memory_space<hbm>> -> memref<10000x64xf32, #tpu.memory_space<hbm>>
    tpu.enqueue_indirect_dma source(%dma_start3A_87 : memref<10000x64xf32, #tpu.memory_space<hbm>>) target(%arg17 : memref<80x64xf32, #tpu.memory_space<vmem>>) offsets(%arg13 : memref<80xi32, #tpu.memory_space<vmem>>) semaphore(%arg29 : memref<!tpu.dma_semaphore, #tpu.memory_space<semaphore_mem>>)
    %dma_start3A_88 = arith.constant 0 : i32
    %dma_start3A_89 = tpu.memref_slice %arg4[%multiple_of3A_81, %dma_start3A_88] : memref<320000x64xf32, #tpu.memory_space<hbm>> -> memref<80x64xf32, #tpu.memory_space<hbm>>
    %dma_start3A_90 = arith.constant 0 : i32
    %dma_start3A_91 = tpu.memref_slice %arg4[%multiple_of3A_81, %dma_start3A_90] : memref<320000x64xf32, #tpu.memory_space<hbm>> -> memref<80x64xf32, #tpu.memory_space<hbm>>
    tpu.enqueue_dma source(%dma_start3A_91 : memref<80x64xf32, #tpu.memory_space<hbm>>) target(%arg19 : memref<80x64xf32, #tpu.memory_space<vmem>>) target_semaphore(%arg31 : memref<!tpu.dma_semaphore, #tpu.memory_space<semaphore_mem>>)
    %scan3A_92 = arith.constant 0 : i32
    %scan3A_93 = arith.constant 0 : i32
    %scan3A_94 = arith.constant 62 : i32
    %scan3A_95 = arith.addi %scan3A_93, %scan3A_94 : i32
    %scan3A_96 = arith.constant 1 : i32
    %scan3A_97 = scf.for %scan3A_103 = %scan3A_93 to %scan3A_95 step %scan3A_96 iter_args(%scan3A_104 = %scan3A_92) -> (i32)  : i32 {
      %mul3A_105 = arith.constant 2 : i32
      %mul3A_106 = arith.muli %mul3A_105, %scan3A_103 : i32
      %add3A_107 = arith.constant 2 : i32
      %add3A_108 = arith.addi %mul3A_106, %add3A_107 : i32
      %dma_wait3A_109 = arith.constant 0 : i32
      %dma_wait3A_110 = arith.constant 0 : i32
      %dma_wait3A_111 = tpu.memref_slice %arg23[%dma_wait3A_109, %dma_wait3A_110] : memref<10112x80xf32, #tpu.memory_space<vmem_shared>> -> memref<10112x80xf32, #tpu.memory_space<vmem_shared>>
      tpu.wait_indirect_dma semaphore(%arg32 : memref<!tpu.dma_semaphore, #tpu.memory_space<semaphore_mem>>) src(%arg20 : memref<80x80xf32, #tpu.memory_space<vmem>>) dst(%dma_wait3A_111 : memref<10112x80xf32, #tpu.memory_space<vmem_shared>>)
      %mul3A_112 = arith.constant 10000 : i32
      %mul3A_113 = arith.muli %add3A, %mul3A_112 : i32
      %mul3A_114 = arith.constant 80 : i32
      %mul3A_115 = arith.muli %add3A_108, %mul3A_114 : i32
      %add3A_116 = arith.addi %mul3A_113, %mul3A_115 : i32
      %multiple_of3A_117 = tpu.assume_multiple %add3A_116, 8 : i32
      %dma_start3A_118 = tpu.memref_slice %arg5[%multiple_of3A_117] : memref<320000xi32, #tpu.memory_space<hbm>> -> memref<80xi32, #tpu.memory_space<hbm>>
      %dma_start3A_119 = tpu.memref_slice %arg5[%multiple_of3A_117] : memref<320000xi32, #tpu.memory_space<hbm>> -> memref<80xi32, #tpu.memory_space<hbm>>
      tpu.enqueue_dma source(%dma_start3A_119 : memref<80xi32, #tpu.memory_space<hbm>>) target(%arg10 : memref<80xi32, #tpu.memory_space<vmem>>) target_semaphore(%arg24 : memref<!tpu.dma_semaphore, #tpu.memory_space<semaphore_mem>>)
      %dma_start3A_120 = tpu.memref_slice %arg6[%multiple_of3A_117] : memref<320000xi32, #tpu.memory_space<hbm>> -> memref<80xi32, #tpu.memory_space<hbm>>
      %dma_start3A_121 = tpu.memref_slice %arg6[%multiple_of3A_117] : memref<320000xi32, #tpu.memory_space<hbm>> -> memref<80xi32, #tpu.memory_space<hbm>>
      tpu.enqueue_dma source(%dma_start3A_121 : memref<80xi32, #tpu.memory_space<hbm>>) target(%arg12 : memref<80xi32, #tpu.memory_space<vmem>>) target_semaphore(%arg24 : memref<!tpu.dma_semaphore, #tpu.memory_space<semaphore_mem>>)
      %dma_wait3A_122 = arith.constant 0 : i32
      %dma_wait3A_123 = arith.constant 0 : i32
      %dma_wait3A_124 = tpu.memref_slice %arg2[%dma_wait3A_122, %dma_wait3A_123] : memref<10000x64xf32, #tpu.memory_space<hbm>> -> memref<10000x64xf32, #tpu.memory_space<hbm>>
      tpu.wait_indirect_dma semaphore(%arg27 : memref<!tpu.dma_semaphore, #tpu.memory_space<semaphore_mem>>) src(%dma_wait3A_124 : memref<10000x64xf32, #tpu.memory_space<hbm>>) dst(%arg15 : memref<80x64xf32, #tpu.memory_space<vmem>>)
      %dma_wait3A_125 = arith.constant 0 : i32
      %dma_wait3A_126 = arith.constant 0 : i32
      %dma_wait3A_127 = tpu.memref_slice %arg3[%dma_wait3A_125, %dma_wait3A_126] : memref<10000x64xf32, #tpu.memory_space<hbm>> -> memref<10000x64xf32, #tpu.memory_space<hbm>>
      tpu.wait_indirect_dma semaphore(%arg29 : memref<!tpu.dma_semaphore, #tpu.memory_space<semaphore_mem>>) src(%dma_wait3A_127 : memref<10000x64xf32, #tpu.memory_space<hbm>>) dst(%arg17 : memref<80x64xf32, #tpu.memory_space<vmem>>)
      %dma_wait3A_128 = arith.constant 0 : i32
      %dma_wait3A_129 = arith.constant 0 : i32
      %dma_wait3A_130 = tpu.memref_slice %arg4[%dma_wait3A_128, %dma_wait3A_129] : memref<320000x64xf32, #tpu.memory_space<hbm>> -> memref<80x64xf32, #tpu.memory_space<hbm>>
      %dma_wait3A_131 = arith.constant 0 : i32
      %dma_wait3A_132 = arith.constant 0 : i32
      %dma_wait3A_133 = tpu.memref_slice %arg4[%dma_wait3A_131, %dma_wait3A_132] : memref<320000x64xf32, #tpu.memory_space<hbm>> -> memref<80x64xf32, #tpu.memory_space<hbm>>
      tpu.wait_dma2 semaphore(%arg31 : memref<!tpu.dma_semaphore, #tpu.memory_space<semaphore_mem>>) src(%dma_wait3A_133 : memref<80x64xf32, #tpu.memory_space<hbm>>) dst(%arg19 : memref<80x64xf32, #tpu.memory_space<vmem>>)
      %get3A_134 = arith.constant 0 : index
      %get3A_135 = tpu.vector_load %arg22[%get3A_134] {strides = array<i32>} : memref<64xf32, #tpu.memory_space<vmem>>, vector<16xf32>,
      %get3A_136 = arith.constant 16 : index
      %get3A_137 = tpu.vector_load %arg22[%get3A_136] {strides = array<i32>} : memref<64xf32, #tpu.memory_space<vmem>>, vector<16xf32>,
      %get3A_138 = arith.constant 32 : index
      %get3A_139 = tpu.vector_load %arg22[%get3A_138] {strides = array<i32>} : memref<64xf32, #tpu.memory_space<vmem>>, vector<16xf32>,
      %get3A_140 = arith.constant 48 : index
      %get3A_141 = tpu.vector_load %arg22[%get3A_140] {strides = array<i32>} : memref<64xf32, #tpu.memory_space<vmem>>, vector<16xf32>,
      %scan3A_142 = arith.constant 0 : i32
      %scan3A_143 = arith.constant 0 : i32
      %scan3A_144 = arith.constant 20 : i32
      %scan3A_145 = arith.addi %scan3A_143, %scan3A_144 : i32
      %scan3A_146 = arith.constant 1 : i32
      %scan3A_147 = scf.for %scan3A_221 = %scan3A_143 to %scan3A_145 step %scan3A_146 iter_args(%scan3A_222 = %scan3A_142) -> (i32)  : i32 {
        %mul3A_223 = arith.constant 4 : i32
        %mul3A_224 = arith.muli %scan3A_221, %mul3A_223 : i32
        %add3A_225 = arith.constant 0 : i32
        %add3A_226 = arith.addi %mul3A_224, %add3A_225 : i32
        %get3A_227 = arith.index_cast %add3A_226 : i32 to index
        %get3A_228 = arith.constant 0 : index
        %get3A_229 = tpu.vector_load %arg15[%get3A_227, %get3A_228] {strides = array<i32>} : memref<80x64xf32, #tpu.memory_space<vmem>>, vector<16xf32>,
        %get3A_230 = arith.index_cast %add3A_226 : i32 to index
        %get3A_231 = arith.constant 16 : index
        %get3A_232 = tpu.vector_load %arg15[%get3A_230, %get3A_231] {strides = array<i32>} : memref<80x64xf32, #tpu.memory_space<vmem>>, vector<16xf32>,
        %get3A_233 = arith.index_cast %add3A_226 : i32 to index
        %get3A_234 = arith.constant 32 : index
        %get3A_235 = tpu.vector_load %arg15[%get3A_233, %get3A_234] {strides = array<i32>} : memref<80x64xf32, #tpu.memory_space<vmem>>, vector<16xf32>,
        %get3A_236 = arith.index_cast %add3A_226 : i32 to index
        %get3A_237 = arith.constant 48 : index
        %get3A_238 = tpu.vector_load %arg15[%get3A_236, %get3A_237] {strides = array<i32>} : memref<80x64xf32, #tpu.memory_space<vmem>>, vector<16xf32>,
        %get3A_239 = arith.index_cast %add3A_226 : i32 to index
        %get3A_240 = arith.constant 0 : index
        %get3A_241 = tpu.vector_load %arg17[%get3A_239, %get3A_240] {strides = array<i32>} : memref<80x64xf32, #tpu.memory_space<vmem>>, vector<16xf32>,
        %add3A_242 = arith.addf %get3A_229, %get3A_241 : vector<16xf32>
        %get3A_243 = arith.index_cast %add3A_226 : i32 to index
        %get3A_244 = arith.constant 0 : index
        %get3A_245 = tpu.vector_load %arg19[%get3A_243, %get3A_244] {strides = array<i32>} : memref<80x64xf32, #tpu.memory_space<vmem>>, vector<16xf32>,
        %add3A_246 = arith.addf %add3A_242, %get3A_245 : vector<16xf32>
        %gt3A = arith.constant 0.000000e+00 : f32
        %gt3A_247 = vector.broadcast %gt3A : f32 to vector<16xf32>
        %gt3A_248 = arith.cmpf ogt, %add3A_246, %gt3A_247 : vector<16xf32>
        %mul3A_249 = arith.constant 2.000000e-01 : f32
        %mul3A_250 = vector.broadcast %mul3A_249 : f32 to vector<16xf32>
        %mul3A_251 = arith.mulf %mul3A_250, %add3A_246 : vector<16xf32>
        %select_n3A_252 = arith.select %gt3A_248, %add3A_246, %mul3A_251 : vector<16xi1>, vector<16xf32>
        %mul3A_253 = arith.mulf %select_n3A_252, %get3A_135 : vector<16xf32>
        %add3A_254 = arith.addf %broadcast_in_dim3A_3, %mul3A_253 : vector<16xf32>
        %get3A_255 = arith.index_cast %add3A_226 : i32 to index
        %get3A_256 = arith.constant 16 : index
        %get3A_257 = tpu.vector_load %arg17[%get3A_255, %get3A_256] {strides = array<i32>} : memref<80x64xf32, #tpu.memory_space<vmem>>, vector<16xf32>,
        %add3A_258 = arith.addf %get3A_232, %get3A_257 : vector<16xf32>
        %get3A_259 = arith.index_cast %add3A_226 : i32 to index
        %get3A_260 = arith.constant 16 : index
        %get3A_261 = tpu.vector_load %arg19[%get3A_259, %get3A_260] {strides = array<i32>} : memref<80x64xf32, #tpu.memory_space<vmem>>, vector<16xf32>,
        %add3A_262 = arith.addf %add3A_258, %get3A_261 : vector<16xf32>
        %gt3A_263 = arith.constant 0.000000e+00 : f32
        %gt3A_264 = vector.broadcast %gt3A_263 : f32 to vector<16xf32>
        %gt3A_265 = arith.cmpf ogt, %add3A_262, %gt3A_264 : vector<16xf32>
        %mul3A_266 = arith.constant 2.000000e-01 : f32
        %mul3A_267 = vector.broadcast %mul3A_266 : f32 to vector<16xf32>
        %mul3A_268 = arith.mulf %mul3A_267, %add3A_262 : vector<16xf32>
        %select_n3A_269 = arith.select %gt3A_265, %add3A_262, %mul3A_268 : vector<16xi1>, vector<16xf32>
        %mul3A_270 = arith.mulf %select_n3A_269, %get3A_137 : vector<16xf32>
        %add3A_271 = arith.addf %add3A_254, %mul3A_270 : vector<16xf32>
        %get3A_272 = arith.index_cast %add3A_226 : i32 to index
        %get3A_273 = arith.constant 32 : index
        %get3A_274 = tpu.vector_load %arg17[%get3A_272, %get3A_273] {strides = array<i32>} : memref<80x64xf32, #tpu.memory_space<vmem>>, vector<16xf32>,
        %add3A_275 = arith.addf %get3A_235, %get3A_274 : vector<16xf32>
        %get3A_276 = arith.index_cast %add3A_226 : i32 to index
        %get3A_277 = arith.constant 32 : index
        %get3A_278 = tpu.vector_load %arg19[%get3A_276, %get3A_277] {strides = array<i32>} : memref<80x64xf32, #tpu.memory_space<vmem>>, vector<16xf32>,
        %add3A_279 = arith.addf %add3A_275, %get3A_278 : vector<16xf32>
        %gt3A_280 = arith.constant 0.000000e+00 : f32
        %gt3A_281 = vector.broadcast %gt3A_280 : f32 to vector<16xf32>
        %gt3A_282 = arith.cmpf ogt, %add3A_279, %gt3A_281 : vector<16xf32>
        %mul3A_283 = arith.constant 2.000000e-01 : f32
        %mul3A_284 = vector.broadcast %mul3A_283 : f32 to vector<16xf32>
        %mul3A_285 = arith.mulf %mul3A_284, %add3A_279 : vector<16xf32>
        %select_n3A_286 = arith.select %gt3A_282, %add3A_279, %mul3A_285 : vector<16xi1>, vector<16xf32>
        %mul3A_287 = arith.mulf %select_n3A_286, %get3A_139 : vector<16xf32>
        %add3A_288 = arith.addf %add3A_271, %mul3A_287 : vector<16xf32>
        %get3A_289 = arith.index_cast %add3A_226 : i32 to index
        %get3A_290 = arith.constant 48 : index
        %get3A_291 = tpu.vector_load %arg17[%get3A_289, %get3A_290] {strides = array<i32>} : memref<80x64xf32, #tpu.memory_space<vmem>>, vector<16xf32>,
        %add3A_292 = arith.addf %get3A_238, %get3A_291 : vector<16xf32>
        %get3A_293 = arith.index_cast %add3A_226 : i32 to index
        %get3A_294 = arith.constant 48 : index
        %get3A_295 = tpu.vector_load %arg19[%get3A_293, %get3A_294] {strides = array<i32>} : memref<80x64xf32, #tpu.memory_space<vmem>>, vector<16xf32>,
        %add3A_296 = arith.addf %add3A_292, %get3A_295 : vector<16xf32>
        %gt3A_297 = arith.constant 0.000000e+00 : f32
        %gt3A_298 = vector.broadcast %gt3A_297 : f32 to vector<16xf32>
        %gt3A_299 = arith.cmpf ogt, %add3A_296, %gt3A_298 : vector<16xf32>
        %mul3A_300 = arith.constant 2.000000e-01 : f32
        %mul3A_301 = vector.broadcast %mul3A_300 : f32 to vector<16xf32>
        %mul3A_302 = arith.mulf %mul3A_301, %add3A_296 : vector<16xf32>
        %select_n3A_303 = arith.select %gt3A_299, %add3A_296, %mul3A_302 : vector<16xi1>, vector<16xf32>
        %mul3A_304 = arith.mulf %select_n3A_303, %get3A_141 : vector<16xf32>
        %add3A_305 = arith.addf %add3A_288, %mul3A_304 : vector<16xf32>
        %reduce_sum3A = arith.constant true
        %reduce_sum3A_306 = vector.broadcast %reduce_sum3A : i1 to vector<16xi1>
        %reduce_sum3A_307 = tpu.scan <sum>, %add3A_305 masked %reduce_sum3A_306 : vector<16xf32>, vector<16xi1> -> vector<16xf32>
        %reduce_sum3A_308 = vector.extract %reduce_sum3A_307[15] : f32 from vector<16xf32>
        %broadcast_in_dim3A_309 = vector.broadcast %reduce_sum3A_308 : f32 to vector<16xf32>
        %exp3A = math.exp %broadcast_in_dim3A_309 : vector<16xf32>
        %mul3A_310 = arith.mulf %get3A_229, %exp3A : vector<16xf32>
        %swap3A = arith.index_cast %add3A_226 : i32 to index
        %swap3A_311 = arith.constant 0 : index
        %swap3A_312 = tpu.vector_load %arg21[%swap3A, %swap3A_311] {strides = array<i32>} : memref<80x80xf32, #tpu.memory_space<vmem>>, vector<16xf32>,
        tpu.vector_store %arg21[%swap3A, %swap3A_311], %mul3A_310 {strides = array<i32>} : memref<80x80xf32, #tpu.memory_space<vmem>>, vector<16xf32>,
        %mul3A_313 = arith.mulf %get3A_232, %exp3A : vector<16xf32>
        %swap3A_314 = arith.index_cast %add3A_226 : i32 to index
        %swap3A_315 = arith.constant 16 : index
        %swap3A_316 = tpu.vector_load %arg21[%swap3A_314, %swap3A_315] {strides = array<i32>} : memref<80x80xf32, #tpu.memory_space<vmem>>, vector<16xf32>,
        tpu.vector_store %arg21[%swap3A_314, %swap3A_315], %mul3A_313 {strides = array<i32>} : memref<80x80xf32, #tpu.memory_space<vmem>>, vector<16xf32>,
        %mul3A_317 = arith.mulf %get3A_235, %exp3A : vector<16xf32>
        %swap3A_318 = arith.index_cast %add3A_226 : i32 to index
        %swap3A_319 = arith.constant 32 : index
        %swap3A_320 = tpu.vector_load %arg21[%swap3A_318, %swap3A_319] {strides = array<i32>} : memref<80x80xf32, #tpu.memory_space<vmem>>, vector<16xf32>,
        tpu.vector_store %arg21[%swap3A_318, %swap3A_319], %mul3A_317 {strides = array<i32>} : memref<80x80xf32, #tpu.memory_space<vmem>>, vector<16xf32>,
        %mul3A_321 = arith.mulf %get3A_238, %exp3A : vector<16xf32>
        %swap3A_322 = arith.index_cast %add3A_226 : i32 to index
        %swap3A_323 = arith.constant 48 : index
        %swap3A_324 = tpu.vector_load %arg21[%swap3A_322, %swap3A_323] {strides = array<i32>} : memref<80x80xf32, #tpu.memory_space<vmem>>, vector<16xf32>,
        tpu.vector_store %arg21[%swap3A_322, %swap3A_323], %mul3A_321 {strides = array<i32>} : memref<80x80xf32, #tpu.memory_space<vmem>>, vector<16xf32>,
        %mul3A_325 = arith.mulf %exp3A, %select_n3A : vector<16xf32>
        %swap3A_326 = arith.index_cast %add3A_226 : i32 to index
        %swap3A_327 = arith.constant 64 : index
        %swap3A_328 = tpu.vector_load %arg21[%swap3A_326, %swap3A_327] {strides = array<i32>} : memref<80x80xf32, #tpu.memory_space<vmem>>, vector<16xf32>,
        tpu.vector_store %arg21[%swap3A_326, %swap3A_327], %mul3A_325 {strides = array<i32>} : memref<80x80xf32, #tpu.memory_space<vmem>>, vector<16xf32>,
        %mul3A_329 = arith.constant 4 : i32
        %mul3A_330 = arith.muli %scan3A_221, %mul3A_329 : i32
        %add3A_331 = arith.constant 1 : i32
        %add3A_332 = arith.addi %mul3A_330, %add3A_331 : i32
        %get3A_333 = arith.index_cast %add3A_332 : i32 to index
        %get3A_334 = arith.constant 0 : index
        %get3A_335 = tpu.vector_load %arg15[%get3A_333, %get3A_334] {strides = array<i32>} : memref<80x64xf32, #tpu.memory_space<vmem>>, vector<16xf32>,
        %get3A_336 = arith.index_cast %add3A_332 : i32 to index
        %get3A_337 = arith.constant 16 : index
        %get3A_338 = tpu.vector_load %arg15[%get3A_336, %get3A_337] {strides = array<i32>} : memref<80x64xf32, #tpu.memory_space<vmem>>, vector<16xf32>,
        %get3A_339 = arith.index_cast %add3A_332 : i32 to index
        %get3A_340 = arith.constant 32 : index
        %get3A_341 = tpu.vector_load %arg15[%get3A_339, %get3A_340] {strides = array<i32>} : memref<80x64xf32, #tpu.memory_space<vmem>>, vector<16xf32>,
        %get3A_342 = arith.index_cast %add3A_332 : i32 to index
        %get3A_343 = arith.constant 48 : index
        %get3A_344 = tpu.vector_load %arg15[%get3A_342, %get3A_343] {strides = array<i32>} : memref<80x64xf32, #tpu.memory_space<vmem>>, vector<16xf32>,
        %get3A_345 = arith.index_cast %add3A_332 : i32 to index
        %get3A_346 = arith.constant 0 : index
        %get3A_347 = tpu.vector_load %arg17[%get3A_345, %get3A_346] {strides = array<i32>} : memref<80x64xf32, #tpu.memory_space<vmem>>, vector<16xf32>,
        %add3A_348 = arith.addf %get3A_335, %get3A_347 : vector<16xf32>
        %get3A_349 = arith.index_cast %add3A_332 : i32 to index
        %get3A_350 = arith.constant 0 : index
        %get3A_351 = tpu.vector_load %arg19[%get3A_349, %get3A_350] {strides = array<i32>} : memref<80x64xf32, #tpu.memory_space<vmem>>, vector<16xf32>,
        %add3A_352 = arith.addf %add3A_348, %get3A_351 : vector<16xf32>
        %gt3A_353 = arith.constant 0.000000e+00 : f32
        %gt3A_354 = vector.broadcast %gt3A_353 : f32 to vector<16xf32>
        %gt3A_355 = arith.cmpf ogt, %add3A_352, %gt3A_354 : vector<16xf32>
        %mul3A_356 = arith.constant 2.000000e-01 : f32
        %mul3A_357 = vector.broadcast %mul3A_356 : f32 to vector<16xf32>
        %mul3A_358 = arith.mulf %mul3A_357, %add3A_352 : vector<16xf32>
        %select_n3A_359 = arith.select %gt3A_355, %add3A_352, %mul3A_358 : vector<16xi1>, vector<16xf32>
        %mul3A_360 = arith.mulf %select_n3A_359, %get3A_135 : vector<16xf32>
        %add3A_361 = arith.addf %broadcast_in_dim3A_3, %mul3A_360 : vector<16xf32>
        %get3A_362 = arith.index_cast %add3A_332 : i32 to index
        %get3A_363 = arith.constant 16 : index
        %get3A_364 = tpu.vector_load %arg17[%get3A_362, %get3A_363] {strides = array<i32>} : memref<80x64xf32, #tpu.memory_space<vmem>>, vector<16xf32>,
        %add3A_365 = arith.addf %get3A_338, %get3A_364 : vector<16xf32>
        %get3A_366 = arith.index_cast %add3A_332 : i32 to index
        %get3A_367 = arith.constant 16 : index
        %get3A_368 = tpu.vector_load %arg19[%get3A_366, %get3A_367] {strides = array<i32>} : memref<80x64xf32, #tpu.memory_space<vmem>>, vector<16xf32>,
        %add3A_369 = arith.addf %add3A_365, %get3A_368 : vector<16xf32>
        %gt3A_370 = arith.constant 0.000000e+00 : f32
        %gt3A_371 = vector.broadcast %gt3A_370 : f32 to vector<16xf32>
        %gt3A_372 = arith.cmpf ogt, %add3A_369, %gt3A_371 : vector<16xf32>
        %mul3A_373 = arith.constant 2.000000e-01 : f32
        %mul3A_374 = vector.broadcast %mul3A_373 : f32 to vector<16xf32>
        %mul3A_375 = arith.mulf %mul3A_374, %add3A_369 : vector<16xf32>
        %select_n3A_376 = arith.select %gt3A_372, %add3A_369, %mul3A_375 : vector<16xi1>, vector<16xf32>
        %mul3A_377 = arith.mulf %select_n3A_376, %get3A_137 : vector<16xf32>
        %add3A_378 = arith.addf %add3A_361, %mul3A_377 : vector<16xf32>
        %get3A_379 = arith.index_cast %add3A_332 : i32 to index
        %get3A_380 = arith.constant 32 : index
        %get3A_381 = tpu.vector_load %arg17[%get3A_379, %get3A_380] {strides = array<i32>} : memref<80x64xf32, #tpu.memory_space<vmem>>, vector<16xf32>,
        %add3A_382 = arith.addf %get3A_341, %get3A_381 : vector<16xf32>
        %get3A_383 = arith.index_cast %add3A_332 : i32 to index
        %get3A_384 = arith.constant 32 : index
        %get3A_385 = tpu.vector_load %arg19[%get3A_383, %get3A_384] {strides = array<i32>} : memref<80x64xf32, #tpu.memory_space<vmem>>, vector<16xf32>,
        %add3A_386 = arith.addf %add3A_382, %get3A_385 : vector<16xf32>
        %gt3A_387 = arith.constant 0.000000e+00 : f32
        %gt3A_388 = vector.broadcast %gt3A_387 : f32 to vector<16xf32>
        %gt3A_389 = arith.cmpf ogt, %add3A_386, %gt3A_388 : vector<16xf32>
        %mul3A_390 = arith.constant 2.000000e-01 : f32
        %mul3A_391 = vector.broadcast %mul3A_390 : f32 to vector<16xf32>
        %mul3A_392 = arith.mulf %mul3A_391, %add3A_386 : vector<16xf32>
        %select_n3A_393 = arith.select %gt3A_389, %add3A_386, %mul3A_392 : vector<16xi1>, vector<16xf32>
        %mul3A_394 = arith.mulf %select_n3A_393, %get3A_139 : vector<16xf32>
        %add3A_395 = arith.addf %add3A_378, %mul3A_394 : vector<16xf32>
        %get3A_396 = arith.index_cast %add3A_332 : i32 to index
        %get3A_397 = arith.constant 48 : index
        %get3A_398 = tpu.vector_load %arg17[%get3A_396, %get3A_397] {strides = array<i32>} : memref<80x64xf32, #tpu.memory_space<vmem>>, vector<16xf32>,
        %add3A_399 = arith.addf %get3A_344, %get3A_398 : vector<16xf32>
        %get3A_400 = arith.index_cast %add3A_332 : i32 to index
        %get3A_401 = arith.constant 48 : index
        %get3A_402 = tpu.vector_load %arg19[%get3A_400, %get3A_401] {strides = array<i32>} : memref<80x64xf32, #tpu.memory_space<vmem>>, vector<16xf32>,
        %add3A_403 = arith.addf %add3A_399, %get3A_402 : vector<16xf32>
        %gt3A_404 = arith.constant 0.000000e+00 : f32
        %gt3A_405 = vector.broadcast %gt3A_404 : f32 to vector<16xf32>
        %gt3A_406 = arith.cmpf ogt, %add3A_403, %gt3A_405 : vector<16xf32>
        %mul3A_407 = arith.constant 2.000000e-01 : f32
        %mul3A_408 = vector.broadcast %mul3A_407 : f32 to vector<16xf32>
        %mul3A_409 = arith.mulf %mul3A_408, %add3A_403 : vector<16xf32>
        %select_n3A_410 = arith.select %gt3A_406, %add3A_403, %mul3A_409 : vector<16xi1>, vector<16xf32>
        %mul3A_411 = arith.mulf %select_n3A_410, %get3A_141 : vector<16xf32>
        %add3A_412 = arith.addf %add3A_395, %mul3A_411 : vector<16xf32>
        %reduce_sum3A_413 = arith.constant true
        %reduce_sum3A_414 = vector.broadcast %reduce_sum3A_413 : i1 to vector<16xi1>
        %reduce_sum3A_415 = tpu.scan <sum>, %add3A_412 masked %reduce_sum3A_414 : vector<16xf32>, vector<16xi1> -> vector<16xf32>
        %reduce_sum3A_416 = vector.extract %reduce_sum3A_415[15] : f32 from vector<16xf32>
        %broadcast_in_dim3A_417 = vector.broadcast %reduce_sum3A_416 : f32 to vector<16xf32>
        %exp3A_418 = math.exp %broadcast_in_dim3A_417 : vector<16xf32>
        %mul3A_419 = arith.mulf %get3A_335, %exp3A_418 : vector<16xf32>
        %swap3A_420 = arith.index_cast %add3A_332 : i32 to index
        %swap3A_421 = arith.constant 0 : index
        %swap3A_422 = tpu.vector_load %arg21[%swap3A_420, %swap3A_421] {strides = array<i32>} : memref<80x80xf32, #tpu.memory_space<vmem>>, vector<16xf32>,
        tpu.vector_store %arg21[%swap3A_420, %swap3A_421], %mul3A_419 {strides = array<i32>} : memref<80x80xf32, #tpu.memory_space<vmem>>, vector<16xf32>,
        %mul3A_423 = arith.mulf %get3A_338, %exp3A_418 : vector<16xf32>
        %swap3A_424 = arith.index_cast %add3A_332 : i32 to index
        %swap3A_425 = arith.constant 16 : index
        %swap3A_426 = tpu.vector_load %arg21[%swap3A_424, %swap3A_425] {strides = array<i32>} : memref<80x80xf32, #tpu.memory_space<vmem>>, vector<16xf32>,
        tpu.vector_store %arg21[%swap3A_424, %swap3A_425], %mul3A_423 {strides = array<i32>} : memref<80x80xf32, #tpu.memory_space<vmem>>, vector<16xf32>,
        %mul3A_427 = arith.mulf %get3A_341, %exp3A_418 : vector<16xf32>
        %swap3A_428 = arith.index_cast %add3A_332 : i32 to index
        %swap3A_429 = arith.constant 32 : index
        %swap3A_430 = tpu.vector_load %arg21[%swap3A_428, %swap3A_429] {strides = array<i32>} : memref<80x80xf32, #tpu.memory_space<vmem>>, vector<16xf32>,
        tpu.vector_store %arg21[%swap3A_428, %swap3A_429], %mul3A_427 {strides = array<i32>} : memref<80x80xf32, #tpu.memory_space<vmem>>, vector<16xf32>,
        %mul3A_431 = arith.mulf %get3A_344, %exp3A_418 : vector<16xf32>
        %swap3A_432 = arith.index_cast %add3A_332 : i32 to index
        %swap3A_433 = arith.constant 48 : index
        %swap3A_434 = tpu.vector_load %arg21[%swap3A_432, %swap3A_433] {strides = array<i32>} : memref<80x80xf32, #tpu.memory_space<vmem>>, vector<16xf32>,
        tpu.vector_store %arg21[%swap3A_432, %swap3A_433], %mul3A_431 {strides = array<i32>} : memref<80x80xf32, #tpu.memory_space<vmem>>, vector<16xf32>,
        %mul3A_435 = arith.mulf %exp3A_418, %select_n3A : vector<16xf32>
        %swap3A_436 = arith.index_cast %add3A_332 : i32 to index
        %swap3A_437 = arith.constant 64 : index
        %swap3A_438 = tpu.vector_load %arg21[%swap3A_436, %swap3A_437] {strides = array<i32>} : memref<80x80xf32, #tpu.memory_space<vmem>>, vector<16xf32>,
        tpu.vector_store %arg21[%swap3A_436, %swap3A_437], %mul3A_435 {strides = array<i32>} : memref<80x80xf32, #tpu.memory_space<vmem>>, vector<16xf32>,
        %mul3A_439 = arith.constant 4 : i32
        %mul3A_440 = arith.muli %scan3A_221, %mul3A_439 : i32
        %add3A_441 = arith.constant 2 : i32
        %add3A_442 = arith.addi %mul3A_440, %add3A_441 : i32
        %get3A_443 = arith.index_cast %add3A_442 : i32 to index
        %get3A_444 = arith.constant 0 : index
        %get3A_445 = tpu.vector_load %arg15[%get3A_443, %get3A_444] {strides = array<i32>} : memref<80x64xf32, #tpu.memory_space<vmem>>, vector<16xf32>,
        %get3A_446 = arith.index_cast %add3A_442 : i32 to index
        %get3A_447 = arith.constant 16 : index
        %get3A_448 = tpu.vector_load %arg15[%get3A_446, %get3A_447] {strides = array<i32>} : memref<80x64xf32, #tpu.memory_space<vmem>>, vector<16xf32>,
        %get3A_449 = arith.index_cast %add3A_442 : i32 to index
        %get3A_450 = arith.constant 32 : index
        %get3A_451 = tpu.vector_load %arg15[%get3A_449, %get3A_450] {strides = array<i32>} : memref<80x64xf32, #tpu.memory_space<vmem>>, vector<16xf32>,
        %get3A_452 = arith.index_cast %add3A_442 : i32 to index
        %get3A_453 = arith.constant 48 : index
        %get3A_454 = tpu.vector_load %arg15[%get3A_452, %get3A_453] {strides = array<i32>} : memref<80x64xf32, #tpu.memory_space<vmem>>, vector<16xf32>,
        %get3A_455 = arith.index_cast %add3A_442 : i32 to index
        %get3A_456 = arith.constant 0 : index
        %get3A_457 = tpu.vector_load %arg17[%get3A_455, %get3A_456] {strides = array<i32>} : memref<80x64xf32, #tpu.memory_space<vmem>>, vector<16xf32>,
        %add3A_458 = arith.addf %get3A_445, %get3A_457 : vector<16xf32>
        %get3A_459 = arith.index_cast %add3A_442 : i32 to index
        %get3A_460 = arith.constant 0 : index
        %get3A_461 = tpu.vector_load %arg19[%get3A_459, %get3A_460] {strides = array<i32>} : memref<80x64xf32, #tpu.memory_space<vmem>>, vector<16xf32>,
        %add3A_462 = arith.addf %add3A_458, %get3A_461 : vector<16xf32>
        %gt3A_463 = arith.constant 0.000000e+00 : f32
        %gt3A_464 = vector.broadcast %gt3A_463 : f32 to vector<16xf32>
        %gt3A_465 = arith.cmpf ogt, %add3A_462, %gt3A_464 : vector<16xf32>
        %mul3A_466 = arith.constant 2.000000e-01 : f32
        %mul3A_467 = vector.broadcast %mul3A_466 : f32 to vector<16xf32>
        %mul3A_468 = arith.mulf %mul3A_467, %add3A_462 : vector<16xf32>
        %select_n3A_469 = arith.select %gt3A_465, %add3A_462, %mul3A_468 : vector<16xi1>, vector<16xf32>
        %mul3A_470 = arith.mulf %select_n3A_469, %get3A_135 : vector<16xf32>
        %add3A_471 = arith.addf %broadcast_in_dim3A_3, %mul3A_470 : vector<16xf32>
        %get3A_472 = arith.index_cast %add3A_442 : i32 to index
        %get3A_473 = arith.constant 16 : index
        %get3A_474 = tpu.vector_load %arg17[%get3A_472, %get3A_473] {strides = array<i32>} : memref<80x64xf32, #tpu.memory_space<vmem>>, vector<16xf32>,
        %add3A_475 = arith.addf %get3A_448, %get3A_474 : vector<16xf32>
        %get3A_476 = arith.index_cast %add3A_442 : i32 to index
        %get3A_477 = arith.constant 16 : index
        %get3A_478 = tpu.vector_load %arg19[%get3A_476, %get3A_477] {strides = array<i32>} : memref<80x64xf32, #tpu.memory_space<vmem>>, vector<16xf32>,
        %add3A_479 = arith.addf %add3A_475, %get3A_478 : vector<16xf32>
        %gt3A_480 = arith.constant 0.000000e+00 : f32
        %gt3A_481 = vector.broadcast %gt3A_480 : f32 to vector<16xf32>
        %gt3A_482 = arith.cmpf ogt, %add3A_479, %gt3A_481 : vector<16xf32>
        %mul3A_483 = arith.constant 2.000000e-01 : f32
        %mul3A_484 = vector.broadcast %mul3A_483 : f32 to vector<16xf32>
        %mul3A_485 = arith.mulf %mul3A_484, %add3A_479 : vector<16xf32>
        %select_n3A_486 = arith.select %gt3A_482, %add3A_479, %mul3A_485 : vector<16xi1>, vector<16xf32>
        %mul3A_487 = arith.mulf %select_n3A_486, %get3A_137 : vector<16xf32>
        %add3A_488 = arith.addf %add3A_471, %mul3A_487 : vector<16xf32>
        %get3A_489 = arith.index_cast %add3A_442 : i32 to index
        %get3A_490 = arith.constant 32 : index
        %get3A_491 = tpu.vector_load %arg17[%get3A_489, %get3A_490] {strides = array<i32>} : memref<80x64xf32, #tpu.memory_space<vmem>>, vector<16xf32>,
        %add3A_492 = arith.addf %get3A_451, %get3A_491 : vector<16xf32>
        %get3A_493 = arith.index_cast %add3A_442 : i32 to index
        %get3A_494 = arith.constant 32 : index
        %get3A_495 = tpu.vector_load %arg19[%get3A_493, %get3A_494] {strides = array<i32>} : memref<80x64xf32, #tpu.memory_space<vmem>>, vector<16xf32>,
        %add3A_496 = arith.addf %add3A_492, %get3A_495 : vector<16xf32>
        %gt3A_497 = arith.constant 0.000000e+00 : f32
        %gt3A_498 = vector.broadcast %gt3A_497 : f32 to vector<16xf32>
        %gt3A_499 = arith.cmpf ogt, %add3A_496, %gt3A_498 : vector<16xf32>
        %mul3A_500 = arith.constant 2.000000e-01 : f32
        %mul3A_501 = vector.broadcast %mul3A_500 : f32 to vector<16xf32>
        %mul3A_502 = arith.mulf %mul3A_501, %add3A_496 : vector<16xf32>
        %select_n3A_503 = arith.select %gt3A_499, %add3A_496, %mul3A_502 : vector<16xi1>, vector<16xf32>
        %mul3A_504 = arith.mulf %select_n3A_503, %get3A_139 : vector<16xf32>
        %add3A_505 = arith.addf %add3A_488, %mul3A_504 : vector<16xf32>
        %get3A_506 = arith.index_cast %add3A_442 : i32 to index
        %get3A_507 = arith.constant 48 : index
        %get3A_508 = tpu.vector_load %arg17[%get3A_506, %get3A_507] {strides = array<i32>} : memref<80x64xf32, #tpu.memory_space<vmem>>, vector<16xf32>,
        %add3A_509 = arith.addf %get3A_454, %get3A_508 : vector<16xf32>
        %get3A_510 = arith.index_cast %add3A_442 : i32 to index
        %get3A_511 = arith.constant 48 : index
        %get3A_512 = tpu.vector_load %arg19[%get3A_510, %get3A_511] {strides = array<i32>} : memref<80x64xf32, #tpu.memory_space<vmem>>, vector<16xf32>,
        %add3A_513 = arith.addf %add3A_509, %get3A_512 : vector<16xf32>
        %gt3A_514 = arith.constant 0.000000e+00 : f32
        %gt3A_515 = vector.broadcast %gt3A_514 : f32 to vector<16xf32>
        %gt3A_516 = arith.cmpf ogt, %add3A_513, %gt3A_515 : vector<16xf32>
        %mul3A_517 = arith.constant 2.000000e-01 : f32
        %mul3A_518 = vector.broadcast %mul3A_517 : f32 to vector<16xf32>
        %mul3A_519 = arith.mulf %mul3A_518, %add3A_513 : vector<16xf32>
        %select_n3A_520 = arith.select %gt3A_516, %add3A_513, %mul3A_519 : vector<16xi1>, vector<16xf32>
        %mul3A_521 = arith.mulf %select_n3A_520, %get3A_141 : vector<16xf32>
        %add3A_522 = arith.addf %add3A_505, %mul3A_521 : vector<16xf32>
        %reduce_sum3A_523 = arith.constant true
        %reduce_sum3A_524 = vector.broadcast %reduce_sum3A_523 : i1 to vector<16xi1>
        %reduce_sum3A_525 = tpu.scan <sum>, %add3A_522 masked %reduce_sum3A_524 : vector<16xf32>, vector<16xi1> -> vector<16xf32>
        %reduce_sum3A_526 = vector.extract %reduce_sum3A_525[15] : f32 from vector<16xf32>
        %broadcast_in_dim3A_527 = vector.broadcast %reduce_sum3A_526 : f32 to vector<16xf32>
        %exp3A_528 = math.exp %broadcast_in_dim3A_527 : vector<16xf32>
        %mul3A_529 = arith.mulf %get3A_445, %exp3A_528 : vector<16xf32>
        %swap3A_530 = arith.index_cast %add3A_442 : i32 to index
        %swap3A_531 = arith.constant 0 : index
        %swap3A_532 = tpu.vector_load %arg21[%swap3A_530, %swap3A_531] {strides = array<i32>} : memref<80x80xf32, #tpu.memory_space<vmem>>, vector<16xf32>,
        tpu.vector_store %arg21[%swap3A_530, %swap3A_531], %mul3A_529 {strides = array<i32>} : memref<80x80xf32, #tpu.memory_space<vmem>>, vector<16xf32>,
        %mul3A_533 = arith.mulf %get3A_448, %exp3A_528 : vector<16xf32>
        %swap3A_534 = arith.index_cast %add3A_442 : i32 to index
        %swap3A_535 = arith.constant 16 : index
        %swap3A_536 = tpu.vector_load %arg21[%swap3A_534, %swap3A_535] {strides = array<i32>} : memref<80x80xf32, #tpu.memory_space<vmem>>, vector<16xf32>,
        tpu.vector_store %arg21[%swap3A_534, %swap3A_535], %mul3A_533 {strides = array<i32>} : memref<80x80xf32, #tpu.memory_space<vmem>>, vector<16xf32>,
        %mul3A_537 = arith.mulf %get3A_451, %exp3A_528 : vector<16xf32>
        %swap3A_538 = arith.index_cast %add3A_442 : i32 to index
        %swap3A_539 = arith.constant 32 : index
        %swap3A_540 = tpu.vector_load %arg21[%swap3A_538, %swap3A_539] {strides = array<i32>} : memref<80x80xf32, #tpu.memory_space<vmem>>, vector<16xf32>,
        tpu.vector_store %arg21[%swap3A_538, %swap3A_539], %mul3A_537 {strides = array<i32>} : memref<80x80xf32, #tpu.memory_space<vmem>>, vector<16xf32>,
        %mul3A_541 = arith.mulf %get3A_454, %exp3A_528 : vector<16xf32>
        %swap3A_542 = arith.index_cast %add3A_442 : i32 to index
        %swap3A_543 = arith.constant 48 : index
        %swap3A_544 = tpu.vector_load %arg21[%swap3A_542, %swap3A_543] {strides = array<i32>} : memref<80x80xf32, #tpu.memory_space<vmem>>, vector<16xf32>,
        tpu.vector_store %arg21[%swap3A_542, %swap3A_543], %mul3A_541 {strides = array<i32>} : memref<80x80xf32, #tpu.memory_space<vmem>>, vector<16xf32>,
        %mul3A_545 = arith.mulf %exp3A_528, %select_n3A : vector<16xf32>
        %swap3A_546 = arith.index_cast %add3A_442 : i32 to index
        %swap3A_547 = arith.constant 64 : index
        %swap3A_548 = tpu.vector_load %arg21[%swap3A_546, %swap3A_547] {strides = array<i32>} : memref<80x80xf32, #tpu.memory_space<vmem>>, vector<16xf32>,
        tpu.vector_store %arg21[%swap3A_546, %swap3A_547], %mul3A_545 {strides = array<i32>} : memref<80x80xf32, #tpu.memory_space<vmem>>, vector<16xf32>,
        %mul3A_549 = arith.constant 4 : i32
        %mul3A_550 = arith.muli %scan3A_221, %mul3A_549 : i32
        %add3A_551 = arith.constant 3 : i32
        %add3A_552 = arith.addi %mul3A_550, %add3A_551 : i32
        %get3A_553 = arith.index_cast %add3A_552 : i32 to index
        %get3A_554 = arith.constant 0 : index
        %get3A_555 = tpu.vector_load %arg15[%get3A_553, %get3A_554] {strides = array<i32>} : memref<80x64xf32, #tpu.memory_space<vmem>>, vector<16xf32>,
        %get3A_556 = arith.index_cast %add3A_552 : i32 to index
        %get3A_557 = arith.constant 16 : index
        %get3A_558 = tpu.vector_load %arg15[%get3A_556, %get3A_557] {strides = array<i32>} : memref<80x64xf32, #tpu.memory_space<vmem>>, vector<16xf32>,
        %get3A_559 = arith.index_cast %add3A_552 : i32 to index
        %get3A_560 = arith.constant 32 : index
        %get3A_561 = tpu.vector_load %arg15[%get3A_559, %get3A_560] {strides = array<i32>} : memref<80x64xf32, #tpu.memory_space<vmem>>, vector<16xf32>,
        %get3A_562 = arith.index_cast %add3A_552 : i32 to index
        %get3A_563 = arith.constant 48 : index
        %get3A_564 = tpu.vector_load %arg15[%get3A_562, %get3A_563] {strides = array<i32>} : memref<80x64xf32, #tpu.memory_space<vmem>>, vector<16xf32>,
        %get3A_565 = arith.index_cast %add3A_552 : i32 to index
        %get3A_566 = arith.constant 0 : index
        %get3A_567 = tpu.vector_load %arg17[%get3A_565, %get3A_566] {strides = array<i32>} : memref<80x64xf32, #tpu.memory_space<vmem>>, vector<16xf32>,
        %add3A_568 = arith.addf %get3A_555, %get3A_567 : vector<16xf32>
        %get3A_569 = arith.index_cast %add3A_552 : i32 to index
        %get3A_570 = arith.constant 0 : index
        %get3A_571 = tpu.vector_load %arg19[%get3A_569, %get3A_570] {strides = array<i32>} : memref<80x64xf32, #tpu.memory_space<vmem>>, vector<16xf32>,
        %add3A_572 = arith.addf %add3A_568, %get3A_571 : vector<16xf32>
        %gt3A_573 = arith.constant 0.000000e+00 : f32
        %gt3A_574 = vector.broadcast %gt3A_573 : f32 to vector<16xf32>
        %gt3A_575 = arith.cmpf ogt, %add3A_572, %gt3A_574 : vector<16xf32>
        %mul3A_576 = arith.constant 2.000000e-01 : f32
        %mul3A_577 = vector.broadcast %mul3A_576 : f32 to vector<16xf32>
        %mul3A_578 = arith.mulf %mul3A_577, %add3A_572 : vector<16xf32>
        %select_n3A_579 = arith.select %gt3A_575, %add3A_572, %mul3A_578 : vector<16xi1>, vector<16xf32>
        %mul3A_580 = arith.mulf %select_n3A_579, %get3A_135 : vector<16xf32>
        %add3A_581 = arith.addf %broadcast_in_dim3A_3, %mul3A_580 : vector<16xf32>
        %get3A_582 = arith.index_cast %add3A_552 : i32 to index
        %get3A_583 = arith.constant 16 : index
        %get3A_584 = tpu.vector_load %arg17[%get3A_582, %get3A_583] {strides = array<i32>} : memref<80x64xf32, #tpu.memory_space<vmem>>, vector<16xf32>,
        %add3A_585 = arith.addf %get3A_558, %get3A_584 : vector<16xf32>
        %get3A_586 = arith.index_cast %add3A_552 : i32 to index
        %get3A_587 = arith.constant 16 : index
        %get3A_588 = tpu.vector_load %arg19[%get3A_586, %get3A_587] {strides = array<i32>} : memref<80x64xf32, #tpu.memory_space<vmem>>, vector<16xf32>,
        %add3A_589 = arith.addf %add3A_585, %get3A_588 : vector<16xf32>
        %gt3A_590 = arith.constant 0.000000e+00 : f32
        %gt3A_591 = vector.broadcast %gt3A_590 : f32 to vector<16xf32>
        %gt3A_592 = arith.cmpf ogt, %add3A_589, %gt3A_591 : vector<16xf32>
        %mul3A_593 = arith.constant 2.000000e-01 : f32
        %mul3A_594 = vector.broadcast %mul3A_593 : f32 to vector<16xf32>
        %mul3A_595 = arith.mulf %mul3A_594, %add3A_589 : vector<16xf32>
        %select_n3A_596 = arith.select %gt3A_592, %add3A_589, %mul3A_595 : vector<16xi1>, vector<16xf32>
        %mul3A_597 = arith.mulf %select_n3A_596, %get3A_137 : vector<16xf32>
        %add3A_598 = arith.addf %add3A_581, %mul3A_597 : vector<16xf32>
        %get3A_599 = arith.index_cast %add3A_552 : i32 to index
        %get3A_600 = arith.constant 32 : index
        %get3A_601 = tpu.vector_load %arg17[%get3A_599, %get3A_600] {strides = array<i32>} : memref<80x64xf32, #tpu.memory_space<vmem>>, vector<16xf32>,
        %add3A_602 = arith.addf %get3A_561, %get3A_601 : vector<16xf32>
        %get3A_603 = arith.index_cast %add3A_552 : i32 to index
        %get3A_604 = arith.constant 32 : index
        %get3A_605 = tpu.vector_load %arg19[%get3A_603, %get3A_604] {strides = array<i32>} : memref<80x64xf32, #tpu.memory_space<vmem>>, vector<16xf32>,
        %add3A_606 = arith.addf %add3A_602, %get3A_605 : vector<16xf32>
        %gt3A_607 = arith.constant 0.000000e+00 : f32
        %gt3A_608 = vector.broadcast %gt3A_607 : f32 to vector<16xf32>
        %gt3A_609 = arith.cmpf ogt, %add3A_606, %gt3A_608 : vector<16xf32>
        %mul3A_610 = arith.constant 2.000000e-01 : f32
        %mul3A_611 = vector.broadcast %mul3A_610 : f32 to vector<16xf32>
        %mul3A_612 = arith.mulf %mul3A_611, %add3A_606 : vector<16xf32>
        %select_n3A_613 = arith.select %gt3A_609, %add3A_606, %mul3A_612 : vector<16xi1>, vector<16xf32>
        %mul3A_614 = arith.mulf %select_n3A_613, %get3A_139 : vector<16xf32>
        %add3A_615 = arith.addf %add3A_598, %mul3A_614 : vector<16xf32>
        %get3A_616 = arith.index_cast %add3A_552 : i32 to index
        %get3A_617 = arith.constant 48 : index
        %get3A_618 = tpu.vector_load %arg17[%get3A_616, %get3A_617] {strides = array<i32>} : memref<80x64xf32, #tpu.memory_space<vmem>>, vector<16xf32>,
        %add3A_619 = arith.addf %get3A_564, %get3A_618 : vector<16xf32>
        %get3A_620 = arith.index_cast %add3A_552 : i32 to index
        %get3A_621 = arith.constant 48 : index
        %get3A_622 = tpu.vector_load %arg19[%get3A_620, %get3A_621] {strides = array<i32>} : memref<80x64xf32, #tpu.memory_space<vmem>>, vector<16xf32>,
        %add3A_623 = arith.addf %add3A_619, %get3A_622 : vector<16xf32>
        %gt3A_624 = arith.constant 0.000000e+00 : f32
        %gt3A_625 = vector.broadcast %gt3A_624 : f32 to vector<16xf32>
        %gt3A_626 = arith.cmpf ogt, %add3A_623, %gt3A_625 : vector<16xf32>
        %mul3A_627 = arith.constant 2.000000e-01 : f32
        %mul3A_628 = vector.broadcast %mul3A_627 : f32 to vector<16xf32>
        %mul3A_629 = arith.mulf %mul3A_628, %add3A_623 : vector<16xf32>
        %select_n3A_630 = arith.select %gt3A_626, %add3A_623, %mul3A_629 : vector<16xi1>, vector<16xf32>
        %mul3A_631 = arith.mulf %select_n3A_630, %get3A_141 : vector<16xf32>
        %add3A_632 = arith.addf %add3A_615, %mul3A_631 : vector<16xf32>
        %reduce_sum3A_633 = arith.constant true
        %reduce_sum3A_634 = vector.broadcast %reduce_sum3A_633 : i1 to vector<16xi1>
        %reduce_sum3A_635 = tpu.scan <sum>, %add3A_632 masked %reduce_sum3A_634 : vector<16xf32>, vector<16xi1> -> vector<16xf32>
        %reduce_sum3A_636 = vector.extract %reduce_sum3A_635[15] : f32 from vector<16xf32>
        %broadcast_in_dim3A_637 = vector.broadcast %reduce_sum3A_636 : f32 to vector<16xf32>
        %exp3A_638 = math.exp %broadcast_in_dim3A_637 : vector<16xf32>
        %mul3A_639 = arith.mulf %get3A_555, %exp3A_638 : vector<16xf32>
        %swap3A_640 = arith.index_cast %add3A_552 : i32 to index
        %swap3A_641 = arith.constant 0 : index
        %swap3A_642 = tpu.vector_load %arg21[%swap3A_640, %swap3A_641] {strides = array<i32>} : memref<80x80xf32, #tpu.memory_space<vmem>>, vector<16xf32>,
        tpu.vector_store %arg21[%swap3A_640, %swap3A_641], %mul3A_639 {strides = array<i32>} : memref<80x80xf32, #tpu.memory_space<vmem>>, vector<16xf32>,
        %mul3A_643 = arith.mulf %get3A_558, %exp3A_638 : vector<16xf32>
        %swap3A_644 = arith.index_cast %add3A_552 : i32 to index
        %swap3A_645 = arith.constant 16 : index
        %swap3A_646 = tpu.vector_load %arg21[%swap3A_644, %swap3A_645] {strides = array<i32>} : memref<80x80xf32, #tpu.memory_space<vmem>>, vector<16xf32>,
        tpu.vector_store %arg21[%swap3A_644, %swap3A_645], %mul3A_643 {strides = array<i32>} : memref<80x80xf32, #tpu.memory_space<vmem>>, vector<16xf32>,
        %mul3A_647 = arith.mulf %get3A_561, %exp3A_638 : vector<16xf32>
        %swap3A_648 = arith.index_cast %add3A_552 : i32 to index
        %swap3A_649 = arith.constant 32 : index
        %swap3A_650 = tpu.vector_load %arg21[%swap3A_648, %swap3A_649] {strides = array<i32>} : memref<80x80xf32, #tpu.memory_space<vmem>>, vector<16xf32>,
        tpu.vector_store %arg21[%swap3A_648, %swap3A_649], %mul3A_647 {strides = array<i32>} : memref<80x80xf32, #tpu.memory_space<vmem>>, vector<16xf32>,
        %mul3A_651 = arith.mulf %get3A_564, %exp3A_638 : vector<16xf32>
        %swap3A_652 = arith.index_cast %add3A_552 : i32 to index
        %swap3A_653 = arith.constant 48 : index
        %swap3A_654 = tpu.vector_load %arg21[%swap3A_652, %swap3A_653] {strides = array<i32>} : memref<80x80xf32, #tpu.memory_space<vmem>>, vector<16xf32>,
        tpu.vector_store %arg21[%swap3A_652, %swap3A_653], %mul3A_651 {strides = array<i32>} : memref<80x80xf32, #tpu.memory_space<vmem>>, vector<16xf32>,
        %mul3A_655 = arith.mulf %exp3A_638, %select_n3A : vector<16xf32>
        %swap3A_656 = arith.index_cast %add3A_552 : i32 to index
        %swap3A_657 = arith.constant 64 : index
        %swap3A_658 = tpu.vector_load %arg21[%swap3A_656, %swap3A_657] {strides = array<i32>} : memref<80x80xf32, #tpu.memory_space<vmem>>, vector<16xf32>,
        tpu.vector_store %arg21[%swap3A_656, %swap3A_657], %mul3A_655 {strides = array<i32>} : memref<80x80xf32, #tpu.memory_space<vmem>>, vector<16xf32>,
        %scan3A_659 = arith.constant 0 : i32
        scf.yield %scan3A_659 : i32
      }
      %scan3A_148 = arith.constant 20 : i32
      %dma_start3A_149 = arith.constant 0 : i32
      %dma_start3A_150 = arith.constant 0 : i32
      %dma_start3A_151 = tpu.memref_slice %arg23[%dma_start3A_149, %dma_start3A_150] : memref<10112x80xf32, #tpu.memory_space<vmem_shared>> -> memref<10112x80xf32, #tpu.memory_space<vmem_shared>>
      tpu.enqueue_indirect_dma source(%arg21 : memref<80x80xf32, #tpu.memory_space<vmem>>) target(%dma_start3A_151 : memref<10112x80xf32, #tpu.memory_space<vmem_shared>>) offsets(%arg13 : memref<80xi32, #tpu.memory_space<vmem>>) semaphore(%arg33 : memref<!tpu.dma_semaphore, #tpu.memory_space<semaphore_mem>>) {add = true}
      %dma_wait3A_152 = arith.constant 0 : i32
      %dma_wait3A_153 = tpu.memref_slice %arg5[%dma_wait3A_152] : memref<320000xi32, #tpu.memory_space<hbm>> -> memref<80xi32, #tpu.memory_space<hbm>>
      %dma_wait3A_154 = arith.constant 0 : i32
      %dma_wait3A_155 = tpu.memref_slice %arg5[%dma_wait3A_154] : memref<320000xi32, #tpu.memory_space<hbm>> -> memref<80xi32, #tpu.memory_space<hbm>>
      tpu.wait_dma2 semaphore(%arg24 : memref<!tpu.dma_semaphore, #tpu.memory_space<semaphore_mem>>) src(%dma_wait3A_155 : memref<80xi32, #tpu.memory_space<hbm>>) dst(%arg10 : memref<80xi32, #tpu.memory_space<vmem>>)
      %dma_wait3A_156 = arith.constant 0 : i32
      %dma_wait3A_157 = tpu.memref_slice %arg6[%dma_wait3A_156] : memref<320000xi32, #tpu.memory_space<hbm>> -> memref<80xi32, #tpu.memory_space<hbm>>
      %dma_wait3A_158 = arith.constant 0 : i32
      %dma_wait3A_159 = tpu.memref_slice %arg6[%dma_wait3A_158] : memref<320000xi32, #tpu.memory_space<hbm>> -> memref<80xi32, #tpu.memory_space<hbm>>
      tpu.wait_dma2 semaphore(%arg24 : memref<!tpu.dma_semaphore, #tpu.memory_space<semaphore_mem>>) src(%dma_wait3A_159 : memref<80xi32, #tpu.memory_space<hbm>>) dst(%arg12 : memref<80xi32, #tpu.memory_space<vmem>>)
      %mul3A_160 = arith.constant 10000 : i32
      %mul3A_161 = arith.muli %add3A, %mul3A_160 : i32
      %mul3A_162 = arith.constant 80 : i32
      %mul3A_163 = arith.muli %add3A_108, %mul3A_162 : i32
      %add3A_164 = arith.addi %mul3A_161, %mul3A_163 : i32
      %multiple_of3A_165 = tpu.assume_multiple %add3A_164, 8 : i32
      %dma_start3A_166 = arith.constant 0 : i32
      %dma_start3A_167 = arith.constant 0 : i32
      %dma_start3A_168 = tpu.memref_slice %arg2[%dma_start3A_166, %dma_start3A_167] : memref<10000x64xf32, #tpu.memory_space<hbm>> -> memref<10000x64xf32, #tpu.memory_space<hbm>>
      tpu.enqueue_indirect_dma source(%dma_start3A_168 : memref<10000x64xf32, #tpu.memory_space<hbm>>) target(%arg14 : memref<80x64xf32, #tpu.memory_space<vmem>>) offsets(%arg10 : memref<80xi32, #tpu.memory_space<vmem>>) semaphore(%arg26 : memref<!tpu.dma_semaphore, #tpu.memory_space<semaphore_mem>>)
      %dma_start3A_169 = arith.constant 0 : i32
      %dma_start3A_170 = arith.constant 0 : i32
      %dma_start3A_171 = tpu.memref_slice %arg3[%dma_start3A_169, %dma_start3A_170] : memref<10000x64xf32, #tpu.memory_space<hbm>> -> memref<10000x64xf32, #tpu.memory_space<hbm>>
      tpu.enqueue_indirect_dma source(%dma_start3A_171 : memref<10000x64xf32, #tpu.memory_space<hbm>>) target(%arg16 : memref<80x64xf32, #tpu.memory_space<vmem>>) offsets(%arg12 : memref<80xi32, #tpu.memory_space<vmem>>) semaphore(%arg28 : memref<!tpu.dma_semaphore, #tpu.memory_space<semaphore_mem>>)
      %dma_start3A_172 = arith.constant 0 : i32
      %dma_start3A_173 = tpu.memref_slice %arg4[%multiple_of3A_165, %dma_start3A_172] : memref<320000x64xf32, #tpu.memory_space<hbm>> -> memref<80x64xf32, #tpu.memory_space<hbm>>
      %dma_start3A_174 = arith.constant 0 : i32
      %dma_start3A_175 = tpu.memref_slice %arg4[%multiple_of3A_165, %dma_start3A_174] : memref<320000x64xf32, #tpu.memory_space<hbm>> -> memref<80x64xf32, #tpu.memory_space<hbm>>
      tpu.enqueue_dma source(%dma_start3A_175 : memref<80x64xf32, #tpu.memory_space<hbm>>) target(%arg18 : memref<80x64xf32, #tpu.memory_space<vmem>>) target_semaphore(%arg30 : memref<!tpu.dma_semaphore, #tpu.memory_space<semaphore_mem>>)
      %dma_wait3A_176 = arith.constant 0 : i32
      %dma_wait3A_177 = arith.constant 0 : i32
      %dma_wait3A_178 = tpu.memref_slice %arg23[%dma_wait3A_176, %dma_wait3A_177] : memref<10112x80xf32, #tpu.memory_space<vmem_shared>> -> memref<10112x80xf32, #tpu.memory_space<vmem_shared>>
      tpu.wait_indirect_dma semaphore(%arg33 : memref<!tpu.dma_semaphore, #tpu.memory_space<semaphore_mem>>) src(%arg21 : memref<80x80xf32, #tpu.memory_space<vmem>>) dst(%dma_wait3A_178 : memref<10112x80xf32, #tpu.memory_space<vmem_shared>>)
      %add3A_179 = arith.constant 1 : i32
      %add3A_180 = arith.addi %add3A_108, %add3A_179 : i32
      %lt3A = arith.constant 125 : i32
      %lt3A_181 = arith.cmpi slt, %add3A_180, %lt3A : i32
      %convert_element_type3A = arith.extui %lt3A_181 : i1 to i32
      %cond3A = arith.constant 0 : i32
      %cond3A_182 = arith.cmpi ne, %convert_element_type3A, %cond3A : i32
      scf.if %cond3A_182 {
        %add3A_221 = arith.constant 1 : i32
        %add3A_222 = arith.addi %add3A_108, %add3A_221 : i32
        %mul3A_223 = arith.constant 10000 : i32
        %mul3A_224 = arith.muli %add3A, %mul3A_223 : i32
        %mul3A_225 = arith.constant 80 : i32
        %mul3A_226 = arith.muli %add3A_222, %mul3A_225 : i32
        %add3A_227 = arith.addi %mul3A_224, %mul3A_226 : i32
        %multiple_of3A_228 = tpu.assume_multiple %add3A_227, 8 : i32
        %dma_start3A_229 = tpu.memref_slice %arg5[%multiple_of3A_228] : memref<320000xi32, #tpu.memory_space<hbm>> -> memref<80xi32, #tpu.memory_space<hbm>>
        %dma_start3A_230 = tpu.memref_slice %arg5[%multiple_of3A_228] : memref<320000xi32, #tpu.memory_space<hbm>> -> memref<80xi32, #tpu.memory_space<hbm>>
        tpu.enqueue_dma source(%dma_start3A_230 : memref<80xi32, #tpu.memory_space<hbm>>) target(%arg11 : memref<80xi32, #tpu.memory_space<vmem>>) target_semaphore(%arg25 : memref<!tpu.dma_semaphore, #tpu.memory_space<semaphore_mem>>)
        %dma_start3A_231 = tpu.memref_slice %arg6[%multiple_of3A_228] : memref<320000xi32, #tpu.memory_space<hbm>> -> memref<80xi32, #tpu.memory_space<hbm>>
        %dma_start3A_232 = tpu.memref_slice %arg6[%multiple_of3A_228] : memref<320000xi32, #tpu.memory_space<hbm>> -> memref<80xi32, #tpu.memory_space<hbm>>
        tpu.enqueue_dma source(%dma_start3A_232 : memref<80xi32, #tpu.memory_space<hbm>>) target(%arg13 : memref<80xi32, #tpu.memory_space<vmem>>) target_semaphore(%arg25 : memref<!tpu.dma_semaphore, #tpu.memory_space<semaphore_mem>>)
      } else {
      }
      %dma_wait3A_183 = arith.constant 0 : i32
      %dma_wait3A_184 = arith.constant 0 : i32
      %dma_wait3A_185 = tpu.memref_slice %arg2[%dma_wait3A_183, %dma_wait3A_184] : memref<10000x64xf32, #tpu.memory_space<hbm>> -> memref<10000x64xf32, #tpu.memory_space<hbm>>
      tpu.wait_indirect_dma semaphore(%arg26 : memref<!tpu.dma_semaphore, #tpu.memory_space<semaphore_mem>>) src(%dma_wait3A_185 : memref<10000x64xf32, #tpu.memory_space<hbm>>) dst(%arg14 : memref<80x64xf32, #tpu.memory_space<vmem>>)
      %dma_wait3A_186 = arith.constant 0 : i32
      %dma_wait3A_187 = arith.constant 0 : i32
      %dma_wait3A_188 = tpu.memref_slice %arg3[%dma_wait3A_186, %dma_wait3A_187] : memref<10000x64xf32, #tpu.memory_space<hbm>> -> memref<10000x64xf32, #tpu.memory_space<hbm>>
      tpu.wait_indirect_dma semaphore(%arg28 : memref<!tpu.dma_semaphore, #tpu.memory_space<semaphore_mem>>) src(%dma_wait3A_188 : memref<10000x64xf32, #tpu.memory_space<hbm>>) dst(%arg16 : memref<80x64xf32, #tpu.memory_space<vmem>>)
      %dma_wait3A_189 = arith.constant 0 : i32
      %dma_wait3A_190 = arith.constant 0 : i32
      %dma_wait3A_191 = tpu.memref_slice %arg4[%dma_wait3A_189, %dma_wait3A_190] : memref<320000x64xf32, #tpu.memory_space<hbm>> -> memref<80x64xf32, #tpu.memory_space<hbm>>
      %dma_wait3A_192 = arith.constant 0 : i32
      %dma_wait3A_193 = arith.constant 0 : i32
      %dma_wait3A_194 = tpu.memref_slice %arg4[%dma_wait3A_192, %dma_wait3A_193] : memref<320000x64xf32, #tpu.memory_space<hbm>> -> memref<80x64xf32, #tpu.memory_space<hbm>>
      tpu.wait_dma2 semaphore(%arg30 : memref<!tpu.dma_semaphore, #tpu.memory_space<semaphore_mem>>) src(%dma_wait3A_194 : memref<80x64xf32, #tpu.memory_space<hbm>>) dst(%arg18 : memref<80x64xf32, #tpu.memory_space<vmem>>)
      %get3A_195 = arith.constant 0 : index
      %get3A_196 = tpu.vector_load %arg22[%get3A_195] {strides = array<i32>} : memref<64xf32, #tpu.memory_space<vmem>>, vector<16xf32>,
      %get3A_197 = arith.constant 16 : index
      %get3A_198 = tpu.vector_load %arg22[%get3A_197] {strides = array<i32>} : memref<64xf32, #tpu.memory_space<vmem>>, vector<16xf32>,
      %get3A_199 = arith.constant 32 : index
      %get3A_200 = tpu.vector_load %arg22[%get3A_199] {strides = array<i32>} : memref<64xf32, #tpu.memory_space<vmem>>, vector<16xf32>,
      %get3A_201 = arith.constant 48 : index
      %get3A_202 = tpu.vector_load %arg22[%get3A_201] {strides = array<i32>} : memref<64xf32, #tpu.memory_space<vmem>>, vector<16xf32>,
      %scan3A_203 = arith.constant 0 : i32
      %scan3A_204 = arith.constant 0 : i32
      %scan3A_205 = arith.constant 20 : i32
      %scan3A_206 = arith.addi %scan3A_204, %scan3A_205 : i32
      %scan3A_207 = arith.constant 1 : i32
      %scan3A_208 = scf.for %scan3A_221 = %scan3A_204 to %scan3A_206 step %scan3A_207 iter_args(%scan3A_222 = %scan3A_203) -> (i32)  : i32 {
        %mul3A_223 = arith.constant 4 : i32
        %mul3A_224 = arith.muli %scan3A_221, %mul3A_223 : i32
        %add3A_225 = arith.constant 0 : i32
        %add3A_226 = arith.addi %mul3A_224, %add3A_225 : i32
        %get3A_227 = arith.index_cast %add3A_226 : i32 to index
        %get3A_228 = arith.constant 0 : index
        %get3A_229 = tpu.vector_load %arg14[%get3A_227, %get3A_228] {strides = array<i32>} : memref<80x64xf32, #tpu.memory_space<vmem>>, vector<16xf32>,
        %get3A_230 = arith.index_cast %add3A_226 : i32 to index
        %get3A_231 = arith.constant 16 : index
        %get3A_232 = tpu.vector_load %arg14[%get3A_230, %get3A_231] {strides = array<i32>} : memref<80x64xf32, #tpu.memory_space<vmem>>, vector<16xf32>,
        %get3A_233 = arith.index_cast %add3A_226 : i32 to index
        %get3A_234 = arith.constant 32 : index
        %get3A_235 = tpu.vector_load %arg14[%get3A_233, %get3A_234] {strides = array<i32>} : memref<80x64xf32, #tpu.memory_space<vmem>>, vector<16xf32>,
        %get3A_236 = arith.index_cast %add3A_226 : i32 to index
        %get3A_237 = arith.constant 48 : index
        %get3A_238 = tpu.vector_load %arg14[%get3A_236, %get3A_237] {strides = array<i32>} : memref<80x64xf32, #tpu.memory_space<vmem>>, vector<16xf32>,
        %get3A_239 = arith.index_cast %add3A_226 : i32 to index
        %get3A_240 = arith.constant 0 : index
        %get3A_241 = tpu.vector_load %arg16[%get3A_239, %get3A_240] {strides = array<i32>} : memref<80x64xf32, #tpu.memory_space<vmem>>, vector<16xf32>,
        %add3A_242 = arith.addf %get3A_229, %get3A_241 : vector<16xf32>
        %get3A_243 = arith.index_cast %add3A_226 : i32 to index
        %get3A_244 = arith.constant 0 : index
        %get3A_245 = tpu.vector_load %arg18[%get3A_243, %get3A_244] {strides = array<i32>} : memref<80x64xf32, #tpu.memory_space<vmem>>, vector<16xf32>,
        %add3A_246 = arith.addf %add3A_242, %get3A_245 : vector<16xf32>
        %gt3A = arith.constant 0.000000e+00 : f32
        %gt3A_247 = vector.broadcast %gt3A : f32 to vector<16xf32>
        %gt3A_248 = arith.cmpf ogt, %add3A_246, %gt3A_247 : vector<16xf32>
        %mul3A_249 = arith.constant 2.000000e-01 : f32
        %mul3A_250 = vector.broadcast %mul3A_249 : f32 to vector<16xf32>
        %mul3A_251 = arith.mulf %mul3A_250, %add3A_246 : vector<16xf32>
        %select_n3A_252 = arith.select %gt3A_248, %add3A_246, %mul3A_251 : vector<16xi1>, vector<16xf32>
        %mul3A_253 = arith.mulf %select_n3A_252, %get3A_196 : vector<16xf32>
        %add3A_254 = arith.addf %broadcast_in_dim3A_3, %mul3A_253 : vector<16xf32>
        %get3A_255 = arith.index_cast %add3A_226 : i32 to index
        %get3A_256 = arith.constant 16 : index
        %get3A_257 = tpu.vector_load %arg16[%get3A_255, %get3A_256] {strides = array<i32>} : memref<80x64xf32, #tpu.memory_space<vmem>>, vector<16xf32>,
        %add3A_258 = arith.addf %get3A_232, %get3A_257 : vector<16xf32>
        %get3A_259 = arith.index_cast %add3A_226 : i32 to index
        %get3A_260 = arith.constant 16 : index
        %get3A_261 = tpu.vector_load %arg18[%get3A_259, %get3A_260] {strides = array<i32>} : memref<80x64xf32, #tpu.memory_space<vmem>>, vector<16xf32>,
        %add3A_262 = arith.addf %add3A_258, %get3A_261 : vector<16xf32>
        %gt3A_263 = arith.constant 0.000000e+00 : f32
        %gt3A_264 = vector.broadcast %gt3A_263 : f32 to vector<16xf32>
        %gt3A_265 = arith.cmpf ogt, %add3A_262, %gt3A_264 : vector<16xf32>
        %mul3A_266 = arith.constant 2.000000e-01 : f32
        %mul3A_267 = vector.broadcast %mul3A_266 : f32 to vector<16xf32>
        %mul3A_268 = arith.mulf %mul3A_267, %add3A_262 : vector<16xf32>
        %select_n3A_269 = arith.select %gt3A_265, %add3A_262, %mul3A_268 : vector<16xi1>, vector<16xf32>
        %mul3A_270 = arith.mulf %select_n3A_269, %get3A_198 : vector<16xf32>
        %add3A_271 = arith.addf %add3A_254, %mul3A_270 : vector<16xf32>
        %get3A_272 = arith.index_cast %add3A_226 : i32 to index
        %get3A_273 = arith.constant 32 : index
        %get3A_274 = tpu.vector_load %arg16[%get3A_272, %get3A_273] {strides = array<i32>} : memref<80x64xf32, #tpu.memory_space<vmem>>, vector<16xf32>,
        %add3A_275 = arith.addf %get3A_235, %get3A_274 : vector<16xf32>
        %get3A_276 = arith.index_cast %add3A_226 : i32 to index
        %get3A_277 = arith.constant 32 : index
        %get3A_278 = tpu.vector_load %arg18[%get3A_276, %get3A_277] {strides = array<i32>} : memref<80x64xf32, #tpu.memory_space<vmem>>, vector<16xf32>,
        %add3A_279 = arith.addf %add3A_275, %get3A_278 : vector<16xf32>
        %gt3A_280 = arith.constant 0.000000e+00 : f32
        %gt3A_281 = vector.broadcast %gt3A_280 : f32 to vector<16xf32>
        %gt3A_282 = arith.cmpf ogt, %add3A_279, %gt3A_281 : vector<16xf32>
        %mul3A_283 = arith.constant 2.000000e-01 : f32
        %mul3A_284 = vector.broadcast %mul3A_283 : f32 to vector<16xf32>
        %mul3A_285 = arith.mulf %mul3A_284, %add3A_279 : vector<16xf32>
        %select_n3A_286 = arith.select %gt3A_282, %add3A_279, %mul3A_285 : vector<16xi1>, vector<16xf32>
        %mul3A_287 = arith.mulf %select_n3A_286, %get3A_200 : vector<16xf32>
        %add3A_288 = arith.addf %add3A_271, %mul3A_287 : vector<16xf32>
        %get3A_289 = arith.index_cast %add3A_226 : i32 to index
        %get3A_290 = arith.constant 48 : index
        %get3A_291 = tpu.vector_load %arg16[%get3A_289, %get3A_290] {strides = array<i32>} : memref<80x64xf32, #tpu.memory_space<vmem>>, vector<16xf32>,
        %add3A_292 = arith.addf %get3A_238, %get3A_291 : vector<16xf32>
        %get3A_293 = arith.index_cast %add3A_226 : i32 to index
        %get3A_294 = arith.constant 48 : index
        %get3A_295 = tpu.vector_load %arg18[%get3A_293, %get3A_294] {strides = array<i32>} : memref<80x64xf32, #tpu.memory_space<vmem>>, vector<16xf32>,
        %add3A_296 = arith.addf %add3A_292, %get3A_295 : vector<16xf32>
        %gt3A_297 = arith.constant 0.000000e+00 : f32
        %gt3A_298 = vector.broadcast %gt3A_297 : f32 to vector<16xf32>
        %gt3A_299 = arith.cmpf ogt, %add3A_296, %gt3A_298 : vector<16xf32>
        %mul3A_300 = arith.constant 2.000000e-01 : f32
        %mul3A_301 = vector.broadcast %mul3A_300 : f32 to vector<16xf32>
        %mul3A_302 = arith.mulf %mul3A_301, %add3A_296 : vector<16xf32>
        %select_n3A_303 = arith.select %gt3A_299, %add3A_296, %mul3A_302 : vector<16xi1>, vector<16xf32>
        %mul3A_304 = arith.mulf %select_n3A_303, %get3A_202 : vector<16xf32>
        %add3A_305 = arith.addf %add3A_288, %mul3A_304 : vector<16xf32>
        %reduce_sum3A = arith.constant true
        %reduce_sum3A_306 = vector.broadcast %reduce_sum3A : i1 to vector<16xi1>
        %reduce_sum3A_307 = tpu.scan <sum>, %add3A_305 masked %reduce_sum3A_306 : vector<16xf32>, vector<16xi1> -> vector<16xf32>
        %reduce_sum3A_308 = vector.extract %reduce_sum3A_307[15] : f32 from vector<16xf32>
        %broadcast_in_dim3A_309 = vector.broadcast %reduce_sum3A_308 : f32 to vector<16xf32>
        %exp3A = math.exp %broadcast_in_dim3A_309 : vector<16xf32>
        %mul3A_310 = arith.mulf %get3A_229, %exp3A : vector<16xf32>
        %swap3A = arith.index_cast %add3A_226 : i32 to index
        %swap3A_311 = arith.constant 0 : index
        %swap3A_312 = tpu.vector_load %arg20[%swap3A, %swap3A_311] {strides = array<i32>} : memref<80x80xf32, #tpu.memory_space<vmem>>, vector<16xf32>,
        tpu.vector_store %arg20[%swap3A, %swap3A_311], %mul3A_310 {strides = array<i32>} : memref<80x80xf32, #tpu.memory_space<vmem>>, vector<16xf32>,
        %mul3A_313 = arith.mulf %get3A_232, %exp3A : vector<16xf32>
        %swap3A_314 = arith.index_cast %add3A_226 : i32 to index
        %swap3A_315 = arith.constant 16 : index
        %swap3A_316 = tpu.vector_load %arg20[%swap3A_314, %swap3A_315] {strides = array<i32>} : memref<80x80xf32, #tpu.memory_space<vmem>>, vector<16xf32>,
        tpu.vector_store %arg20[%swap3A_314, %swap3A_315], %mul3A_313 {strides = array<i32>} : memref<80x80xf32, #tpu.memory_space<vmem>>, vector<16xf32>,
        %mul3A_317 = arith.mulf %get3A_235, %exp3A : vector<16xf32>
        %swap3A_318 = arith.index_cast %add3A_226 : i32 to index
        %swap3A_319 = arith.constant 32 : index
        %swap3A_320 = tpu.vector_load %arg20[%swap3A_318, %swap3A_319] {strides = array<i32>} : memref<80x80xf32, #tpu.memory_space<vmem>>, vector<16xf32>,
        tpu.vector_store %arg20[%swap3A_318, %swap3A_319], %mul3A_317 {strides = array<i32>} : memref<80x80xf32, #tpu.memory_space<vmem>>, vector<16xf32>,
        %mul3A_321 = arith.mulf %get3A_238, %exp3A : vector<16xf32>
        %swap3A_322 = arith.index_cast %add3A_226 : i32 to index
        %swap3A_323 = arith.constant 48 : index
        %swap3A_324 = tpu.vector_load %arg20[%swap3A_322, %swap3A_323] {strides = array<i32>} : memref<80x80xf32, #tpu.memory_space<vmem>>, vector<16xf32>,
        tpu.vector_store %arg20[%swap3A_322, %swap3A_323], %mul3A_321 {strides = array<i32>} : memref<80x80xf32, #tpu.memory_space<vmem>>, vector<16xf32>,
        %mul3A_325 = arith.mulf %exp3A, %select_n3A : vector<16xf32>
        %swap3A_326 = arith.index_cast %add3A_226 : i32 to index
        %swap3A_327 = arith.constant 64 : index
        %swap3A_328 = tpu.vector_load %arg20[%swap3A_326, %swap3A_327] {strides = array<i32>} : memref<80x80xf32, #tpu.memory_space<vmem>>, vector<16xf32>,
        tpu.vector_store %arg20[%swap3A_326, %swap3A_327], %mul3A_325 {strides = array<i32>} : memref<80x80xf32, #tpu.memory_space<vmem>>, vector<16xf32>,
        %mul3A_329 = arith.constant 4 : i32
        %mul3A_330 = arith.muli %scan3A_221, %mul3A_329 : i32
        %add3A_331 = arith.constant 1 : i32
        %add3A_332 = arith.addi %mul3A_330, %add3A_331 : i32
        %get3A_333 = arith.index_cast %add3A_332 : i32 to index
        %get3A_334 = arith.constant 0 : index
        %get3A_335 = tpu.vector_load %arg14[%get3A_333, %get3A_334] {strides = array<i32>} : memref<80x64xf32, #tpu.memory_space<vmem>>, vector<16xf32>,
        %get3A_336 = arith.index_cast %add3A_332 : i32 to index
        %get3A_337 = arith.constant 16 : index
        %get3A_338 = tpu.vector_load %arg14[%get3A_336, %get3A_337] {strides = array<i32>} : memref<80x64xf32, #tpu.memory_space<vmem>>, vector<16xf32>,
        %get3A_339 = arith.index_cast %add3A_332 : i32 to index
        %get3A_340 = arith.constant 32 : index
        %get3A_341 = tpu.vector_load %arg14[%get3A_339, %get3A_340] {strides = array<i32>} : memref<80x64xf32, #tpu.memory_space<vmem>>, vector<16xf32>,
        %get3A_342 = arith.index_cast %add3A_332 : i32 to index
        %get3A_343 = arith.constant 48 : index
        %get3A_344 = tpu.vector_load %arg14[%get3A_342, %get3A_343] {strides = array<i32>} : memref<80x64xf32, #tpu.memory_space<vmem>>, vector<16xf32>,
        %get3A_345 = arith.index_cast %add3A_332 : i32 to index
        %get3A_346 = arith.constant 0 : index
        %get3A_347 = tpu.vector_load %arg16[%get3A_345, %get3A_346] {strides = array<i32>} : memref<80x64xf32, #tpu.memory_space<vmem>>, vector<16xf32>,
        %add3A_348 = arith.addf %get3A_335, %get3A_347 : vector<16xf32>
        %get3A_349 = arith.index_cast %add3A_332 : i32 to index
        %get3A_350 = arith.constant 0 : index
        %get3A_351 = tpu.vector_load %arg18[%get3A_349, %get3A_350] {strides = array<i32>} : memref<80x64xf32, #tpu.memory_space<vmem>>, vector<16xf32>,
        %add3A_352 = arith.addf %add3A_348, %get3A_351 : vector<16xf32>
        %gt3A_353 = arith.constant 0.000000e+00 : f32
        %gt3A_354 = vector.broadcast %gt3A_353 : f32 to vector<16xf32>
        %gt3A_355 = arith.cmpf ogt, %add3A_352, %gt3A_354 : vector<16xf32>
        %mul3A_356 = arith.constant 2.000000e-01 : f32
        %mul3A_357 = vector.broadcast %mul3A_356 : f32 to vector<16xf32>
        %mul3A_358 = arith.mulf %mul3A_357, %add3A_352 : vector<16xf32>
        %select_n3A_359 = arith.select %gt3A_355, %add3A_352, %mul3A_358 : vector<16xi1>, vector<16xf32>
        %mul3A_360 = arith.mulf %select_n3A_359, %get3A_196 : vector<16xf32>
        %add3A_361 = arith.addf %broadcast_in_dim3A_3, %mul3A_360 : vector<16xf32>
        %get3A_362 = arith.index_cast %add3A_332 : i32 to index
        %get3A_363 = arith.constant 16 : index
        %get3A_364 = tpu.vector_load %arg16[%get3A_362, %get3A_363] {strides = array<i32>} : memref<80x64xf32, #tpu.memory_space<vmem>>, vector<16xf32>,
        %add3A_365 = arith.addf %get3A_338, %get3A_364 : vector<16xf32>
        %get3A_366 = arith.index_cast %add3A_332 : i32 to index
        %get3A_367 = arith.constant 16 : index
        %get3A_368 = tpu.vector_load %arg18[%get3A_366, %get3A_367] {strides = array<i32>} : memref<80x64xf32, #tpu.memory_space<vmem>>, vector<16xf32>,
        %add3A_369 = arith.addf %add3A_365, %get3A_368 : vector<16xf32>
        %gt3A_370 = arith.constant 0.000000e+00 : f32
        %gt3A_371 = vector.broadcast %gt3A_370 : f32 to vector<16xf32>
        %gt3A_372 = arith.cmpf ogt, %add3A_369, %gt3A_371 : vector<16xf32>
        %mul3A_373 = arith.constant 2.000000e-01 : f32
        %mul3A_374 = vector.broadcast %mul3A_373 : f32 to vector<16xf32>
        %mul3A_375 = arith.mulf %mul3A_374, %add3A_369 : vector<16xf32>
        %select_n3A_376 = arith.select %gt3A_372, %add3A_369, %mul3A_375 : vector<16xi1>, vector<16xf32>
        %mul3A_377 = arith.mulf %select_n3A_376, %get3A_198 : vector<16xf32>
        %add3A_378 = arith.addf %add3A_361, %mul3A_377 : vector<16xf32>
        %get3A_379 = arith.index_cast %add3A_332 : i32 to index
        %get3A_380 = arith.constant 32 : index
        %get3A_381 = tpu.vector_load %arg16[%get3A_379, %get3A_380] {strides = array<i32>} : memref<80x64xf32, #tpu.memory_space<vmem>>, vector<16xf32>,
        %add3A_382 = arith.addf %get3A_341, %get3A_381 : vector<16xf32>
        %get3A_383 = arith.index_cast %add3A_332 : i32 to index
        %get3A_384 = arith.constant 32 : index
        %get3A_385 = tpu.vector_load %arg18[%get3A_383, %get3A_384] {strides = array<i32>} : memref<80x64xf32, #tpu.memory_space<vmem>>, vector<16xf32>,
        %add3A_386 = arith.addf %add3A_382, %get3A_385 : vector<16xf32>
        %gt3A_387 = arith.constant 0.000000e+00 : f32
        %gt3A_388 = vector.broadcast %gt3A_387 : f32 to vector<16xf32>
        %gt3A_389 = arith.cmpf ogt, %add3A_386, %gt3A_388 : vector<16xf32>
        %mul3A_390 = arith.constant 2.000000e-01 : f32
        %mul3A_391 = vector.broadcast %mul3A_390 : f32 to vector<16xf32>
        %mul3A_392 = arith.mulf %mul3A_391, %add3A_386 : vector<16xf32>
        %select_n3A_393 = arith.select %gt3A_389, %add3A_386, %mul3A_392 : vector<16xi1>, vector<16xf32>
        %mul3A_394 = arith.mulf %select_n3A_393, %get3A_200 : vector<16xf32>
        %add3A_395 = arith.addf %add3A_378, %mul3A_394 : vector<16xf32>
        %get3A_396 = arith.index_cast %add3A_332 : i32 to index
        %get3A_397 = arith.constant 48 : index
        %get3A_398 = tpu.vector_load %arg16[%get3A_396, %get3A_397] {strides = array<i32>} : memref<80x64xf32, #tpu.memory_space<vmem>>, vector<16xf32>,
        %add3A_399 = arith.addf %get3A_344, %get3A_398 : vector<16xf32>
        %get3A_400 = arith.index_cast %add3A_332 : i32 to index
        %get3A_401 = arith.constant 48 : index
        %get3A_402 = tpu.vector_load %arg18[%get3A_400, %get3A_401] {strides = array<i32>} : memref<80x64xf32, #tpu.memory_space<vmem>>, vector<16xf32>,
        %add3A_403 = arith.addf %add3A_399, %get3A_402 : vector<16xf32>
        %gt3A_404 = arith.constant 0.000000e+00 : f32
        %gt3A_405 = vector.broadcast %gt3A_404 : f32 to vector<16xf32>
        %gt3A_406 = arith.cmpf ogt, %add3A_403, %gt3A_405 : vector<16xf32>
        %mul3A_407 = arith.constant 2.000000e-01 : f32
        %mul3A_408 = vector.broadcast %mul3A_407 : f32 to vector<16xf32>
        %mul3A_409 = arith.mulf %mul3A_408, %add3A_403 : vector<16xf32>
        %select_n3A_410 = arith.select %gt3A_406, %add3A_403, %mul3A_409 : vector<16xi1>, vector<16xf32>
        %mul3A_411 = arith.mulf %select_n3A_410, %get3A_202 : vector<16xf32>
        %add3A_412 = arith.addf %add3A_395, %mul3A_411 : vector<16xf32>
        %reduce_sum3A_413 = arith.constant true
        %reduce_sum3A_414 = vector.broadcast %reduce_sum3A_413 : i1 to vector<16xi1>
        %reduce_sum3A_415 = tpu.scan <sum>, %add3A_412 masked %reduce_sum3A_414 : vector<16xf32>, vector<16xi1> -> vector<16xf32>
        %reduce_sum3A_416 = vector.extract %reduce_sum3A_415[15] : f32 from vector<16xf32>
        %broadcast_in_dim3A_417 = vector.broadcast %reduce_sum3A_416 : f32 to vector<16xf32>
        %exp3A_418 = math.exp %broadcast_in_dim3A_417 : vector<16xf32>
        %mul3A_419 = arith.mulf %get3A_335, %exp3A_418 : vector<16xf32>
        %swap3A_420 = arith.index_cast %add3A_332 : i32 to index
        %swap3A_421 = arith.constant 0 : index
        %swap3A_422 = tpu.vector_load %arg20[%swap3A_420, %swap3A_421] {strides = array<i32>} : memref<80x80xf32, #tpu.memory_space<vmem>>, vector<16xf32>,
        tpu.vector_store %arg20[%swap3A_420, %swap3A_421], %mul3A_419 {strides = array<i32>} : memref<80x80xf32, #tpu.memory_space<vmem>>, vector<16xf32>,
        %mul3A_423 = arith.mulf %get3A_338, %exp3A_418 : vector<16xf32>
        %swap3A_424 = arith.index_cast %add3A_332 : i32 to index
        %swap3A_425 = arith.constant 16 : index
        %swap3A_426 = tpu.vector_load %arg20[%swap3A_424, %swap3A_425] {strides = array<i32>} : memref<80x80xf32, #tpu.memory_space<vmem>>, vector<16xf32>,
        tpu.vector_store %arg20[%swap3A_424, %swap3A_425], %mul3A_423 {strides = array<i32>} : memref<80x80xf32, #tpu.memory_space<vmem>>, vector<16xf32>,
        %mul3A_427 = arith.mulf %get3A_341, %exp3A_418 : vector<16xf32>
        %swap3A_428 = arith.index_cast %add3A_332 : i32 to index
        %swap3A_429 = arith.constant 32 : index
        %swap3A_430 = tpu.vector_load %arg20[%swap3A_428, %swap3A_429] {strides = array<i32>} : memref<80x80xf32, #tpu.memory_space<vmem>>, vector<16xf32>,
        tpu.vector_store %arg20[%swap3A_428, %swap3A_429], %mul3A_427 {strides = array<i32>} : memref<80x80xf32, #tpu.memory_space<vmem>>, vector<16xf32>,
        %mul3A_431 = arith.mulf %get3A_344, %exp3A_418 : vector<16xf32>
        %swap3A_432 = arith.index_cast %add3A_332 : i32 to index
        %swap3A_433 = arith.constant 48 : index
        %swap3A_434 = tpu.vector_load %arg20[%swap3A_432, %swap3A_433] {strides = array<i32>} : memref<80x80xf32, #tpu.memory_space<vmem>>, vector<16xf32>,
        tpu.vector_store %arg20[%swap3A_432, %swap3A_433], %mul3A_431 {strides = array<i32>} : memref<80x80xf32, #tpu.memory_space<vmem>>, vector<16xf32>,
        %mul3A_435 = arith.mulf %exp3A_418, %select_n3A : vector<16xf32>
        %swap3A_436 = arith.index_cast %add3A_332 : i32 to index
        %swap3A_437 = arith.constant 64 : index
        %swap3A_438 = tpu.vector_load %arg20[%swap3A_436, %swap3A_437] {strides = array<i32>} : memref<80x80xf32, #tpu.memory_space<vmem>>, vector<16xf32>,
        tpu.vector_store %arg20[%swap3A_436, %swap3A_437], %mul3A_435 {strides = array<i32>} : memref<80x80xf32, #tpu.memory_space<vmem>>, vector<16xf32>,
        %mul3A_439 = arith.constant 4 : i32
        %mul3A_440 = arith.muli %scan3A_221, %mul3A_439 : i32
        %add3A_441 = arith.constant 2 : i32
        %add3A_442 = arith.addi %mul3A_440, %add3A_441 : i32
        %get3A_443 = arith.index_cast %add3A_442 : i32 to index
        %get3A_444 = arith.constant 0 : index
        %get3A_445 = tpu.vector_load %arg14[%get3A_443, %get3A_444] {strides = array<i32>} : memref<80x64xf32, #tpu.memory_space<vmem>>, vector<16xf32>,
        %get3A_446 = arith.index_cast %add3A_442 : i32 to index
        %get3A_447 = arith.constant 16 : index
        %get3A_448 = tpu.vector_load %arg14[%get3A_446, %get3A_447] {strides = array<i32>} : memref<80x64xf32, #tpu.memory_space<vmem>>, vector<16xf32>,
        %get3A_449 = arith.index_cast %add3A_442 : i32 to index
        %get3A_450 = arith.constant 32 : index
        %get3A_451 = tpu.vector_load %arg14[%get3A_449, %get3A_450] {strides = array<i32>} : memref<80x64xf32, #tpu.memory_space<vmem>>, vector<16xf32>,
        %get3A_452 = arith.index_cast %add3A_442 : i32 to index
        %get3A_453 = arith.constant 48 : index
        %get3A_454 = tpu.vector_load %arg14[%get3A_452, %get3A_453] {strides = array<i32>} : memref<80x64xf32, #tpu.memory_space<vmem>>, vector<16xf32>,
        %get3A_455 = arith.index_cast %add3A_442 : i32 to index
        %get3A_456 = arith.constant 0 : index
        %get3A_457 = tpu.vector_load %arg16[%get3A_455, %get3A_456] {strides = array<i32>} : memref<80x64xf32, #tpu.memory_space<vmem>>, vector<16xf32>,
        %add3A_458 = arith.addf %get3A_445, %get3A_457 : vector<16xf32>
        %get3A_459 = arith.index_cast %add3A_442 : i32 to index
        %get3A_460 = arith.constant 0 : index
        %get3A_461 = tpu.vector_load %arg18[%get3A_459, %get3A_460] {strides = array<i32>} : memref<80x64xf32, #tpu.memory_space<vmem>>, vector<16xf32>,
        %add3A_462 = arith.addf %add3A_458, %get3A_461 : vector<16xf32>
        %gt3A_463 = arith.constant 0.000000e+00 : f32
        %gt3A_464 = vector.broadcast %gt3A_463 : f32 to vector<16xf32>
        %gt3A_465 = arith.cmpf ogt, %add3A_462, %gt3A_464 : vector<16xf32>
        %mul3A_466 = arith.constant 2.000000e-01 : f32
        %mul3A_467 = vector.broadcast %mul3A_466 : f32 to vector<16xf32>
        %mul3A_468 = arith.mulf %mul3A_467, %add3A_462 : vector<16xf32>
        %select_n3A_469 = arith.select %gt3A_465, %add3A_462, %mul3A_468 : vector<16xi1>, vector<16xf32>
        %mul3A_470 = arith.mulf %select_n3A_469, %get3A_196 : vector<16xf32>
        %add3A_471 = arith.addf %broadcast_in_dim3A_3, %mul3A_470 : vector<16xf32>
        %get3A_472 = arith.index_cast %add3A_442 : i32 to index
        %get3A_473 = arith.constant 16 : index
        %get3A_474 = tpu.vector_load %arg16[%get3A_472, %get3A_473] {strides = array<i32>} : memref<80x64xf32, #tpu.memory_space<vmem>>, vector<16xf32>,
        %add3A_475 = arith.addf %get3A_448, %get3A_474 : vector<16xf32>
        %get3A_476 = arith.index_cast %add3A_442 : i32 to index
        %get3A_477 = arith.constant 16 : index
        %get3A_478 = tpu.vector_load %arg18[%get3A_476, %get3A_477] {strides = array<i32>} : memref<80x64xf32, #tpu.memory_space<vmem>>, vector<16xf32>,
        %add3A_479 = arith.addf %add3A_475, %get3A_478 : vector<16xf32>
        %gt3A_480 = arith.constant 0.000000e+00 : f32
        %gt3A_481 = vector.broadcast %gt3A_480 : f32 to vector<16xf32>
        %gt3A_482 = arith.cmpf ogt, %add3A_479, %gt3A_481 : vector<16xf32>
        %mul3A_483 = arith.constant 2.000000e-01 : f32
        %mul3A_484 = vector.broadcast %mul3A_483 : f32 to vector<16xf32>
        %mul3A_485 = arith.mulf %mul3A_484, %add3A_479 : vector<16xf32>
        %select_n3A_486 = arith.select %gt3A_482, %add3A_479, %mul3A_485 : vector<16xi1>, vector<16xf32>
        %mul3A_487 = arith.mulf %select_n3A_486, %get3A_198 : vector<16xf32>
        %add3A_488 = arith.addf %add3A_471, %mul3A_487 : vector<16xf32>
        %get3A_489 = arith.index_cast %add3A_442 : i32 to index
        %get3A_490 = arith.constant 32 : index
        %get3A_491 = tpu.vector_load %arg16[%get3A_489, %get3A_490] {strides = array<i32>} : memref<80x64xf32, #tpu.memory_space<vmem>>, vector<16xf32>,
        %add3A_492 = arith.addf %get3A_451, %get3A_491 : vector<16xf32>
        %get3A_493 = arith.index_cast %add3A_442 : i32 to index
        %get3A_494 = arith.constant 32 : index
        %get3A_495 = tpu.vector_load %arg18[%get3A_493, %get3A_494] {strides = array<i32>} : memref<80x64xf32, #tpu.memory_space<vmem>>, vector<16xf32>,
        %add3A_496 = arith.addf %add3A_492, %get3A_495 : vector<16xf32>
        %gt3A_497 = arith.constant 0.000000e+00 : f32
        %gt3A_498 = vector.broadcast %gt3A_497 : f32 to vector<16xf32>
        %gt3A_499 = arith.cmpf ogt, %add3A_496, %gt3A_498 : vector<16xf32>
        %mul3A_500 = arith.constant 2.000000e-01 : f32
        %mul3A_501 = vector.broadcast %mul3A_500 : f32 to vector<16xf32>
        %mul3A_502 = arith.mulf %mul3A_501, %add3A_496 : vector<16xf32>
        %select_n3A_503 = arith.select %gt3A_499, %add3A_496, %mul3A_502 : vector<16xi1>, vector<16xf32>
        %mul3A_504 = arith.mulf %select_n3A_503, %get3A_200 : vector<16xf32>
        %add3A_505 = arith.addf %add3A_488, %mul3A_504 : vector<16xf32>
        %get3A_506 = arith.index_cast %add3A_442 : i32 to index
        %get3A_507 = arith.constant 48 : index
        %get3A_508 = tpu.vector_load %arg16[%get3A_506, %get3A_507] {strides = array<i32>} : memref<80x64xf32, #tpu.memory_space<vmem>>, vector<16xf32>,
        %add3A_509 = arith.addf %get3A_454, %get3A_508 : vector<16xf32>
        %get3A_510 = arith.index_cast %add3A_442 : i32 to index
        %get3A_511 = arith.constant 48 : index
        %get3A_512 = tpu.vector_load %arg18[%get3A_510, %get3A_511] {strides = array<i32>} : memref<80x64xf32, #tpu.memory_space<vmem>>, vector<16xf32>,
        %add3A_513 = arith.addf %add3A_509, %get3A_512 : vector<16xf32>
        %gt3A_514 = arith.constant 0.000000e+00 : f32
        %gt3A_515 = vector.broadcast %gt3A_514 : f32 to vector<16xf32>
        %gt3A_516 = arith.cmpf ogt, %add3A_513, %gt3A_515 : vector<16xf32>
        %mul3A_517 = arith.constant 2.000000e-01 : f32
        %mul3A_518 = vector.broadcast %mul3A_517 : f32 to vector<16xf32>
        %mul3A_519 = arith.mulf %mul3A_518, %add3A_513 : vector<16xf32>
        %select_n3A_520 = arith.select %gt3A_516, %add3A_513, %mul3A_519 : vector<16xi1>, vector<16xf32>
        %mul3A_521 = arith.mulf %select_n3A_520, %get3A_202 : vector<16xf32>
        %add3A_522 = arith.addf %add3A_505, %mul3A_521 : vector<16xf32>
        %reduce_sum3A_523 = arith.constant true
        %reduce_sum3A_524 = vector.broadcast %reduce_sum3A_523 : i1 to vector<16xi1>
        %reduce_sum3A_525 = tpu.scan <sum>, %add3A_522 masked %reduce_sum3A_524 : vector<16xf32>, vector<16xi1> -> vector<16xf32>
        %reduce_sum3A_526 = vector.extract %reduce_sum3A_525[15] : f32 from vector<16xf32>
        %broadcast_in_dim3A_527 = vector.broadcast %reduce_sum3A_526 : f32 to vector<16xf32>
        %exp3A_528 = math.exp %broadcast_in_dim3A_527 : vector<16xf32>
        %mul3A_529 = arith.mulf %get3A_445, %exp3A_528 : vector<16xf32>
        %swap3A_530 = arith.index_cast %add3A_442 : i32 to index
        %swap3A_531 = arith.constant 0 : index
        %swap3A_532 = tpu.vector_load %arg20[%swap3A_530, %swap3A_531] {strides = array<i32>} : memref<80x80xf32, #tpu.memory_space<vmem>>, vector<16xf32>,
        tpu.vector_store %arg20[%swap3A_530, %swap3A_531], %mul3A_529 {strides = array<i32>} : memref<80x80xf32, #tpu.memory_space<vmem>>, vector<16xf32>,
        %mul3A_533 = arith.mulf %get3A_448, %exp3A_528 : vector<16xf32>
        %swap3A_534 = arith.index_cast %add3A_442 : i32 to index
        %swap3A_535 = arith.constant 16 : index
        %swap3A_536 = tpu.vector_load %arg20[%swap3A_534, %swap3A_535] {strides = array<i32>} : memref<80x80xf32, #tpu.memory_space<vmem>>, vector<16xf32>,
        tpu.vector_store %arg20[%swap3A_534, %swap3A_535], %mul3A_533 {strides = array<i32>} : memref<80x80xf32, #tpu.memory_space<vmem>>, vector<16xf32>,
        %mul3A_537 = arith.mulf %get3A_451, %exp3A_528 : vector<16xf32>
        %swap3A_538 = arith.index_cast %add3A_442 : i32 to index
        %swap3A_539 = arith.constant 32 : index
        %swap3A_540 = tpu.vector_load %arg20[%swap3A_538, %swap3A_539] {strides = array<i32>} : memref<80x80xf32, #tpu.memory_space<vmem>>, vector<16xf32>,
        tpu.vector_store %arg20[%swap3A_538, %swap3A_539], %mul3A_537 {strides = array<i32>} : memref<80x80xf32, #tpu.memory_space<vmem>>, vector<16xf32>,
        %mul3A_541 = arith.mulf %get3A_454, %exp3A_528 : vector<16xf32>
        %swap3A_542 = arith.index_cast %add3A_442 : i32 to index
        %swap3A_543 = arith.constant 48 : index
        %swap3A_544 = tpu.vector_load %arg20[%swap3A_542, %swap3A_543] {strides = array<i32>} : memref<80x80xf32, #tpu.memory_space<vmem>>, vector<16xf32>,
        tpu.vector_store %arg20[%swap3A_542, %swap3A_543], %mul3A_541 {strides = array<i32>} : memref<80x80xf32, #tpu.memory_space<vmem>>, vector<16xf32>,
        %mul3A_545 = arith.mulf %exp3A_528, %select_n3A : vector<16xf32>
        %swap3A_546 = arith.index_cast %add3A_442 : i32 to index
        %swap3A_547 = arith.constant 64 : index
        %swap3A_548 = tpu.vector_load %arg20[%swap3A_546, %swap3A_547] {strides = array<i32>} : memref<80x80xf32, #tpu.memory_space<vmem>>, vector<16xf32>,
        tpu.vector_store %arg20[%swap3A_546, %swap3A_547], %mul3A_545 {strides = array<i32>} : memref<80x80xf32, #tpu.memory_space<vmem>>, vector<16xf32>,
        %mul3A_549 = arith.constant 4 : i32
        %mul3A_550 = arith.muli %scan3A_221, %mul3A_549 : i32
        %add3A_551 = arith.constant 3 : i32
        %add3A_552 = arith.addi %mul3A_550, %add3A_551 : i32
        %get3A_553 = arith.index_cast %add3A_552 : i32 to index
        %get3A_554 = arith.constant 0 : index
        %get3A_555 = tpu.vector_load %arg14[%get3A_553, %get3A_554] {strides = array<i32>} : memref<80x64xf32, #tpu.memory_space<vmem>>, vector<16xf32>,
        %get3A_556 = arith.index_cast %add3A_552 : i32 to index
        %get3A_557 = arith.constant 16 : index
        %get3A_558 = tpu.vector_load %arg14[%get3A_556, %get3A_557] {strides = array<i32>} : memref<80x64xf32, #tpu.memory_space<vmem>>, vector<16xf32>,
        %get3A_559 = arith.index_cast %add3A_552 : i32 to index
        %get3A_560 = arith.constant 32 : index
        %get3A_561 = tpu.vector_load %arg14[%get3A_559, %get3A_560] {strides = array<i32>} : memref<80x64xf32, #tpu.memory_space<vmem>>, vector<16xf32>,
        %get3A_562 = arith.index_cast %add3A_552 : i32 to index
        %get3A_563 = arith.constant 48 : index
        %get3A_564 = tpu.vector_load %arg14[%get3A_562, %get3A_563] {strides = array<i32>} : memref<80x64xf32, #tpu.memory_space<vmem>>, vector<16xf32>,
        %get3A_565 = arith.index_cast %add3A_552 : i32 to index
        %get3A_566 = arith.constant 0 : index
        %get3A_567 = tpu.vector_load %arg16[%get3A_565, %get3A_566] {strides = array<i32>} : memref<80x64xf32, #tpu.memory_space<vmem>>, vector<16xf32>,
        %add3A_568 = arith.addf %get3A_555, %get3A_567 : vector<16xf32>
        %get3A_569 = arith.index_cast %add3A_552 : i32 to index
        %get3A_570 = arith.constant 0 : index
        %get3A_571 = tpu.vector_load %arg18[%get3A_569, %get3A_570] {strides = array<i32>} : memref<80x64xf32, #tpu.memory_space<vmem>>, vector<16xf32>,
        %add3A_572 = arith.addf %add3A_568, %get3A_571 : vector<16xf32>
        %gt3A_573 = arith.constant 0.000000e+00 : f32
        %gt3A_574 = vector.broadcast %gt3A_573 : f32 to vector<16xf32>
        %gt3A_575 = arith.cmpf ogt, %add3A_572, %gt3A_574 : vector<16xf32>
        %mul3A_576 = arith.constant 2.000000e-01 : f32
        %mul3A_577 = vector.broadcast %mul3A_576 : f32 to vector<16xf32>
        %mul3A_578 = arith.mulf %mul3A_577, %add3A_572 : vector<16xf32>
        %select_n3A_579 = arith.select %gt3A_575, %add3A_572, %mul3A_578 : vector<16xi1>, vector<16xf32>
        %mul3A_580 = arith.mulf %select_n3A_579, %get3A_196 : vector<16xf32>
        %add3A_581 = arith.addf %broadcast_in_dim3A_3, %mul3A_580 : vector<16xf32>
        %get3A_582 = arith.index_cast %add3A_552 : i32 to index
        %get3A_583 = arith.constant 16 : index
        %get3A_584 = tpu.vector_load %arg16[%get3A_582, %get3A_583] {strides = array<i32>} : memref<80x64xf32, #tpu.memory_space<vmem>>, vector<16xf32>,
        %add3A_585 = arith.addf %get3A_558, %get3A_584 : vector<16xf32>
        %get3A_586 = arith.index_cast %add3A_552 : i32 to index
        %get3A_587 = arith.constant 16 : index
        %get3A_588 = tpu.vector_load %arg18[%get3A_586, %get3A_587] {strides = array<i32>} : memref<80x64xf32, #tpu.memory_space<vmem>>, vector<16xf32>,
        %add3A_589 = arith.addf %add3A_585, %get3A_588 : vector<16xf32>
        %gt3A_590 = arith.constant 0.000000e+00 : f32
        %gt3A_591 = vector.broadcast %gt3A_590 : f32 to vector<16xf32>
        %gt3A_592 = arith.cmpf ogt, %add3A_589, %gt3A_591 : vector<16xf32>
        %mul3A_593 = arith.constant 2.000000e-01 : f32
        %mul3A_594 = vector.broadcast %mul3A_593 : f32 to vector<16xf32>
        %mul3A_595 = arith.mulf %mul3A_594, %add3A_589 : vector<16xf32>
        %select_n3A_596 = arith.select %gt3A_592, %add3A_589, %mul3A_595 : vector<16xi1>, vector<16xf32>
        %mul3A_597 = arith.mulf %select_n3A_596, %get3A_198 : vector<16xf32>
        %add3A_598 = arith.addf %add3A_581, %mul3A_597 : vector<16xf32>
        %get3A_599 = arith.index_cast %add3A_552 : i32 to index
        %get3A_600 = arith.constant 32 : index
        %get3A_601 = tpu.vector_load %arg16[%get3A_599, %get3A_600] {strides = array<i32>} : memref<80x64xf32, #tpu.memory_space<vmem>>, vector<16xf32>,
        %add3A_602 = arith.addf %get3A_561, %get3A_601 : vector<16xf32>
        %get3A_603 = arith.index_cast %add3A_552 : i32 to index
        %get3A_604 = arith.constant 32 : index
        %get3A_605 = tpu.vector_load %arg18[%get3A_603, %get3A_604] {strides = array<i32>} : memref<80x64xf32, #tpu.memory_space<vmem>>, vector<16xf32>,
        %add3A_606 = arith.addf %add3A_602, %get3A_605 : vector<16xf32>
        %gt3A_607 = arith.constant 0.000000e+00 : f32
        %gt3A_608 = vector.broadcast %gt3A_607 : f32 to vector<16xf32>
        %gt3A_609 = arith.cmpf ogt, %add3A_606, %gt3A_608 : vector<16xf32>
        %mul3A_610 = arith.constant 2.000000e-01 : f32
        %mul3A_611 = vector.broadcast %mul3A_610 : f32 to vector<16xf32>
        %mul3A_612 = arith.mulf %mul3A_611, %add3A_606 : vector<16xf32>
        %select_n3A_613 = arith.select %gt3A_609, %add3A_606, %mul3A_612 : vector<16xi1>, vector<16xf32>
        %mul3A_614 = arith.mulf %select_n3A_613, %get3A_200 : vector<16xf32>
        %add3A_615 = arith.addf %add3A_598, %mul3A_614 : vector<16xf32>
        %get3A_616 = arith.index_cast %add3A_552 : i32 to index
        %get3A_617 = arith.constant 48 : index
        %get3A_618 = tpu.vector_load %arg16[%get3A_616, %get3A_617] {strides = array<i32>} : memref<80x64xf32, #tpu.memory_space<vmem>>, vector<16xf32>,
        %add3A_619 = arith.addf %get3A_564, %get3A_618 : vector<16xf32>
        %get3A_620 = arith.index_cast %add3A_552 : i32 to index
        %get3A_621 = arith.constant 48 : index
        %get3A_622 = tpu.vector_load %arg18[%get3A_620, %get3A_621] {strides = array<i32>} : memref<80x64xf32, #tpu.memory_space<vmem>>, vector<16xf32>,
        %add3A_623 = arith.addf %add3A_619, %get3A_622 : vector<16xf32>
        %gt3A_624 = arith.constant 0.000000e+00 : f32
        %gt3A_625 = vector.broadcast %gt3A_624 : f32 to vector<16xf32>
        %gt3A_626 = arith.cmpf ogt, %add3A_623, %gt3A_625 : vector<16xf32>
        %mul3A_627 = arith.constant 2.000000e-01 : f32
        %mul3A_628 = vector.broadcast %mul3A_627 : f32 to vector<16xf32>
        %mul3A_629 = arith.mulf %mul3A_628, %add3A_623 : vector<16xf32>
        %select_n3A_630 = arith.select %gt3A_626, %add3A_623, %mul3A_629 : vector<16xi1>, vector<16xf32>
        %mul3A_631 = arith.mulf %select_n3A_630, %get3A_202 : vector<16xf32>
        %add3A_632 = arith.addf %add3A_615, %mul3A_631 : vector<16xf32>
        %reduce_sum3A_633 = arith.constant true
        %reduce_sum3A_634 = vector.broadcast %reduce_sum3A_633 : i1 to vector<16xi1>
        %reduce_sum3A_635 = tpu.scan <sum>, %add3A_632 masked %reduce_sum3A_634 : vector<16xf32>, vector<16xi1> -> vector<16xf32>
        %reduce_sum3A_636 = vector.extract %reduce_sum3A_635[15] : f32 from vector<16xf32>
        %broadcast_in_dim3A_637 = vector.broadcast %reduce_sum3A_636 : f32 to vector<16xf32>
        %exp3A_638 = math.exp %broadcast_in_dim3A_637 : vector<16xf32>
        %mul3A_639 = arith.mulf %get3A_555, %exp3A_638 : vector<16xf32>
        %swap3A_640 = arith.index_cast %add3A_552 : i32 to index
        %swap3A_641 = arith.constant 0 : index
        %swap3A_642 = tpu.vector_load %arg20[%swap3A_640, %swap3A_641] {strides = array<i32>} : memref<80x80xf32, #tpu.memory_space<vmem>>, vector<16xf32>,
        tpu.vector_store %arg20[%swap3A_640, %swap3A_641], %mul3A_639 {strides = array<i32>} : memref<80x80xf32, #tpu.memory_space<vmem>>, vector<16xf32>,
        %mul3A_643 = arith.mulf %get3A_558, %exp3A_638 : vector<16xf32>
        %swap3A_644 = arith.index_cast %add3A_552 : i32 to index
        %swap3A_645 = arith.constant 16 : index
        %swap3A_646 = tpu.vector_load %arg20[%swap3A_644, %swap3A_645] {strides = array<i32>} : memref<80x80xf32, #tpu.memory_space<vmem>>, vector<16xf32>,
        tpu.vector_store %arg20[%swap3A_644, %swap3A_645], %mul3A_643 {strides = array<i32>} : memref<80x80xf32, #tpu.memory_space<vmem>>, vector<16xf32>,
        %mul3A_647 = arith.mulf %get3A_561, %exp3A_638 : vector<16xf32>
        %swap3A_648 = arith.index_cast %add3A_552 : i32 to index
        %swap3A_649 = arith.constant 32 : index
        %swap3A_650 = tpu.vector_load %arg20[%swap3A_648, %swap3A_649] {strides = array<i32>} : memref<80x80xf32, #tpu.memory_space<vmem>>, vector<16xf32>,
        tpu.vector_store %arg20[%swap3A_648, %swap3A_649], %mul3A_647 {strides = array<i32>} : memref<80x80xf32, #tpu.memory_space<vmem>>, vector<16xf32>,
        %mul3A_651 = arith.mulf %get3A_564, %exp3A_638 : vector<16xf32>
        %swap3A_652 = arith.index_cast %add3A_552 : i32 to index
        %swap3A_653 = arith.constant 48 : index
        %swap3A_654 = tpu.vector_load %arg20[%swap3A_652, %swap3A_653] {strides = array<i32>} : memref<80x80xf32, #tpu.memory_space<vmem>>, vector<16xf32>,
        tpu.vector_store %arg20[%swap3A_652, %swap3A_653], %mul3A_651 {strides = array<i32>} : memref<80x80xf32, #tpu.memory_space<vmem>>, vector<16xf32>,
        %mul3A_655 = arith.mulf %exp3A_638, %select_n3A : vector<16xf32>
        %swap3A_656 = arith.index_cast %add3A_552 : i32 to index
        %swap3A_657 = arith.constant 64 : index
        %swap3A_658 = tpu.vector_load %arg20[%swap3A_656, %swap3A_657] {strides = array<i32>} : memref<80x80xf32, #tpu.memory_space<vmem>>, vector<16xf32>,
        tpu.vector_store %arg20[%swap3A_656, %swap3A_657], %mul3A_655 {strides = array<i32>} : memref<80x80xf32, #tpu.memory_space<vmem>>, vector<16xf32>,
        %scan3A_659 = arith.constant 0 : i32
        scf.yield %scan3A_659 : i32
      }
      %scan3A_209 = arith.constant 20 : i32
      %dma_start3A_210 = arith.constant 0 : i32
      %dma_start3A_211 = arith.constant 0 : i32
      %dma_start3A_212 = tpu.memref_slice %arg23[%dma_start3A_210, %dma_start3A_211] : memref<10112x80xf32, #tpu.memory_space<vmem_shared>> -> memref<10112x80xf32, #tpu.memory_space<vmem_shared>>
      tpu.enqueue_indirect_dma source(%arg20 : memref<80x80xf32, #tpu.memory_space<vmem>>) target(%dma_start3A_212 : memref<10112x80xf32, #tpu.memory_space<vmem_shared>>) offsets(%arg12 : memref<80xi32, #tpu.memory_space<vmem>>) semaphore(%arg32 : memref<!tpu.dma_semaphore, #tpu.memory_space<semaphore_mem>>) {add = true}
      %add3A_213 = arith.constant 1 : i32
      %add3A_214 = arith.addi %add3A_108, %add3A_213 : i32
      %lt3A_215 = arith.constant 125 : i32
      %lt3A_216 = arith.cmpi slt, %add3A_214, %lt3A_215 : i32
      %convert_element_type3A_217 = arith.extui %lt3A_216 : i1 to i32
      %cond3A_218 = arith.constant 0 : i32
      %cond3A_219 = arith.cmpi ne, %convert_element_type3A_217, %cond3A_218 : i32
      scf.if %cond3A_219 {
        %dma_wait3A_221 = arith.constant 0 : i32
        %dma_wait3A_222 = tpu.memref_slice %arg5[%dma_wait3A_221] : memref<320000xi32, #tpu.memory_space<hbm>> -> memref<80xi32, #tpu.memory_space<hbm>>
        %dma_wait3A_223 = arith.constant 0 : i32
        %dma_wait3A_224 = tpu.memref_slice %arg5[%dma_wait3A_223] : memref<320000xi32, #tpu.memory_space<hbm>> -> memref<80xi32, #tpu.memory_space<hbm>>
        tpu.wait_dma2 semaphore(%arg25 : memref<!tpu.dma_semaphore, #tpu.memory_space<semaphore_mem>>) src(%dma_wait3A_224 : memref<80xi32, #tpu.memory_space<hbm>>) dst(%arg11 : memref<80xi32, #tpu.memory_space<vmem>>)
        %dma_wait3A_225 = arith.constant 0 : i32
        %dma_wait3A_226 = tpu.memref_slice %arg6[%dma_wait3A_225] : memref<320000xi32, #tpu.memory_space<hbm>> -> memref<80xi32, #tpu.memory_space<hbm>>
        %dma_wait3A_227 = arith.constant 0 : i32
        %dma_wait3A_228 = tpu.memref_slice %arg6[%dma_wait3A_227] : memref<320000xi32, #tpu.memory_space<hbm>> -> memref<80xi32, #tpu.memory_space<hbm>>
        tpu.wait_dma2 semaphore(%arg25 : memref<!tpu.dma_semaphore, #tpu.memory_space<semaphore_mem>>) src(%dma_wait3A_228 : memref<80xi32, #tpu.memory_space<hbm>>) dst(%arg13 : memref<80xi32, #tpu.memory_space<vmem>>)
        %add3A_229 = arith.constant 1 : i32
        %add3A_230 = arith.addi %add3A_108, %add3A_229 : i32
        %mul3A_231 = arith.constant 10000 : i32
        %mul3A_232 = arith.muli %add3A, %mul3A_231 : i32
        %mul3A_233 = arith.constant 80 : i32
        %mul3A_234 = arith.muli %add3A_230, %mul3A_233 : i32
        %add3A_235 = arith.addi %mul3A_232, %mul3A_234 : i32
        %multiple_of3A_236 = tpu.assume_multiple %add3A_235, 8 : i32
        %dma_start3A_237 = arith.constant 0 : i32
        %dma_start3A_238 = arith.constant 0 : i32
        %dma_start3A_239 = tpu.memref_slice %arg2[%dma_start3A_237, %dma_start3A_238] : memref<10000x64xf32, #tpu.memory_space<hbm>> -> memref<10000x64xf32, #tpu.memory_space<hbm>>
        tpu.enqueue_indirect_dma source(%dma_start3A_239 : memref<10000x64xf32, #tpu.memory_space<hbm>>) target(%arg15 : memref<80x64xf32, #tpu.memory_space<vmem>>) offsets(%arg11 : memref<80xi32, #tpu.memory_space<vmem>>) semaphore(%arg27 : memref<!tpu.dma_semaphore, #tpu.memory_space<semaphore_mem>>)
        %dma_start3A_240 = arith.constant 0 : i32
        %dma_start3A_241 = arith.constant 0 : i32
        %dma_start3A_242 = tpu.memref_slice %arg3[%dma_start3A_240, %dma_start3A_241] : memref<10000x64xf32, #tpu.memory_space<hbm>> -> memref<10000x64xf32, #tpu.memory_space<hbm>>
        tpu.enqueue_indirect_dma source(%dma_start3A_242 : memref<10000x64xf32, #tpu.memory_space<hbm>>) target(%arg17 : memref<80x64xf32, #tpu.memory_space<vmem>>) offsets(%arg13 : memref<80xi32, #tpu.memory_space<vmem>>) semaphore(%arg29 : memref<!tpu.dma_semaphore, #tpu.memory_space<semaphore_mem>>)
        %dma_start3A_243 = arith.constant 0 : i32
        %dma_start3A_244 = tpu.memref_slice %arg4[%multiple_of3A_236, %dma_start3A_243] : memref<320000x64xf32, #tpu.memory_space<hbm>> -> memref<80x64xf32, #tpu.memory_space<hbm>>
        %dma_start3A_245 = arith.constant 0 : i32
        %dma_start3A_246 = tpu.memref_slice %arg4[%multiple_of3A_236, %dma_start3A_245] : memref<320000x64xf32, #tpu.memory_space<hbm>> -> memref<80x64xf32, #tpu.memory_space<hbm>>
        tpu.enqueue_dma source(%dma_start3A_246 : memref<80x64xf32, #tpu.memory_space<hbm>>) target(%arg19 : memref<80x64xf32, #tpu.memory_space<vmem>>) target_semaphore(%arg31 : memref<!tpu.dma_semaphore, #tpu.memory_space<semaphore_mem>>)
      } else {
      }
      %scan3A_220 = arith.constant 0 : i32
      scf.yield %scan3A_220 : i32
    }
    %scan3A_98 = arith.constant 62 : i32
    %dma_wait3A_99 = arith.constant 0 : i32
    %dma_wait3A_100 = arith.constant 0 : i32
    %dma_wait3A_101 = tpu.memref_slice %arg23[%dma_wait3A_99, %dma_wait3A_100] : memref<10112x80xf32, #tpu.memory_space<vmem_shared>> -> memref<10112x80xf32, #tpu.memory_space<vmem_shared>>
    tpu.wait_indirect_dma semaphore(%arg32 : memref<!tpu.dma_semaphore, #tpu.memory_space<semaphore_mem>>) src(%arg20 : memref<80x80xf32, #tpu.memory_space<vmem>>) dst(%dma_wait3A_101 : memref<10112x80xf32, #tpu.memory_space<vmem_shared>>)
    %barrier3A_102 = arith.constant 0 : index
    tpu.barrier barrier_id(%barrier3A_102)
    "tpu.region"() ({
      %run_scoped3A = tpu.sem_alloc : memref<!tpu.dma_semaphore, #tpu.memory_space<semaphore_mem>>
      %dma_start3A_103 = arith.constant 0 : i32
      %dma_start3A_104 = tpu.memref_slice %arg9[%arg0, %multiple_of3A, %dma_start3A_103] : memref<2x10112x80xf32, #tpu.memory_space<hbm>> -> memref<1x632x80xf32, #tpu.memory_space<hbm>>
      %dma_start3A_105 = tpu.memref_squeeze %dma_start3A_104 : memref<1x632x80xf32, #tpu.memory_space<hbm>> -> memref<632x80xf32, #tpu.memory_space<hbm>>
      %dma_start3A_106 = arith.constant 0 : i32
      %dma_start3A_107 = tpu.memref_slice %arg23[%multiple_of3A, %dma_start3A_106] : memref<10112x80xf32, #tpu.memory_space<vmem_shared>> -> memref<632x80xf32, #tpu.memory_space<vmem_shared>>
      tpu.enqueue_dma source(%dma_start3A_107 : memref<632x80xf32, #tpu.memory_space<vmem_shared>>) target(%dma_start3A_105 : memref<632x80xf32, #tpu.memory_space<hbm>>) target_semaphore(%run_scoped3A : memref<!tpu.dma_semaphore, #tpu.memory_space<semaphore_mem>>)
      %dma_wait3A_108 = arith.constant 0 : i32
      %dma_wait3A_109 = tpu.memref_slice %arg9[%arg0, %multiple_of3A, %dma_wait3A_108] : memref<2x10112x80xf32, #tpu.memory_space<hbm>> -> memref<1x632x80xf32, #tpu.memory_space<hbm>>
      %dma_wait3A_110 = tpu.memref_squeeze %dma_wait3A_109 : memref<1x632x80xf32, #tpu.memory_space<hbm>> -> memref<632x80xf32, #tpu.memory_space<hbm>>
      %dma_wait3A_111 = arith.constant 0 : i32
      %dma_wait3A_112 = tpu.memref_slice %arg23[%multiple_of3A, %dma_wait3A_111] : memref<10112x80xf32, #tpu.memory_space<vmem_shared>> -> memref<632x80xf32, #tpu.memory_space<vmem_shared>>
      tpu.wait_dma2 semaphore(%run_scoped3A : memref<!tpu.dma_semaphore, #tpu.memory_space<semaphore_mem>>) src(%dma_wait3A_112 : memref<632x80xf32, #tpu.memory_space<vmem_shared>>) dst(%dma_wait3A_110 : memref<632x80xf32, #tpu.memory_space<hbm>>)
      tpu.yield
    }) : () -> ()
    return
  }
}

#map = affine_map<(d0, d1) -> (0, 0)>
#map1 = affine_map<(d0, d1) -> (0)>
module attributes {stable_mosaic.version = 14 : i64} {
  func.func @k(%arg0: i32, %arg1: i32, %arg2: memref<10000x16xf32, #tpu.memory_space<hbm>>, %arg3: memref<1024xi32, #tpu.memory_space<hbm>>, %arg4: memref<1024x16xf32, #tpu.memory_space<hbm>>, %arg5: memref<32xi32, #tpu.memory_space<vmem>>, %arg6: memref<32x16xf32, #tpu.memory_space<vmem>>, %arg7: memref<!tpu.dma_semaphore, #tpu.memory_space<semaphore_mem>>) attributes {dimension_semantics = [#tpu.dimension_semantics<core_parallel>, #tpu.dimension_semantics<subcore_parallel>], iteration_bounds = array<i64: 2, 16>, scalar_prefetch = 0 : i64, scratch_operands = 3 : i64, tpu.core_type = #tpu.core_type<sc_vector_subcore>, window_params = [{transform_indices = #map}, {transform_indices = #map1}, {transform_indices = #map}]} {
    %mul3A = arith.constant 16 : i32
    %mul3A_0 = arith.muli %arg0, %mul3A : i32
    %add3A = arith.addi %mul3A_0, %arg1 : i32
    %mul3A_1 = arith.constant 32 : i32
    %mul3A_2 = arith.muli %add3A, %mul3A_1 : i32
    %multiple_of3A = tpu.assume_multiple %mul3A_2, 8 : i32
    "tpu.region"() ({
      %run_scoped3A = tpu.sem_alloc : memref<!tpu.dma_semaphore, #tpu.memory_space<semaphore_mem>>
      %dma_start3A_7 = tpu.memref_slice %arg3[%multiple_of3A] : memref<1024xi32, #tpu.memory_space<hbm>> -> memref<32xi32, #tpu.memory_space<hbm>>
      %dma_start3A_8 = tpu.memref_slice %arg3[%multiple_of3A] : memref<1024xi32, #tpu.memory_space<hbm>> -> memref<32xi32, #tpu.memory_space<hbm>>
      tpu.enqueue_dma source(%dma_start3A_8 : memref<32xi32, #tpu.memory_space<hbm>>) target(%arg5 : memref<32xi32, #tpu.memory_space<vmem>>) target_semaphore(%run_scoped3A : memref<!tpu.dma_semaphore, #tpu.memory_space<semaphore_mem>>)
      %dma_wait3A_9 = tpu.memref_slice %arg3[%multiple_of3A] : memref<1024xi32, #tpu.memory_space<hbm>> -> memref<32xi32, #tpu.memory_space<hbm>>
      %dma_wait3A_10 = tpu.memref_slice %arg3[%multiple_of3A] : memref<1024xi32, #tpu.memory_space<hbm>> -> memref<32xi32, #tpu.memory_space<hbm>>
      tpu.wait_dma2 semaphore(%run_scoped3A : memref<!tpu.dma_semaphore, #tpu.memory_space<semaphore_mem>>) src(%dma_wait3A_10 : memref<32xi32, #tpu.memory_space<hbm>>) dst(%arg5 : memref<32xi32, #tpu.memory_space<vmem>>)
      tpu.yield
    }) : () -> ()
    %dma_start3A = arith.constant 0 : i32
    %dma_start3A_3 = arith.constant 0 : i32
    %dma_start3A_4 = tpu.memref_slice %arg2[%dma_start3A, %dma_start3A_3] : memref<10000x16xf32, #tpu.memory_space<hbm>> -> memref<10000x16xf32, #tpu.memory_space<hbm>>
    tpu.enqueue_indirect_dma source(%dma_start3A_4 : memref<10000x16xf32, #tpu.memory_space<hbm>>) target(%arg6 : memref<32x16xf32, #tpu.memory_space<vmem>>) offsets(%arg5 : memref<32xi32, #tpu.memory_space<vmem>>) semaphore(%arg7 : memref<!tpu.dma_semaphore, #tpu.memory_space<semaphore_mem>>)
    %dma_wait3A = arith.constant 0 : i32
    %dma_wait3A_5 = arith.constant 0 : i32
    %dma_wait3A_6 = tpu.memref_slice %arg2[%dma_wait3A, %dma_wait3A_5] : memref<10000x16xf32, #tpu.memory_space<hbm>> -> memref<10000x16xf32, #tpu.memory_space<hbm>>
    tpu.wait_indirect_dma semaphore(%arg7 : memref<!tpu.dma_semaphore, #tpu.memory_space<semaphore_mem>>) src(%dma_wait3A_6 : memref<10000x16xf32, #tpu.memory_space<hbm>>) dst(%arg6 : memref<32x16xf32, #tpu.memory_space<vmem>>)
    "tpu.region"() ({
      %run_scoped3A = tpu.sem_alloc : memref<!tpu.dma_semaphore, #tpu.memory_space<semaphore_mem>>
      %dma_start3A_7 = arith.constant 0 : i32
      %dma_start3A_8 = tpu.memref_slice %arg4[%multiple_of3A, %dma_start3A_7] : memref<1024x16xf32, #tpu.memory_space<hbm>> -> memref<32x16xf32, #tpu.memory_space<hbm>>
      %dma_start3A_9 = arith.constant 0 : i32
      %dma_start3A_10 = tpu.memref_slice %arg4[%multiple_of3A, %dma_start3A_9] : memref<1024x16xf32, #tpu.memory_space<hbm>> -> memref<32x16xf32, #tpu.memory_space<hbm>>
      tpu.enqueue_dma source(%arg6 : memref<32x16xf32, #tpu.memory_space<vmem>>) target(%dma_start3A_10 : memref<32x16xf32, #tpu.memory_space<hbm>>) target_semaphore(%run_scoped3A : memref<!tpu.dma_semaphore, #tpu.memory_space<semaphore_mem>>)
      %dma_wait3A_11 = arith.constant 0 : i32
      %dma_wait3A_12 = tpu.memref_slice %arg4[%multiple_of3A, %dma_wait3A_11] : memref<1024x16xf32, #tpu.memory_space<hbm>> -> memref<32x16xf32, #tpu.memory_space<hbm>>
      %dma_wait3A_13 = arith.constant 0 : i32
      %dma_wait3A_14 = tpu.memref_slice %arg4[%multiple_of3A, %dma_wait3A_13] : memref<1024x16xf32, #tpu.memory_space<hbm>> -> memref<32x16xf32, #tpu.memory_space<hbm>>
      tpu.wait_dma2 semaphore(%run_scoped3A : memref<!tpu.dma_semaphore, #tpu.memory_space<semaphore_mem>>) src(%arg6 : memref<32x16xf32, #tpu.memory_space<vmem>>) dst(%dma_wait3A_14 : memref<32x16xf32, #tpu.memory_space<hbm>>)
      tpu.yield
    }) : () -> ()
    return
  }
}

module attributes {stable_mosaic.version = 14 : i64} {
  func.func @_proj_body(%arg0: i32, %arg1: memref<1000x128xf32, #tpu.memory_space<vmem>>, %arg2: memref<64x128xf32, #tpu.memory_space<vmem>>, %arg3: memref<1x64xf32, #tpu.memory_space<vmem>>, %arg4: memref<64x128xf32, #tpu.memory_space<vmem>>, %arg5: memref<1x64xf32, #tpu.memory_space<vmem>>, %arg6: memref<1000x64xf32, #tpu.memory_space<vmem>>, %arg7: memref<1000x64xf32, #tpu.memory_space<vmem>>) attributes {dimension_semantics = [#tpu.dimension_semantics<arbitrary>], iteration_bounds = array<i64: 10>, scalar_prefetch = 0 : i64, scratch_operands = 0 : i64, tpu.core_type = #tpu.core_type<tc>, window_params = [{transform_indices = @transform_0, window_bounds = array<i64: 1000, 128>}, {pipeline_mode = #tpu.pipeline_mode<synchronous>, transform_indices = @transform_1, window_bounds = array<i64: 64, 128>}, {pipeline_mode = #tpu.pipeline_mode<synchronous>, transform_indices = @transform_2, window_bounds = array<i64: 1, 64>}, {pipeline_mode = #tpu.pipeline_mode<synchronous>, transform_indices = @transform_3, window_bounds = array<i64: 64, 128>}, {pipeline_mode = #tpu.pipeline_mode<synchronous>, transform_indices = @transform_4, window_bounds = array<i64: 1, 64>}, {transform_indices = @transform_5, window_bounds = array<i64: 1000, 64>}, {transform_indices = @transform_6, window_bounds = array<i64: 1000, 64>}]} {
    %get3A = arith.constant 0 : index
    %get3A_0 = arith.constant 0 : index
    %get3A_1 = vector.load %arg1[%get3A, %get3A_0] : memref<1000x128xf32, #tpu.memory_space<vmem>>, vector<1000x128xf32>
    %get3A_2 = arith.constant 0 : index
    %get3A_3 = arith.constant 0 : index
    %get3A_4 = vector.load %arg2[%get3A_2, %get3A_3] : memref<64x128xf32, #tpu.memory_space<vmem>>, vector<64x128xf32>
    %dot_general3A = arith.constant dense<0.000000e+00> : vector<1000x64xf32>
    %dot_general3A_5 = tpu.matmul %get3A_1, %get3A_4, %dot_general3A {dimension_numbers = #tpu.dot_dimension_numbers<[1], [1], [0], [0], [0, 0, 1, 0], [], []>, transpose_lhs_hint = false} : vector<1000x128xf32>, vector<64x128xf32>, vector<1000x64xf32> -> vector<1000x64xf32>
    %get3A_6 = arith.constant 0 : index
    %get3A_7 = arith.constant 0 : index
    %get3A_8 = vector.load %arg3[%get3A_6, %get3A_7] : memref<1x64xf32, #tpu.memory_space<vmem>>, vector<1x64xf32>
    %add3A = vector.broadcast %get3A_8 : vector<1x64xf32> to vector<1000x64xf32>
    %add3A_9 = arith.addf %dot_general3A_5, %add3A : vector<1000x64xf32>
    %swap3A = arith.constant 0 : index
    %swap3A_10 = arith.constant 0 : index
    %swap3A_11 = vector.load %arg6[%swap3A, %swap3A_10] : memref<1000x64xf32, #tpu.memory_space<vmem>>, vector<1000x64xf32>
    tpu.vector_store %arg6[%swap3A, %swap3A_10], %add3A_9 {strides = array<i32>} : memref<1000x64xf32, #tpu.memory_space<vmem>>, vector<1000x64xf32>,
    %get3A_12 = arith.constant 0 : index
    %get3A_13 = arith.constant 0 : index
    %get3A_14 = vector.load %arg4[%get3A_12, %get3A_13] : memref<64x128xf32, #tpu.memory_space<vmem>>, vector<64x128xf32>
    %dot_general3A_15 = arith.constant dense<0.000000e+00> : vector<1000x64xf32>
    %dot_general3A_16 = tpu.matmul %get3A_1, %get3A_14, %dot_general3A_15 {dimension_numbers = #tpu.dot_dimension_numbers<[1], [1], [0], [0], [0, 0, 1, 0], [], []>, transpose_lhs_hint = false} : vector<1000x128xf32>, vector<64x128xf32>, vector<1000x64xf32> -> vector<1000x64xf32>
    %get3A_17 = arith.constant 0 : index
    %get3A_18 = arith.constant 0 : index
    %get3A_19 = vector.load %arg5[%get3A_17, %get3A_18] : memref<1x64xf32, #tpu.memory_space<vmem>>, vector<1x64xf32>
    %add3A_20 = vector.broadcast %get3A_19 : vector<1x64xf32> to vector<1000x64xf32>
    %add3A_21 = arith.addf %dot_general3A_16, %add3A_20 : vector<1000x64xf32>
    %swap3A_22 = arith.constant 0 : index
    %swap3A_23 = arith.constant 0 : index
    %swap3A_24 = vector.load %arg7[%swap3A_22, %swap3A_23] : memref<1000x64xf32, #tpu.memory_space<vmem>>, vector<1000x64xf32>
    tpu.vector_store %arg7[%swap3A_22, %swap3A_23], %add3A_21 {strides = array<i32>} : memref<1000x64xf32, #tpu.memory_space<vmem>>, vector<1000x64xf32>,
    return
  }
  func.func @transform_0(%arg0: i32) -> (i32, i32) {
    %c0_i32 = arith.constant 0 : i32
    %c0_i32_0 = arith.constant 0 : i32
    return %arg0, %c0_i32 : i32, i32
  }
  func.func @transform_1(%arg0: i32) -> (i32, i32) {
    %c0_i32 = arith.constant 0 : i32
    %c0_i32_0 = arith.constant 0 : i32
    %c0_i32_1 = arith.constant 0 : i32
    return %c0_i32, %c0_i32_0 : i32, i32
  }
  func.func @transform_2(%arg0: i32) -> (i32, i32) {
    %c0_i32 = arith.constant 0 : i32
    %c0_i32_0 = arith.constant 0 : i32
    %c0_i32_1 = arith.constant 0 : i32
    return %c0_i32, %c0_i32_0 : i32, i32
  }
  func.func @transform_3(%arg0: i32) -> (i32, i32) {
    %c0_i32 = arith.constant 0 : i32
    %c0_i32_0 = arith.constant 0 : i32
    %c0_i32_1 = arith.constant 0 : i32
    return %c0_i32, %c0_i32_0 : i32, i32
  }
  func.func @transform_4(%arg0: i32) -> (i32, i32) {
    %c0_i32 = arith.constant 0 : i32
    %c0_i32_0 = arith.constant 0 : i32
    %c0_i32_1 = arith.constant 0 : i32
    return %c0_i32, %c0_i32_0 : i32, i32
  }
  func.func @transform_5(%arg0: i32) -> (i32, i32) {
    %c0_i32 = arith.constant 0 : i32
    %c0_i32_0 = arith.constant 0 : i32
    return %arg0, %c0_i32 : i32, i32
  }
  func.func @transform_6(%arg0: i32) -> (i32, i32) {
    %c0_i32 = arith.constant 0 : i32
    %c0_i32_0 = arith.constant 0 : i32
    return %arg0, %c0_i32 : i32, i32
  }
}

module attributes {stable_mosaic.version = 14 : i64} {
  func.func @_me_body(%arg0: i32, %arg1: memref<4000x16xf32, #tpu.memory_space<vmem>>, %arg2: memref<64x16xf32, #tpu.memory_space<vmem>>, %arg3: memref<64x16xf32, #tpu.memory_space<vmem>>, %arg4: memref<4000x64xf32, #tpu.memory_space<vmem>>, %arg5: memref<4000x64xf32, #tpu.memory_space<vmem>>) attributes {dimension_semantics = [#tpu.dimension_semantics<arbitrary>], iteration_bounds = array<i64: 80>, scalar_prefetch = 0 : i64, scratch_operands = 0 : i64, tpu.core_type = #tpu.core_type<tc>, window_params = [{transform_indices = @transform_0, window_bounds = array<i64: 4000, 16>}, {pipeline_mode = #tpu.pipeline_mode<synchronous>, transform_indices = @transform_1, window_bounds = array<i64: 64, 16>}, {pipeline_mode = #tpu.pipeline_mode<synchronous>, transform_indices = @transform_2, window_bounds = array<i64: 64, 16>}, {transform_indices = @transform_3, window_bounds = array<i64: 4000, 64>}, {transform_indices = @transform_4, window_bounds = array<i64: 4000, 64>}]} {
    %get3A = arith.constant 0 : index
    %get3A_0 = arith.constant 0 : index
    %get3A_1 = vector.load %arg1[%get3A, %get3A_0] : memref<4000x16xf32, #tpu.memory_space<vmem>>, vector<4000x16xf32>
    %get3A_2 = arith.constant 0 : index
    %get3A_3 = arith.constant 0 : index
    %get3A_4 = vector.load %arg2[%get3A_2, %get3A_3] : memref<64x16xf32, #tpu.memory_space<vmem>>, vector<64x16xf32>
    %dot_general3A = arith.constant dense<0.000000e+00> : vector<4000x64xf32>
    %dot_general3A_5 = tpu.matmul %get3A_1, %get3A_4, %dot_general3A {dimension_numbers = #tpu.dot_dimension_numbers<[1], [1], [0], [0], [0, 0, 1, 0], [], []>, transpose_lhs_hint = false} : vector<4000x16xf32>, vector<64x16xf32>, vector<4000x64xf32> -> vector<4000x64xf32>
    %swap3A = arith.constant 0 : index
    %swap3A_6 = arith.constant 0 : index
    %swap3A_7 = vector.load %arg4[%swap3A, %swap3A_6] : memref<4000x64xf32, #tpu.memory_space<vmem>>, vector<4000x64xf32>
    tpu.vector_store %arg4[%swap3A, %swap3A_6], %dot_general3A_5 {strides = array<i32>} : memref<4000x64xf32, #tpu.memory_space<vmem>>, vector<4000x64xf32>,
    %get3A_8 = arith.constant 0 : index
    %get3A_9 = arith.constant 0 : index
    %get3A_10 = vector.load %arg3[%get3A_8, %get3A_9] : memref<64x16xf32, #tpu.memory_space<vmem>>, vector<64x16xf32>
    %dot_general3A_11 = arith.constant dense<0.000000e+00> : vector<4000x64xf32>
    %dot_general3A_12 = tpu.matmul %get3A_1, %get3A_10, %dot_general3A_11 {dimension_numbers = #tpu.dot_dimension_numbers<[1], [1], [0], [0], [0, 0, 1, 0], [], []>, transpose_lhs_hint = false} : vector<4000x16xf32>, vector<64x16xf32>, vector<4000x64xf32> -> vector<4000x64xf32>
    %swap3A_13 = arith.constant 0 : index
    %swap3A_14 = arith.constant 0 : index
    %swap3A_15 = vector.load %arg5[%swap3A_13, %swap3A_14] : memref<4000x64xf32, #tpu.memory_space<vmem>>, vector<4000x64xf32>
    tpu.vector_store %arg5[%swap3A_13, %swap3A_14], %dot_general3A_12 {strides = array<i32>} : memref<4000x64xf32, #tpu.memory_space<vmem>>, vector<4000x64xf32>,
    return
  }
  func.func @transform_0(%arg0: i32) -> (i32, i32) {
    %c0_i32 = arith.constant 0 : i32
    %c0_i32_0 = arith.constant 0 : i32
    return %arg0, %c0_i32 : i32, i32
  }
  func.func @transform_1(%arg0: i32) -> (i32, i32) {
    %c0_i32 = arith.constant 0 : i32
    %c0_i32_0 = arith.constant 0 : i32
    %c0_i32_1 = arith.constant 0 : i32
    return %c0_i32, %c0_i32_0 : i32, i32
  }
  func.func @transform_2(%arg0: i32) -> (i32, i32) {
    %c0_i32 = arith.constant 0 : i32
    %c0_i32_0 = arith.constant 0 : i32
    %c0_i32_1 = arith.constant 0 : i32
    return %c0_i32, %c0_i32_0 : i32, i32
  }
  func.func @transform_3(%arg0: i32) -> (i32, i32) {
    %c0_i32 = arith.constant 0 : i32
    %c0_i32_0 = arith.constant 0 : i32
    return %arg0, %c0_i32 : i32, i32
  }
  func.func @transform_4(%arg0: i32) -> (i32, i32) {
    %c0_i32 = arith.constant 0 : i32
    %c0_i32_0 = arith.constant 0 : i32
    return %arg0, %c0_i32 : i32, i32
  }
}

module attributes {stable_mosaic.version = 14 : i64} {
  func.func @_loopme_body(%arg0: i32, %arg1: memref<2x1000x32xf32, #tpu.memory_space<vmem>>, %arg2: memref<64x16xf32, #tpu.memory_space<vmem>>, %arg3: memref<64x16xf32, #tpu.memory_space<vmem>>, %arg4: memref<1000x64xf32, #tpu.memory_space<vmem>>, %arg5: memref<1000x64xf32, #tpu.memory_space<vmem>>) attributes {dimension_semantics = [#tpu.dimension_semantics<arbitrary>], iteration_bounds = array<i64: 10>, scalar_prefetch = 0 : i64, scratch_operands = 0 : i64, tpu.core_type = #tpu.core_type<tc>, window_params = [{transform_indices = @transform_0, window_bounds = array<i64: 2, 1000, 32>}, {pipeline_mode = #tpu.pipeline_mode<synchronous>, transform_indices = @transform_1, window_bounds = array<i64: 64, 16>}, {pipeline_mode = #tpu.pipeline_mode<synchronous>, transform_indices = @transform_2, window_bounds = array<i64: 64, 16>}, {transform_indices = @transform_3, window_bounds = array<i64: 1000, 64>}, {transform_indices = @transform_4, window_bounds = array<i64: 1000, 64>}]} {
    %get3A = arith.constant 0 : index
    %get3A_0 = arith.constant 0 : index
    %get3A_1 = arith.constant 0 : index
    %get3A_2 = vector.load %arg1[%get3A, %get3A_0, %get3A_1] : memref<2x1000x32xf32, #tpu.memory_space<vmem>>, vector<2x1000x32xf32>
    %slice3A = vector.extract_strided_slice %get3A_2 {offsets = [0, 0, 0], sizes = [1, 1000, 32], strides = [1, 1, 1]} : vector<2x1000x32xf32> to vector<1x1000x32xf32>
    %squeeze3A = vector.shape_cast %slice3A : vector<1x1000x32xf32> to vector<1000x32xf32>
    %slice3A_3 = vector.extract_strided_slice %get3A_2 {offsets = [1, 0, 0], sizes = [1, 1000, 32], strides = [1, 1, 1]} : vector<2x1000x32xf32> to vector<1x1000x32xf32>
    %squeeze3A_4 = vector.shape_cast %slice3A_3 : vector<1x1000x32xf32> to vector<1000x32xf32>
    %add3A = arith.addf %squeeze3A, %squeeze3A_4 : vector<1000x32xf32>
    %slice3A_5 = vector.extract_strided_slice %add3A {offsets = [0, 16], sizes = [1000, 1], strides = [1, 1]} : vector<1000x32xf32> to vector<1000x1xf32>
    %jit3A = arith.constant 1.000000e+00 : f32
    %max3A = vector.broadcast %jit3A : f32 to vector<1000x1xf32>
    %max3A_6 = arith.maximumf %max3A, %slice3A_5 : vector<1000x1xf32>
    %slice3A_7 = vector.extract_strided_slice %add3A {offsets = [0, 0], sizes = [1000, 16], strides = [1, 1]} : vector<1000x32xf32> to vector<1000x16xf32>
    %div3A = vector.broadcast %max3A_6 : vector<1000x1xf32> to vector<1000x16xf32>
    %div3A_8 = arith.divf %slice3A_7, %div3A : vector<1000x16xf32>
    %get3A_9 = arith.constant 0 : index
    %get3A_10 = arith.constant 0 : index
    %get3A_11 = vector.load %arg2[%get3A_9, %get3A_10] : memref<64x16xf32, #tpu.memory_space<vmem>>, vector<64x16xf32>
    %dot_general3A = arith.constant dense<0.000000e+00> : vector<1000x64xf32>
    %dot_general3A_12 = tpu.matmul %div3A_8, %get3A_11, %dot_general3A {dimension_numbers = #tpu.dot_dimension_numbers<[1], [1], [0], [0], [0, 0, 1, 0], [], []>, transpose_lhs_hint = false} : vector<1000x16xf32>, vector<64x16xf32>, vector<1000x64xf32> -> vector<1000x64xf32>
    %swap3A = arith.constant 0 : index
    %swap3A_13 = arith.constant 0 : index
    %swap3A_14 = vector.load %arg4[%swap3A, %swap3A_13] : memref<1000x64xf32, #tpu.memory_space<vmem>>, vector<1000x64xf32>
    tpu.vector_store %arg4[%swap3A, %swap3A_13], %dot_general3A_12 {strides = array<i32>} : memref<1000x64xf32, #tpu.memory_space<vmem>>, vector<1000x64xf32>,
    %get3A_15 = arith.constant 0 : index
    %get3A_16 = arith.constant 0 : index
    %get3A_17 = vector.load %arg3[%get3A_15, %get3A_16] : memref<64x16xf32, #tpu.memory_space<vmem>>, vector<64x16xf32>
    %dot_general3A_18 = arith.constant dense<0.000000e+00> : vector<1000x64xf32>
    %dot_general3A_19 = tpu.matmul %div3A_8, %get3A_17, %dot_general3A_18 {dimension_numbers = #tpu.dot_dimension_numbers<[1], [1], [0], [0], [0, 0, 1, 0], [], []>, transpose_lhs_hint = false} : vector<1000x16xf32>, vector<64x16xf32>, vector<1000x64xf32> -> vector<1000x64xf32>
    %swap3A_20 = arith.constant 0 : index
    %swap3A_21 = arith.constant 0 : index
    %swap3A_22 = vector.load %arg5[%swap3A_20, %swap3A_21] : memref<1000x64xf32, #tpu.memory_space<vmem>>, vector<1000x64xf32>
    tpu.vector_store %arg5[%swap3A_20, %swap3A_21], %dot_general3A_19 {strides = array<i32>} : memref<1000x64xf32, #tpu.memory_space<vmem>>, vector<1000x64xf32>,
    return
  }
  func.func @transform_0(%arg0: i32) -> (i32, i32, i32) {
    %c0_i32 = arith.constant 0 : i32
    %c0_i32_0 = arith.constant 0 : i32
    %c0_i32_1 = arith.constant 0 : i32
    return %c0_i32, %arg0, %c0_i32_0 : i32, i32, i32
  }
  func.func @transform_1(%arg0: i32) -> (i32, i32) {
    %c0_i32 = arith.constant 0 : i32
    %c0_i32_0 = arith.constant 0 : i32
    %c0_i32_1 = arith.constant 0 : i32
    return %c0_i32, %c0_i32_0 : i32, i32
  }
  func.func @transform_2(%arg0: i32) -> (i32, i32) {
    %c0_i32 = arith.constant 0 : i32
    %c0_i32_0 = arith.constant 0 : i32
    %c0_i32_1 = arith.constant 0 : i32
    return %c0_i32, %c0_i32_0 : i32, i32
  }
  func.func @transform_3(%arg0: i32) -> (i32, i32) {
    %c0_i32 = arith.constant 0 : i32
    %c0_i32_0 = arith.constant 0 : i32
    return %arg0, %c0_i32 : i32, i32
  }
  func.func @transform_4(%arg0: i32) -> (i32, i32) {
    %c0_i32 = arith.constant 0 : i32
    %c0_i32_0 = arith.constant 0 : i32
    return %arg0, %c0_i32 : i32, i32
  }
}

module attributes {stable_mosaic.version = 14 : i64} {
  func.func @_epi_body(%arg0: i32, %arg1: memref<2x1000x80xf32, #tpu.memory_space<vmem>>, %arg2: memref<1000x64xf32, #tpu.memory_space<vmem>>, %arg3: memref<1000x64xf32, #tpu.memory_space<vmem>>, %arg4: memref<1000x64xf32, #tpu.memory_space<vmem>>, %arg5: memref<1x64xf32, #tpu.memory_space<vmem>>, %arg6: memref<1x64xf32, #tpu.memory_space<vmem>>, %arg7: memref<64x64xf32, #tpu.memory_space<vmem>>, %arg8: memref<1x64xf32, #tpu.memory_space<vmem>>, %arg9: memref<64x64xf32, #tpu.memory_space<vmem>>, %arg10: memref<1x64xf32, #tpu.memory_space<vmem>>, %arg11: memref<1000x64xf32, #tpu.memory_space<vmem>>, %arg12: memref<1000x64xf32, #tpu.memory_space<vmem>>) attributes {dimension_semantics = [#tpu.dimension_semantics<arbitrary>], iteration_bounds = array<i64: 10>, scalar_prefetch = 0 : i64, scratch_operands = 0 : i64, tpu.core_type = #tpu.core_type<tc>, window_params = [{transform_indices = @transform_0, window_bounds = array<i64: 2, 1000, 80>}, {transform_indices = @transform_1, window_bounds = array<i64: 1000, 64>}, {transform_indices = @transform_2, window_bounds = array<i64: 1000, 64>}, {transform_indices = @transform_3, window_bounds = array<i64: 1000, 64>}, {pipeline_mode = #tpu.pipeline_mode<synchronous>, transform_indices = @transform_4, window_bounds = array<i64: 1, 64>}, {pipeline_mode = #tpu.pipeline_mode<synchronous>, transform_indices = @transform_5, window_bounds = array<i64: 1, 64>}, {pipeline_mode = #tpu.pipeline_mode<synchronous>, transform_indices = @transform_6, window_bounds = array<i64: 64, 64>}, {pipeline_mode = #tpu.pipeline_mode<synchronous>, transform_indices = @transform_7, window_bounds = array<i64: 1, 64>}, {pipeline_mode = #tpu.pipeline_mode<synchronous>, transform_indices = @transform_8, window_bounds = array<i64: 64, 64>}, {pipeline_mode = #tpu.pipeline_mode<synchronous>, transform_indices = @transform_9, window_bounds = array<i64: 1, 64>}, {transform_indices = @transform_10, window_bounds = array<i64: 1000, 64>}, {transform_indices = @transform_11, window_bounds = array<i64: 1000, 64>}]} {
    %get3A = arith.constant 0 : index
    %get3A_0 = arith.constant 0 : index
    %get3A_1 = arith.constant 0 : index
    %get3A_2 = vector.load %arg1[%get3A, %get3A_0, %get3A_1] : memref<2x1000x80xf32, #tpu.memory_space<vmem>>, vector<2x1000x80xf32>
    %get3A_3 = arith.constant 0 : index
    %get3A_4 = arith.constant 0 : index
    %get3A_5 = vector.load %arg2[%get3A_3, %get3A_4] : memref<1000x64xf32, #tpu.memory_space<vmem>>, vector<1000x64xf32>
    %get3A_6 = arith.constant 0 : index
    %get3A_7 = arith.constant 0 : index
    %get3A_8 = vector.load %arg3[%get3A_6, %get3A_7] : memref<1000x64xf32, #tpu.memory_space<vmem>>, vector<1000x64xf32>
    %get3A_9 = arith.constant 0 : index
    %get3A_10 = arith.constant 0 : index
    %get3A_11 = vector.load %arg4[%get3A_9, %get3A_10] : memref<1000x64xf32, #tpu.memory_space<vmem>>, vector<1000x64xf32>
    %get3A_12 = arith.constant 0 : index
    %get3A_13 = arith.constant 0 : index
    %get3A_14 = vector.load %arg5[%get3A_12, %get3A_13] : memref<1x64xf32, #tpu.memory_space<vmem>>, vector<1x64xf32>
    %get3A_15 = arith.constant 0 : index
    %get3A_16 = arith.constant 0 : index
    %get3A_17 = vector.load %arg6[%get3A_15, %get3A_16] : memref<1x64xf32, #tpu.memory_space<vmem>>, vector<1x64xf32>
    %add3A = arith.addf %get3A_5, %get3A_8 : vector<1000x64xf32>
    %add3A_18 = arith.addf %add3A, %get3A_11 : vector<1000x64xf32>
    %gt3A = arith.constant 0.000000e+00 : f32
    %gt3A_19 = vector.broadcast %gt3A : f32 to vector<1000x64xf32>
    %gt3A_20 = arith.cmpf ogt, %add3A_18, %gt3A_19 : vector<1000x64xf32>
    %mul3A = arith.constant 2.000000e-01 : f32
    %mul3A_21 = vector.broadcast %mul3A : f32 to vector<1000x64xf32>
    %mul3A_22 = arith.mulf %mul3A_21, %add3A_18 : vector<1000x64xf32>
    %select_n3A = arith.select %gt3A_20, %add3A_18, %mul3A_22 : vector<1000x64xi1>, vector<1000x64xf32>
    %mul3A_23 = vector.broadcast %get3A_14 : vector<1x64xf32> to vector<1000x64xf32>
    %mul3A_24 = arith.mulf %select_n3A, %mul3A_23 : vector<1000x64xf32>
    %reduce_sum3A = arith.constant dense<0.000000e+00> : vector<1000xf32>
    %reduce_sum3A_25 = vector.multi_reduction <add>, %mul3A_24, %reduce_sum3A [1] : vector<1000x64xf32> to vector<1000xf32>
    %broadcast_in_dim3A = vector.shape_cast %reduce_sum3A_25 : vector<1000xf32> to vector<1000x1xf32>
    %exp3A = math.exp %broadcast_in_dim3A : vector<1000x1xf32>
    %slice3A = vector.extract_strided_slice %get3A_2 {offsets = [0, 0, 0], sizes = [1, 1000, 64], strides = [1, 1, 1]} : vector<2x1000x80xf32> to vector<1x1000x64xf32>
    %squeeze3A = vector.shape_cast %slice3A : vector<1x1000x64xf32> to vector<1000x64xf32>
    %slice3A_26 = vector.extract_strided_slice %get3A_2 {offsets = [1, 0, 0], sizes = [1, 1000, 64], strides = [1, 1, 1]} : vector<2x1000x80xf32> to vector<1x1000x64xf32>
    %squeeze3A_27 = vector.shape_cast %slice3A_26 : vector<1x1000x64xf32> to vector<1000x64xf32>
    %add3A_28 = arith.addf %squeeze3A, %squeeze3A_27 : vector<1000x64xf32>
    %mul3A_29 = vector.broadcast %exp3A : vector<1000x1xf32> to vector<1000x64xf32>
    %mul3A_30 = arith.mulf %get3A_5, %mul3A_29 : vector<1000x64xf32>
    %add3A_31 = arith.addf %add3A_28, %mul3A_30 : vector<1000x64xf32>
    %slice3A_32 = vector.extract_strided_slice %get3A_2 {offsets = [0, 0, 64], sizes = [1, 1000, 1], strides = [1, 1, 1]} : vector<2x1000x80xf32> to vector<1x1000x1xf32>
    %squeeze3A_33 = vector.shape_cast %slice3A_32 : vector<1x1000x1xf32> to vector<1000x1xf32>
    %slice3A_34 = vector.extract_strided_slice %get3A_2 {offsets = [1, 0, 64], sizes = [1, 1000, 1], strides = [1, 1, 1]} : vector<2x1000x80xf32> to vector<1x1000x1xf32>
    %squeeze3A_35 = vector.shape_cast %slice3A_34 : vector<1x1000x1xf32> to vector<1000x1xf32>
    %add3A_36 = arith.addf %squeeze3A_33, %squeeze3A_35 : vector<1000x1xf32>
    %add3A_37 = arith.addf %add3A_36, %exp3A : vector<1000x1xf32>
    %add3A_38 = arith.constant 1.000000e-16 : f32
    %add3A_39 = vector.broadcast %add3A_38 : f32 to vector<1000x1xf32>
    %add3A_40 = arith.addf %add3A_37, %add3A_39 : vector<1000x1xf32>
    %div3A = vector.broadcast %add3A_40 : vector<1000x1xf32> to vector<1000x64xf32>
    %div3A_41 = arith.divf %add3A_31, %div3A : vector<1000x64xf32>
    %add3A_42 = vector.broadcast %get3A_17 : vector<1x64xf32> to vector<1000x64xf32>
    %add3A_43 = arith.addf %div3A_41, %add3A_42 : vector<1000x64xf32>
    %max3A = arith.constant 0.000000e+00 : f32
    %max3A_44 = vector.broadcast %max3A : f32 to vector<1000x64xf32>
    %max3A_45 = arith.maximumf %add3A_43, %max3A_44 : vector<1000x64xf32>
    %get3A_46 = arith.constant 0 : index
    %get3A_47 = arith.constant 0 : index
    %get3A_48 = vector.load %arg7[%get3A_46, %get3A_47] : memref<64x64xf32, #tpu.memory_space<vmem>>, vector<64x64xf32>
    %dot_general3A = arith.constant dense<0.000000e+00> : vector<1000x64xf32>
    %dot_general3A_49 = tpu.matmul %max3A_45, %get3A_48, %dot_general3A {dimension_numbers = #tpu.dot_dimension_numbers<[1], [1], [0], [0], [0, 0, 1, 0], [], []>, transpose_lhs_hint = false} : vector<1000x64xf32>, vector<64x64xf32>, vector<1000x64xf32> -> vector<1000x64xf32>
    %get3A_50 = arith.constant 0 : index
    %get3A_51 = arith.constant 0 : index
    %get3A_52 = vector.load %arg8[%get3A_50, %get3A_51] : memref<1x64xf32, #tpu.memory_space<vmem>>, vector<1x64xf32>
    %add3A_53 = vector.broadcast %get3A_52 : vector<1x64xf32> to vector<1000x64xf32>
    %add3A_54 = arith.addf %dot_general3A_49, %add3A_53 : vector<1000x64xf32>
    %swap3A = arith.constant 0 : index
    %swap3A_55 = arith.constant 0 : index
    %swap3A_56 = vector.load %arg11[%swap3A, %swap3A_55] : memref<1000x64xf32, #tpu.memory_space<vmem>>, vector<1000x64xf32>
    tpu.vector_store %arg11[%swap3A, %swap3A_55], %add3A_54 {strides = array<i32>} : memref<1000x64xf32, #tpu.memory_space<vmem>>, vector<1000x64xf32>,
    %get3A_57 = arith.constant 0 : index
    %get3A_58 = arith.constant 0 : index
    %get3A_59 = vector.load %arg9[%get3A_57, %get3A_58] : memref<64x64xf32, #tpu.memory_space<vmem>>, vector<64x64xf32>
    %dot_general3A_60 = arith.constant dense<0.000000e+00> : vector<1000x64xf32>
    %dot_general3A_61 = tpu.matmul %max3A_45, %get3A_59, %dot_general3A_60 {dimension_numbers = #tpu.dot_dimension_numbers<[1], [1], [0], [0], [0, 0, 1, 0], [], []>, transpose_lhs_hint = false} : vector<1000x64xf32>, vector<64x64xf32>, vector<1000x64xf32> -> vector<1000x64xf32>
    %get3A_62 = arith.constant 0 : index
    %get3A_63 = arith.constant 0 : index
    %get3A_64 = vector.load %arg10[%get3A_62, %get3A_63] : memref<1x64xf32, #tpu.memory_space<vmem>>, vector<1x64xf32>
    %add3A_65 = vector.broadcast %get3A_64 : vector<1x64xf32> to vector<1000x64xf32>
    %add3A_66 = arith.addf %dot_general3A_61, %add3A_65 : vector<1000x64xf32>
    %swap3A_67 = arith.constant 0 : index
    %swap3A_68 = arith.constant 0 : index
    %swap3A_69 = vector.load %arg12[%swap3A_67, %swap3A_68] : memref<1000x64xf32, #tpu.memory_space<vmem>>, vector<1000x64xf32>
    tpu.vector_store %arg12[%swap3A_67, %swap3A_68], %add3A_66 {strides = array<i32>} : memref<1000x64xf32, #tpu.memory_space<vmem>>, vector<1000x64xf32>,
    return
  }
  func.func @transform_0(%arg0: i32) -> (i32, i32, i32) {
    %c0_i32 = arith.constant 0 : i32
    %c0_i32_0 = arith.constant 0 : i32
    %c0_i32_1 = arith.constant 0 : i32
    return %c0_i32, %arg0, %c0_i32_0 : i32, i32, i32
  }
  func.func @transform_1(%arg0: i32) -> (i32, i32) {
    %c0_i32 = arith.constant 0 : i32
    %c0_i32_0 = arith.constant 0 : i32
    return %arg0, %c0_i32 : i32, i32
  }
  func.func @transform_2(%arg0: i32) -> (i32, i32) {
    %c0_i32 = arith.constant 0 : i32
    %c0_i32_0 = arith.constant 0 : i32
    return %arg0, %c0_i32 : i32, i32
  }
  func.func @transform_3(%arg0: i32) -> (i32, i32) {
    %c0_i32 = arith.constant 0 : i32
    %c0_i32_0 = arith.constant 0 : i32
    return %arg0, %c0_i32 : i32, i32
  }
  func.func @transform_4(%arg0: i32) -> (i32, i32) {
    %c0_i32 = arith.constant 0 : i32
    %c0_i32_0 = arith.constant 0 : i32
    %c0_i32_1 = arith.constant 0 : i32
    return %c0_i32, %c0_i32_0 : i32, i32
  }
  func.func @transform_5(%arg0: i32) -> (i32, i32) {
    %c0_i32 = arith.constant 0 : i32
    %c0_i32_0 = arith.constant 0 : i32
    %c0_i32_1 = arith.constant 0 : i32
    return %c0_i32, %c0_i32_0 : i32, i32
  }
  func.func @transform_6(%arg0: i32) -> (i32, i32) {
    %c0_i32 = arith.constant 0 : i32
    %c0_i32_0 = arith.constant 0 : i32
    %c0_i32_1 = arith.constant 0 : i32
    return %c0_i32, %c0_i32_0 : i32, i32
  }
  func.func @transform_7(%arg0: i32) -> (i32, i32) {
    %c0_i32 = arith.constant 0 : i32
    %c0_i32_0 = arith.constant 0 : i32
    %c0_i32_1 = arith.constant 0 : i32
    return %c0_i32, %c0_i32_0 : i32, i32
  }
  func.func @transform_8(%arg0: i32) -> (i32, i32) {
    %c0_i32 = arith.constant 0 : i32
    %c0_i32_0 = arith.constant 0 : i32
    %c0_i32_1 = arith.constant 0 : i32
    return %c0_i32, %c0_i32_0 : i32, i32
  }
  func.func @transform_9(%arg0: i32) -> (i32, i32) {
    %c0_i32 = arith.constant 0 : i32
    %c0_i32_0 = arith.constant 0 : i32
    %c0_i32_1 = arith.constant 0 : i32
    return %c0_i32, %c0_i32_0 : i32, i32
  }
  func.func @transform_10(%arg0: i32) -> (i32, i32) {
    %c0_i32 = arith.constant 0 : i32
    %c0_i32_0 = arith.constant 0 : i32
    return %arg0, %c0_i32 : i32, i32
  }
  func.func @transform_11(%arg0: i32) -> (i32, i32) {
    %c0_i32 = arith.constant 0 : i32
    %c0_i32_0 = arith.constant 0 : i32
    return %arg0, %c0_i32 : i32, i32
  }
}

module attributes {stable_mosaic.version = 14 : i64} {
  func.func @_head_body(%arg0: i32, %arg1: memref<2x1000x80xf32, #tpu.memory_space<vmem>>, %arg2: memref<1000x64xf32, #tpu.memory_space<vmem>>, %arg3: memref<1000x64xf32, #tpu.memory_space<vmem>>, %arg4: memref<1000x64xf32, #tpu.memory_space<vmem>>, %arg5: memref<1x64xf32, #tpu.memory_space<vmem>>, %arg6: memref<1x64xf32, #tpu.memory_space<vmem>>, %arg7: memref<1000x2xf32, #tpu.memory_space<vmem>>, %arg8: memref<2x2xf32, #tpu.memory_space<vmem>>, %arg9: memref<1x2xf32, #tpu.memory_space<vmem>>, %arg10: memref<32x64xf32, #tpu.memory_space<vmem>>, %arg11: memref<32x2xf32, #tpu.memory_space<vmem>>, %arg12: memref<1x32xf32, #tpu.memory_space<vmem>>, %arg13: memref<8x32xf32, #tpu.memory_space<vmem>>, %arg14: memref<1x8xf32, #tpu.memory_space<vmem>>, %arg15: memref<1000x16xf32, #tpu.memory_space<vmem>>) attributes {dimension_semantics = [#tpu.dimension_semantics<arbitrary>], iteration_bounds = array<i64: 10>, scalar_prefetch = 0 : i64, scratch_operands = 0 : i64, tpu.core_type = #tpu.core_type<tc>, window_params = [{transform_indices = @transform_0, window_bounds = array<i64: 2, 1000, 80>}, {transform_indices = @transform_1, window_bounds = array<i64: 1000, 64>}, {transform_indices = @transform_2, window_bounds = array<i64: 1000, 64>}, {transform_indices = @transform_3, window_bounds = array<i64: 1000, 64>}, {pipeline_mode = #tpu.pipeline_mode<synchronous>, transform_indices = @transform_4, window_bounds = array<i64: 1, 64>}, {pipeline_mode = #tpu.pipeline_mode<synchronous>, transform_indices = @transform_5, window_bounds = array<i64: 1, 64>}, {transform_indices = @transform_6, window_bounds = array<i64: 1000, 2>}, {pipeline_mode = #tpu.pipeline_mode<synchronous>, transform_indices = @transform_7, window_bounds = array<i64: 2, 2>}, {pipeline_mode = #tpu.pipeline_mode<synchronous>, transform_indices = @transform_8, window_bounds = array<i64: 1, 2>}, {pipeline_mode = #tpu.pipeline_mode<synchronous>, transform_indices = @transform_9, window_bounds = array<i64: 32, 64>}, {pipeline_mode = #tpu.pipeline_mode<synchronous>, transform_indices = @transform_10, window_bounds = array<i64: 32, 2>}, {pipeline_mode = #tpu.pipeline_mode<synchronous>, transform_indices = @transform_11, window_bounds = array<i64: 1, 32>}, {pipeline_mode = #tpu.pipeline_mode<synchronous>, transform_indices = @transform_12, window_bounds = array<i64: 8, 32>}, {pipeline_mode = #tpu.pipeline_mode<synchronous>, transform_indices = @transform_13, window_bounds = array<i64: 1, 8>}, {transform_indices = @transform_14, window_bounds = array<i64: 1000, 16>}]} {
    %get3A = arith.constant 0 : index
    %get3A_0 = arith.constant 0 : index
    %get3A_1 = arith.constant 0 : index
    %get3A_2 = vector.load %arg1[%get3A, %get3A_0, %get3A_1] : memref<2x1000x80xf32, #tpu.memory_space<vmem>>, vector<2x1000x80xf32>
    %get3A_3 = arith.constant 0 : index
    %get3A_4 = arith.constant 0 : index
    %get3A_5 = vector.load %arg2[%get3A_3, %get3A_4] : memref<1000x64xf32, #tpu.memory_space<vmem>>, vector<1000x64xf32>
    %get3A_6 = arith.constant 0 : index
    %get3A_7 = arith.constant 0 : index
    %get3A_8 = vector.load %arg3[%get3A_6, %get3A_7] : memref<1000x64xf32, #tpu.memory_space<vmem>>, vector<1000x64xf32>
    %get3A_9 = arith.constant 0 : index
    %get3A_10 = arith.constant 0 : index
    %get3A_11 = vector.load %arg4[%get3A_9, %get3A_10] : memref<1000x64xf32, #tpu.memory_space<vmem>>, vector<1000x64xf32>
    %get3A_12 = arith.constant 0 : index
    %get3A_13 = arith.constant 0 : index
    %get3A_14 = vector.load %arg5[%get3A_12, %get3A_13] : memref<1x64xf32, #tpu.memory_space<vmem>>, vector<1x64xf32>
    %get3A_15 = arith.constant 0 : index
    %get3A_16 = arith.constant 0 : index
    %get3A_17 = vector.load %arg6[%get3A_15, %get3A_16] : memref<1x64xf32, #tpu.memory_space<vmem>>, vector<1x64xf32>
    %add3A = arith.addf %get3A_5, %get3A_8 : vector<1000x64xf32>
    %add3A_18 = arith.addf %add3A, %get3A_11 : vector<1000x64xf32>
    %gt3A = arith.constant 0.000000e+00 : f32
    %gt3A_19 = vector.broadcast %gt3A : f32 to vector<1000x64xf32>
    %gt3A_20 = arith.cmpf ogt, %add3A_18, %gt3A_19 : vector<1000x64xf32>
    %mul3A = arith.constant 2.000000e-01 : f32
    %mul3A_21 = vector.broadcast %mul3A : f32 to vector<1000x64xf32>
    %mul3A_22 = arith.mulf %mul3A_21, %add3A_18 : vector<1000x64xf32>
    %select_n3A = arith.select %gt3A_20, %add3A_18, %mul3A_22 : vector<1000x64xi1>, vector<1000x64xf32>
    %mul3A_23 = vector.broadcast %get3A_14 : vector<1x64xf32> to vector<1000x64xf32>
    %mul3A_24 = arith.mulf %select_n3A, %mul3A_23 : vector<1000x64xf32>
    %reduce_sum3A = arith.constant dense<0.000000e+00> : vector<1000xf32>
    %reduce_sum3A_25 = vector.multi_reduction <add>, %mul3A_24, %reduce_sum3A [1] : vector<1000x64xf32> to vector<1000xf32>
    %broadcast_in_dim3A = vector.shape_cast %reduce_sum3A_25 : vector<1000xf32> to vector<1000x1xf32>
    %exp3A = math.exp %broadcast_in_dim3A : vector<1000x1xf32>
    %slice3A = vector.extract_strided_slice %get3A_2 {offsets = [0, 0, 0], sizes = [1, 1000, 64], strides = [1, 1, 1]} : vector<2x1000x80xf32> to vector<1x1000x64xf32>
    %squeeze3A = vector.shape_cast %slice3A : vector<1x1000x64xf32> to vector<1000x64xf32>
    %slice3A_26 = vector.extract_strided_slice %get3A_2 {offsets = [1, 0, 0], sizes = [1, 1000, 64], strides = [1, 1, 1]} : vector<2x1000x80xf32> to vector<1x1000x64xf32>
    %squeeze3A_27 = vector.shape_cast %slice3A_26 : vector<1x1000x64xf32> to vector<1000x64xf32>
    %add3A_28 = arith.addf %squeeze3A, %squeeze3A_27 : vector<1000x64xf32>
    %mul3A_29 = vector.broadcast %exp3A : vector<1000x1xf32> to vector<1000x64xf32>
    %mul3A_30 = arith.mulf %get3A_5, %mul3A_29 : vector<1000x64xf32>
    %add3A_31 = arith.addf %add3A_28, %mul3A_30 : vector<1000x64xf32>
    %slice3A_32 = vector.extract_strided_slice %get3A_2 {offsets = [0, 0, 64], sizes = [1, 1000, 1], strides = [1, 1, 1]} : vector<2x1000x80xf32> to vector<1x1000x1xf32>
    %squeeze3A_33 = vector.shape_cast %slice3A_32 : vector<1x1000x1xf32> to vector<1000x1xf32>
    %slice3A_34 = vector.extract_strided_slice %get3A_2 {offsets = [1, 0, 64], sizes = [1, 1000, 1], strides = [1, 1, 1]} : vector<2x1000x80xf32> to vector<1x1000x1xf32>
    %squeeze3A_35 = vector.shape_cast %slice3A_34 : vector<1x1000x1xf32> to vector<1000x1xf32>
    %add3A_36 = arith.addf %squeeze3A_33, %squeeze3A_35 : vector<1000x1xf32>
    %add3A_37 = arith.addf %add3A_36, %exp3A : vector<1000x1xf32>
    %add3A_38 = arith.constant 1.000000e-16 : f32
    %add3A_39 = vector.broadcast %add3A_38 : f32 to vector<1000x1xf32>
    %add3A_40 = arith.addf %add3A_37, %add3A_39 : vector<1000x1xf32>
    %div3A = vector.broadcast %add3A_40 : vector<1000x1xf32> to vector<1000x64xf32>
    %div3A_41 = arith.divf %add3A_31, %div3A : vector<1000x64xf32>
    %add3A_42 = vector.broadcast %get3A_17 : vector<1x64xf32> to vector<1000x64xf32>
    %add3A_43 = arith.addf %div3A_41, %add3A_42 : vector<1000x64xf32>
    %max3A = arith.constant 0.000000e+00 : f32
    %max3A_44 = vector.broadcast %max3A : f32 to vector<1000x64xf32>
    %max3A_45 = arith.maximumf %add3A_43, %max3A_44 : vector<1000x64xf32>
    %get3A_46 = arith.constant 0 : index
    %get3A_47 = arith.constant 0 : index
    %get3A_48 = vector.load %arg7[%get3A_46, %get3A_47] : memref<1000x2xf32, #tpu.memory_space<vmem>>, vector<1000x2xf32>
    %get3A_49 = arith.constant 0 : index
    %get3A_50 = arith.constant 0 : index
    %get3A_51 = vector.load %arg8[%get3A_49, %get3A_50] : memref<2x2xf32, #tpu.memory_space<vmem>>, vector<2x2xf32>
    %dot_general3A = arith.constant dense<0.000000e+00> : vector<1000x2xf32>
    %dot_general3A_52 = tpu.matmul %get3A_48, %get3A_51, %dot_general3A {dimension_numbers = #tpu.dot_dimension_numbers<[1], [1], [0], [0], [0, 0, 1, 0], [], []>, transpose_lhs_hint = false} : vector<1000x2xf32>, vector<2x2xf32>, vector<1000x2xf32> -> vector<1000x2xf32>
    %get3A_53 = arith.constant 0 : index
    %get3A_54 = arith.constant 0 : index
    %get3A_55 = vector.load %arg9[%get3A_53, %get3A_54] : memref<1x2xf32, #tpu.memory_space<vmem>>, vector<1x2xf32>
    %add3A_56 = vector.broadcast %get3A_55 : vector<1x2xf32> to vector<1000x2xf32>
    %add3A_57 = arith.addf %dot_general3A_52, %add3A_56 : vector<1000x2xf32>
    %max3A_58 = arith.constant 0.000000e+00 : f32
    %max3A_59 = vector.broadcast %max3A_58 : f32 to vector<1000x2xf32>
    %max3A_60 = arith.maximumf %add3A_57, %max3A_59 : vector<1000x2xf32>
    %get3A_61 = arith.constant 0 : index
    %get3A_62 = arith.constant 0 : index
    %get3A_63 = vector.load %arg10[%get3A_61, %get3A_62] : memref<32x64xf32, #tpu.memory_space<vmem>>, vector<32x64xf32>
    %dot_general3A_64 = arith.constant dense<0.000000e+00> : vector<1000x32xf32>
    %dot_general3A_65 = tpu.matmul %max3A_45, %get3A_63, %dot_general3A_64 {dimension_numbers = #tpu.dot_dimension_numbers<[1], [1], [0], [0], [0, 0, 1, 0], [], []>, transpose_lhs_hint = false} : vector<1000x64xf32>, vector<32x64xf32>, vector<1000x32xf32> -> vector<1000x32xf32>
    %get3A_66 = arith.constant 0 : index
    %get3A_67 = arith.constant 0 : index
    %get3A_68 = vector.load %arg11[%get3A_66, %get3A_67] : memref<32x2xf32, #tpu.memory_space<vmem>>, vector<32x2xf32>
    %dot_general3A_69 = arith.constant dense<0.000000e+00> : vector<1000x32xf32>
    %dot_general3A_70 = tpu.matmul %max3A_60, %get3A_68, %dot_general3A_69 {dimension_numbers = #tpu.dot_dimension_numbers<[1], [1], [0], [0], [0, 0, 1, 0], [], []>, transpose_lhs_hint = false} : vector<1000x2xf32>, vector<32x2xf32>, vector<1000x32xf32> -> vector<1000x32xf32>
    %add3A_71 = arith.addf %dot_general3A_65, %dot_general3A_70 : vector<1000x32xf32>
    %get3A_72 = arith.constant 0 : index
    %get3A_73 = arith.constant 0 : index
    %get3A_74 = vector.load %arg12[%get3A_72, %get3A_73] : memref<1x32xf32, #tpu.memory_space<vmem>>, vector<1x32xf32>
    %add3A_75 = vector.broadcast %get3A_74 : vector<1x32xf32> to vector<1000x32xf32>
    %add3A_76 = arith.addf %add3A_71, %add3A_75 : vector<1000x32xf32>
    %max3A_77 = arith.constant 0.000000e+00 : f32
    %max3A_78 = vector.broadcast %max3A_77 : f32 to vector<1000x32xf32>
    %max3A_79 = arith.maximumf %add3A_76, %max3A_78 : vector<1000x32xf32>
    %get3A_80 = arith.constant 0 : index
    %get3A_81 = arith.constant 0 : index
    %get3A_82 = vector.load %arg13[%get3A_80, %get3A_81] : memref<8x32xf32, #tpu.memory_space<vmem>>, vector<8x32xf32>
    %dot_general3A_83 = arith.constant dense<0.000000e+00> : vector<1000x8xf32>
    %dot_general3A_84 = tpu.matmul %max3A_79, %get3A_82, %dot_general3A_83 {dimension_numbers = #tpu.dot_dimension_numbers<[1], [1], [0], [0], [0, 0, 1, 0], [], []>, transpose_lhs_hint = false} : vector<1000x32xf32>, vector<8x32xf32>, vector<1000x8xf32> -> vector<1000x8xf32>
    %get3A_85 = arith.constant 0 : index
    %get3A_86 = arith.constant 0 : index
    %get3A_87 = vector.load %arg14[%get3A_85, %get3A_86] : memref<1x8xf32, #tpu.memory_space<vmem>>, vector<1x8xf32>
    %add3A_88 = vector.broadcast %get3A_87 : vector<1x8xf32> to vector<1000x8xf32>
    %add3A_89 = arith.addf %dot_general3A_84, %add3A_88 : vector<1000x8xf32>
    %broadcast_in_dim3A_90 = arith.constant 0.000000e+00 : f32
    %broadcast_in_dim3A_91 = vector.broadcast %broadcast_in_dim3A_90 : f32 to vector<1000x8xf32>
    %concatenate3A = tpu.concatenate %add3A_89, %broadcast_in_dim3A_91 in 1 : vector<1000x8xf32>, vector<1000x8xf32> -> vector<1000x16xf32>
    %swap3A = arith.constant 0 : index
    %swap3A_92 = arith.constant 0 : index
    %swap3A_93 = vector.load %arg15[%swap3A, %swap3A_92] : memref<1000x16xf32, #tpu.memory_space<vmem>>, vector<1000x16xf32>
    tpu.vector_store %arg15[%swap3A, %swap3A_92], %concatenate3A {strides = array<i32>} : memref<1000x16xf32, #tpu.memory_space<vmem>>, vector<1000x16xf32>,
    return
  }
  func.func @transform_0(%arg0: i32) -> (i32, i32, i32) {
    %c0_i32 = arith.constant 0 : i32
    %c0_i32_0 = arith.constant 0 : i32
    %c0_i32_1 = arith.constant 0 : i32
    return %c0_i32, %arg0, %c0_i32_0 : i32, i32, i32
  }
  func.func @transform_1(%arg0: i32) -> (i32, i32) {
    %c0_i32 = arith.constant 0 : i32
    %c0_i32_0 = arith.constant 0 : i32
    return %arg0, %c0_i32 : i32, i32
  }
  func.func @transform_2(%arg0: i32) -> (i32, i32) {
    %c0_i32 = arith.constant 0 : i32
    %c0_i32_0 = arith.constant 0 : i32
    return %arg0, %c0_i32 : i32, i32
  }
  func.func @transform_3(%arg0: i32) -> (i32, i32) {
    %c0_i32 = arith.constant 0 : i32
    %c0_i32_0 = arith.constant 0 : i32
    return %arg0, %c0_i32 : i32, i32
  }
  func.func @transform_4(%arg0: i32) -> (i32, i32) {
    %c0_i32 = arith.constant 0 : i32
    %c0_i32_0 = arith.constant 0 : i32
    %c0_i32_1 = arith.constant 0 : i32
    return %c0_i32, %c0_i32_0 : i32, i32
  }
  func.func @transform_5(%arg0: i32) -> (i32, i32) {
    %c0_i32 = arith.constant 0 : i32
    %c0_i32_0 = arith.constant 0 : i32
    %c0_i32_1 = arith.constant 0 : i32
    return %c0_i32, %c0_i32_0 : i32, i32
  }
  func.func @transform_6(%arg0: i32) -> (i32, i32) {
    %c0_i32 = arith.constant 0 : i32
    %c0_i32_0 = arith.constant 0 : i32
    return %arg0, %c0_i32 : i32, i32
  }
  func.func @transform_7(%arg0: i32) -> (i32, i32) {
    %c0_i32 = arith.constant 0 : i32
    %c0_i32_0 = arith.constant 0 : i32
    %c0_i32_1 = arith.constant 0 : i32
    return %c0_i32, %c0_i32_0 : i32, i32
  }
  func.func @transform_8(%arg0: i32) -> (i32, i32) {
    %c0_i32 = arith.constant 0 : i32
    %c0_i32_0 = arith.constant 0 : i32
    %c0_i32_1 = arith.constant 0 : i32
    return %c0_i32, %c0_i32_0 : i32, i32
  }
  func.func @transform_9(%arg0: i32) -> (i32, i32) {
    %c0_i32 = arith.constant 0 : i32
    %c0_i32_0 = arith.constant 0 : i32
    %c0_i32_1 = arith.constant 0 : i32
    return %c0_i32, %c0_i32_0 : i32, i32
  }
  func.func @transform_10(%arg0: i32) -> (i32, i32) {
    %c0_i32 = arith.constant 0 : i32
    %c0_i32_0 = arith.constant 0 : i32
    %c0_i32_1 = arith.constant 0 : i32
    return %c0_i32, %c0_i32_0 : i32, i32
  }
  func.func @transform_11(%arg0: i32) -> (i32, i32) {
    %c0_i32 = arith.constant 0 : i32
    %c0_i32_0 = arith.constant 0 : i32
    %c0_i32_1 = arith.constant 0 : i32
    return %c0_i32, %c0_i32_0 : i32, i32
  }
  func.func @transform_12(%arg0: i32) -> (i32, i32) {
    %c0_i32 = arith.constant 0 : i32
    %c0_i32_0 = arith.constant 0 : i32
    %c0_i32_1 = arith.constant 0 : i32
    return %c0_i32, %c0_i32_0 : i32, i32
  }
  func.func @transform_13(%arg0: i32) -> (i32, i32) {
    %c0_i32 = arith.constant 0 : i32
    %c0_i32_0 = arith.constant 0 : i32
    %c0_i32_1 = arith.constant 0 : i32
    return %c0_i32, %c0_i32_0 : i32, i32
  }
  func.func @transform_14(%arg0: i32) -> (i32, i32) {
    %c0_i32 = arith.constant 0 : i32
    %c0_i32_0 = arith.constant 0 : i32
    return %arg0, %c0_i32 : i32, i32
  }
}

</mosaic_0001>

<sc_bundles>
// kernel: kernel.11.cloned.1.call-start
scs
__scs_entry_jumppad:
0x0: {  	(pc) =	sbr.rel $0x88, $3  }
0x1: {  	(tag) =	ssettag $0x0;
	lr =	simm.s32 $0x1  }
0x2: {  	[smem:$0x3F88] =	sst lr;
	_ =	strace $0xD0000000  }
0x3: {  	_ = 	snop  }
0x4: {  	_ = 	snop  }
0x5: {  	_ = 	snop  }
0x6: {  	_ = 	snop  }
0x7: {  	_ = 	snop  }
__scs_overlays_trampoline_lowered:
0x8: {  	[smem:$0x3F97] =	sst s0  }
0x9: {  	[smem:$0x3F98] =	sst s1  }
0xa: {  	[smem:$0x3F99] =	sst s2  }
0xb: {  	[smem:$0x3F9A] =	sst s3  }
0xc: {  	[smem:$0x3F9B] =	sst s4  }
0xd: {  	[smem:$0x3F9C] =	sst s5  }
0xe: {  	[smem:$0x3F9D] =	sst s6  }
0xf: {  	[smem:$0x3F9E] =	sst s7  }
0x10: {  	[smem:$0x3F9F] =	sst s8  }
0x11: {  	[smem:$0x3FA0] =	sst s9;
	s0 =	simm.s32 @!p0 $0x0  }
0x12: {  	s1 =	sld [smem:$0x3F86];
	s0 =	simm.s32 @p0 $0x1  }
0x13: {  	[smem:$0x3FA1] =	sst s0;
	s0 =	simm.s32 @!p1 $0x0  }
0x14: {  	s2 =	sld [smem:$0x3F85];
	s0 =	simm.s32 @p1 $0x1  }
0x15: {  	[smem:$0x3FA2] =	sst s0;
	s0 =	simm.s32 @!p2 $0x0  }
0x16: {  	s3 =	sld [smem:$0x3FDB];
	s0 =	simm.s32 @p2 $0x1  }
0x17: {  	s4 =	simm.s32 $0x1BF5;
	[smem:$0x3FA4] =	sst s0  }
0x18: {  	s0 =	sld [smem:$0x3F87];
	_ =	swait.ge [sflag:s4], $0x0  }
0x19: {  	s7 =	sld [smem:$0x3F88]  }
0x1a: {  	s8 =	sadd.s32 $0xFFFFE003, lr  }
0x1b: {  	s9 =	sadd.s32 $0xFFFFFEF7, lr;
	s5 =	simm.s32 $0xFFFFFFFF;
	p2 =	slt.u32 s8, $0xFFFFF086  }
0x1c: {  	p1 =	slt.u32 s9, $0xF7A;
	s5 =	simm.s32 @!p2 $0x0  }
0x1d: {  	s5 =	simm.s32 @p1 $0x1;
	p0 =	seq.s32 s7, s2  }
0x1e: {  	s7 =	smul.u32 @!p0 $0xF7A, s2;
	p2 =	seq.s32 @!p0 s5, $0x0  }
0x1f: {  	s9 =	smul.u32 $0xF7A, s1;
	s8 =	simm.s32 @!p0 $0x1BF5;
	p2 =	por !p2, p0  }
0x20: {  	[sflag:s8] =	ssyncset.s32 @!p0 $0xFFFFF086;
	s6 =	sadd.s32 @!p0 s3, s7;
	s7 =	simm.s32 @!p0 $0x108  }
0x21: {  	s3 =	sadd.s32 s3, s9;
	s6 =	sadd.s32 @!p0 $0x88, s6;
	s7 =	simm.s32 @p2 $0x1082  }
0x22: {  	[simem:s7], [sflag:s8] =	dma.local @!p0 [hbm:s6], $0xF7A  }
0x23: {  	s9 =	sor.u32 $0xD0000000, s2;
	s6 =	simm.s32 $0x108;
	_ =	swait.ge @!p0 [sflag:s8], $0x0  }
0x24: {  	s3 =	sadd.s32 $0x88, s3;
	s6 =	simm.s32 @!p1 $0x1082;
	[sflag:s4] =	ssyncset.s32 $0xFFFFF086  }
0x25: {  	[simem:s6], [sflag:s4] =	dma.local [hbm:s3], $0xF7A  }
0x26: {  	[smem:$0x3F88] =	sst s1;
	(tag) =	ssettag s2;
	_ =	strace s9  }
0x27: {  	s1 =	sld [smem:$0x3F98]  }
0x28: {  	s2 =	sld [smem:$0x3F99]  }
0x29: {  	s4 =	sld [smem:$0x3F9B]  }
0x2a: {  	p0 =	seq.s32 s5, $0x0;
	s5 =	sld [smem:$0x3F9C]  }
0x2b: {  	s6 =	sld [smem:$0x3F9D]  }
0x2c: {  	s7 =	sld [smem:$0x3F9E]  }
0x2d: {  	s3 =	simm.s32 $0x108;
	s8 =	sld [smem:$0x3F9F]  }
0x2e: {  	s3 =	simm.s32 @!p0 $0x1082;
	s9 =	sld [smem:$0x3FA0]  }
0x2f: {  	lr =	sadd.s32 s0, s3;
	s0 =	sld [smem:$0x3F97]  }
0x30: {  	s3 =	sld [smem:$0x3F9A]  }
0x31: {  	[smem:$0x3FA3] =	sst s10  }
0x32: {  	s10 =	sld [smem:$0x3FA1];
	_ =	sdelay $0x3  }
0x33: {  	p0 =	seq.s32 s10, $0x1;
	s10 =	sld [smem:$0x3FA3];
	_ =	sdelay $0x3  }
0x34: {  	[smem:$0x3FA3] =	sst s10  }
0x35: {  	s10 =	sld [smem:$0x3FA2];
	_ =	sdelay $0x3  }
0x36: {  	p1 =	seq.s32 s10, $0x1;
	s10 =	sld [smem:$0x3FA3];
	_ =	sdelay $0x3  }
0x37: {  	[smem:$0x3FA3] =	sst s10  }
0x38: {  	s10 =	sld [smem:$0x3FA4]  }
0x39: {  	_ = 	snop;
	(pc) =	sbr.ind lr, $3  }
0x3a: {  	_ = 	snop  }
0x3b: {  	_ = 	snop  }
0x3c: {  	p2 =	seq.s32 s10, $0x1;
	s10 =	sld [smem:$0x3FA3]  }
0x3d: {  	_ =	shalt  }
0x3e: {  	_ =	shalt  }
0x3f: {  	_ =	shalt  }
0x40: {  	_ =	shalt  }
0x41: {  	_ =	shalt  }
0x42: {  	_ =	shalt  }
0x43: {  	_ =	shalt  }
0x44: {  	_ =	shalt  }
0x45: {  	_ =	shalt  }
0x46: {  	_ =	shalt  }
0x47: {  	_ =	shalt  }
0x48: {  	_ =	shalt  }
0x49: {  	_ =	shalt  }
0x4a: {  	_ =	shalt  }
0x4b: {  	_ =	shalt  }
0x4c: {  	_ =	shalt  }
0x4d: {  	_ =	shalt  }
0x4e: {  	_ =	shalt  }
0x4f: {  	_ =	shalt  }
0x50: {  	_ =	shalt  }
0x51: {  	_ =	shalt  }
0x52: {  	_ =	shalt  }
0x53: {  	_ =	shalt  }
0x54: {  	_ =	shalt  }
0x55: {  	_ =	shalt  }
0x56: {  	_ =	shalt  }
0x57: {  	_ =	shalt  }
0x58: {  	_ =	shalt  }
0x59: {  	_ =	shalt  }
0x5a: {  	_ =	shalt  }
0x5b: {  	_ =	shalt  }
0x5c: {  	_ =	shalt  }
0x5d: {  	_ =	shalt  }
0x5e: {  	_ =	shalt  }
0x5f: {  	_ =	shalt  }
0x60: {  	_ =	shalt  }
0x61: {  	_ =	shalt  }
0x62: {  	_ =	shalt  }
0x63: {  	_ =	shalt  }
0x64: {  	_ =	shalt  }
0x65: {  	_ =	shalt  }
0x66: {  	_ =	shalt  }
0x67: {  	_ =	shalt  }
0x68: {  	_ =	shalt  }
0x69: {  	_ =	shalt  }
0x6a: {  	_ =	shalt  }
0x6b: {  	_ =	shalt  }
0x6c: {  	_ =	shalt  }
0x6d: {  	_ =	shalt  }
0x6e: {  	_ =	shalt  }
0x6f: {  	_ =	shalt  }
0x70: {  	_ =	shalt  }
0x71: {  	_ =	shalt  }
0x72: {  	_ =	shalt  }
0x73: {  	_ =	shalt  }
0x74: {  	_ =	shalt  }
0x75: {  	_ =	shalt  }
0x76: {  	_ =	shalt  }
0x77: {  	_ =	shalt  }
0x78: {  	_ =	shalt  }
0x79: {  	_ =	shalt  }
0x7a: {  	_ =	shalt  }
0x7b: {  	_ =	shalt  }
0x7c: {  	_ =	shalt  }
0x7d: {  	_ =	shalt  }
0x7e: {  	_ =	shalt  }
0x7f: {  	_ =	shalt  }
0x80: {  	_ =	shalt  }
0x81: {  	_ =	shalt  }
0x82: {  	_ =	shalt  }
0x83: {  	_ =	shalt  }
0x84: {  	_ =	shalt  }
0x85: {  	_ =	shalt  }
0x86: {  	_ =	shalt  }
0x87: {  	_ =	shalt  }
.Lfunc_end0:
.L_simem_size_0:
called_computation_lowered:
.L_overlay_start_0:
0x88: {  	s2 =	sld [smem:$0x3FD9]  }
0x89: {  	s3 =	sld [smem:$0x3FFE];
	_ =	sdelay $0x1  }
0x8a: {  	s1 =	srdreg.scid  }
0x8b: {  	s0 =	sand.u32 $0x1, s1  }
0x8c: {  	s16 =	sshll.u32 s0, $0xA;
	s2 =	sadd.s32 s3, s2  }
0x8d: {  	s2 =	sadd.s32 s2, s16  }
0x8e: {  	[smem:$0x3FAF] =	sst s2  }
0x8f: {  	_ = 	snop  }
0x90: {  	(tm) =	ssettm $0x1  }
0x91: {  	s17 =	sld [smem:$0x3FFB];
	_ =	sdelay $0x3  }
0x92: {  	_ =	strace s17  }
0x93: {  	s2 =	sld [smem:$0x3FFC];
	_ =	sdelay $0x3  }
0x94: {  	_ =	strace s2  }
0x95: {  	s2 =	sld [smem:$0x3FFD];
	_ =	sdelay $0x3  }
0x96: {  	_ =	strace s2  }
0x97: {  	_ =	strace $0x8FFFFFFF  }
0x98: {  	s18 =	sld [smem:$0x3FDB];
	_ =	sdelay $0x1  }
0x99: {  	s19 =	simm.s32 $_scs_section_size  }
0x9a: {  	s4 =	simm.s32 $_size__tile_overlayer_lowered;
	s5 =	simm.s32 $_tile_overlayer_lowered  }
0x9b: {  	s22 =	simm.s32 $0x1BFF;
	s21 =	sshll.u32 s5, $0x1;
	s2 =	sadd.s32 s19, s18  }
0x9c: {  	s6 =	simm.s32 $0x0;
	s20 =	sshll.u32 s4, $0x1;
	s4 =	sadd.s32 s21, s2  }
0x9d: {  	[timem:s6], [sflag:s22] =	dma.local [hbm:s4], s20  }
0x9e: {  	_ =	swait.ge [sflag:s22], s20  }
0x9f: {  	s3 =	ssub.s32 $0x0, s20;
	[sflag:s22] =	ssyncset.done $0x0  }
0xa0: {  	[sflag:s22] =	ssyncadd.s32 s3;
	_ =	sdelay $0x1  }
0xa1: {  	s23 =	simm.s32 $0x1B8B  }
0xa2: {  	_ =	swait.ge [sflag:s23], $0x1  }
0xa3: {  	[sflag:s23] =	ssyncset.done $0x0  }
0xa4: {  	s25 =	simm.s32 $0x1B8E;
	s24 =	sld [smem:$0x3FFE];
	[sflag:s23] =	ssyncadd.s32 $0xFFFFFFFF  }
0xa5: {  	s26 =	simm.s32 $execute0_lowered;
	[smem:$0x3FD2] =	sst s25  }
0xa6: {  	s4 =	sshll.u32 s26, $0x1;
	_ =	strace $0x80000046;
	[dreg:$0x1] =	wrdreg $0xFFFFFFFF  }
0xa7: {  	s28 =	simm.s32 $_size_execute0_lowered;
	s2 =	sadd.s32 s2, s4;
	[dreg:$0x0] =	wrdreg $0x0  }
0xa8: {  	s4 =	sshll.u32 s28, $0x1;
	[dreg:$0x2] =	wrdreg s2  }
0xa9: {  	[dreg:$0x3] =	wrdreg s4  }
0xaa: {  	[dreg:$0x4] =	wrdreg $0xC0  }
0xab: {  	_ =	task [dreg:s6], $0x5FFFF  }
0xac: {  	[dreg:$0x1] =	wrdreg $0xFFFFFFFF  }
0xad: {  	[dreg:$0x0] =	wrdreg $0x60  }
0xae: {  	[dreg:$0x2] =	wrdreg s24  }
0xaf: {  	[dreg:$0x3] =	wrdreg $0x4C900  }
0xb0: {  	[dreg:$0x4] =	wrdreg $0x9  }
0xb1: {  	_ =	task.clear_ibuf [dreg:s6], $0x5FFFF;
	_ =	strace $0x90000046  }
0xb2: {  	s29 =	simm.s32 $0x9;
	_ =	strace $0x80000048  }
0xb3: {  	_ =	swait.ge [sflag:s29], $0x1  }
0xb4: {  	[sflag:s29] =	ssyncadd.s32 $0xFFFFFFFF  }
0xb5: {  	_ =	strace $0x90000048  }
0xb6: {  	_ =	sfence  }
0xb7: {  	s30 =	sld [smem:$0x0];
	_ =	sdelay $0x2  }
0xb8: {  	s31 =	sshll.u32 s1, $0xD;
	s1 =	sshrl.u32 s1, $0x2  }
0xb9: {  	s3 =	sand.u32 $0x4000, s31;
	s1 =	sadd.s32 s1, s30  }
0xba: {  	s0 =	sor.u32 s3, s0;
	s1 =	sshll.u32 s1, $0x11  }
0xbb: {  	s0 =	sor.u32 s1, s0  }
0xbc: {  	s0 =	sadd.s32 $0x8F2B, s0  }
0xbd: {  	[sflag:s0] =	ssyncadd.remote.s32 $0x1  }
0xbe: {  	_ =	sfence.sel $0xFFFF  }
0xbf: {  	[dreg:$0x0] =	wrdreg $0xFFFFFFFF;
	(pc) =	sbr.abs _section_cstart, $3  }
0xc0: {  	[dreg:$0x1] =	wrdreg $0xFFFFFFFF  }
0xc1: {  	_ =	task.clear_ibuf [dreg:s6], $0x2FFFF;
	_ =	strace $0x9FFFFFFF  }
0xc2: {  	(tm) =	ssettm $0x7FFFFFFF  }
0xc3: {  	_ =	shalt  }
tec
execute0_lowered:
.L_overlay_start_1:
0x0: {  	(tag) =	ssettag $0x1  }
0x1: {  	s6 =	rddreg [dreg:$0x0]  }
0x2: {  	s2 =	rddreg [dreg:$0x1]  }
0x3: {  	s0 =	rddreg [dreg:$0x2];
	s3 =	simm.s32 $0x0;
	s1 =	stileid.u32  }
0x4: {  	s4 =	srdreg.scid;
	s13 =	simm.s32 $0x190;
	s14 =	simm.s32 $0x1A90  }
0x5: {  	s15 =	simm.s32 $0x0;
	[smem:$0x7FF] =	sst s3;
	s7 =	smul.u32 $0x4F00, s1  }
0x6: {  	s8 =	sand.u32 $0x1, s4;
	s4 =	sadd.s32 $0x5E00, s6;
	s5 =	sadd.s32 $0x4FBA00, s6  }
0x7: {  	s31 =	sshll.u32 s1, $0x6;
	_ =	strace $0x80000047;
	s9 =	smul.u32 $0x4F000, s8  }
0x8: {  	s11 =	ssub.s32 $0x2, s8;
	s8 =	sshll.u32 s8, $0x4;
	s10 =	sshrl.u32 s7, $0x3  }
0x9: {  	s12 =	sshrl.u32 s11, $0x1;
	s8 =	sor.u32 s1, s8;
	s30 =	sadd.s32 s7, s2  }
0xa: {  	s10 =	sadd.s32 s10, s6;
	s9 =	sadd.s32 s7, s9;
	s11 =	ssub.s32 s11, s12  }
0xb: {  	s7 =	sor.u32 $0x1C01, s31;
	s8 =	smul.u32 $0x2710, s8;
	s9 =	sshrl.u32 s9, $0x3  }
0xc: {  	v0 =	vimm.f32 $0.0e+00;
	vm0 =	vcmask $0x300;
	s12 =	simm.s32 $0x1;
	s9 =	sadd.s32 s9, s6;
	s6 =	sadd.s32 $0x597E00, s10  }
0xd: {  	v0 =	vsel vm0, $0x3F800000, v0;
	s10 =	smax.u32 s11, $0x1;
	s11 =	sshrl.u32 s30, $0x3;
	s9 =	sadd.s32 $0x5A1C00, s9  }
.LBB2_1:
0xe: {  	[spmem:s11], [sflag:s7] =	dma.local [hbm:s6], $0x9E0  }
0xf: {  	_ =	swait.ge [sflag:s12], $0x9E0  }
0x10: {  	[sflag:s12] =	ssyncset.done $0x0  }
0x11: {  	[sflag:s12] =	ssyncadd.s32 $0xFFFFF620  }
0x12: {  	s16 =	simm.s32 $0x0;
	[bflag:$0x0] =	sbarrier.arrive $0xFFFF  }
.LBB2_2:
0x13: {  	s17 =	smul.u32 $0x190, s16;
	_ =	sdelay $0x1  }
0x14: {  	s17 =	sadd.s32 s8, s17  }
0x15: {  	s18 =	sshrl.u32 s17, $0x3  }
0x16: {  	s19 =	simm.s32 $0x0;
	s18 =	sadd.s32 s4, s18  }
0x17: {  	[tilespmem:s19], [sflag:$0x1] =	stream.linear.gather [hbm4b:s18+s19], $0x190, $0x38;
	[tilespmem:$0x9B90] =	vst v63  }
0x18: {  	_ =	swait.ge [sflag:s12], $0x190  }
0x19: {  	s17 =	sshll.u32 s17, $0x1;
	[sflag:s12] =	ssyncset.done $0x0  }
0x1a: {  	s17 =	sadd.s32 s5, s17;
	[sflag:s12] =	ssyncadd.s32 $0xFFFFFE70  }
0x1b: {  	[tilespmem:s13], [sflag:$0x1] =	stream.linear.gather [hbm4b:s17+s19], $0x1900, $0x38;
	[tilespmem:$0x9B90] =	vst v63  }
0x1c: {  	_ =	swait.ge [sflag:s12], $0x1900  }
0x1d: {  	[sflag:s12] =	ssyncset.done $0x0  }
0x1e: {  	s31 =	simm.s32 $0x0;
	[sflag:s12] =	ssyncadd.s32 $0xFFFFE700  }
0x1f: {  	v1 =	vld [tilespmem:s31+$0x190];
	_ =	sdelay $0x2  }
0x20: {  	s18 =	simm.s32 $0x1AA0  }
0x21: {  	s17 =	simm.s32 $0x40;
	s19 =	simm.s32 $0x1AC0;
	[tilespmem:s18+$0x0] =	vst v0  }
.LBB2_3:
0x22: {  	s20 =	sshra.s32 s17, $0x2;
	p0 =	sne.s32 s17, $0x63C0;
	s17 =	sadd.s32 $0x40, s17;
	[tilespmem:s18+$0xFFFFFFF0] =	vst v1  }
.Ltmp0:
0x23: {  	s18 =	smov.u32 s19;
	v1 =	vld [tilespmem:s20+$0x190];
	[tilespmem:s19+$0x0] =	vst v0;
	(pc) =	sbr.rel @p0 .LBB2_3-.Ltmp0, $2  }
0x24: {  	_ =	sdelay $0x2  }
0x25: {  	s19 =	sadd.s32 $0x20, s19  }
0x26: {  	s16 =	sadd.s32 $0x1, s16  }
0x27: {  	p0 =	sne.s32 s16, $0x19  }
.Ltmp1:
0x28: {  	[tilespmem:s18+$0xFFFFFFF0] =	vst v1;
	(pc) =	sbr.rel @p0 .LBB2_2-.Ltmp1, $4  }
0x29: {  	[spmem:s2] =	stream.indirect.scatter.add.f32 [tilespmem:s14], [sflag:$0x1], $0x20, s3, s13, $0xb8;
	[tilespmem:$0x9B90] =	vst v63  }
0x2a: {  	_ =	swait.ge [sflag:s12], $0x3200  }
0x2b: {  	[sflag:s12] =	ssyncset.done $0x0  }
0x2c: {  	[sflag:s12] =	ssyncadd.s32 $0xFFFFCE00  }
0x2d: {  	s15 =	sadd.s32 $0x1, s15  }
0x2e: {  	p0 =	sne.s32 s15, s10  }
.Ltmp2:
0x2f: {  	[bflag:$0x0] =	sbarrier.arrive $0xFFFF;
	(pc) =	sbr.rel @p0 .LBB2_1-.Ltmp2, $4  }
0x30: {  	[hbm:s9], [sflag:s7] =	dma.local [spmem:s11], $0x9E0  }
0x31: {  	_ =	swait.ge [sflag:s12], $0x9E0  }
0x32: {  	[sflag:s12] =	ssyncset.done $0x0  }
0x33: {  	[sflag:s12] =	ssyncadd.s32 $0xFFFFF620  }
0x34: {  	_ =	sfence.sel $0x180000  }
0x35: {  	[bflag:$0x0] =	sbarrier.arrive $0xFFFF  }
0x36: {  	p0 =	sne.s32 s1, $0x0;
	_ =	strace $0x90000047  }
0x37: {  	s0 =	sadd.s32 @!p0 $0x100000, s0;
	[bflag:$0x2] =	sbarrier.arrive $0xFFFF  }
0x38: {  	[sflag:s0] =	ssyncadd.tile.s32 @!p0 $0x1;
	_ =	shalt  }
.Lfunc_end2:
_tile_overlayer_lowered:
.L_overlay_start_2:
0x39: {  	(tag) =	ssettag $0x2  }
0x3a: {  	s0 =	rddreg [dreg:$0x0];
	s2 =	stileid.u32  }
0x3b: {  	s1 =	rddreg [dreg:$0x1];
	p0 =	sne.s32 s2, $0x0  }
0x3c: {  	s3 =	rddreg [dreg:$0x2];
	[bflag:$0x3] =	sbarrier.arrive $0xFFFF;
	s2 =	simm.s32 @!p0 $0x1C01  }
0x3d: {  	[timem:s3], [sflag:s2] =	dma.local @!p0 [hbm:s0], s1  }
0x3e: {  	s0 =	simm.s32 @!p0 $0x1  }
0x3f: {  	_ =	swait.ge @!p0 [sflag:s0], s1  }
0x40: {  	s1 =	ssub.s32 @!p0 $0x0, s1;
	[sflag:s0] =	ssyncset.done @!p0 $0x0  }
0x41: {  	[sflag:s0] =	ssyncadd.s32 @!p0 s1  }
0x42: {  	[bflag:$0x3] =	sbarrier.arrive $0xFFFF  }
0x43: {  	_ =	shalt  }

// kernel: kernel.14.cloned.1.call-start
scs
__scs_entry_jumppad:
0x0: {  	(pc) =	sbr.rel $0x88, $3  }
0x1: {  	(tag) =	ssettag $0x0;
	lr =	simm.s32 $0x1  }
0x2: {  	[smem:$0x3F88] =	sst lr;
	_ =	strace $0xD0000000  }
0x3: {  	_ = 	snop  }
0x4: {  	_ = 	snop  }
0x5: {  	_ = 	snop  }
0x6: {  	_ = 	snop  }
0x7: {  	_ = 	snop  }
__scs_overlays_trampoline_lowered:
0x8: {  	[smem:$0x3F97] =	sst s0  }
0x9: {  	[smem:$0x3F98] =	sst s1  }
0xa: {  	[smem:$0x3F99] =	sst s2  }
0xb: {  	[smem:$0x3F9A] =	sst s3  }
0xc: {  	[smem:$0x3F9B] =	sst s4  }
0xd: {  	[smem:$0x3F9C] =	sst s5  }
0xe: {  	[smem:$0x3F9D] =	sst s6  }
0xf: {  	[smem:$0x3F9E] =	sst s7  }
0x10: {  	[smem:$0x3F9F] =	sst s8  }
0x11: {  	[smem:$0x3FA0] =	sst s9;
	s0 =	simm.s32 @!p0 $0x0  }
0x12: {  	s1 =	sld [smem:$0x3F86];
	s0 =	simm.s32 @p0 $0x1  }
0x13: {  	[smem:$0x3FA1] =	sst s0;
	s0 =	simm.s32 @!p1 $0x0  }
0x14: {  	s2 =	sld [smem:$0x3F85];
	s0 =	simm.s32 @p1 $0x1  }
0x15: {  	[smem:$0x3FA2] =	sst s0;
	s0 =	simm.s32 @!p2 $0x0  }
0x16: {  	s3 =	sld [smem:$0x3FDB];
	s0 =	simm.s32 @p2 $0x1  }
0x17: {  	s4 =	simm.s32 $0x1BF5;
	[smem:$0x3FA4] =	sst s0  }
0x18: {  	s0 =	sld [smem:$0x3F87];
	_ =	swait.ge [sflag:s4], $0x0  }
0x19: {  	s7 =	sld [smem:$0x3F88]  }
0x1a: {  	s8 =	sadd.s32 $0xFFFFE003, lr  }
0x1b: {  	s9 =	sadd.s32 $0xFFFFFEF7, lr;
	s5 =	simm.s32 $0xFFFFFFFF;
	p2 =	slt.u32 s8, $0xFFFFF086  }
0x1c: {  	p1 =	slt.u32 s9, $0xF7A;
	s5 =	simm.s32 @!p2 $0x0  }
0x1d: {  	s5 =	simm.s32 @p1 $0x1;
	p0 =	seq.s32 s7, s2  }
0x1e: {  	s7 =	smul.u32 @!p0 $0xF7A, s2;
	p2 =	seq.s32 @!p0 s5, $0x0  }
0x1f: {  	s9 =	smul.u32 $0xF7A, s1;
	s8 =	simm.s32 @!p0 $0x1BF5;
	p2 =	por !p2, p0  }
0x20: {  	[sflag:s8] =	ssyncset.s32 @!p0 $0xFFFFF086;
	s6 =	sadd.s32 @!p0 s3, s7;
	s7 =	simm.s32 @!p0 $0x108  }
0x21: {  	s3 =	sadd.s32 s3, s9;
	s6 =	sadd.s32 @!p0 $0x88, s6;
	s7 =	simm.s32 @p2 $0x1082  }
0x22: {  	[simem:s7], [sflag:s8] =	dma.local @!p0 [hbm:s6], $0xF7A  }
0x23: {  	s9 =	sor.u32 $0xD0000000, s2;
	s6 =	simm.s32 $0x108;
	_ =	swait.ge @!p0 [sflag:s8], $0x0  }
0x24: {  	s3 =	sadd.s32 $0x88, s3;
	s6 =	simm.s32 @!p1 $0x1082;
	[sflag:s4] =	ssyncset.s32 $0xFFFFF086  }
0x25: {  	[simem:s6], [sflag:s4] =	dma.local [hbm:s3], $0xF7A  }
0x26: {  	[smem:$0x3F88] =	sst s1;
	(tag) =	ssettag s2;
	_ =	strace s9  }
0x27: {  	s1 =	sld [smem:$0x3F98]  }
0x28: {  	s2 =	sld [smem:$0x3F99]  }
0x29: {  	s4 =	sld [smem:$0x3F9B]  }
0x2a: {  	p0 =	seq.s32 s5, $0x0;
	s5 =	sld [smem:$0x3F9C]  }
0x2b: {  	s6 =	sld [smem:$0x3F9D]  }
0x2c: {  	s7 =	sld [smem:$0x3F9E]  }
0x2d: {  	s3 =	simm.s32 $0x108;
	s8 =	sld [smem:$0x3F9F]  }
0x2e: {  	s3 =	simm.s32 @!p0 $0x1082;
	s9 =	sld [smem:$0x3FA0]  }
0x2f: {  	lr =	sadd.s32 s0, s3;
	s0 =	sld [smem:$0x3F97]  }
0x30: {  	s3 =	sld [smem:$0x3F9A]  }
0x31: {  	[smem:$0x3FA3] =	sst s10  }
0x32: {  	s10 =	sld [smem:$0x3FA1];
	_ =	sdelay $0x3  }
0x33: {  	p0 =	seq.s32 s10, $0x1;
	s10 =	sld [smem:$0x3FA3];
	_ =	sdelay $0x3  }
0x34: {  	[smem:$0x3FA3] =	sst s10  }
0x35: {  	s10 =	sld [smem:$0x3FA2];
	_ =	sdelay $0x3  }
0x36: {  	p1 =	seq.s32 s10, $0x1;
	s10 =	sld [smem:$0x3FA3];
	_ =	sdelay $0x3  }
0x37: {  	[smem:$0x3FA3] =	sst s10  }
0x38: {  	s10 =	sld [smem:$0x3FA4]  }
0x39: {  	_ = 	snop;
	(pc) =	sbr.ind lr, $3  }
0x3a: {  	_ = 	snop  }
0x3b: {  	_ = 	snop  }
0x3c: {  	p2 =	seq.s32 s10, $0x1;
	s10 =	sld [smem:$0x3FA3]  }
0x3d: {  	_ =	shalt  }
0x3e: {  	_ =	shalt  }
0x3f: {  	_ =	shalt  }
0x40: {  	_ =	shalt  }
0x41: {  	_ =	shalt  }
0x42: {  	_ =	shalt  }
0x43: {  	_ =	shalt  }
0x44: {  	_ =	shalt  }
0x45: {  	_ =	shalt  }
0x46: {  	_ =	shalt  }
0x47: {  	_ =	shalt  }
0x48: {  	_ =	shalt  }
0x49: {  	_ =	shalt  }
0x4a: {  	_ =	shalt  }
0x4b: {  	_ =	shalt  }
0x4c: {  	_ =	shalt  }
0x4d: {  	_ =	shalt  }
0x4e: {  	_ =	shalt  }
0x4f: {  	_ =	shalt  }
0x50: {  	_ =	shalt  }
0x51: {  	_ =	shalt  }
0x52: {  	_ =	shalt  }
0x53: {  	_ =	shalt  }
0x54: {  	_ =	shalt  }
0x55: {  	_ =	shalt  }
0x56: {  	_ =	shalt  }
0x57: {  	_ =	shalt  }
0x58: {  	_ =	shalt  }
0x59: {  	_ =	shalt  }
0x5a: {  	_ =	shalt  }
0x5b: {  	_ =	shalt  }
0x5c: {  	_ =	shalt  }
0x5d: {  	_ =	shalt  }
0x5e: {  	_ =	shalt  }
0x5f: {  	_ =	shalt  }
0x60: {  	_ =	shalt  }
0x61: {  	_ =	shalt  }
0x62: {  	_ =	shalt  }
0x63: {  	_ =	shalt  }
0x64: {  	_ =	shalt  }
0x65: {  	_ =	shalt  }
0x66: {  	_ =	shalt  }
0x67: {  	_ =	shalt  }
0x68: {  	_ =	shalt  }
0x69: {  	_ =	shalt  }
0x6a: {  	_ =	shalt  }
0x6b: {  	_ =	shalt  }
0x6c: {  	_ =	shalt  }
0x6d: {  	_ =	shalt  }
0x6e: {  	_ =	shalt  }
0x6f: {  	_ =	shalt  }
0x70: {  	_ =	shalt  }
0x71: {  	_ =	shalt  }
0x72: {  	_ =	shalt  }
0x73: {  	_ =	shalt  }
0x74: {  	_ =	shalt  }
0x75: {  	_ =	shalt  }
0x76: {  	_ =	shalt  }
0x77: {  	_ =	shalt  }
0x78: {  	_ =	shalt  }
0x79: {  	_ =	shalt  }
0x7a: {  	_ =	shalt  }
0x7b: {  	_ =	shalt  }
0x7c: {  	_ =	shalt  }
0x7d: {  	_ =	shalt  }
0x7e: {  	_ =	shalt  }
0x7f: {  	_ =	shalt  }
0x80: {  	_ =	shalt  }
0x81: {  	_ =	shalt  }
0x82: {  	_ =	shalt  }
0x83: {  	_ =	shalt  }
0x84: {  	_ =	shalt  }
0x85: {  	_ =	shalt  }
0x86: {  	_ =	shalt  }
0x87: {  	_ =	shalt  }
.Lfunc_end0:
.L_simem_size_0:
called_computation.1_lowered:
.L_overlay_start_0:
0x88: {  	s2 =	sld [smem:$0x3FD9]  }
0x89: {  	s3 =	sld [smem:$0x3FFE];
	_ =	sdelay $0x1  }
0x8a: {  	s1 =	srdreg.scid  }
0x8b: {  	s0 =	sand.u32 $0x1, s1  }
0x8c: {  	s17 =	sshll.u32 s0, $0xA;
	s2 =	sadd.s32 s3, s2  }
0x8d: {  	s2 =	sadd.s32 s2, s17  }
0x8e: {  	[smem:$0x3FAF] =	sst s2  }
0x8f: {  	_ = 	snop  }
0x90: {  	s18 =	sld [smem:$0x3FBF];
	(tm) =	ssettm $0x1  }
0x91: {  	s19 =	sld [smem:$0x3FFB];
	_ =	sdelay $0x3  }
0x92: {  	_ =	strace s19  }
0x93: {  	s2 =	sld [smem:$0x3FFC];
	_ =	sdelay $0x3  }
0x94: {  	_ =	strace s2  }
0x95: {  	s2 =	sld [smem:$0x3FFD];
	_ =	sdelay $0x3  }
0x96: {  	_ =	strace s2  }
0x97: {  	_ =	strace $0x8FFFFFFF  }
0x98: {  	s20 =	sld [smem:$0x3FDB];
	_ =	sdelay $0x1  }
0x99: {  	s4 =	simm.s32 $_scs_section_size  }
0x9a: {  	s5 =	simm.s32 $_size__tile_overlayer_lowered;
	s6 =	simm.s32 $_tile_overlayer_lowered  }
0x9b: {  	s7 =	simm.s32 $0x1BFF;
	s21 =	sshll.u32 s6, $0x1;
	s4 =	sadd.s32 s4, s20  }
0x9c: {  	s22 =	simm.s32 $0x0;
	s5 =	sshll.u32 s5, $0x1;
	s6 =	sadd.s32 s21, s4  }
0x9d: {  	[timem:s22], [sflag:s7] =	dma.local [hbm:s6], s5  }
0x9e: {  	_ =	swait.ge [sflag:s7], s5  }
0x9f: {  	s5 =	ssub.s32 $0x0, s5;
	[sflag:s7] =	ssyncset.done $0x0  }
0xa0: {  	[sflag:s7] =	ssyncadd.s32 s5;
	_ =	sdelay $0x1  }
0xa1: {  	s23 =	simm.s32 $0x1B8B  }
0xa2: {  	_ =	swait.ge [sflag:s23], $0x1  }
0xa3: {  	[sflag:s23] =	ssyncset.done $0x0  }
0xa4: {  	[sflag:s23] =	ssyncadd.s32 $0xFFFFFFFF  }
0xa5: {  	s5 =	sld [smem:$0x0]  }
0xa6: {  	s6 =	sand.u32 $0xFFFFFFFE, s1  }
0xa7: {  	p0 =	sne.s32 s1, s6  }
0xa8: {  	s6 =	sshll.u32 @p0 s6, $0xE  }
0xa9: {  	s6 =	sadd.s32 @p0 $0x11B8D, s6;
	s7 =	sshll.u32 @p0 s5, $0x11  }
0xaa: {  	s6 =	sor.u32 @p0 s7, s6  }
0xab: {  	[sflag:s6] =	ssyncadd.remote.s32 @p0 $0x1;
	_ =	sdelay $0x1  }
0xac: {  	s6 =	simm.s32 @p0 $0x1B8D  }
0xad: {  	_ =	swait.eq @p0 [sflag:s6], $0x1  }
0xae: {  	[sflag:s6] =	ssyncadd.s32 @p0 $0xFFFFFFFF  }
0xaf: {  	s7 =	sshll.u32 @!p0 s1, $0xE  }
0xb0: {  	s7 =	sor.u32 @!p0 $0x4000, s7;
	s6 =	simm.s32 @!p0 $0x1B8D  }
0xb1: {  	s5 =	sshll.u32 @!p0 s5, $0x11;
	s7 =	sadd.s32 @!p0 $0x11B8D, s7;
	_ =	swait.eq @!p0 [sflag:s6], $0x1  }
0xb2: {  	s5 =	sor.u32 @!p0 s5, s7;
	[sflag:s6] =	ssyncadd.s32 @!p0 $0xFFFFFFFF  }
0xb3: {  	s25 =	simm.s32 $0x1B8E;
	s24 =	sld [smem:$0x3FFE];
	[sflag:s5] =	ssyncadd.remote.s32 @!p0 $0x1  }
0xb4: {  	s26 =	simm.s32 $execute0_lowered;
	[smem:$0x3FD2] =	sst s25  }
0xb5: {  	s6 =	sshll.u32 s26, $0x1;
	_ =	strace $0x80000049;
	[dreg:$0x1] =	wrdreg $0xFFFFFFFF  }
0xb6: {  	s28 =	simm.s32 $_size_execute0_lowered;
	s4 =	sadd.s32 s4, s6;
	[dreg:$0x0] =	wrdreg $0x0  }
0xb7: {  	s6 =	sshll.u32 s28, $0x1;
	[dreg:$0x2] =	wrdreg s4  }
0xb8: {  	[dreg:$0x3] =	wrdreg s6  }
0xb9: {  	[dreg:$0x4] =	wrdreg $0xC0  }
0xba: {  	_ =	task [dreg:s22], $0x5FFFF  }
0xbb: {  	[dreg:$0x1] =	wrdreg $0xFFFFFFFF  }
0xbc: {  	[dreg:$0x0] =	wrdreg $0x60  }
0xbd: {  	[dreg:$0x2] =	wrdreg s24  }
0xbe: {  	[dreg:$0x3] =	wrdreg s18  }
0xbf: {  	[dreg:$0x4] =	wrdreg $0xAB800  }
0xc0: {  	[dreg:$0x5] =	wrdreg $0xA  }
0xc1: {  	_ =	task.clear_ibuf [dreg:s22], $0x6FFFF;
	_ =	strace $0x90000049  }
0xc2: {  	s29 =	simm.s32 $0xA;
	_ =	strace $0x8000004B  }
0xc3: {  	_ =	swait.ge [sflag:s29], $0x1  }
0xc4: {  	[sflag:s29] =	ssyncadd.s32 $0xFFFFFFFF  }
0xc5: {  	_ =	strace $0x9000004B  }
0xc6: {  	_ =	sfence  }
0xc7: {  	s30 =	sld [smem:$0x0];
	_ =	sdelay $0x2  }
0xc8: {  	s31 =	sshll.u32 s1, $0xD;
	s1 =	sshrl.u32 s1, $0x2  }
0xc9: {  	s4 =	sand.u32 $0x4000, s31;
	s1 =	sadd.s32 s1, s30  }
0xca: {  	s0 =	sor.u32 s4, s0;
	s1 =	sshll.u32 s1, $0x11  }
0xcb: {  	s0 =	sor.u32 s1, s0  }
0xcc: {  	s0 =	sadd.s32 $0x8F2B, s0  }
0xcd: {  	[sflag:s0] =	ssyncadd.remote.s32 $0x1  }
0xce: {  	_ =	sfence.sel $0xFFFF  }
0xcf: {  	[dreg:$0x0] =	wrdreg $0xFFFFFFFF;
	(pc) =	sbr.abs _section_cstart, $3  }
0xd0: {  	[dreg:$0x1] =	wrdreg $0xFFFFFFFF  }
0xd1: {  	_ =	task.clear_ibuf [dreg:s22], $0x2FFFF;
	_ =	strace $0x9FFFFFFF  }
0xd2: {  	(tm) =	ssettm $0x7FFFFFFF  }
0xd3: {  	_ =	shalt  }
tec
execute0_lowered:
.L_overlay_start_1:
0x0: {  	(tag) =	ssettag $0x1  }
0x1: {  	s0 =	rddreg [dreg:$0x0]  }
0x2: {  	s3 =	rddreg [dreg:$0x2]  }
0x3: {  	s4 =	simm.s32 $0x0;
	s14 =	stileid.u32;
	s2 =	srdreg.scid  }
0x4: {  	s15 =	simm.s32 $0xB;
	s30 =	simm.s32 $0x5140;
	s31 =	simm.s32 $0xF0  }
0x5: {  	s16 =	simm.s32 $0x9;
	s17 =	simm.s32 $0x4;
	s18 =	simm.s32 $0x6  }
0x6: {  	[smem:$0x7FF] =	sst s4;
	s1 =	smul.u32 $0xC580, s14;
	s5 =	sadd.s32 $0x604000, s0  }
0x7: {  	s6 =	sadd.s32 $0x617A00, s0;
	s2 =	sand.u32 $0x1, s2;
	s7 =	sadd.s32 $0x19A00, s0  }
0x8: {  	s8 =	sadd.s32 $0xFC00, s0;
	s9 =	sadd.s32 $0x5E00, s0;
	s22 =	sshll.u32 s14, $0x6  }
0x9: {  	_ =	strace $0x8000004A;
	s11 =	smul.u32 $0xC5800, s2;
	s20 =	ssub.s32 $0x2, s2  }
0xa: {  	s2 =	sshll.u32 s2, $0x4;
	s10 =	sshrl.u32 s1, $0x3;
	s13 =	sshrl.u32 s20, $0x1  }
0xb: {  	s2 =	sor.u32 s14, s2;
	s14 =	sor.u32 $0x1C0B, s22;
	s22 =	simm.s32 $0x1  }
0xc: {  	s12 =	sadd.s32 s10, s0;
	s19 =	sadd.s32 s1, s11;
	s11 =	ssub.s32 s20, s13  }
0xd: {  	s1 =	sadd.s32 s1, s3;
	s13 =	simm.s32 $0xA;
	[dreg:$0x6] =	wrdreg s14  }
0xe: {  	s10 =	sshrl.u32 s19, $0x3;
	[dreg:$0x4] =	wrdreg s1;
	s21 =	sadd.s32 $0x28AA00, s12  }
0xf: {  	s29 =	smax.u32 s11, $0x1;
	s11 =	simm.s32 $0x2;
	s19 =	simm.s32 $0x8  }
0x10: {  	s0 =	sadd.s32 s10, s0;
	s10 =	smul.u32 $0x2710, s2;
	[dreg:$0x5] =	wrdreg s21  }
0x11: {  	s2 =	smul.u32 $0x13880, s2;
	[dreg:$0xe] =	wrdreg s29;
	s21 =	simm.s32 $0x0  }
0x12: {  	s0 =	sadd.s32 $0x2A3600, s0;
	s23 =	sshrl.u32 s10, $0x3;
	s25 =	sadd.s32 $0x50, s10  }
0x13: {  	s2 =	sadd.s32 s7, s2;
	s20 =	sadd.s32 $0xA0, s10;
	[dreg:$0xd] =	wrdreg s0  }
0x14: {  	s0 =	simm.s32 $0x3;
	s24 =	sadd.s32 s8, s23;
	[dreg:$0x9] =	wrdreg s2  }
0x15: {  	s1 =	sadd.s32 s9, s23;
	s26 =	sshrl.u32 s25, $0x3;
	[dreg:$0x7] =	wrdreg s24  }
.Ltmp0:
0x16: {  	s23 =	simm.s32 $0x0;
	[dreg:$0x8] =	wrdreg s1;
	(pc) =	sbr.rel .LBB2_1-.Ltmp0, $4  }
0x17: {  	s1 =	sshll.u32 s25, $0x3;
	s28 =	sadd.s32 s8, s26;
	s2 =	sadd.s32 s9, s26  }
0x18: {  	s25 =	simm.s32 $0xA0;
	s26 =	simm.s32 $0x50;
	[dreg:$0xa] =	wrdreg s28  }
0x19: {  	v0 =	vimm.f32 $0.0e+00;
	vm0 =	vcmask $0x300;
	s24 =	simm.s32 $0x7940;
	[dreg:$0xb] =	wrdreg s2;
	s1 =	sadd.s32 s7, s1  }
0x1a: {  	v0 =	vsel vm0, $0x3F800000, v0;
	s2 =	simm.s32 $0x5;
	[dreg:$0xc] =	wrdreg s1;
	s1 =	simm.s32 $0x7  }
.LBB2_10:
0x1b: {  	_ =	swait.ge [sflag:s16], $0x1900  }
0x1c: {  	[sflag:s16] =	ssyncset.done $0x0  }
0x1d: {  	[sflag:s16] =	ssyncadd.s32 $0xFFFFE700  }
0x1e: {  	[bflag:$0x0] =	sbarrier.arrive $0xFFFF  }
0x1f: {  	s14 =	rddreg [dreg:$0x6]  }
0x20: {  	s12 =	rddreg [dreg:$0xd]  }
0x21: {  	s15 =	rddreg [dreg:$0x10]  }
0x22: {  	[hbm:s12], [sflag:s14] =	dma.local [spmem:s15], $0x18B0  }
0x23: {  	s15 =	simm.s32 $0xB  }
0x24: {  	_ =	swait.ge [sflag:s15], $0x18B0  }
0x25: {  	s21 =	rddreg [dreg:$0xf]  }
0x26: {  	s29 =	rddreg [dreg:$0xe];
	s21 =	sadd.s32 $0x1, s21  }
0x27: {  	p0 =	sne.s32 s21, s29  }
.Ltmp1:
0x28: {  	_ = 	snop;
	(pc) =	sbr.rel @!p0 .LBB2_11-.Ltmp1, $3  }
0x29: {  	_ =	sdelay $0x1  }
0x2a: {  	[sflag:s15] =	ssyncset.done $0x0  }
0x2b: {  	[sflag:s15] =	ssyncadd.s32 $0xFFFFE750  }
.LBB2_1:
0x2c: {  	[dreg:$0xf] =	wrdreg s21  }
0x2d: {  	s12 =	rddreg [dreg:$0x4]  }
0x2e: {  	s29 =	rddreg [dreg:$0x5];
	s28 =	sshrl.u32 s12, $0x3  }
0x2f: {  	[dreg:$0x10] =	wrdreg s28  }
0x30: {  	[spmem:s28], [sflag:s14] =	dma.local [hbm:s29], $0x18B0  }
0x31: {  	_ =	swait.ge [sflag:s15], $0x18B0  }
0x32: {  	[sflag:s15] =	ssyncset.done $0x0  }
0x33: {  	[sflag:s15] =	ssyncadd.s32 $0xFFFFE750  }
0x34: {  	s21 =	simm.s32 $0xAB40;
	s14 =	rddreg [dreg:$0x1]  }
0x35: {  	[tilespmem:s21], [sflag:$0xB] =	stream.linear.gather [hbm4b:s14+s4], $0x40, $0x38;
	[tilespmem:$0x17100] =	vst v63  }
0x36: {  	_ =	swait.ge [sflag:s15], $0x40  }
0x37: {  	[sflag:s15] =	ssyncset.done $0x0  }
0x38: {  	[sflag:s15] =	ssyncadd.s32 $0xFFFFFFC0  }
0x39: {  	[bflag:$0x0] =	sbarrier.arrive $0xFFFF  }
0x3a: {  	s28 =	rddreg [dreg:$0x7]  }
0x3b: {  	[tilespmem:s4], [sflag:$0xB] =	stream.linear.gather [hbm4b:s28+s4], $0x50, $0x38;
	[tilespmem:$0x17100] =	vst v63  }
0x3c: {  	_ =	swait.ge [sflag:s15], $0x50  }
0x3d: {  	[sflag:s15] =	ssyncset.done $0x0  }
0x3e: {  	s29 =	rddreg [dreg:$0x8];
	[sflag:s15] =	ssyncadd.s32 $0xFFFFFFB0  }
0x3f: {  	[tilespmem:s25], [sflag:$0xB] =	stream.linear.gather [hbm4b:s29+s4], $0x50, $0x38;
	[tilespmem:$0x17100] =	vst v63  }
0x40: {  	_ =	swait.ge [sflag:s15], $0x50  }
0x41: {  	[sflag:s15] =	ssyncset.done $0x0  }
0x42: {  	s14 =	simm.s32 $0x140;
	[sflag:s15] =	ssyncadd.s32 $0xFFFFFFB0  }
0x43: {  	[tilespmem:s14], [sflag:$0x3] =	stream.indirect.gather [hbm4b:s5+s26], $0x40, s4, s26, $0xb8;
	[tilespmem:$0x17100] =	vst v63  }
0x44: {  	s15 =	simm.s32 $0x2940  }
0x45: {  	[tilespmem:s15], [sflag:$0x5] =	stream.indirect.gather [hbm4b:s6+s26], $0x40, s25, s26, $0xb8;
	[tilespmem:$0x17100] =	vst v63  }
0x46: {  	s21 =	rddreg [dreg:$0x9]  }
0x47: {  	[tilespmem:s30], [sflag:$0x7] =	stream.linear.gather [hbm4b:s21+s4], $0x1400, $0x38;
	[tilespmem:$0x17100] =	vst v63  }
0x48: {  	s28 =	rddreg [dreg:$0xa]  }
0x49: {  	[tilespmem:s26], [sflag:$0x2] =	stream.linear.gather [hbm4b:s28+s4], $0x50, $0x38;
	[tilespmem:$0x17100] =	vst v63  }
0x4a: {  	s29 =	rddreg [dreg:$0xb]  }
0x4b: {  	[tilespmem:s31], [sflag:$0x2] =	stream.linear.gather [hbm4b:s29+s4], $0x50, $0x38;
	[tilespmem:$0x17100] =	vst v63  }
0x4c: {  	_ =	swait.ge [sflag:s0], $0x1400  }
0x4d: {  	[sflag:s0] =	ssyncset.done $0x0  }
0x4e: {  	[sflag:s0] =	ssyncadd.s32 $0xFFFFEC00  }
0x4f: {  	_ =	swait.ge [sflag:s2], $0x1400  }
0x50: {  	[sflag:s2] =	ssyncset.done $0x0  }
0x51: {  	[sflag:s2] =	ssyncadd.s32 $0xFFFFEC00  }
0x52: {  	_ =	swait.ge [sflag:s1], $0x1400  }
0x53: {  	[sflag:s1] =	ssyncset.done $0x0  }
0x54: {  	[sflag:s1] =	ssyncadd.s32 $0xFFFFEC00  }
0x55: {  	v1 =	vld [tilespmem:$0xAB40]  }
0x56: {  	v2 =	vld [tilespmem:$0xAB50]  }
0x57: {  	v3 =	vld [tilespmem:$0xAB60]  }
0x58: {  	s12 =	simm.s32 $0x79E0;
	s14 =	simm.s32 $0x0;
	v4 =	vld [tilespmem:$0xAB70]  }
.LBB2_2:
0x59: {  	s15 =	sshra.s32 s14, $0x2  }
0x5a: {  	v5 =	vld [tilespmem:s15+$0x140]  }
0x5b: {  	v6 =	vld [tilespmem:s15+$0x150]  }
0x5c: {  	v7 =	vld [tilespmem:s15+$0x160]  }
0x5d: {  	v8 =	vld [tilespmem:s15+$0x2940]  }
0x5e: {  	v9 =	vld [tilespmem:s15+$0x170]  }
0x5f: {  	v10 =	vld [tilespmem:s15+$0x5140]  }
0x60: {  	v11 =	vld [tilespmem:s15+$0x2950]  }
0x61: {  	v13 =	vld [tilespmem:s15+$0x2960]  }
0x62: {  	v12 =	vld [tilespmem:s15+$0x5150]  }
0x63: {  	v14 =	vld [tilespmem:s15+$0x5160];
	v8 =	vadd.f32 v8, v5  }
0x64: {  	v60 =	vld [tilespmem:s15+$0x2970]  }
0x65: {  	v11 =	vadd.f32 v11, v6;
	v8 =	vadd.f32 v10, v8  }
0x66: {  	v16 =	vld [tilespmem:s15+$0x5170];
	v61 =	vadd.f32 v13, v7  }
0x67: {  	v11 =	vadd.f32 v12, v11;
	v15 =	vmul.f32 $2.000000030e-01, v8  }
0x68: {  	v12 =	vadd.f32 v14, v61;
	vm0 =	vgt.f32 v8, $0.0e+00  }
0x69: {  	v10 =	vadd.f32 v60, v9;
	v62 =	vmul.f32 $2.000000030e-01, v11;
	v8 =	vsel vm0, v8, v15  }
0x6a: {  	vm13 =	vgt.f32 v11, $0.0e+00;
	v8 =	vmul.f32 v8, v1  }
0x6b: {  	v63 =	vmul.f32 $2.000000030e-01, v12;
	v10 =	vadd.f32 v16, v10;
	v11 =	vsel vm13, v11, v62  }
0x6c: {  	vm14 =	vgt.f32 v12, $0.0e+00;
	v11 =	vmul.f32 v11, v2;
	v8 =	vadd.f32 $0.0e+00, v8  }
0x6d: {  	v12 =	vsel vm14, v12, v63;
	v17 =	vmul.f32 $2.000000030e-01, v10  }
0x6e: {  	vm15 =	vgt.f32 v10, $0.0e+00;
	v18 =	vmul.f32 v12, v3;
	v8 =	vadd.f32 v11, v8  }
0x6f: {  	v10 =	vsel vm15, v10, v17  }
0x70: {  	v10 =	vmul.f32 v10, v4;
	v8 =	vadd.f32 v18, v8;
	_ =	sdelay $0x1  }
0x71: {  	v8 =	vadd.f32 v10, v8;
	_ =	sdelay $0x1  }
0x72: {  	(xrf2) =	vadd.scan.msk.f32 $0xffff, v8;
	_ =	sdelay $0x9  }
0x73: {  	v8, _, _ =	vpop (xrf2)  }
0x74: {  	v8 =	vmul.f32 $1.442695020e+00, v8;
	_ =	sdelay $0x1  }
0x75: {  	v8 =	vbroadcast v8, $0xF;
	_ =	sdelay $0x1  }
0x76: {  	(erf) = vpow2.f32 v8;
	_ =	sdelay $0x8  }
0x77: {  	v8 =	vpop (erf)  }
0x78: {  	v5 =	vmul.f32 v8, v5  }
0x79: {  	v6 =	vmul.f32 v8, v6  }
0x7a: {  	[tilespmem:s12+$0xFFFFFF60] =	vst v5;
	v5 =	vmul.f32 v8, v7  }
0x7b: {  	[tilespmem:s12+$0xFFFFFF70] =	vst v6;
	v6 =	vmul.f32 v8, v9  }
0x7c: {  	[tilespmem:s12+$0xFFFFFF80] =	vst v5;
	v5 =	vmul.f32 v0, v8  }
0x7d: {  	[tilespmem:s12+$0xFFFFFF90] =	vst v6  }
0x7e: {  	[tilespmem:s12+$0xFFFFFFA0] =	vst v5  }
0x7f: {  	v5 =	vld [tilespmem:s15+$0x180]  }
0x80: {  	v6 =	vld [tilespmem:s15+$0x190]  }
0x81: {  	v7 =	vld [tilespmem:s15+$0x1A0]  }
0x82: {  	v19 =	vld [tilespmem:s15+$0x2980]  }
0x83: {  	v20 =	vld [tilespmem:s15+$0x1B0]  }
0x84: {  	v21 =	vld [tilespmem:s15+$0x5180]  }
0x85: {  	v22 =	vld [tilespmem:s15+$0x2990]  }
0x86: {  	v23 =	vld [tilespmem:s15+$0x5190]  }
0x87: {  	v24 =	vld [tilespmem:s15+$0x29A0]  }
0x88: {  	v26 =	vld [tilespmem:s15+$0x29B0];
	v8 =	vadd.f32 v19, v5  }
0x89: {  	v25 =	vld [tilespmem:s15+$0x51A0]  }
0x8a: {  	v11 =	vadd.f32 v22, v6;
	v8 =	vadd.f32 v21, v8  }
0x8b: {  	v28 =	vld [tilespmem:s15+$0x51B0]  }
0x8c: {  	v29 =	vadd.f32 v24, v7;
	v11 =	vadd.f32 v23, v11;
	v27 =	vmul.f32 $2.000000030e-01, v8  }
0x8d: {  	v10 =	vadd.f32 v26, v20;
	vm4 =	vgt.f32 v8, $0.0e+00  }
0x8e: {  	v12 =	vadd.f32 v25, v29;
	v30 =	vmul.f32 $2.000000030e-01, v11;
	v8 =	vsel vm4, v8, v27  }
0x8f: {  	vm5 =	vgt.f32 v11, $0.0e+00;
	v8 =	vmul.f32 v8, v1  }
0x90: {  	v10 =	vadd.f32 v28, v10;
	v31 =	vmul.f32 $2.000000030e-01, v12;
	v11 =	vsel vm5, v11, v30  }
0x91: {  	vm6 =	vgt.f32 v12, $0.0e+00;
	v11 =	vmul.f32 v11, v2;
	v8 =	vadd.f32 $0.0e+00, v8  }
0x92: {  	v32 =	vmul.f32 $2.000000030e-01, v10;
	v12 =	vsel vm6, v12, v31  }
0x93: {  	vm7 =	vgt.f32 v10, $0.0e+00;
	v33 =	vmul.f32 v12, v3;
	v8 =	vadd.f32 v11, v8  }
0x94: {  	v10 =	vsel vm7, v10, v32  }
0x95: {  	v10 =	vmul.f32 v10, v4;
	v8 =	vadd.f32 v33, v8;
	_ =	sdelay $0x1  }
0x96: {  	v8 =	vadd.f32 v10, v8;
	_ =	sdelay $0x1  }
0x97: {  	(xrf2) =	vadd.scan.msk.f32 $0xffff, v8;
	_ =	sdelay $0x9  }
0x98: {  	v8, _, _ =	vpop (xrf2)  }
0x99: {  	v8 =	vmul.f32 $1.442695020e+00, v8;
	_ =	sdelay $0x1  }
0x9a: {  	v8 =	vbroadcast v8, $0xF;
	_ =	sdelay $0x1  }
0x9b: {  	(erf) = vpow2.f32 v8;
	_ =	sdelay $0x8  }
0x9c: {  	v8 =	vpop (erf)  }
0x9d: {  	v5 =	vmul.f32 v8, v5  }
0x9e: {  	v6 =	vmul.f32 v8, v6  }
0x9f: {  	[tilespmem:s12+$0xFFFFFFB0] =	vst v5;
	v5 =	vmul.f32 v8, v7  }
0xa0: {  	[tilespmem:s12+$0xFFFFFFC0] =	vst v6;
	v6 =	vmul.f32 v8, v20  }
0xa1: {  	[tilespmem:s12+$0xFFFFFFD0] =	vst v5;
	v5 =	vmul.f32 v0, v8  }
0xa2: {  	[tilespmem:s12+$0xFFFFFFE0] =	vst v6  }
0xa3: {  	[tilespmem:s12+$0xFFFFFFF0] =	vst v5  }
0xa4: {  	v5 =	vld [tilespmem:s15+$0x1C0]  }
0xa5: {  	v6 =	vld [tilespmem:s15+$0x1D0]  }
0xa6: {  	v7 =	vld [tilespmem:s15+$0x1E0]  }
0xa7: {  	v34 =	vld [tilespmem:s15+$0x29C0]  }
0xa8: {  	v35 =	vld [tilespmem:s15+$0x1F0]  }
0xa9: {  	v36 =	vld [tilespmem:s15+$0x51C0]  }
0xaa: {  	v37 =	vld [tilespmem:s15+$0x29D0]  }
0xab: {  	v38 =	vld [tilespmem:s15+$0x51D0]  }
0xac: {  	v39 =	vld [tilespmem:s15+$0x29E0]  }
0xad: {  	v41 =	vld [tilespmem:s15+$0x29F0];
	v8 =	vadd.f32 v34, v5  }
0xae: {  	v40 =	vld [tilespmem:s15+$0x51E0]  }
0xaf: {  	v11 =	vadd.f32 v37, v6;
	v8 =	vadd.f32 v36, v8  }
0xb0: {  	v43 =	vld [tilespmem:s15+$0x51F0]  }
0xb1: {  	v44 =	vadd.f32 v39, v7;
	v11 =	vadd.f32 v38, v11;
	v42 =	vmul.f32 $2.000000030e-01, v8  }
0xb2: {  	v10 =	vadd.f32 v41, v35;
	vm8 =	vgt.f32 v8, $0.0e+00  }
0xb3: {  	v12 =	vadd.f32 v40, v44;
	v45 =	vmul.f32 $2.000000030e-01, v11;
	v8 =	vsel vm8, v8, v42  }
0xb4: {  	vm9 =	vgt.f32 v11, $0.0e+00;
	v8 =	vmul.f32 v8, v1  }
0xb5: {  	v10 =	vadd.f32 v43, v10;
	v46 =	vmul.f32 $2.000000030e-01, v12;
	v11 =	vsel vm9, v11, v45  }
0xb6: {  	vm10 =	vgt.f32 v12, $0.0e+00;
	v11 =	vmul.f32 v11, v2;
	v8 =	vadd.f32 $0.0e+00, v8  }
0xb7: {  	v47 =	vmul.f32 $2.000000030e-01, v10;
	v12 =	vsel vm10, v12, v46  }
0xb8: {  	vm11 =	vgt.f32 v10, $0.0e+00;
	v48 =	vmul.f32 v12, v3;
	v8 =	vadd.f32 v11, v8  }
0xb9: {  	v10 =	vsel vm11, v10, v47  }
0xba: {  	v10 =	vmul.f32 v10, v4;
	v8 =	vadd.f32 v48, v8;
	_ =	sdelay $0x1  }
0xbb: {  	v8 =	vadd.f32 v10, v8;
	_ =	sdelay $0x1  }
0xbc: {  	(xrf2) =	vadd.scan.msk.f32 $0xffff, v8;
	_ =	sdelay $0x9  }
0xbd: {  	v8, _, _ =	vpop (xrf2)  }
0xbe: {  	v8 =	vmul.f32 $1.442695020e+00, v8;
	_ =	sdelay $0x1  }
0xbf: {  	v8 =	vbroadcast v8, $0xF;
	_ =	sdelay $0x1  }
0xc0: {  	(erf) = vpow2.f32 v8;
	_ =	sdelay $0x8  }
0xc1: {  	v8 =	vpop (erf)  }
0xc2: {  	v5 =	vmul.f32 v8, v5  }
0xc3: {  	v6 =	vmul.f32 v8, v6  }
0xc4: {  	[tilespmem:s12+$0x0] =	vst v5;
	v5 =	vmul.f32 v8, v7  }
0xc5: {  	[tilespmem:s12+$0x10] =	vst v6;
	v6 =	vmul.f32 v8, v35  }
0xc6: {  	[tilespmem:s12+$0x20] =	vst v5;
	v5 =	vmul.f32 v0, v8  }
0xc7: {  	[tilespmem:s12+$0x30] =	vst v6  }
0xc8: {  	[tilespmem:s12+$0x40] =	vst v5  }
0xc9: {  	v5 =	vld [tilespmem:s15+$0x200]  }
0xca: {  	v6 =	vld [tilespmem:s15+$0x210]  }
0xcb: {  	v7 =	vld [tilespmem:s15+$0x220]  }
0xcc: {  	v49 =	vld [tilespmem:s15+$0x2A00]  }
0xcd: {  	v50 =	vld [tilespmem:s15+$0x230]  }
0xce: {  	v51 =	vld [tilespmem:s15+$0x5200]  }
0xcf: {  	v52 =	vld [tilespmem:s15+$0x2A10]  }
0xd0: {  	v53 =	vld [tilespmem:s15+$0x5210]  }
0xd1: {  	v54 =	vld [tilespmem:s15+$0x2A20]  }
0xd2: {  	v56 =	vld [tilespmem:s15+$0x2A30];
	v8 =	vadd.f32 v49, v5  }
0xd3: {  	v55 =	vld [tilespmem:s15+$0x5220]  }
0xd4: {  	v11 =	vadd.f32 v52, v6;
	v8 =	vadd.f32 v51, v8  }
0xd5: {  	v58 =	vld [tilespmem:s15+$0x5230]  }
0xd6: {  	v59 =	vadd.f32 v54, v7;
	v11 =	vadd.f32 v53, v11;
	v57 =	vmul.f32 $2.000000030e-01, v8  }
0xd7: {  	v10 =	vadd.f32 v56, v50;
	vm12 =	vgt.f32 v8, $0.0e+00  }
0xd8: {  	v12 =	vadd.f32 v55, v59;
	v60 =	vmul.f32 $2.000000030e-01, v11;
	v8 =	vsel vm12, v8, v57  }
0xd9: {  	vm13 =	vgt.f32 v11, $0.0e+00;
	v8 =	vmul.f32 v8, v1  }
0xda: {  	v10 =	vadd.f32 v58, v10;
	v61 =	vmul.f32 $2.000000030e-01, v12;
	v11 =	vsel vm13, v11, v60  }
0xdb: {  	vm14 =	vgt.f32 v12, $0.0e+00;
	v11 =	vmul.f32 v11, v2;
	v8 =	vadd.f32 $0.0e+00, v8  }
0xdc: {  	v62 =	vmul.f32 $2.000000030e-01, v10;
	v12 =	vsel vm14, v12, v61  }
0xdd: {  	vm15 =	vgt.f32 v10, $0.0e+00;
	v63 =	vmul.f32 v12, v3;
	v8 =	vadd.f32 v11, v8  }
0xde: {  	v10 =	vsel vm15, v10, v62  }
0xdf: {  	v10 =	vmul.f32 v10, v4;
	v8 =	vadd.f32 v63, v8;
	_ =	sdelay $0x1  }
0xe0: {  	v8 =	vadd.f32 v10, v8;
	_ =	sdelay $0x1  }
0xe1: {  	(xrf2) =	vadd.scan.msk.f32 $0xffff, v8;
	_ =	sdelay $0x9  }
0xe2: {  	v8, _, _ =	vpop (xrf2)  }
0xe3: {  	v8 =	vmul.f32 $1.442695020e+00, v8;
	_ =	sdelay $0x1  }
0xe4: {  	v8 =	vbroadcast v8, $0xF;
	_ =	sdelay $0x1  }
0xe5: {  	(erf) = vpow2.f32 v8;
	_ =	sdelay $0x8  }
0xe6: {  	v8 =	vpop (erf)  }
0xe7: {  	v5 =	vmul.f32 v8, v5  }
0xe8: {  	p0 =	sne.s32 s14, $0x4C00;
	v6 =	vmul.f32 v8, v6  }
.Ltmp2:
0xe9: {  	[tilespmem:s12+$0x50] =	vst v5;
	v5 =	vmul.f32 v8, v7;
	(pc) =	sbr.rel @p0 .LBB2_2-.Ltmp2, $4  }
0xea: {  	[tilespmem:s12+$0x60] =	vst v6;
	v6 =	vmul.f32 v8, v50  }
0xeb: {  	[tilespmem:s12+$0x70] =	vst v5;
	v5 =	vmul.f32 v0, v8  }
0xec: {  	[tilespmem:s12+$0x80] =	vst v6  }
0xed: {  	s14 =	sadd.s32 $0x400, s14;
	[tilespmem:s12+$0x90] =	vst v5;
	s12 =	sadd.s32 $0x140, s12  }
0xee: {  	[spmem:s3] =	stream.indirect.scatter.add.f32 [tilespmem:s24], [sflag:$0x9], $0x50, s25, s26, $0xb8;
	[tilespmem:$0x17100] =	vst v63  }
0xef: {  	_ =	swait.ge [sflag:s11], $0x50  }
0xf0: {  	[sflag:s11] =	ssyncset.done $0x0  }
0xf1: {  	[sflag:s11] =	ssyncadd.s32 $0xFFFFFFB0  }
0xf2: {  	_ =	swait.ge [sflag:s11], $0x50  }
0xf3: {  	[sflag:s11] =	ssyncset.done $0x0  }
0xf4: {  	s12 =	simm.s32 $0x1540;
	[sflag:s11] =	ssyncadd.s32 $0xFFFFFFB0  }
0xf5: {  	[tilespmem:s12], [sflag:$0x4] =	stream.indirect.gather [hbm4b:s5+s26], $0x40, s26, s26, $0xb8;
	[tilespmem:$0x17100] =	vst v63  }
0xf6: {  	s28 =	simm.s32 $0x3D40  }
0xf7: {  	[tilespmem:s28], [sflag:$0x6] =	stream.indirect.gather [hbm4b:s6+s26], $0x40, s31, s26, $0xb8;
	[tilespmem:$0x17100] =	vst v63  }
0xf8: {  	s14 =	simm.s32 $0x6540;
	s29 =	rddreg [dreg:$0xc];
	s12 =	simm.s32 $0x0  }
0xf9: {  	[tilespmem:s14], [sflag:$0x8] =	stream.linear.gather [hbm4b:s29+s23], $0x1400, $0x38;
	[tilespmem:$0x17100] =	vst v63  }
.LBB2_4:
0xfa: {  	s14 =	smul.u32 $0xA0, s12;
	_ =	sdelay $0x1  }
0xfb: {  	_ =	swait.ge [sflag:s16], $0x1900;
	s14 =	sadd.s32 s14, s20  }
0xfc: {  	[sflag:s16] =	ssyncset.done $0x0;
	s15 =	sshrl.u32 s14, $0x3  }
0xfd: {  	[sflag:s16] =	ssyncadd.s32 $0xFFFFE700;
	s21 =	sadd.s32 s8, s15  }
0xfe: {  	[tilespmem:s23], [sflag:$0x1] =	stream.linear.gather [hbm4b:s21+s23], $0x50, $0x38;
	[tilespmem:$0x17100] =	vst v63  }
0xff: {  	s15 =	sadd.s32 s9, s15  }
0x100: {  	[tilespmem:s25], [sflag:$0x1] =	stream.linear.gather [hbm4b:s15+s23], $0x50, $0x38;
	[tilespmem:$0x17100] =	vst v63  }
0x101: {  	_ =	swait.ge [sflag:s17], $0x1400  }
0x102: {  	[sflag:s17] =	ssyncset.done $0x0  }
0x103: {  	[sflag:s17] =	ssyncadd.s32 $0xFFFFEC00  }
0x104: {  	_ =	swait.ge [sflag:s18], $0x1400  }
0x105: {  	[sflag:s18] =	ssyncset.done $0x0  }
0x106: {  	[sflag:s18] =	ssyncadd.s32 $0xFFFFEC00  }
0x107: {  	_ =	swait.ge [sflag:s19], $0x1400  }
0x108: {  	[sflag:s19] =	ssyncset.done $0x0  }
0x109: {  	[sflag:s19] =	ssyncadd.s32 $0xFFFFEC00  }
0x10a: {  	v1 =	vld [tilespmem:$0xAB40]  }
0x10b: {  	v2 =	vld [tilespmem:$0xAB50]  }
0x10c: {  	v3 =	vld [tilespmem:$0xAB60]  }
0x10d: {  	s21 =	simm.s32 $0x0;
	s15 =	simm.s32 $0x92E0;
	v4 =	vld [tilespmem:$0xAB70]  }
.LBB2_5:
0x10e: {  	s28 =	sshra.s32 s21, $0x2  }
0x10f: {  	v5 =	vld [tilespmem:s28+$0x1540]  }
0x110: {  	v6 =	vld [tilespmem:s28+$0x1550]  }
0x111: {  	v7 =	vld [tilespmem:s28+$0x1560]  }
0x112: {  	v8 =	vld [tilespmem:s28+$0x3D40]  }
0x113: {  	v9 =	vld [tilespmem:s28+$0x1570]  }
0x114: {  	v10 =	vld [tilespmem:s28+$0x6540]  }
0x115: {  	v11 =	vld [tilespmem:s28+$0x3D50]  }
0x116: {  	v13 =	vld [tilespmem:s28+$0x3D60]  }
0x117: {  	v12 =	vld [tilespmem:s28+$0x6550]  }
0x118: {  	v14 =	vld [tilespmem:s28+$0x6560];
	v8 =	vadd.f32 v8, v5  }
0x119: {  	v60 =	vld [tilespmem:s28+$0x3D70]  }
0x11a: {  	v11 =	vadd.f32 v11, v6;
	v8 =	vadd.f32 v10, v8  }
0x11b: {  	v16 =	vld [tilespmem:s28+$0x6570];
	v61 =	vadd.f32 v13, v7  }
0x11c: {  	v11 =	vadd.f32 v12, v11;
	v15 =	vmul.f32 $2.000000030e-01, v8  }
0x11d: {  	v12 =	vadd.f32 v14, v61;
	vm0 =	vgt.f32 v8, $0.0e+00  }
0x11e: {  	v10 =	vadd.f32 v60, v9;
	v62 =	vmul.f32 $2.000000030e-01, v11;
	v8 =	vsel vm0, v8, v15  }
0x11f: {  	vm13 =	vgt.f32 v11, $0.0e+00;
	v8 =	vmul.f32 v8, v1  }
0x120: {  	v63 =	vmul.f32 $2.000000030e-01, v12;
	v10 =	vadd.f32 v16, v10;
	v11 =	vsel vm13, v11, v62  }
0x121: {  	vm14 =	vgt.f32 v12, $0.0e+00;
	v11 =	vmul.f32 v11, v2;
	v8 =	vadd.f32 $0.0e+00, v8  }
0x122: {  	v12 =	vsel vm14, v12, v63;
	v17 =	vmul.f32 $2.000000030e-01, v10  }
0x123: {  	vm15 =	vgt.f32 v10, $0.0e+00;
	v18 =	vmul.f32 v12, v3;
	v8 =	vadd.f32 v11, v8  }
0x124: {  	v10 =	vsel vm15, v10, v17  }
0x125: {  	v10 =	vmul.f32 v10, v4;
	v8 =	vadd.f32 v18, v8;
	_ =	sdelay $0x1  }
0x126: {  	v8 =	vadd.f32 v10, v8;
	_ =	sdelay $0x1  }
0x127: {  	(xrf2) =	vadd.scan.msk.f32 $0xffff, v8;
	_ =	sdelay $0x9  }
0x128: {  	v8, _, _ =	vpop (xrf2)  }
0x129: {  	v8 =	vmul.f32 $1.442695020e+00, v8;
	_ =	sdelay $0x1  }
0x12a: {  	v8 =	vbroadcast v8, $0xF;
	_ =	sdelay $0x1  }
0x12b: {  	(erf) = vpow2.f32 v8;
	_ =	sdelay $0x8  }
0x12c: {  	v8 =	vpop (erf)  }
0x12d: {  	v5 =	vmul.f32 v8, v5  }
0x12e: {  	v6 =	vmul.f32 v8, v6  }
0x12f: {  	[tilespmem:s15+$0xFFFFFF60] =	vst v5;
	v5 =	vmul.f32 v8, v7  }
0x130: {  	[tilespmem:s15+$0xFFFFFF70] =	vst v6;
	v6 =	vmul.f32 v8, v9  }
0x131: {  	[tilespmem:s15+$0xFFFFFF80] =	vst v5;
	v5 =	vmul.f32 v0, v8  }
0x132: {  	[tilespmem:s15+$0xFFFFFF90] =	vst v6  }
0x133: {  	[tilespmem:s15+$0xFFFFFFA0] =	vst v5  }
0x134: {  	v5 =	vld [tilespmem:s28+$0x1580]  }
0x135: {  	v6 =	vld [tilespmem:s28+$0x1590]  }
0x136: {  	v7 =	vld [tilespmem:s28+$0x15A0]  }
0x137: {  	v19 =	vld [tilespmem:s28+$0x3D80]  }
0x138: {  	v20 =	vld [tilespmem:s28+$0x15B0]  }
0x139: {  	v21 =	vld [tilespmem:s28+$0x6580]  }
0x13a: {  	v22 =	vld [tilespmem:s28+$0x3D90]  }
0x13b: {  	v23 =	vld [tilespmem:s28+$0x6590]  }
0x13c: {  	v24 =	vld [tilespmem:s28+$0x3DA0]  }
0x13d: {  	v26 =	vld [tilespmem:s28+$0x3DB0];
	v8 =	vadd.f32 v19, v5  }
0x13e: {  	v25 =	vld [tilespmem:s28+$0x65A0]  }
0x13f: {  	v11 =	vadd.f32 v22, v6;
	v8 =	vadd.f32 v21, v8  }
0x140: {  	v28 =	vld [tilespmem:s28+$0x65B0]  }
0x141: {  	v29 =	vadd.f32 v24, v7;
	v11 =	vadd.f32 v23, v11;
	v27 =	vmul.f32 $2.000000030e-01, v8  }
0x142: {  	v10 =	vadd.f32 v26, v20;
	vm4 =	vgt.f32 v8, $0.0e+00  }
0x143: {  	v12 =	vadd.f32 v25, v29;
	v30 =	vmul.f32 $2.000000030e-01, v11;
	v8 =	vsel vm4, v8, v27  }
0x144: {  	vm5 =	vgt.f32 v11, $0.0e+00;
	v8 =	vmul.f32 v8, v1  }
0x145: {  	v10 =	vadd.f32 v28, v10;
	v31 =	vmul.f32 $2.000000030e-01, v12;
	v11 =	vsel vm5, v11, v30  }
0x146: {  	vm6 =	vgt.f32 v12, $0.0e+00;
	v11 =	vmul.f32 v11, v2;
	v8 =	vadd.f32 $0.0e+00, v8  }
0x147: {  	v32 =	vmul.f32 $2.000000030e-01, v10;
	v12 =	vsel vm6, v12, v31  }
0x148: {  	vm7 =	vgt.f32 v10, $0.0e+00;
	v33 =	vmul.f32 v12, v3;
	v8 =	vadd.f32 v11, v8  }
0x149: {  	v10 =	vsel vm7, v10, v32  }
0x14a: {  	v10 =	vmul.f32 v10, v4;
	v8 =	vadd.f32 v33, v8;
	_ =	sdelay $0x1  }
0x14b: {  	v8 =	vadd.f32 v10, v8;
	_ =	sdelay $0x1  }
0x14c: {  	(xrf2) =	vadd.scan.msk.f32 $0xffff, v8;
	_ =	sdelay $0x9  }
0x14d: {  	v8, _, _ =	vpop (xrf2)  }
0x14e: {  	v8 =	vmul.f32 $1.442695020e+00, v8;
	_ =	sdelay $0x1  }
0x14f: {  	v8 =	vbroadcast v8, $0xF;
	_ =	sdelay $0x1  }
0x150: {  	(erf) = vpow2.f32 v8;
	_ =	sdelay $0x8  }
0x151: {  	v8 =	vpop (erf)  }
0x152: {  	v5 =	vmul.f32 v8, v5  }
0x153: {  	v6 =	vmul.f32 v8, v6  }
0x154: {  	[tilespmem:s15+$0xFFFFFFB0] =	vst v5;
	v5 =	vmul.f32 v8, v7  }
0x155: {  	[tilespmem:s15+$0xFFFFFFC0] =	vst v6;
	v6 =	vmul.f32 v8, v20  }
0x156: {  	[tilespmem:s15+$0xFFFFFFD0] =	vst v5;
	v5 =	vmul.f32 v0, v8  }
0x157: {  	[tilespmem:s15+$0xFFFFFFE0] =	vst v6  }
0x158: {  	[tilespmem:s15+$0xFFFFFFF0] =	vst v5  }
0x159: {  	v5 =	vld [tilespmem:s28+$0x15C0]  }
0x15a: {  	v6 =	vld [tilespmem:s28+$0x15D0]  }
0x15b: {  	v7 =	vld [tilespmem:s28+$0x15E0]  }
0x15c: {  	v34 =	vld [tilespmem:s28+$0x3DC0]  }
0x15d: {  	v35 =	vld [tilespmem:s28+$0x15F0]  }
0x15e: {  	v36 =	vld [tilespmem:s28+$0x65C0]  }
0x15f: {  	v37 =	vld [tilespmem:s28+$0x3DD0]  }
0x160: {  	v38 =	vld [tilespmem:s28+$0x65D0]  }
0x161: {  	v39 =	vld [tilespmem:s28+$0x3DE0]  }
0x162: {  	v41 =	vld [tilespmem:s28+$0x3DF0];
	v8 =	vadd.f32 v34, v5  }
0x163: {  	v40 =	vld [tilespmem:s28+$0x65E0]  }
0x164: {  	v11 =	vadd.f32 v37, v6;
	v8 =	vadd.f32 v36, v8  }
0x165: {  	v43 =	vld [tilespmem:s28+$0x65F0]  }
0x166: {  	v44 =	vadd.f32 v39, v7;
	v11 =	vadd.f32 v38, v11;
	v42 =	vmul.f32 $2.000000030e-01, v8  }
0x167: {  	v10 =	vadd.f32 v41, v35;
	vm8 =	vgt.f32 v8, $0.0e+00  }
0x168: {  	v12 =	vadd.f32 v40, v44;
	v45 =	vmul.f32 $2.000000030e-01, v11;
	v8 =	vsel vm8, v8, v42  }
0x169: {  	vm9 =	vgt.f32 v11, $0.0e+00;
	v8 =	vmul.f32 v8, v1  }
0x16a: {  	v10 =	vadd.f32 v43, v10;
	v46 =	vmul.f32 $2.000000030e-01, v12;
	v11 =	vsel vm9, v11, v45  }
0x16b: {  	vm10 =	vgt.f32 v12, $0.0e+00;
	v11 =	vmul.f32 v11, v2;
	v8 =	vadd.f32 $0.0e+00, v8  }
0x16c: {  	v47 =	vmul.f32 $2.000000030e-01, v10;
	v12 =	vsel vm10, v12, v46  }
0x16d: {  	vm11 =	vgt.f32 v10, $0.0e+00;
	v48 =	vmul.f32 v12, v3;
	v8 =	vadd.f32 v11, v8  }
0x16e: {  	v10 =	vsel vm11, v10, v47  }
0x16f: {  	v10 =	vmul.f32 v10, v4;
	v8 =	vadd.f32 v48, v8;
	_ =	sdelay $0x1  }
0x170: {  	v8 =	vadd.f32 v10, v8;
	_ =	sdelay $0x1  }
0x171: {  	(xrf2) =	vadd.scan.msk.f32 $0xffff, v8;
	_ =	sdelay $0x9  }
0x172: {  	v8, _, _ =	vpop (xrf2)  }
0x173: {  	v8 =	vmul.f32 $1.442695020e+00, v8;
	_ =	sdelay $0x1  }
0x174: {  	v8 =	vbroadcast v8, $0xF;
	_ =	sdelay $0x1  }
0x175: {  	(erf) = vpow2.f32 v8;
	_ =	sdelay $0x8  }
0x176: {  	v8 =	vpop (erf)  }
0x177: {  	v5 =	vmul.f32 v8, v5  }
0x178: {  	v6 =	vmul.f32 v8, v6  }
0x179: {  	[tilespmem:s15+$0x0] =	vst v5;
	v5 =	vmul.f32 v8, v7  }
0x17a: {  	[tilespmem:s15+$0x10] =	vst v6;
	v6 =	vmul.f32 v8, v35  }
0x17b: {  	[tilespmem:s15+$0x20] =	vst v5;
	v5 =	vmul.f32 v0, v8  }
0x17c: {  	[tilespmem:s15+$0x30] =	vst v6  }
0x17d: {  	[tilespmem:s15+$0x40] =	vst v5  }
0x17e: {  	v5 =	vld [tilespmem:s28+$0x1600]  }
0x17f: {  	v6 =	vld [tilespmem:s28+$0x1610]  }
0x180: {  	v7 =	vld [tilespmem:s28+$0x1620]  }
0x181: {  	v49 =	vld [tilespmem:s28+$0x3E00]  }
0x182: {  	v50 =	vld [tilespmem:s28+$0x1630]  }
0x183: {  	v51 =	vld [tilespmem:s28+$0x6600]  }
0x184: {  	v52 =	vld [tilespmem:s28+$0x3E10]  }
0x185: {  	v53 =	vld [tilespmem:s28+$0x6610]  }
0x186: {  	v54 =	vld [tilespmem:s28+$0x3E20]  }
0x187: {  	v56 =	vld [tilespmem:s28+$0x3E30];
	v8 =	vadd.f32 v49, v5  }
0x188: {  	v55 =	vld [tilespmem:s28+$0x6620]  }
0x189: {  	v11 =	vadd.f32 v52, v6;
	v8 =	vadd.f32 v51, v8  }
0x18a: {  	v58 =	vld [tilespmem:s28+$0x6630]  }
0x18b: {  	v59 =	vadd.f32 v54, v7;
	v11 =	vadd.f32 v53, v11;
	v57 =	vmul.f32 $2.000000030e-01, v8  }
0x18c: {  	v10 =	vadd.f32 v56, v50;
	vm12 =	vgt.f32 v8, $0.0e+00  }
0x18d: {  	v12 =	vadd.f32 v55, v59;
	v60 =	vmul.f32 $2.000000030e-01, v11;
	v8 =	vsel vm12, v8, v57  }
0x18e: {  	vm13 =	vgt.f32 v11, $0.0e+00;
	v8 =	vmul.f32 v8, v1  }
0x18f: {  	v10 =	vadd.f32 v58, v10;
	v61 =	vmul.f32 $2.000000030e-01, v12;
	v11 =	vsel vm13, v11, v60  }
0x190: {  	vm14 =	vgt.f32 v12, $0.0e+00;
	v11 =	vmul.f32 v11, v2;
	v8 =	vadd.f32 $0.0e+00, v8  }
0x191: {  	v62 =	vmul.f32 $2.000000030e-01, v10;
	v12 =	vsel vm14, v12, v61  }
0x192: {  	vm15 =	vgt.f32 v10, $0.0e+00;
	v63 =	vmul.f32 v12, v3;
	v8 =	vadd.f32 v11, v8  }
0x193: {  	v10 =	vsel vm15, v10, v62  }
0x194: {  	v10 =	vmul.f32 v10, v4;
	v8 =	vadd.f32 v63, v8;
	_ =	sdelay $0x1  }
0x195: {  	v8 =	vadd.f32 v10, v8;
	_ =	sdelay $0x1  }
0x196: {  	(xrf2) =	vadd.scan.msk.f32 $0xffff, v8;
	_ =	sdelay $0x9  }
0x197: {  	v8, _, _ =	vpop (xrf2)  }
0x198: {  	v8 =	vmul.f32 $1.442695020e+00, v8;
	_ =	sdelay $0x1  }
0x199: {  	v8 =	vbroadcast v8, $0xF;
	_ =	sdelay $0x1  }
0x19a: {  	(erf) = vpow2.f32 v8;
	_ =	sdelay $0x8  }
0x19b: {  	v8 =	vpop (erf)  }
0x19c: {  	v5 =	vmul.f32 v8, v5  }
0x19d: {  	p0 =	sne.s32 s21, $0x4C00;
	v6 =	vmul.f32 v8, v6  }
.Ltmp3:
0x19e: {  	[tilespmem:s15+$0x50] =	vst v5;
	v5 =	vmul.f32 v8, v7;
	(pc) =	sbr.rel @p0 .LBB2_5-.Ltmp3, $4  }
0x19f: {  	[tilespmem:s15+$0x60] =	vst v6;
	v6 =	vmul.f32 v8, v50  }
0x1a0: {  	[tilespmem:s15+$0x70] =	vst v5;
	v5 =	vmul.f32 v0, v8  }
0x1a1: {  	[tilespmem:s15+$0x80] =	vst v6  }
0x1a2: {  	s21 =	sadd.s32 $0x400, s21;
	[tilespmem:s15+$0x90] =	vst v5;
	s15 =	sadd.s32 $0x140, s15  }
0x1a3: {  	s15 =	simm.s32 $0x9240  }
0x1a4: {  	[spmem:s3] =	stream.indirect.scatter.add.f32 [tilespmem:s15], [sflag:$0xA], $0x50, s31, s26, $0xb8;
	[tilespmem:$0x17100] =	vst v63  }
0x1a5: {  	_ =	swait.ge [sflag:s22], $0x50  }
0x1a6: {  	[sflag:s22] =	ssyncset.done $0x0  }
0x1a7: {  	[sflag:s22] =	ssyncadd.s32 $0xFFFFFFB0  }
0x1a8: {  	_ =	swait.ge [sflag:s22], $0x50  }
0x1a9: {  	[sflag:s22] =	ssyncset.done $0x0  }
0x1aa: {  	s21 =	simm.s32 $0x140;
	s14 =	sshll.u32 s14, $0x3;
	[sflag:s22] =	ssyncadd.s32 $0xFFFFFFB0  }
0x1ab: {  	[tilespmem:s21], [sflag:$0x3] =	stream.indirect.gather [hbm4b:s5+s26], $0x40, s4, s26, $0xb8;
	[tilespmem:$0x17100] =	vst v63  }
0x1ac: {  	s28 =	simm.s32 $0x2940;
	s14 =	sand.u32 $0x1FFFFF80, s14  }
0x1ad: {  	[tilespmem:s28], [sflag:$0x5] =	stream.indirect.gather [hbm4b:s6+s26], $0x40, s25, s26, $0xb8;
	[tilespmem:$0x17100] =	vst v63  }
0x1ae: {  	s29 =	sshll.u32 s12, $0x1;
	s14 =	sadd.s32 s7, s14  }
0x1af: {  	[tilespmem:s30], [sflag:$0x7] =	stream.linear.gather [hbm4b:s14+s4], $0x1400, $0x38;
	[tilespmem:$0x17100] =	vst v63  }
0x1b0: {  	p0 =	seq.s32 s12, $0x3D;
	s14 =	sadd.s32 $0x3, s29  }
0x1b1: {  	s15 =	smul.u32 @!p0 $0x50, s14;
	_ =	sdelay $0x1  }
0x1b2: {  	_ =	swait.ge [sflag:s13], $0x1900;
	s15 =	sadd.s32 @!p0 s10, s15  }
0x1b3: {  	s28 =	simm.s32 @!p0 $0x0;
	[sflag:s13] =	ssyncset.done $0x0;
	s15 =	sshrl.u32 @!p0 s15, $0x3  }
0x1b4: {  	s29 =	simm.s32 @!p0 $0x50;
	[sflag:s13] =	ssyncadd.s32 $0xFFFFE700;
	s21 =	sadd.s32 @!p0 s8, s15  }
0x1b5: {  	[tilespmem:s29], [sflag:$0x2] =	stream.linear.gather @!p0 [hbm4b:s21+s28], $0x50, $0x38;
	[tilespmem:$0x17100] =	vst v63  }
0x1b6: {  	s15 =	sadd.s32 @!p0 s9, s15;
	s21 =	simm.s32 @!p0 $0xF0  }
0x1b7: {  	[tilespmem:s21], [sflag:$0x2] =	stream.linear.gather @!p0 [hbm4b:s15+s28], $0x50, $0x38;
	[tilespmem:$0x17100] =	vst v63  }
0x1b8: {  	_ =	swait.ge [sflag:s0], $0x1400  }
0x1b9: {  	[sflag:s0] =	ssyncset.done $0x0  }
0x1ba: {  	[sflag:s0] =	ssyncadd.s32 $0xFFFFEC00  }
0x1bb: {  	_ =	swait.ge [sflag:s2], $0x1400  }
0x1bc: {  	[sflag:s2] =	ssyncset.done $0x0  }
0x1bd: {  	[sflag:s2] =	ssyncadd.s32 $0xFFFFEC00  }
0x1be: {  	_ =	swait.ge [sflag:s1], $0x1400  }
0x1bf: {  	[sflag:s1] =	ssyncset.done $0x0  }
0x1c0: {  	[sflag:s1] =	ssyncadd.s32 $0xFFFFEC00  }
0x1c1: {  	v1 =	vld [tilespmem:$0xAB40]  }
0x1c2: {  	v2 =	vld [tilespmem:$0xAB50]  }
0x1c3: {  	v3 =	vld [tilespmem:$0xAB60]  }
0x1c4: {  	s15 =	simm.s32 $0x0;
	s21 =	simm.s32 $0x79E0;
	v4 =	vld [tilespmem:$0xAB70]  }
.LBB2_7:
0x1c5: {  	s28 =	sshra.s32 s15, $0x2  }
0x1c6: {  	v5 =	vld [tilespmem:s28+$0x140]  }
0x1c7: {  	v6 =	vld [tilespmem:s28+$0x150]  }
0x1c8: {  	v7 =	vld [tilespmem:s28+$0x160]  }
0x1c9: {  	v8 =	vld [tilespmem:s28+$0x2940]  }
0x1ca: {  	v9 =	vld [tilespmem:s28+$0x170]  }
0x1cb: {  	v10 =	vld [tilespmem:s28+$0x5140]  }
0x1cc: {  	v11 =	vld [tilespmem:s28+$0x2950]  }
0x1cd: {  	v13 =	vld [tilespmem:s28+$0x2960]  }
0x1ce: {  	v12 =	vld [tilespmem:s28+$0x5150]  }
0x1cf: {  	v14 =	vld [tilespmem:s28+$0x5160];
	v8 =	vadd.f32 v8, v5  }
0x1d0: {  	v60 =	vld [tilespmem:s28+$0x2970]  }
0x1d1: {  	v11 =	vadd.f32 v11, v6;
	v8 =	vadd.f32 v10, v8  }
0x1d2: {  	v16 =	vld [tilespmem:s28+$0x5170];
	v61 =	vadd.f32 v13, v7  }
0x1d3: {  	v11 =	vadd.f32 v12, v11;
	v15 =	vmul.f32 $2.000000030e-01, v8  }
0x1d4: {  	v12 =	vadd.f32 v14, v61;
	vm0 =	vgt.f32 v8, $0.0e+00  }
0x1d5: {  	v10 =	vadd.f32 v60, v9;
	v62 =	vmul.f32 $2.000000030e-01, v11;
	v8 =	vsel vm0, v8, v15  }
0x1d6: {  	vm13 =	vgt.f32 v11, $0.0e+00;
	v8 =	vmul.f32 v8, v1  }
0x1d7: {  	v63 =	vmul.f32 $2.000000030e-01, v12;
	v10 =	vadd.f32 v16, v10;
	v11 =	vsel vm13, v11, v62  }
0x1d8: {  	vm14 =	vgt.f32 v12, $0.0e+00;
	v11 =	vmul.f32 v11, v2;
	v8 =	vadd.f32 $0.0e+00, v8  }
0x1d9: {  	v12 =	vsel vm14, v12, v63;
	v17 =	vmul.f32 $2.000000030e-01, v10  }
0x1da: {  	vm15 =	vgt.f32 v10, $0.0e+00;
	v18 =	vmul.f32 v12, v3;
	v8 =	vadd.f32 v11, v8  }
0x1db: {  	v10 =	vsel vm15, v10, v17  }
0x1dc: {  	v10 =	vmul.f32 v10, v4;
	v8 =	vadd.f32 v18, v8;
	_ =	sdelay $0x1  }
0x1dd: {  	v8 =	vadd.f32 v10, v8;
	_ =	sdelay $0x1  }
0x1de: {  	(xrf2) =	vadd.scan.msk.f32 $0xffff, v8;
	_ =	sdelay $0x9  }
0x1df: {  	v8, _, _ =	vpop (xrf2)  }
0x1e0: {  	v8 =	vmul.f32 $1.442695020e+00, v8;
	_ =	sdelay $0x1  }
0x1e1: {  	v8 =	vbroadcast v8, $0xF;
	_ =	sdelay $0x1  }
0x1e2: {  	(erf) = vpow2.f32 v8;
	_ =	sdelay $0x8  }
0x1e3: {  	v8 =	vpop (erf)  }
0x1e4: {  	v5 =	vmul.f32 v8, v5  }
0x1e5: {  	v6 =	vmul.f32 v8, v6  }
0x1e6: {  	[tilespmem:s21+$0xFFFFFF60] =	vst v5;
	v5 =	vmul.f32 v8, v7  }
0x1e7: {  	[tilespmem:s21+$0xFFFFFF70] =	vst v6;
	v6 =	vmul.f32 v8, v9  }
0x1e8: {  	[tilespmem:s21+$0xFFFFFF80] =	vst v5;
	v5 =	vmul.f32 v0, v8  }
0x1e9: {  	[tilespmem:s21+$0xFFFFFF90] =	vst v6  }
0x1ea: {  	[tilespmem:s21+$0xFFFFFFA0] =	vst v5  }
0x1eb: {  	v5 =	vld [tilespmem:s28+$0x180]  }
0x1ec: {  	v6 =	vld [tilespmem:s28+$0x190]  }
0x1ed: {  	v7 =	vld [tilespmem:s28+$0x1A0]  }
0x1ee: {  	v19 =	vld [tilespmem:s28+$0x2980]  }
0x1ef: {  	v20 =	vld [tilespmem:s28+$0x1B0]  }
0x1f0: {  	v21 =	vld [tilespmem:s28+$0x5180]  }
0x1f1: {  	v22 =	vld [tilespmem:s28+$0x2990]  }
0x1f2: {  	v23 =	vld [tilespmem:s28+$0x5190]  }
0x1f3: {  	v24 =	vld [tilespmem:s28+$0x29A0]  }
0x1f4: {  	v26 =	vld [tilespmem:s28+$0x29B0];
	v8 =	vadd.f32 v19, v5  }
0x1f5: {  	v25 =	vld [tilespmem:s28+$0x51A0]  }
0x1f6: {  	v11 =	vadd.f32 v22, v6;
	v8 =	vadd.f32 v21, v8  }
0x1f7: {  	v28 =	vld [tilespmem:s28+$0x51B0]  }
0x1f8: {  	v29 =	vadd.f32 v24, v7;
	v11 =	vadd.f32 v23, v11;
	v27 =	vmul.f32 $2.000000030e-01, v8  }
0x1f9: {  	v10 =	vadd.f32 v26, v20;
	vm4 =	vgt.f32 v8, $0.0e+00  }
0x1fa: {  	v12 =	vadd.f32 v25, v29;
	v30 =	vmul.f32 $2.000000030e-01, v11;
	v8 =	vsel vm4, v8, v27  }
0x1fb: {  	vm5 =	vgt.f32 v11, $0.0e+00;
	v8 =	vmul.f32 v8, v1  }
0x1fc: {  	v10 =	vadd.f32 v28, v10;
	v31 =	vmul.f32 $2.000000030e-01, v12;
	v11 =	vsel vm5, v11, v30  }
0x1fd: {  	vm6 =	vgt.f32 v12, $0.0e+00;
	v11 =	vmul.f32 v11, v2;
	v8 =	vadd.f32 $0.0e+00, v8  }
0x1fe: {  	v32 =	vmul.f32 $2.000000030e-01, v10;
	v12 =	vsel vm6, v12, v31  }
0x1ff: {  	vm7 =	vgt.f32 v10, $0.0e+00;
	v33 =	vmul.f32 v12, v3;
	v8 =	vadd.f32 v11, v8  }
0x200: {  	v10 =	vsel vm7, v10, v32  }
0x201: {  	v10 =	vmul.f32 v10, v4;
	v8 =	vadd.f32 v33, v8;
	_ =	sdelay $0x1  }
0x202: {  	v8 =	vadd.f32 v10, v8;
	_ =	sdelay $0x1  }
0x203: {  	(xrf2) =	vadd.scan.msk.f32 $0xffff, v8;
	_ =	sdelay $0x9  }
0x204: {  	v8, _, _ =	vpop (xrf2)  }
0x205: {  	v8 =	vmul.f32 $1.442695020e+00, v8;
	_ =	sdelay $0x1  }
0x206: {  	v8 =	vbroadcast v8, $0xF;
	_ =	sdelay $0x1  }
0x207: {  	(erf) = vpow2.f32 v8;
	_ =	sdelay $0x8  }
0x208: {  	v8 =	vpop (erf)  }
0x209: {  	v5 =	vmul.f32 v8, v5  }
0x20a: {  	v6 =	vmul.f32 v8, v6  }
0x20b: {  	[tilespmem:s21+$0xFFFFFFB0] =	vst v5;
	v5 =	vmul.f32 v8, v7  }
0x20c: {  	[tilespmem:s21+$0xFFFFFFC0] =	vst v6;
	v6 =	vmul.f32 v8, v20  }
0x20d: {  	[tilespmem:s21+$0xFFFFFFD0] =	vst v5;
	v5 =	vmul.f32 v0, v8  }
0x20e: {  	[tilespmem:s21+$0xFFFFFFE0] =	vst v6  }
0x20f: {  	[tilespmem:s21+$0xFFFFFFF0] =	vst v5  }
0x210: {  	v5 =	vld [tilespmem:s28+$0x1C0]  }
0x211: {  	v6 =	vld [tilespmem:s28+$0x1D0]  }
0x212: {  	v7 =	vld [tilespmem:s28+$0x1E0]  }
0x213: {  	v34 =	vld [tilespmem:s28+$0x29C0]  }
0x214: {  	v35 =	vld [tilespmem:s28+$0x1F0]  }
0x215: {  	v36 =	vld [tilespmem:s28+$0x51C0]  }
0x216: {  	v37 =	vld [tilespmem:s28+$0x29D0]  }
0x217: {  	v38 =	vld [tilespmem:s28+$0x51D0]  }
0x218: {  	v39 =	vld [tilespmem:s28+$0x29E0]  }
0x219: {  	v41 =	vld [tilespmem:s28+$0x29F0];
	v8 =	vadd.f32 v34, v5  }
0x21a: {  	v40 =	vld [tilespmem:s28+$0x51E0]  }
0x21b: {  	v11 =	vadd.f32 v37, v6;
	v8 =	vadd.f32 v36, v8  }
0x21c: {  	v43 =	vld [tilespmem:s28+$0x51F0]  }
0x21d: {  	v44 =	vadd.f32 v39, v7;
	v11 =	vadd.f32 v38, v11;
	v42 =	vmul.f32 $2.000000030e-01, v8  }
0x21e: {  	v10 =	vadd.f32 v41, v35;
	vm8 =	vgt.f32 v8, $0.0e+00  }
0x21f: {  	v12 =	vadd.f32 v40, v44;
	v45 =	vmul.f32 $2.000000030e-01, v11;
	v8 =	vsel vm8, v8, v42  }
0x220: {  	vm9 =	vgt.f32 v11, $0.0e+00;
	v8 =	vmul.f32 v8, v1  }
0x221: {  	v10 =	vadd.f32 v43, v10;
	v46 =	vmul.f32 $2.000000030e-01, v12;
	v11 =	vsel vm9, v11, v45  }
0x222: {  	vm10 =	vgt.f32 v12, $0.0e+00;
	v11 =	vmul.f32 v11, v2;
	v8 =	vadd.f32 $0.0e+00, v8  }
0x223: {  	v47 =	vmul.f32 $2.000000030e-01, v10;
	v12 =	vsel vm10, v12, v46  }
0x224: {  	vm11 =	vgt.f32 v10, $0.0e+00;
	v48 =	vmul.f32 v12, v3;
	v8 =	vadd.f32 v11, v8  }
0x225: {  	v10 =	vsel vm11, v10, v47  }
0x226: {  	v10 =	vmul.f32 v10, v4;
	v8 =	vadd.f32 v48, v8;
	_ =	sdelay $0x1  }
0x227: {  	v8 =	vadd.f32 v10, v8;
	_ =	sdelay $0x1  }
0x228: {  	(xrf2) =	vadd.scan.msk.f32 $0xffff, v8;
	_ =	sdelay $0x9  }
0x229: {  	v8, _, _ =	vpop (xrf2)  }
0x22a: {  	v8 =	vmul.f32 $1.442695020e+00, v8;
	_ =	sdelay $0x1  }
0x22b: {  	v8 =	vbroadcast v8, $0xF;
	_ =	sdelay $0x1  }
0x22c: {  	(erf) = vpow2.f32 v8;
	_ =	sdelay $0x8  }
0x22d: {  	v8 =	vpop (erf)  }
0x22e: {  	v5 =	vmul.f32 v8, v5  }
0x22f: {  	v6 =	vmul.f32 v8, v6  }
0x230: {  	[tilespmem:s21+$0x0] =	vst v5;
	v5 =	vmul.f32 v8, v7  }
0x231: {  	[tilespmem:s21+$0x10] =	vst v6;
	v6 =	vmul.f32 v8, v35  }
0x232: {  	[tilespmem:s21+$0x20] =	vst v5;
	v5 =	vmul.f32 v0, v8  }
0x233: {  	[tilespmem:s21+$0x30] =	vst v6  }
0x234: {  	[tilespmem:s21+$0x40] =	vst v5  }
0x235: {  	v5 =	vld [tilespmem:s28+$0x200]  }
0x236: {  	v6 =	vld [tilespmem:s28+$0x210]  }
0x237: {  	v7 =	vld [tilespmem:s28+$0x220]  }
0x238: {  	v49 =	vld [tilespmem:s28+$0x2A00]  }
0x239: {  	v50 =	vld [tilespmem:s28+$0x230]  }
0x23a: {  	v51 =	vld [tilespmem:s28+$0x5200]  }
0x23b: {  	v52 =	vld [tilespmem:s28+$0x2A10]  }
0x23c: {  	v53 =	vld [tilespmem:s28+$0x5210]  }
0x23d: {  	v54 =	vld [tilespmem:s28+$0x2A20]  }
0x23e: {  	v56 =	vld [tilespmem:s28+$0x2A30];
	v8 =	vadd.f32 v49, v5  }
0x23f: {  	v55 =	vld [tilespmem:s28+$0x5220]  }
0x240: {  	v11 =	vadd.f32 v52, v6;
	v8 =	vadd.f32 v51, v8  }
0x241: {  	v58 =	vld [tilespmem:s28+$0x5230]  }
0x242: {  	v59 =	vadd.f32 v54, v7;
	v11 =	vadd.f32 v53, v11;
	v57 =	vmul.f32 $2.000000030e-01, v8  }
0x243: {  	v10 =	vadd.f32 v56, v50;
	vm12 =	vgt.f32 v8, $0.0e+00  }
0x244: {  	v12 =	vadd.f32 v55, v59;
	v60 =	vmul.f32 $2.000000030e-01, v11;
	v8 =	vsel vm12, v8, v57  }
0x245: {  	vm13 =	vgt.f32 v11, $0.0e+00;
	v8 =	vmul.f32 v8, v1  }
0x246: {  	v10 =	vadd.f32 v58, v10;
	v61 =	vmul.f32 $2.000000030e-01, v12;
	v11 =	vsel vm13, v11, v60  }
0x247: {  	vm14 =	vgt.f32 v12, $0.0e+00;
	v11 =	vmul.f32 v11, v2;
	v8 =	vadd.f32 $0.0e+00, v8  }
0x248: {  	v62 =	vmul.f32 $2.000000030e-01, v10;
	v12 =	vsel vm14, v12, v61  }
0x249: {  	vm15 =	vgt.f32 v10, $0.0e+00;
	v63 =	vmul.f32 v12, v3;
	v8 =	vadd.f32 v11, v8  }
0x24a: {  	v10 =	vsel vm15, v10, v62  }
0x24b: {  	v10 =	vmul.f32 v10, v4;
	v8 =	vadd.f32 v63, v8;
	_ =	sdelay $0x1  }
0x24c: {  	v8 =	vadd.f32 v10, v8;
	_ =	sdelay $0x1  }
0x24d: {  	(xrf2) =	vadd.scan.msk.f32 $0xffff, v8;
	_ =	sdelay $0x9  }
0x24e: {  	v8, _, _ =	vpop (xrf2)  }
0x24f: {  	v8 =	vmul.f32 $1.442695020e+00, v8;
	_ =	sdelay $0x1  }
0x250: {  	v8 =	vbroadcast v8, $0xF;
	_ =	sdelay $0x1  }
0x251: {  	(erf) = vpow2.f32 v8;
	_ =	sdelay $0x8  }
0x252: {  	v8 =	vpop (erf)  }
0x253: {  	v5 =	vmul.f32 v8, v5  }
0x254: {  	p1 =	sne.s32 s15, $0x4C00;
	v6 =	vmul.f32 v8, v6  }
.Ltmp4:
0x255: {  	[tilespmem:s21+$0x50] =	vst v5;
	v5 =	vmul.f32 v8, v7;
	(pc) =	sbr.rel @p1 .LBB2_7-.Ltmp4, $4  }
0x256: {  	[tilespmem:s21+$0x60] =	vst v6;
	v6 =	vmul.f32 v8, v50  }
0x257: {  	[tilespmem:s21+$0x70] =	vst v5;
	v5 =	vmul.f32 v0, v8  }
0x258: {  	[tilespmem:s21+$0x80] =	vst v6  }
0x259: {  	s15 =	sadd.s32 $0x400, s15;
	[tilespmem:s21+$0x90] =	vst v5;
	s21 =	sadd.s32 $0x140, s21  }
.Ltmp5:
0x25a: {  	(pc) =	sbr.rel @p0 .LBB2_10-.Ltmp5, $2  }
0x25b: {  	_ =	sdelay $0x2  }
0x25c: {  	[spmem:s3] =	stream.indirect.scatter.add.f32 [tilespmem:s24], [sflag:$0x9], $0x50, s25, s26, $0xb8;
	[tilespmem:$0x17100] =	vst v63  }
0x25d: {  	_ =	swait.ge [sflag:s11], $0x50  }
0x25e: {  	[sflag:s11] =	ssyncset.done $0x0  }
0x25f: {  	[sflag:s11] =	ssyncadd.s32 $0xFFFFFFB0  }
0x260: {  	s14 =	smul.u32 $0x50, s14;
	_ =	swait.ge [sflag:s11], $0x50  }
0x261: {  	[sflag:s11] =	ssyncset.done $0x0  }
0x262: {  	s15 =	simm.s32 $0x1540;
	s14 =	sadd.s32 s10, s14;
	[sflag:s11] =	ssyncadd.s32 $0xFFFFFFB0  }
0x263: {  	[tilespmem:s15], [sflag:$0x4] =	stream.indirect.gather [hbm4b:s5+s26], $0x40, s26, s26, $0xb8;
	[tilespmem:$0x17100] =	vst v63  }
.Ltmp6:
0x264: {  	s14 =	sshll.u32 s14, $0x3;
	(pc) =	sbr.rel .LBB2_4-.Ltmp6, $4  }
0x265: {  	s28 =	simm.s32 $0x3D40;
	s14 =	sand.u32 $0x1FFFFF80, s14  }
0x266: {  	[tilespmem:s28], [sflag:$0x6] =	stream.indirect.gather [hbm4b:s6+s26], $0x40, s31, s26, $0xb8;
	[tilespmem:$0x17100] =	vst v63  }
0x267: {  	s29 =	simm.s32 $0x6540;
	s12 =	sadd.s32 $0x1, s12;
	s14 =	sadd.s32 s7, s14  }
0x268: {  	[tilespmem:s29], [sflag:$0x8] =	stream.linear.gather [hbm4b:s14+s4], $0x1400, $0x38;
	[tilespmem:$0x17100] =	vst v63  }
.LBB2_11:
0x269: {  	_ =	sfence.sel $0x180000  }
0x26a: {  	[bflag:$0x0] =	sbarrier.arrive $0xFFFF  }
0x26b: {  	_ =	strace $0x9000004A  }
0x26c: {  	s0 =	stileid.u32;
	[bflag:$0x2] =	sbarrier.arrive $0xFFFF  }
0x26d: {  	p0 =	sne.s32 s0, $0x0;
	s0 =	rddreg [dreg:$0x3]  }
0x26e: {  	s0 =	sadd.s32 @!p0 $0x100000, s0  }
0x26f: {  	[sflag:s0] =	ssyncadd.tile.s32 @!p0 $0x1;
	_ =	shalt  }
.Lfunc_end2:
_tile_overlayer_lowered:
.L_overlay_start_2:
0x270: {  	(tag) =	ssettag $0x2  }
0x271: {  	s0 =	rddreg [dreg:$0x0];
	s2 =	stileid.u32  }
0x272: {  	s1 =	rddreg [dreg:$0x1];
	p0 =	sne.s32 s2, $0x0  }
0x273: {  	s3 =	rddreg [dreg:$0x2];
	[bflag:$0x3] =	sbarrier.arrive $0xFFFF;
	s2 =	simm.s32 @!p0 $0x1C0B  }
0x274: {  	[timem:s3], [sflag:s2] =	dma.local @!p0 [hbm:s0], s1  }
0x275: {  	s0 =	simm.s32 @!p0 $0xB  }
0x276: {  	_ =	swait.ge @!p0 [sflag:s0], s1  }
0x277: {  	s1 =	ssub.s32 @!p0 $0x0, s1;
	[sflag:s0] =	ssyncset.done @!p0 $0x0  }
0x278: {  	[sflag:s0] =	ssyncadd.s32 @!p0 s1  }
0x279: {  	[bflag:$0x3] =	sbarrier.arrive $0xFFFF  }
0x27a: {  	_ =	shalt  }

// kernel: kernel.17.cloned.1.call-start
scs
__scs_entry_jumppad:
0x0: {  	(pc) =	sbr.rel $0x88, $3  }
0x1: {  	(tag) =	ssettag $0x0;
	lr =	simm.s32 $0x1  }
0x2: {  	[smem:$0x3F88] =	sst lr;
	_ =	strace $0xD0000000  }
0x3: {  	_ = 	snop  }
0x4: {  	_ = 	snop  }
0x5: {  	_ = 	snop  }
0x6: {  	_ = 	snop  }
0x7: {  	_ = 	snop  }
__scs_overlays_trampoline_lowered:
0x8: {  	[smem:$0x3F97] =	sst s0  }
0x9: {  	[smem:$0x3F98] =	sst s1  }
0xa: {  	[smem:$0x3F99] =	sst s2  }
0xb: {  	[smem:$0x3F9A] =	sst s3  }
0xc: {  	[smem:$0x3F9B] =	sst s4  }
0xd: {  	[smem:$0x3F9C] =	sst s5  }
0xe: {  	[smem:$0x3F9D] =	sst s6  }
0xf: {  	[smem:$0x3F9E] =	sst s7  }
0x10: {  	[smem:$0x3F9F] =	sst s8  }
0x11: {  	[smem:$0x3FA0] =	sst s9;
	s0 =	simm.s32 @!p0 $0x0  }
0x12: {  	s1 =	sld [smem:$0x3F86];
	s0 =	simm.s32 @p0 $0x1  }
0x13: {  	[smem:$0x3FA1] =	sst s0;
	s0 =	simm.s32 @!p1 $0x0  }
0x14: {  	s2 =	sld [smem:$0x3F85];
	s0 =	simm.s32 @p1 $0x1  }
0x15: {  	[smem:$0x3FA2] =	sst s0;
	s0 =	simm.s32 @!p2 $0x0  }
0x16: {  	s3 =	sld [smem:$0x3FDB];
	s0 =	simm.s32 @p2 $0x1  }
0x17: {  	s4 =	simm.s32 $0x1BF5;
	[smem:$0x3FA4] =	sst s0  }
0x18: {  	s0 =	sld [smem:$0x3F87];
	_ =	swait.ge [sflag:s4], $0x0  }
0x19: {  	s7 =	sld [smem:$0x3F88]  }
0x1a: {  	s8 =	sadd.s32 $0xFFFFE003, lr  }
0x1b: {  	s9 =	sadd.s32 $0xFFFFFEF7, lr;
	s5 =	simm.s32 $0xFFFFFFFF;
	p2 =	slt.u32 s8, $0xFFFFF086  }
0x1c: {  	p1 =	slt.u32 s9, $0xF7A;
	s5 =	simm.s32 @!p2 $0x0  }
0x1d: {  	s5 =	simm.s32 @p1 $0x1;
	p0 =	seq.s32 s7, s2  }
0x1e: {  	s7 =	smul.u32 @!p0 $0xF7A, s2;
	p2 =	seq.s32 @!p0 s5, $0x0  }
0x1f: {  	s9 =	smul.u32 $0xF7A, s1;
	s8 =	simm.s32 @!p0 $0x1BF5;
	p2 =	por !p2, p0  }
0x20: {  	[sflag:s8] =	ssyncset.s32 @!p0 $0xFFFFF086;
	s6 =	sadd.s32 @!p0 s3, s7;
	s7 =	simm.s32 @!p0 $0x108  }
0x21: {  	s3 =	sadd.s32 s3, s9;
	s6 =	sadd.s32 @!p0 $0x88, s6;
	s7 =	simm.s32 @p2 $0x1082  }
0x22: {  	[simem:s7], [sflag:s8] =	dma.local @!p0 [hbm:s6], $0xF7A  }
0x23: {  	s9 =	sor.u32 $0xD0000000, s2;
	s6 =	simm.s32 $0x108;
	_ =	swait.ge @!p0 [sflag:s8], $0x0  }
0x24: {  	s3 =	sadd.s32 $0x88, s3;
	s6 =	simm.s32 @!p1 $0x1082;
	[sflag:s4] =	ssyncset.s32 $0xFFFFF086  }
0x25: {  	[simem:s6], [sflag:s4] =	dma.local [hbm:s3], $0xF7A  }
0x26: {  	[smem:$0x3F88] =	sst s1;
	(tag) =	ssettag s2;
	_ =	strace s9  }
0x27: {  	s1 =	sld [smem:$0x3F98]  }
0x28: {  	s2 =	sld [smem:$0x3F99]  }
0x29: {  	s4 =	sld [smem:$0x3F9B]  }
0x2a: {  	p0 =	seq.s32 s5, $0x0;
	s5 =	sld [smem:$0x3F9C]  }
0x2b: {  	s6 =	sld [smem:$0x3F9D]  }
0x2c: {  	s7 =	sld [smem:$0x3F9E]  }
0x2d: {  	s3 =	simm.s32 $0x108;
	s8 =	sld [smem:$0x3F9F]  }
0x2e: {  	s3 =	simm.s32 @!p0 $0x1082;
	s9 =	sld [smem:$0x3FA0]  }
0x2f: {  	lr =	sadd.s32 s0, s3;
	s0 =	sld [smem:$0x3F97]  }
0x30: {  	s3 =	sld [smem:$0x3F9A]  }
0x31: {  	[smem:$0x3FA3] =	sst s10  }
0x32: {  	s10 =	sld [smem:$0x3FA1];
	_ =	sdelay $0x3  }
0x33: {  	p0 =	seq.s32 s10, $0x1;
	s10 =	sld [smem:$0x3FA3];
	_ =	sdelay $0x3  }
0x34: {  	[smem:$0x3FA3] =	sst s10  }
0x35: {  	s10 =	sld [smem:$0x3FA2];
	_ =	sdelay $0x3  }
0x36: {  	p1 =	seq.s32 s10, $0x1;
	s10 =	sld [smem:$0x3FA3];
	_ =	sdelay $0x3  }
0x37: {  	[smem:$0x3FA3] =	sst s10  }
0x38: {  	s10 =	sld [smem:$0x3FA4]  }
0x39: {  	_ = 	snop;
	(pc) =	sbr.ind lr, $3  }
0x3a: {  	_ = 	snop  }
0x3b: {  	_ = 	snop  }
0x3c: {  	p2 =	seq.s32 s10, $0x1;
	s10 =	sld [smem:$0x3FA3]  }
0x3d: {  	_ =	shalt  }
0x3e: {  	_ =	shalt  }
0x3f: {  	_ =	shalt  }
0x40: {  	_ =	shalt  }
0x41: {  	_ =	shalt  }
0x42: {  	_ =	shalt  }
0x43: {  	_ =	shalt  }
0x44: {  	_ =	shalt  }
0x45: {  	_ =	shalt  }
0x46: {  	_ =	shalt  }
0x47: {  	_ =	shalt  }
0x48: {  	_ =	shalt  }
0x49: {  	_ =	shalt  }
0x4a: {  	_ =	shalt  }
0x4b: {  	_ =	shalt  }
0x4c: {  	_ =	shalt  }
0x4d: {  	_ =	shalt  }
0x4e: {  	_ =	shalt  }
0x4f: {  	_ =	shalt  }
0x50: {  	_ =	shalt  }
0x51: {  	_ =	shalt  }
0x52: {  	_ =	shalt  }
0x53: {  	_ =	shalt  }
0x54: {  	_ =	shalt  }
0x55: {  	_ =	shalt  }
0x56: {  	_ =	shalt  }
0x57: {  	_ =	shalt  }
0x58: {  	_ =	shalt  }
0x59: {  	_ =	shalt  }
0x5a: {  	_ =	shalt  }
0x5b: {  	_ =	shalt  }
0x5c: {  	_ =	shalt  }
0x5d: {  	_ =	shalt  }
0x5e: {  	_ =	shalt  }
0x5f: {  	_ =	shalt  }
0x60: {  	_ =	shalt  }
0x61: {  	_ =	shalt  }
0x62: {  	_ =	shalt  }
0x63: {  	_ =	shalt  }
0x64: {  	_ =	shalt  }
0x65: {  	_ =	shalt  }
0x66: {  	_ =	shalt  }
0x67: {  	_ =	shalt  }
0x68: {  	_ =	shalt  }
0x69: {  	_ =	shalt  }
0x6a: {  	_ =	shalt  }
0x6b: {  	_ =	shalt  }
0x6c: {  	_ =	shalt  }
0x6d: {  	_ =	shalt  }
0x6e: {  	_ =	shalt  }
0x6f: {  	_ =	shalt  }
0x70: {  	_ =	shalt  }
0x71: {  	_ =	shalt  }
0x72: {  	_ =	shalt  }
0x73: {  	_ =	shalt  }
0x74: {  	_ =	shalt  }
0x75: {  	_ =	shalt  }
0x76: {  	_ =	shalt  }
0x77: {  	_ =	shalt  }
0x78: {  	_ =	shalt  }
0x79: {  	_ =	shalt  }
0x7a: {  	_ =	shalt  }
0x7b: {  	_ =	shalt  }
0x7c: {  	_ =	shalt  }
0x7d: {  	_ =	shalt  }
0x7e: {  	_ =	shalt  }
0x7f: {  	_ =	shalt  }
0x80: {  	_ =	shalt  }
0x81: {  	_ =	shalt  }
0x82: {  	_ =	shalt  }
0x83: {  	_ =	shalt  }
0x84: {  	_ =	shalt  }
0x85: {  	_ =	shalt  }
0x86: {  	_ =	shalt  }
0x87: {  	_ =	shalt  }
.Lfunc_end0:
.L_simem_size_0:
called_computation.2_lowered:
.L_overlay_start_0:
0x88: {  	s2 =	sld [smem:$0x3FD9]  }
0x89: {  	s3 =	sld [smem:$0x3FFE];
	_ =	sdelay $0x1  }
0x8a: {  	s1 =	srdreg.scid  }
0x8b: {  	s0 =	sand.u32 $0x1, s1  }
0x8c: {  	s17 =	sshll.u32 s0, $0xA;
	s2 =	sadd.s32 s3, s2  }
0x8d: {  	s2 =	sadd.s32 s2, s17  }
0x8e: {  	[smem:$0x3FAF] =	sst s2  }
0x8f: {  	_ = 	snop  }
0x90: {  	s2 =	sld [smem:$0x3FB8];
	(tm) =	ssettm $0x1  }
0x91: {  	s18 =	sld [smem:$0x3FFB];
	_ =	sdelay $0x3  }
0x92: {  	_ =	strace s18  }
0x93: {  	s3 =	sld [smem:$0x3FFC];
	_ =	sdelay $0x3  }
0x94: {  	_ =	strace s3  }
0x95: {  	s3 =	sld [smem:$0x3FFD];
	_ =	sdelay $0x3  }
0x96: {  	_ =	strace s3  }
0x97: {  	_ =	strace $0x8FFFFFFF  }
0x98: {  	s19 =	sld [smem:$0x3FDB];
	_ =	sdelay $0x1  }
0x99: {  	s4 =	simm.s32 $_scs_section_size  }
0x9a: {  	s5 =	simm.s32 $_size__tile_overlayer_lowered;
	s6 =	simm.s32 $_tile_overlayer_lowered  }
0x9b: {  	s22 =	simm.s32 $0x1BFF;
	s21 =	sshll.u32 s6, $0x1;
	s3 =	sadd.s32 s4, s19  }
0x9c: {  	s7 =	simm.s32 $0x0;
	s20 =	sshll.u32 s5, $0x1;
	s5 =	sadd.s32 s21, s3  }
0x9d: {  	[timem:s7], [sflag:s22] =	dma.local [hbm:s5], s20  }
0x9e: {  	_ =	swait.ge [sflag:s22], s20  }
0x9f: {  	s4 =	ssub.s32 $0x0, s20;
	[sflag:s22] =	ssyncset.done $0x0  }
0xa0: {  	[sflag:s22] =	ssyncadd.s32 s4;
	_ =	sdelay $0x1  }
0xa1: {  	s23 =	simm.s32 $0x1B8B  }
0xa2: {  	_ =	swait.ge [sflag:s23], $0x1  }
0xa3: {  	[sflag:s23] =	ssyncset.done $0x0  }
0xa4: {  	s25 =	simm.s32 $0x1B8E;
	s24 =	sld [smem:$0x3FFE];
	[sflag:s23] =	ssyncadd.s32 $0xFFFFFFFF  }
0xa5: {  	s26 =	simm.s32 $execute0_lowered;
	[smem:$0x3FD2] =	sst s25  }
0xa6: {  	s5 =	sshll.u32 s26, $0x1;
	_ =	strace $0x8000004C;
	[dreg:$0x1] =	wrdreg $0xFFFFFFFF  }
0xa7: {  	s28 =	simm.s32 $_size_execute0_lowered;
	s3 =	sadd.s32 s3, s5;
	[dreg:$0x0] =	wrdreg $0x0  }
0xa8: {  	s5 =	sshll.u32 s28, $0x1;
	[dreg:$0x2] =	wrdreg s3  }
0xa9: {  	[dreg:$0x3] =	wrdreg s5  }
0xaa: {  	[dreg:$0x4] =	wrdreg $0xC0  }
0xab: {  	_ =	task [dreg:s7], $0x5FFFF  }
0xac: {  	[dreg:$0x1] =	wrdreg $0xFFFFFFFF  }
0xad: {  	[dreg:$0x0] =	wrdreg $0x60  }
0xae: {  	[dreg:$0x2] =	wrdreg s24  }
0xaf: {  	[dreg:$0x3] =	wrdreg s2  }
0xb0: {  	[dreg:$0x4] =	wrdreg $0xAB800  }
0xb1: {  	[dreg:$0x5] =	wrdreg $0x9  }
0xb2: {  	_ =	task.clear_ibuf [dreg:s7], $0x6FFFF;
	_ =	strace $0x9000004C  }
0xb3: {  	s29 =	simm.s32 $0x9;
	_ =	strace $0x8000004E  }
0xb4: {  	_ =	swait.ge [sflag:s29], $0x1  }
0xb5: {  	[sflag:s29] =	ssyncadd.s32 $0xFFFFFFFF  }
0xb6: {  	_ =	strace $0x9000004E  }
0xb7: {  	_ =	sfence  }
0xb8: {  	s30 =	sld [smem:$0x0];
	_ =	sdelay $0x2  }
0xb9: {  	s31 =	sshll.u32 s1, $0xD;
	s1 =	sshrl.u32 s1, $0x2  }
0xba: {  	s3 =	sand.u32 $0x4000, s31;
	s1 =	sadd.s32 s1, s30  }
0xbb: {  	s0 =	sor.u32 s3, s0;
	s1 =	sshll.u32 s1, $0x11  }
0xbc: {  	s0 =	sor.u32 s1, s0  }
0xbd: {  	s0 =	sadd.s32 $0x8F2B, s0  }
0xbe: {  	[sflag:s0] =	ssyncadd.remote.s32 $0x1  }
0xbf: {  	_ =	sfence.sel $0xFFFF  }
0xc0: {  	[dreg:$0x0] =	wrdreg $0xFFFFFFFF;
	(pc) =	sbr.abs _section_cstart, $3  }
0xc1: {  	[dreg:$0x1] =	wrdreg $0xFFFFFFFF  }
0xc2: {  	_ =	task.clear_ibuf [dreg:s7], $0x2FFFF;
	_ =	strace $0x9FFFFFFF  }
0xc3: {  	(tm) =	ssettm $0x7FFFFFFF  }
tec
execute0_lowered:
.L_overlay_start_1:
0x0: {  	(tag) =	ssettag $0x1  }
0x1: {  	s0 =	rddreg [dreg:$0x0]  }
0x2: {  	s3 =	rddreg [dreg:$0x2]  }
0x3: {  	s4 =	simm.s32 $0x0;
	s14 =	stileid.u32;
	s2 =	srdreg.scid  }
0x4: {  	s15 =	simm.s32 $0xB;
	s30 =	simm.s32 $0x5140;
	s31 =	simm.s32 $0xF0  }
0x5: {  	s16 =	simm.s32 $0x9;
	s17 =	simm.s32 $0x4;
	s18 =	simm.s32 $0x6  }
0x6: {  	[smem:$0x7FF] =	sst s4;
	s1 =	smul.u32 $0xC580, s14;
	s5 =	sadd.s32 $0x2A3600, s0  }
0x7: {  	s6 =	sadd.s32 $0x2B7000, s0;
	s2 =	sand.u32 $0x1, s2;
	s7 =	sadd.s32 $0x62B400, s0  }
0x8: {  	s8 =	sadd.s32 $0xFC00, s0;
	s9 =	sadd.s32 $0x5E00, s0;
	s22 =	sshll.u32 s14, $0x6  }
0x9: {  	_ =	strace $0x8000004D;
	s11 =	smul.u32 $0xC5800, s2;
	s20 =	ssub.s32 $0x2, s2  }
0xa: {  	s2 =	sshll.u32 s2, $0x4;
	s10 =	sshrl.u32 s1, $0x3;
	s13 =	sshrl.u32 s20, $0x1  }
0xb: {  	s2 =	sor.u32 s14, s2;
	s14 =	sor.u32 $0x1C0B, s22;
	s22 =	simm.s32 $0x1  }
0xc: {  	s12 =	sadd.s32 s10, s0;
	s19 =	sadd.s32 s1, s11;
	s11 =	ssub.s32 s20, s13  }
0xd: {  	s1 =	sadd.s32 s1, s3;
	s13 =	simm.s32 $0xA;
	[dreg:$0x6] =	wrdreg s14  }
0xe: {  	s10 =	sshrl.u32 s19, $0x3;
	[dreg:$0x4] =	wrdreg s1;
	s21 =	sadd.s32 $0x28AA00, s12  }
0xf: {  	s29 =	smax.u32 s11, $0x1;
	s11 =	simm.s32 $0x2;
	s19 =	simm.s32 $0x8  }
0x10: {  	s0 =	sadd.s32 s10, s0;
	s10 =	smul.u32 $0x2710, s2;
	[dreg:$0x5] =	wrdreg s21  }
0x11: {  	s2 =	smul.u32 $0x13880, s2;
	[dreg:$0xe] =	wrdreg s29;
	s21 =	simm.s32 $0x0  }
0x12: {  	s0 =	sadd.s32 $0x19A00, s0;
	s23 =	sshrl.u32 s10, $0x3;
	s25 =	sadd.s32 $0x50, s10  }
0x13: {  	s2 =	sadd.s32 s7, s2;
	s20 =	sadd.s32 $0xA0, s10;
	[dreg:$0xd] =	wrdreg s0  }
0x14: {  	s0 =	simm.s32 $0x3;
	s24 =	sadd.s32 s8, s23;
	[dreg:$0x9] =	wrdreg s2  }
0x15: {  	s1 =	sadd.s32 s9, s23;
	s26 =	sshrl.u32 s25, $0x3;
	[dreg:$0x7] =	wrdreg s24  }
.Ltmp0:
0x16: {  	s23 =	simm.s32 $0x0;
	[dreg:$0x8] =	wrdreg s1;
	(pc) =	sbr.rel .LBB2_1-.Ltmp0, $4  }
0x17: {  	s1 =	sshll.u32 s25, $0x3;
	s28 =	sadd.s32 s8, s26;
	s2 =	sadd.s32 s9, s26  }
0x18: {  	s25 =	simm.s32 $0xA0;
	s26 =	simm.s32 $0x50;
	[dreg:$0xa] =	wrdreg s28  }
0x19: {  	v0 =	vimm.f32 $0.0e+00;
	vm0 =	vcmask $0x300;
	s24 =	simm.s32 $0x7940;
	[dreg:$0xb] =	wrdreg s2;
	s1 =	sadd.s32 s7, s1  }
0x1a: {  	v0 =	vsel vm0, $0x3F800000, v0;
	s2 =	simm.s32 $0x5;
	[dreg:$0xc] =	wrdreg s1;
	s1 =	simm.s32 $0x7  }
.LBB2_10:
0x1b: {  	_ =	swait.ge [sflag:s16], $0x1900  }
0x1c: {  	[sflag:s16] =	ssyncset.done $0x0  }
0x1d: {  	[sflag:s16] =	ssyncadd.s32 $0xFFFFE700  }
0x1e: {  	[bflag:$0x0] =	sbarrier.arrive $0xFFFF  }
0x1f: {  	s14 =	rddreg [dreg:$0x6]  }
0x20: {  	s12 =	rddreg [dreg:$0xd]  }
0x21: {  	s15 =	rddreg [dreg:$0x10]  }
0x22: {  	[hbm:s12], [sflag:s14] =	dma.local [spmem:s15], $0x18B0  }
0x23: {  	s15 =	simm.s32 $0xB  }
0x24: {  	_ =	swait.ge [sflag:s15], $0x18B0  }
0x25: {  	s21 =	rddreg [dreg:$0xf]  }
0x26: {  	s29 =	rddreg [dreg:$0xe];
	s21 =	sadd.s32 $0x1, s21  }
0x27: {  	p0 =	sne.s32 s21, s29  }
.Ltmp1:
0x28: {  	_ = 	snop;
	(pc) =	sbr.rel @!p0 .LBB2_11-.Ltmp1, $3  }
0x29: {  	_ =	sdelay $0x1  }
0x2a: {  	[sflag:s15] =	ssyncset.done $0x0  }
0x2b: {  	[sflag:s15] =	ssyncadd.s32 $0xFFFFE750  }
.LBB2_1:
0x2c: {  	[dreg:$0xf] =	wrdreg s21  }
0x2d: {  	s12 =	rddreg [dreg:$0x4]  }
0x2e: {  	s29 =	rddreg [dreg:$0x5];
	s28 =	sshrl.u32 s12, $0x3  }
0x2f: {  	[dreg:$0x10] =	wrdreg s28  }
0x30: {  	[spmem:s28], [sflag:s14] =	dma.local [hbm:s29], $0x18B0  }
0x31: {  	_ =	swait.ge [sflag:s15], $0x18B0  }
0x32: {  	[sflag:s15] =	ssyncset.done $0x0  }
0x33: {  	[sflag:s15] =	ssyncadd.s32 $0xFFFFE750  }
0x34: {  	s21 =	simm.s32 $0xAB40;
	s14 =	rddreg [dreg:$0x1]  }
0x35: {  	[tilespmem:s21], [sflag:$0xB] =	stream.linear.gather [hbm4b:s14+s4], $0x40, $0x38;
	[tilespmem:$0x17100] =	vst v63  }
0x36: {  	_ =	swait.ge [sflag:s15], $0x40  }
0x37: {  	[sflag:s15] =	ssyncset.done $0x0  }
0x38: {  	[sflag:s15] =	ssyncadd.s32 $0xFFFFFFC0  }
0x39: {  	[bflag:$0x0] =	sbarrier.arrive $0xFFFF  }
0x3a: {  	s28 =	rddreg [dreg:$0x7]  }
0x3b: {  	[tilespmem:s4], [sflag:$0xB] =	stream.linear.gather [hbm4b:s28+s4], $0x50, $0x38;
	[tilespmem:$0x17100] =	vst v63  }
0x3c: {  	_ =	swait.ge [sflag:s15], $0x50  }
0x3d: {  	[sflag:s15] =	ssyncset.done $0x0  }
0x3e: {  	s29 =	rddreg [dreg:$0x8];
	[sflag:s15] =	ssyncadd.s32 $0xFFFFFFB0  }
0x3f: {  	[tilespmem:s25], [sflag:$0xB] =	stream.linear.gather [hbm4b:s29+s4], $0x50, $0x38;
	[tilespmem:$0x17100] =	vst v63  }
0x40: {  	_ =	swait.ge [sflag:s15], $0x50  }
0x41: {  	[sflag:s15] =	ssyncset.done $0x0  }
0x42: {  	s14 =	simm.s32 $0x140;
	[sflag:s15] =	ssyncadd.s32 $0xFFFFFFB0  }
0x43: {  	[tilespmem:s14], [sflag:$0x3] =	stream.indirect.gather [hbm4b:s5+s26], $0x40, s4, s26, $0xb8;
	[tilespmem:$0x17100] =	vst v63  }
0x44: {  	s15 =	simm.s32 $0x2940  }
0x45: {  	[tilespmem:s15], [sflag:$0x5] =	stream.indirect.gather [hbm4b:s6+s26], $0x40, s25, s26, $0xb8;
	[tilespmem:$0x17100] =	vst v63  }
0x46: {  	s21 =	rddreg [dreg:$0x9]  }
0x47: {  	[tilespmem:s30], [sflag:$0x7] =	stream.linear.gather [hbm4b:s21+s4], $0x1400, $0x38;
	[tilespmem:$0x17100] =	vst v63  }
0x48: {  	s28 =	rddreg [dreg:$0xa]  }
0x49: {  	[tilespmem:s26], [sflag:$0x2] =	stream.linear.gather [hbm4b:s28+s4], $0x50, $0x38;
	[tilespmem:$0x17100] =	vst v63  }
0x4a: {  	s29 =	rddreg [dreg:$0xb]  }
0x4b: {  	[tilespmem:s31], [sflag:$0x2] =	stream.linear.gather [hbm4b:s29+s4], $0x50, $0x38;
	[tilespmem:$0x17100] =	vst v63  }
0x4c: {  	_ =	swait.ge [sflag:s0], $0x1400  }
0x4d: {  	[sflag:s0] =	ssyncset.done $0x0  }
0x4e: {  	[sflag:s0] =	ssyncadd.s32 $0xFFFFEC00  }
0x4f: {  	_ =	swait.ge [sflag:s2], $0x1400  }
0x50: {  	[sflag:s2] =	ssyncset.done $0x0  }
0x51: {  	[sflag:s2] =	ssyncadd.s32 $0xFFFFEC00  }
0x52: {  	_ =	swait.ge [sflag:s1], $0x1400  }
0x53: {  	[sflag:s1] =	ssyncset.done $0x0  }
0x54: {  	[sflag:s1] =	ssyncadd.s32 $0xFFFFEC00  }
0x55: {  	v1 =	vld [tilespmem:$0xAB40]  }
0x56: {  	v2 =	vld [tilespmem:$0xAB50]  }
0x57: {  	v3 =	vld [tilespmem:$0xAB60]  }
0x58: {  	s12 =	simm.s32 $0x79E0;
	s14 =	simm.s32 $0x0;
	v4 =	vld [tilespmem:$0xAB70]  }
.LBB2_2:
0x59: {  	s15 =	sshra.s32 s14, $0x2  }
0x5a: {  	v5 =	vld [tilespmem:s15+$0x140]  }
0x5b: {  	v6 =	vld [tilespmem:s15+$0x150]  }
0x5c: {  	v7 =	vld [tilespmem:s15+$0x160]  }
0x5d: {  	v8 =	vld [tilespmem:s15+$0x2940]  }
0x5e: {  	v9 =	vld [tilespmem:s15+$0x170]  }
0x5f: {  	v10 =	vld [tilespmem:s15+$0x5140]  }
0x60: {  	v11 =	vld [tilespmem:s15+$0x2950]  }
0x61: {  	v13 =	vld [tilespmem:s15+$0x2960]  }
0x62: {  	v12 =	vld [tilespmem:s15+$0x5150]  }
0x63: {  	v14 =	vld [tilespmem:s15+$0x5160];
	v8 =	vadd.f32 v8, v5  }
0x64: {  	v60 =	vld [tilespmem:s15+$0x2970]  }
0x65: {  	v11 =	vadd.f32 v11, v6;
	v8 =	vadd.f32 v10, v8  }
0x66: {  	v16 =	vld [tilespmem:s15+$0x5170];
	v61 =	vadd.f32 v13, v7  }
0x67: {  	v11 =	vadd.f32 v12, v11;
	v15 =	vmul.f32 $2.000000030e-01, v8  }
0x68: {  	v12 =	vadd.f32 v14, v61;
	vm0 =	vgt.f32 v8, $0.0e+00  }
0x69: {  	v10 =	vadd.f32 v60, v9;
	v62 =	vmul.f32 $2.000000030e-01, v11;
	v8 =	vsel vm0, v8, v15  }
0x6a: {  	vm13 =	vgt.f32 v11, $0.0e+00;
	v8 =	vmul.f32 v8, v1  }
0x6b: {  	v63 =	vmul.f32 $2.000000030e-01, v12;
	v10 =	vadd.f32 v16, v10;
	v11 =	vsel vm13, v11, v62  }
0x6c: {  	vm14 =	vgt.f32 v12, $0.0e+00;
	v11 =	vmul.f32 v11, v2;
	v8 =	vadd.f32 $0.0e+00, v8  }
0x6d: {  	v12 =	vsel vm14, v12, v63;
	v17 =	vmul.f32 $2.000000030e-01, v10  }
0x6e: {  	vm15 =	vgt.f32 v10, $0.0e+00;
	v18 =	vmul.f32 v12, v3;
	v8 =	vadd.f32 v11, v8  }
0x6f: {  	v10 =	vsel vm15, v10, v17  }
0x70: {  	v10 =	vmul.f32 v10, v4;
	v8 =	vadd.f32 v18, v8;
	_ =	sdelay $0x1  }
0x71: {  	v8 =	vadd.f32 v10, v8;
	_ =	sdelay $0x1  }
0x72: {  	(xrf2) =	vadd.scan.msk.f32 $0xffff, v8;
	_ =	sdelay $0x9  }
0x73: {  	v8, _, _ =	vpop (xrf2)  }
0x74: {  	v8 =	vmul.f32 $1.442695020e+00, v8;
	_ =	sdelay $0x1  }
0x75: {  	v8 =	vbroadcast v8, $0xF;
	_ =	sdelay $0x1  }
0x76: {  	(erf) = vpow2.f32 v8;
	_ =	sdelay $0x8  }
0x77: {  	v8 =	vpop (erf)  }
0x78: {  	v5 =	vmul.f32 v8, v5  }
0x79: {  	v6 =	vmul.f32 v8, v6  }
0x7a: {  	[tilespmem:s12+$0xFFFFFF60] =	vst v5;
	v5 =	vmul.f32 v8, v7  }
0x7b: {  	[tilespmem:s12+$0xFFFFFF70] =	vst v6;
	v6 =	vmul.f32 v8, v9  }
0x7c: {  	[tilespmem:s12+$0xFFFFFF80] =	vst v5;
	v5 =	vmul.f32 v0, v8  }
0x7d: {  	[tilespmem:s12+$0xFFFFFF90] =	vst v6  }
0x7e: {  	[tilespmem:s12+$0xFFFFFFA0] =	vst v5  }
0x7f: {  	v5 =	vld [tilespmem:s15+$0x180]  }
0x80: {  	v6 =	vld [tilespmem:s15+$0x190]  }
0x81: {  	v7 =	vld [tilespmem:s15+$0x1A0]  }
0x82: {  	v19 =	vld [tilespmem:s15+$0x2980]  }
0x83: {  	v20 =	vld [tilespmem:s15+$0x1B0]  }
0x84: {  	v21 =	vld [tilespmem:s15+$0x5180]  }
0x85: {  	v22 =	vld [tilespmem:s15+$0x2990]  }
0x86: {  	v23 =	vld [tilespmem:s15+$0x5190]  }
0x87: {  	v24 =	vld [tilespmem:s15+$0x29A0]  }
0x88: {  	v26 =	vld [tilespmem:s15+$0x29B0];
	v8 =	vadd.f32 v19, v5  }
0x89: {  	v25 =	vld [tilespmem:s15+$0x51A0]  }
0x8a: {  	v11 =	vadd.f32 v22, v6;
	v8 =	vadd.f32 v21, v8  }
0x8b: {  	v28 =	vld [tilespmem:s15+$0x51B0]  }
0x8c: {  	v29 =	vadd.f32 v24, v7;
	v11 =	vadd.f32 v23, v11;
	v27 =	vmul.f32 $2.000000030e-01, v8  }
0x8d: {  	v10 =	vadd.f32 v26, v20;
	vm4 =	vgt.f32 v8, $0.0e+00  }
0x8e: {  	v12 =	vadd.f32 v25, v29;
	v30 =	vmul.f32 $2.000000030e-01, v11;
	v8 =	vsel vm4, v8, v27  }
0x8f: {  	vm5 =	vgt.f32 v11, $0.0e+00;
	v8 =	vmul.f32 v8, v1  }
0x90: {  	v10 =	vadd.f32 v28, v10;
	v31 =	vmul.f32 $2.000000030e-01, v12;
	v11 =	vsel vm5, v11, v30  }
0x91: {  	vm6 =	vgt.f32 v12, $0.0e+00;
	v11 =	vmul.f32 v11, v2;
	v8 =	vadd.f32 $0.0e+00, v8  }
0x92: {  	v32 =	vmul.f32 $2.000000030e-01, v10;
	v12 =	vsel vm6, v12, v31  }
0x93: {  	vm7 =	vgt.f32 v10, $0.0e+00;
	v33 =	vmul.f32 v12, v3;
	v8 =	vadd.f32 v11, v8  }
0x94: {  	v10 =	vsel vm7, v10, v32  }
0x95: {  	v10 =	vmul.f32 v10, v4;
	v8 =	vadd.f32 v33, v8;
	_ =	sdelay $0x1  }
0x96: {  	v8 =	vadd.f32 v10, v8;
	_ =	sdelay $0x1  }
0x97: {  	(xrf2) =	vadd.scan.msk.f32 $0xffff, v8;
	_ =	sdelay $0x9  }
0x98: {  	v8, _, _ =	vpop (xrf2)  }
0x99: {  	v8 =	vmul.f32 $1.442695020e+00, v8;
	_ =	sdelay $0x1  }
0x9a: {  	v8 =	vbroadcast v8, $0xF;
	_ =	sdelay $0x1  }
0x9b: {  	(erf) = vpow2.f32 v8;
	_ =	sdelay $0x8  }
0x9c: {  	v8 =	vpop (erf)  }
0x9d: {  	v5 =	vmul.f32 v8, v5  }
0x9e: {  	v6 =	vmul.f32 v8, v6  }
0x9f: {  	[tilespmem:s12+$0xFFFFFFB0] =	vst v5;
	v5 =	vmul.f32 v8, v7  }
0xa0: {  	[tilespmem:s12+$0xFFFFFFC0] =	vst v6;
	v6 =	vmul.f32 v8, v20  }
0xa1: {  	[tilespmem:s12+$0xFFFFFFD0] =	vst v5;
	v5 =	vmul.f32 v0, v8  }
0xa2: {  	[tilespmem:s12+$0xFFFFFFE0] =	vst v6  }
0xa3: {  	[tilespmem:s12+$0xFFFFFFF0] =	vst v5  }
0xa4: {  	v5 =	vld [tilespmem:s15+$0x1C0]  }
0xa5: {  	v6 =	vld [tilespmem:s15+$0x1D0]  }
0xa6: {  	v7 =	vld [tilespmem:s15+$0x1E0]  }
0xa7: {  	v34 =	vld [tilespmem:s15+$0x29C0]  }
0xa8: {  	v35 =	vld [tilespmem:s15+$0x1F0]  }
0xa9: {  	v36 =	vld [tilespmem:s15+$0x51C0]  }
0xaa: {  	v37 =	vld [tilespmem:s15+$0x29D0]  }
0xab: {  	v38 =	vld [tilespmem:s15+$0x51D0]  }
0xac: {  	v39 =	vld [tilespmem:s15+$0x29E0]  }
0xad: {  	v41 =	vld [tilespmem:s15+$0x29F0];
	v8 =	vadd.f32 v34, v5  }
0xae: {  	v40 =	vld [tilespmem:s15+$0x51E0]  }
0xaf: {  	v11 =	vadd.f32 v37, v6;
	v8 =	vadd.f32 v36, v8  }
0xb0: {  	v43 =	vld [tilespmem:s15+$0x51F0]  }
0xb1: {  	v44 =	vadd.f32 v39, v7;
	v11 =	vadd.f32 v38, v11;
	v42 =	vmul.f32 $2.000000030e-01, v8  }
0xb2: {  	v10 =	vadd.f32 v41, v35;
	vm8 =	vgt.f32 v8, $0.0e+00  }
0xb3: {  	v12 =	vadd.f32 v40, v44;
	v45 =	vmul.f32 $2.000000030e-01, v11;
	v8 =	vsel vm8, v8, v42  }
0xb4: {  	vm9 =	vgt.f32 v11, $0.0e+00;
	v8 =	vmul.f32 v8, v1  }
0xb5: {  	v10 =	vadd.f32 v43, v10;
	v46 =	vmul.f32 $2.000000030e-01, v12;
	v11 =	vsel vm9, v11, v45  }
0xb6: {  	vm10 =	vgt.f32 v12, $0.0e+00;
	v11 =	vmul.f32 v11, v2;
	v8 =	vadd.f32 $0.0e+00, v8  }
0xb7: {  	v47 =	vmul.f32 $2.000000030e-01, v10;
	v12 =	vsel vm10, v12, v46  }
0xb8: {  	vm11 =	vgt.f32 v10, $0.0e+00;
	v48 =	vmul.f32 v12, v3;
	v8 =	vadd.f32 v11, v8  }
0xb9: {  	v10 =	vsel vm11, v10, v47  }
0xba: {  	v10 =	vmul.f32 v10, v4;
	v8 =	vadd.f32 v48, v8;
	_ =	sdelay $0x1  }
0xbb: {  	v8 =	vadd.f32 v10, v8;
	_ =	sdelay $0x1  }
0xbc: {  	(xrf2) =	vadd.scan.msk.f32 $0xffff, v8;
	_ =	sdelay $0x9  }
0xbd: {  	v8, _, _ =	vpop (xrf2)  }
0xbe: {  	v8 =	vmul.f32 $1.442695020e+00, v8;
	_ =	sdelay $0x1  }
0xbf: {  	v8 =	vbroadcast v8, $0xF;
	_ =	sdelay $0x1  }
0xc0: {  	(erf) = vpow2.f32 v8;
	_ =	sdelay $0x8  }
0xc1: {  	v8 =	vpop (erf)  }
0xc2: {  	v5 =	vmul.f32 v8, v5  }
0xc3: {  	v6 =	vmul.f32 v8, v6  }
0xc4: {  	[tilespmem:s12+$0x0] =	vst v5;
	v5 =	vmul.f32 v8, v7  }
0xc5: {  	[tilespmem:s12+$0x10] =	vst v6;
	v6 =	vmul.f32 v8, v35  }
0xc6: {  	[tilespmem:s12+$0x20] =	vst v5;
	v5 =	vmul.f32 v0, v8  }
0xc7: {  	[tilespmem:s12+$0x30] =	vst v6  }
0xc8: {  	[tilespmem:s12+$0x40] =	vst v5  }
0xc9: {  	v5 =	vld [tilespmem:s15+$0x200]  }
0xca: {  	v6 =	vld [tilespmem:s15+$0x210]  }
0xcb: {  	v7 =	vld [tilespmem:s15+$0x220]  }
0xcc: {  	v49 =	vld [tilespmem:s15+$0x2A00]  }
0xcd: {  	v50 =	vld [tilespmem:s15+$0x230]  }
0xce: {  	v51 =	vld [tilespmem:s15+$0x5200]  }
0xcf: {  	v52 =	vld [tilespmem:s15+$0x2A10]  }
0xd0: {  	v53 =	vld [tilespmem:s15+$0x5210]  }
0xd1: {  	v54 =	vld [tilespmem:s15+$0x2A20]  }
0xd2: {  	v56 =	vld [tilespmem:s15+$0x2A30];
	v8 =	vadd.f32 v49, v5  }
0xd3: {  	v55 =	vld [tilespmem:s15+$0x5220]  }
0xd4: {  	v11 =	vadd.f32 v52, v6;
	v8 =	vadd.f32 v51, v8  }
0xd5: {  	v58 =	vld [tilespmem:s15+$0x5230]  }
0xd6: {  	v59 =	vadd.f32 v54, v7;
	v11 =	vadd.f32 v53, v11;
	v57 =	vmul.f32 $2.000000030e-01, v8  }
0xd7: {  	v10 =	vadd.f32 v56, v50;
	vm12 =	vgt.f32 v8, $0.0e+00  }
0xd8: {  	v12 =	vadd.f32 v55, v59;
	v60 =	vmul.f32 $2.000000030e-01, v11;
	v8 =	vsel vm12, v8, v57  }
0xd9: {  	vm13 =	vgt.f32 v11, $0.0e+00;
	v8 =	vmul.f32 v8, v1  }
0xda: {  	v10 =	vadd.f32 v58, v10;
	v61 =	vmul.f32 $2.000000030e-01, v12;
	v11 =	vsel vm13, v11, v60  }
0xdb: {  	vm14 =	vgt.f32 v12, $0.0e+00;
	v11 =	vmul.f32 v11, v2;
	v8 =	vadd.f32 $0.0e+00, v8  }
0xdc: {  	v62 =	vmul.f32 $2.000000030e-01, v10;
	v12 =	vsel vm14, v12, v61  }
0xdd: {  	vm15 =	vgt.f32 v10, $0.0e+00;
	v63 =	vmul.f32 v12, v3;
	v8 =	vadd.f32 v11, v8  }
0xde: {  	v10 =	vsel vm15, v10, v62  }
0xdf: {  	v10 =	vmul.f32 v10, v4;
	v8 =	vadd.f32 v63, v8;
	_ =	sdelay $0x1  }
0xe0: {  	v8 =	vadd.f32 v10, v8;
	_ =	sdelay $0x1  }
0xe1: {  	(xrf2) =	vadd.scan.msk.f32 $0xffff, v8;
	_ =	sdelay $0x9  }
0xe2: {  	v8, _, _ =	vpop (xrf2)  }
0xe3: {  	v8 =	vmul.f32 $1.442695020e+00, v8;
	_ =	sdelay $0x1  }
0xe4: {  	v8 =	vbroadcast v8, $0xF;
	_ =	sdelay $0x1  }
0xe5: {  	(erf) = vpow2.f32 v8;
	_ =	sdelay $0x8  }
0xe6: {  	v8 =	vpop (erf)  }
0xe7: {  	v5 =	vmul.f32 v8, v5  }
0xe8: {  	p0 =	sne.s32 s14, $0x4C00;
	v6 =	vmul.f32 v8, v6  }
.Ltmp2:
0xe9: {  	[tilespmem:s12+$0x50] =	vst v5;
	v5 =	vmul.f32 v8, v7;
	(pc) =	sbr.rel @p0 .LBB2_2-.Ltmp2, $4  }
0xea: {  	[tilespmem:s12+$0x60] =	vst v6;
	v6 =	vmul.f32 v8, v50  }
0xeb: {  	[tilespmem:s12+$0x70] =	vst v5;
	v5 =	vmul.f32 v0, v8  }
0xec: {  	[tilespmem:s12+$0x80] =	vst v6  }
0xed: {  	s14 =	sadd.s32 $0x400, s14;
	[tilespmem:s12+$0x90] =	vst v5;
	s12 =	sadd.s32 $0x140, s12  }
0xee: {  	[spmem:s3] =	stream.indirect.scatter.add.f32 [tilespmem:s24], [sflag:$0x9], $0x50, s25, s26, $0xb8;
	[tilespmem:$0x17100] =	vst v63  }
0xef: {  	_ =	swait.ge [sflag:s11], $0x50  }
0xf0: {  	[sflag:s11] =	ssyncset.done $0x0  }
0xf1: {  	[sflag:s11] =	ssyncadd.s32 $0xFFFFFFB0  }
0xf2: {  	_ =	swait.ge [sflag:s11], $0x50  }
0xf3: {  	[sflag:s11] =	ssyncset.done $0x0  }
0xf4: {  	s12 =	simm.s32 $0x1540;
	[sflag:s11] =	ssyncadd.s32 $0xFFFFFFB0  }
0xf5: {  	[tilespmem:s12], [sflag:$0x4] =	stream.indirect.gather [hbm4b:s5+s26], $0x40, s26, s26, $0xb8;
	[tilespmem:$0x17100] =	vst v63  }
0xf6: {  	s28 =	simm.s32 $0x3D40  }
0xf7: {  	[tilespmem:s28], [sflag:$0x6] =	stream.indirect.gather [hbm4b:s6+s26], $0x40, s31, s26, $0xb8;
	[tilespmem:$0x17100] =	vst v63  }
0xf8: {  	s14 =	simm.s32 $0x6540;
	s29 =	rddreg [dreg:$0xc];
	s12 =	simm.s32 $0x0  }
0xf9: {  	[tilespmem:s14], [sflag:$0x8] =	stream.linear.gather [hbm4b:s29+s23], $0x1400, $0x38;
	[tilespmem:$0x17100] =	vst v63  }
.LBB2_4:
0xfa: {  	s14 =	smul.u32 $0xA0, s12;
	_ =	sdelay $0x1  }
0xfb: {  	_ =	swait.ge [sflag:s16], $0x1900;
	s14 =	sadd.s32 s14, s20  }
0xfc: {  	[sflag:s16] =	ssyncset.done $0x0;
	s15 =	sshrl.u32 s14, $0x3  }
0xfd: {  	[sflag:s16] =	ssyncadd.s32 $0xFFFFE700;
	s21 =	sadd.s32 s8, s15  }
0xfe: {  	[tilespmem:s23], [sflag:$0x1] =	stream.linear.gather [hbm4b:s21+s23], $0x50, $0x38;
	[tilespmem:$0x17100] =	vst v63  }
0xff: {  	s15 =	sadd.s32 s9, s15  }
0x100: {  	[tilespmem:s25], [sflag:$0x1] =	stream.linear.gather [hbm4b:s15+s23], $0x50, $0x38;
	[tilespmem:$0x17100] =	vst v63  }
0x101: {  	_ =	swait.ge [sflag:s17], $0x1400  }
0x102: {  	[sflag:s17] =	ssyncset.done $0x0  }
0x103: {  	[sflag:s17] =	ssyncadd.s32 $0xFFFFEC00  }
0x104: {  	_ =	swait.ge [sflag:s18], $0x1400  }
0x105: {  	[sflag:s18] =	ssyncset.done $0x0  }
0x106: {  	[sflag:s18] =	ssyncadd.s32 $0xFFFFEC00  }
0x107: {  	_ =	swait.ge [sflag:s19], $0x1400  }
0x108: {  	[sflag:s19] =	ssyncset.done $0x0  }
0x109: {  	[sflag:s19] =	ssyncadd.s32 $0xFFFFEC00  }
0x10a: {  	v1 =	vld [tilespmem:$0xAB40]  }
0x10b: {  	v2 =	vld [tilespmem:$0xAB50]  }
0x10c: {  	v3 =	vld [tilespmem:$0xAB60]  }
0x10d: {  	s21 =	simm.s32 $0x0;
	s15 =	simm.s32 $0x92E0;
	v4 =	vld [tilespmem:$0xAB70]  }
.LBB2_5:
0x10e: {  	s28 =	sshra.s32 s21, $0x2  }
0x10f: {  	v5 =	vld [tilespmem:s28+$0x1540]  }
0x110: {  	v6 =	vld [tilespmem:s28+$0x1550]  }
0x111: {  	v7 =	vld [tilespmem:s28+$0x1560]  }
0x112: {  	v8 =	vld [tilespmem:s28+$0x3D40]  }
0x113: {  	v9 =	vld [tilespmem:s28+$0x1570]  }
0x114: {  	v10 =	vld [tilespmem:s28+$0x6540]  }
0x115: {  	v11 =	vld [tilespmem:s28+$0x3D50]  }
0x116: {  	v13 =	vld [tilespmem:s28+$0x3D60]  }
0x117: {  	v12 =	vld [tilespmem:s28+$0x6550]  }
0x118: {  	v14 =	vld [tilespmem:s28+$0x6560];
	v8 =	vadd.f32 v8, v5  }
0x119: {  	v60 =	vld [tilespmem:s28+$0x3D70]  }
0x11a: {  	v11 =	vadd.f32 v11, v6;
	v8 =	vadd.f32 v10, v8  }
0x11b: {  	v16 =	vld [tilespmem:s28+$0x6570];
	v61 =	vadd.f32 v13, v7  }
0x11c: {  	v11 =	vadd.f32 v12, v11;
	v15 =	vmul.f32 $2.000000030e-01, v8  }
0x11d: {  	v12 =	vadd.f32 v14, v61;
	vm0 =	vgt.f32 v8, $0.0e+00  }
0x11e: {  	v10 =	vadd.f32 v60, v9;
	v62 =	vmul.f32 $2.000000030e-01, v11;
	v8 =	vsel vm0, v8, v15  }
0x11f: {  	vm13 =	vgt.f32 v11, $0.0e+00;
	v8 =	vmul.f32 v8, v1  }
0x120: {  	v63 =	vmul.f32 $2.000000030e-01, v12;
	v10 =	vadd.f32 v16, v10;
	v11 =	vsel vm13, v11, v62  }
0x121: {  	vm14 =	vgt.f32 v12, $0.0e+00;
	v11 =	vmul.f32 v11, v2;
	v8 =	vadd.f32 $0.0e+00, v8  }
0x122: {  	v12 =	vsel vm14, v12, v63;
	v17 =	vmul.f32 $2.000000030e-01, v10  }
0x123: {  	vm15 =	vgt.f32 v10, $0.0e+00;
	v18 =	vmul.f32 v12, v3;
	v8 =	vadd.f32 v11, v8  }
0x124: {  	v10 =	vsel vm15, v10, v17  }
0x125: {  	v10 =	vmul.f32 v10, v4;
	v8 =	vadd.f32 v18, v8;
	_ =	sdelay $0x1  }
0x126: {  	v8 =	vadd.f32 v10, v8;
	_ =	sdelay $0x1  }
0x127: {  	(xrf2) =	vadd.scan.msk.f32 $0xffff, v8;
	_ =	sdelay $0x9  }
0x128: {  	v8, _, _ =	vpop (xrf2)  }
0x129: {  	v8 =	vmul.f32 $1.442695020e+00, v8;
	_ =	sdelay $0x1  }
0x12a: {  	v8 =	vbroadcast v8, $0xF;
	_ =	sdelay $0x1  }
0x12b: {  	(erf) = vpow2.f32 v8;
	_ =	sdelay $0x8  }
0x12c: {  	v8 =	vpop (erf)  }
0x12d: {  	v5 =	vmul.f32 v8, v5  }
0x12e: {  	v6 =	vmul.f32 v8, v6  }
0x12f: {  	[tilespmem:s15+$0xFFFFFF60] =	vst v5;
	v5 =	vmul.f32 v8, v7  }
0x130: {  	[tilespmem:s15+$0xFFFFFF70] =	vst v6;
	v6 =	vmul.f32 v8, v9  }
0x131: {  	[tilespmem:s15+$0xFFFFFF80] =	vst v5;
	v5 =	vmul.f32 v0, v8  }
0x132: {  	[tilespmem:s15+$0xFFFFFF90] =	vst v6  }
0x133: {  	[tilespmem:s15+$0xFFFFFFA0] =	vst v5  }
0x134: {  	v5 =	vld [tilespmem:s28+$0x1580]  }
0x135: {  	v6 =	vld [tilespmem:s28+$0x1590]  }
0x136: {  	v7 =	vld [tilespmem:s28+$0x15A0]  }
0x137: {  	v19 =	vld [tilespmem:s28+$0x3D80]  }
0x138: {  	v20 =	vld [tilespmem:s28+$0x15B0]  }
0x139: {  	v21 =	vld [tilespmem:s28+$0x6580]  }
0x13a: {  	v22 =	vld [tilespmem:s28+$0x3D90]  }
0x13b: {  	v23 =	vld [tilespmem:s28+$0x6590]  }
0x13c: {  	v24 =	vld [tilespmem:s28+$0x3DA0]  }
0x13d: {  	v26 =	vld [tilespmem:s28+$0x3DB0];
	v8 =	vadd.f32 v19, v5  }
0x13e: {  	v25 =	vld [tilespmem:s28+$0x65A0]  }
0x13f: {  	v11 =	vadd.f32 v22, v6;
	v8 =	vadd.f32 v21, v8  }
0x140: {  	v28 =	vld [tilespmem:s28+$0x65B0]  }
0x141: {  	v29 =	vadd.f32 v24, v7;
	v11 =	vadd.f32 v23, v11;
	v27 =	vmul.f32 $2.000000030e-01, v8  }
0x142: {  	v10 =	vadd.f32 v26, v20;
	vm4 =	vgt.f32 v8, $0.0e+00  }
0x143: {  	v12 =	vadd.f32 v25, v29;
	v30 =	vmul.f32 $2.000000030e-01, v11;
	v8 =	vsel vm4, v8, v27  }
0x144: {  	vm5 =	vgt.f32 v11, $0.0e+00;
	v8 =	vmul.f32 v8, v1  }
0x145: {  	v10 =	vadd.f32 v28, v10;
	v31 =	vmul.f32 $2.000000030e-01, v12;
	v11 =	vsel vm5, v11, v30  }
0x146: {  	vm6 =	vgt.f32 v12, $0.0e+00;
	v11 =	vmul.f32 v11, v2;
	v8 =	vadd.f32 $0.0e+00, v8  }
0x147: {  	v32 =	vmul.f32 $2.000000030e-01, v10;
	v12 =	vsel vm6, v12, v31  }
0x148: {  	vm7 =	vgt.f32 v10, $0.0e+00;
	v33 =	vmul.f32 v12, v3;
	v8 =	vadd.f32 v11, v8  }
0x149: {  	v10 =	vsel vm7, v10, v32  }
0x14a: {  	v10 =	vmul.f32 v10, v4;
	v8 =	vadd.f32 v33, v8;
	_ =	sdelay $0x1  }
0x14b: {  	v8 =	vadd.f32 v10, v8;
	_ =	sdelay $0x1  }
0x14c: {  	(xrf2) =	vadd.scan.msk.f32 $0xffff, v8;
	_ =	sdelay $0x9  }
0x14d: {  	v8, _, _ =	vpop (xrf2)  }
0x14e: {  	v8 =	vmul.f32 $1.442695020e+00, v8;
	_ =	sdelay $0x1  }
0x14f: {  	v8 =	vbroadcast v8, $0xF;
	_ =	sdelay $0x1  }
0x150: {  	(erf) = vpow2.f32 v8;
	_ =	sdelay $0x8  }
0x151: {  	v8 =	vpop (erf)  }
0x152: {  	v5 =	vmul.f32 v8, v5  }
0x153: {  	v6 =	vmul.f32 v8, v6  }
0x154: {  	[tilespmem:s15+$0xFFFFFFB0] =	vst v5;
	v5 =	vmul.f32 v8, v7  }
0x155: {  	[tilespmem:s15+$0xFFFFFFC0] =	vst v6;
	v6 =	vmul.f32 v8, v20  }
0x156: {  	[tilespmem:s15+$0xFFFFFFD0] =	vst v5;
	v5 =	vmul.f32 v0, v8  }
0x157: {  	[tilespmem:s15+$0xFFFFFFE0] =	vst v6  }
0x158: {  	[tilespmem:s15+$0xFFFFFFF0] =	vst v5  }
0x159: {  	v5 =	vld [tilespmem:s28+$0x15C0]  }
0x15a: {  	v6 =	vld [tilespmem:s28+$0x15D0]  }
0x15b: {  	v7 =	vld [tilespmem:s28+$0x15E0]  }
0x15c: {  	v34 =	vld [tilespmem:s28+$0x3DC0]  }
0x15d: {  	v35 =	vld [tilespmem:s28+$0x15F0]  }
0x15e: {  	v36 =	vld [tilespmem:s28+$0x65C0]  }
0x15f: {  	v37 =	vld [tilespmem:s28+$0x3DD0]  }
0x160: {  	v38 =	vld [tilespmem:s28+$0x65D0]  }
0x161: {  	v39 =	vld [tilespmem:s28+$0x3DE0]  }
0x162: {  	v41 =	vld [tilespmem:s28+$0x3DF0];
	v8 =	vadd.f32 v34, v5  }
0x163: {  	v40 =	vld [tilespmem:s28+$0x65E0]  }
0x164: {  	v11 =	vadd.f32 v37, v6;
	v8 =	vadd.f32 v36, v8  }
0x165: {  	v43 =	vld [tilespmem:s28+$0x65F0]  }
0x166: {  	v44 =	vadd.f32 v39, v7;
	v11 =	vadd.f32 v38, v11;
	v42 =	vmul.f32 $2.000000030e-01, v8  }
0x167: {  	v10 =	vadd.f32 v41, v35;
	vm8 =	vgt.f32 v8, $0.0e+00  }
0x168: {  	v12 =	vadd.f32 v40, v44;
	v45 =	vmul.f32 $2.000000030e-01, v11;
	v8 =	vsel vm8, v8, v42  }
0x169: {  	vm9 =	vgt.f32 v11, $0.0e+00;
	v8 =	vmul.f32 v8, v1  }
0x16a: {  	v10 =	vadd.f32 v43, v10;
	v46 =	vmul.f32 $2.000000030e-01, v12;
	v11 =	vsel vm9, v11, v45  }
0x16b: {  	vm10 =	vgt.f32 v12, $0.0e+00;
	v11 =	vmul.f32 v11, v2;
	v8 =	vadd.f32 $0.0e+00, v8  }
0x16c: {  	v47 =	vmul.f32 $2.000000030e-01, v10;
	v12 =	vsel vm10, v12, v46  }
0x16d: {  	vm11 =	vgt.f32 v10, $0.0e+00;
	v48 =	vmul.f32 v12, v3;
	v8 =	vadd.f32 v11, v8  }
0x16e: {  	v10 =	vsel vm11, v10, v47  }
0x16f: {  	v10 =	vmul.f32 v10, v4;
	v8 =	vadd.f32 v48, v8;
	_ =	sdelay $0x1  }
0x170: {  	v8 =	vadd.f32 v10, v8;
	_ =	sdelay $0x1  }
0x171: {  	(xrf2) =	vadd.scan.msk.f32 $0xffff, v8;
	_ =	sdelay $0x9  }
0x172: {  	v8, _, _ =	vpop (xrf2)  }
0x173: {  	v8 =	vmul.f32 $1.442695020e+00, v8;
	_ =	sdelay $0x1  }
0x174: {  	v8 =	vbroadcast v8, $0xF;
	_ =	sdelay $0x1  }
0x175: {  	(erf) = vpow2.f32 v8;
	_ =	sdelay $0x8  }
0x176: {  	v8 =	vpop (erf)  }
0x177: {  	v5 =	vmul.f32 v8, v5  }
0x178: {  	v6 =	vmul.f32 v8, v6  }
0x179: {  	[tilespmem:s15+$0x0] =	vst v5;
	v5 =	vmul.f32 v8, v7  }
0x17a: {  	[tilespmem:s15+$0x10] =	vst v6;
	v6 =	vmul.f32 v8, v35  }
0x17b: {  	[tilespmem:s15+$0x20] =	vst v5;
	v5 =	vmul.f32 v0, v8  }
0x17c: {  	[tilespmem:s15+$0x30] =	vst v6  }
0x17d: {  	[tilespmem:s15+$0x40] =	vst v5  }
0x17e: {  	v5 =	vld [tilespmem:s28+$0x1600]  }
0x17f: {  	v6 =	vld [tilespmem:s28+$0x1610]  }
0x180: {  	v7 =	vld [tilespmem:s28+$0x1620]  }
0x181: {  	v49 =	vld [tilespmem:s28+$0x3E00]  }
0x182: {  	v50 =	vld [tilespmem:s28+$0x1630]  }
0x183: {  	v51 =	vld [tilespmem:s28+$0x6600]  }
0x184: {  	v52 =	vld [tilespmem:s28+$0x3E10]  }
0x185: {  	v53 =	vld [tilespmem:s28+$0x6610]  }
0x186: {  	v54 =	vld [tilespmem:s28+$0x3E20]  }
0x187: {  	v56 =	vld [tilespmem:s28+$0x3E30];
	v8 =	vadd.f32 v49, v5  }
0x188: {  	v55 =	vld [tilespmem:s28+$0x6620]  }
0x189: {  	v11 =	vadd.f32 v52, v6;
	v8 =	vadd.f32 v51, v8  }
0x18a: {  	v58 =	vld [tilespmem:s28+$0x6630]  }
0x18b: {  	v59 =	vadd.f32 v54, v7;
	v11 =	vadd.f32 v53, v11;
	v57 =	vmul.f32 $2.000000030e-01, v8  }
0x18c: {  	v10 =	vadd.f32 v56, v50;
	vm12 =	vgt.f32 v8, $0.0e+00  }
0x18d: {  	v12 =	vadd.f32 v55, v59;
	v60 =	vmul.f32 $2.000000030e-01, v11;
	v8 =	vsel vm12, v8, v57  }
0x18e: {  	vm13 =	vgt.f32 v11, $0.0e+00;
	v8 =	vmul.f32 v8, v1  }
0x18f: {  	v10 =	vadd.f32 v58, v10;
	v61 =	vmul.f32 $2.000000030e-01, v12;
	v11 =	vsel vm13, v11, v60  }
0x190: {  	vm14 =	vgt.f32 v12, $0.0e+00;
	v11 =	vmul.f32 v11, v2;
	v8 =	vadd.f32 $0.0e+00, v8  }
0x191: {  	v62 =	vmul.f32 $2.000000030e-01, v10;
	v12 =	vsel vm14, v12, v61  }
0x192: {  	vm15 =	vgt.f32 v10, $0.0e+00;
	v63 =	vmul.f32 v12, v3;
	v8 =	vadd.f32 v11, v8  }
0x193: {  	v10 =	vsel vm15, v10, v62  }
0x194: {  	v10 =	vmul.f32 v10, v4;
	v8 =	vadd.f32 v63, v8;
	_ =	sdelay $0x1  }
0x195: {  	v8 =	vadd.f32 v10, v8;
	_ =	sdelay $0x1  }
0x196: {  	(xrf2) =	vadd.scan.msk.f32 $0xffff, v8;
	_ =	sdelay $0x9  }
0x197: {  	v8, _, _ =	vpop (xrf2)  }
0x198: {  	v8 =	vmul.f32 $1.442695020e+00, v8;
	_ =	sdelay $0x1  }
0x199: {  	v8 =	vbroadcast v8, $0xF;
	_ =	sdelay $0x1  }
0x19a: {  	(erf) = vpow2.f32 v8;
	_ =	sdelay $0x8  }
0x19b: {  	v8 =	vpop (erf)  }
0x19c: {  	v5 =	vmul.f32 v8, v5  }
0x19d: {  	p0 =	sne.s32 s21, $0x4C00;
	v6 =	vmul.f32 v8, v6  }
.Ltmp3:
0x19e: {  	[tilespmem:s15+$0x50] =	vst v5;
	v5 =	vmul.f32 v8, v7;
	(pc) =	sbr.rel @p0 .LBB2_5-.Ltmp3, $4  }
0x19f: {  	[tilespmem:s15+$0x60] =	vst v6;
	v6 =	vmul.f32 v8, v50  }
0x1a0: {  	[tilespmem:s15+$0x70] =	vst v5;
	v5 =	vmul.f32 v0, v8  }
0x1a1: {  	[tilespmem:s15+$0x80] =	vst v6  }
0x1a2: {  	s21 =	sadd.s32 $0x400, s21;
	[tilespmem:s15+$0x90] =	vst v5;
	s15 =	sadd.s32 $0x140, s15  }
0x1a3: {  	s15 =	simm.s32 $0x9240  }
0x1a4: {  	[spmem:s3] =	stream.indirect.scatter.add.f32 [tilespmem:s15], [sflag:$0xA], $0x50, s31, s26, $0xb8;
	[tilespmem:$0x17100] =	vst v63  }
0x1a5: {  	_ =	swait.ge [sflag:s22], $0x50  }
0x1a6: {  	[sflag:s22] =	ssyncset.done $0x0  }
0x1a7: {  	[sflag:s22] =	ssyncadd.s32 $0xFFFFFFB0  }
0x1a8: {  	_ =	swait.ge [sflag:s22], $0x50  }
0x1a9: {  	[sflag:s22] =	ssyncset.done $0x0  }
0x1aa: {  	s21 =	simm.s32 $0x140;
	s14 =	sshll.u32 s14, $0x3;
	[sflag:s22] =	ssyncadd.s32 $0xFFFFFFB0  }
0x1ab: {  	[tilespmem:s21], [sflag:$0x3] =	stream.indirect.gather [hbm4b:s5+s26], $0x40, s4, s26, $0xb8;
	[tilespmem:$0x17100] =	vst v63  }
0x1ac: {  	s28 =	simm.s32 $0x2940;
	s14 =	sand.u32 $0x1FFFFF80, s14  }
0x1ad: {  	[tilespmem:s28], [sflag:$0x5] =	stream.indirect.gather [hbm4b:s6+s26], $0x40, s25, s26, $0xb8;
	[tilespmem:$0x17100] =	vst v63  }
0x1ae: {  	s29 =	sshll.u32 s12, $0x1;
	s14 =	sadd.s32 s7, s14  }
0x1af: {  	[tilespmem:s30], [sflag:$0x7] =	stream.linear.gather [hbm4b:s14+s4], $0x1400, $0x38;
	[tilespmem:$0x17100] =	vst v63  }
0x1b0: {  	p0 =	seq.s32 s12, $0x3D;
	s14 =	sadd.s32 $0x3, s29  }
0x1b1: {  	s15 =	smul.u32 @!p0 $0x50, s14;
	_ =	sdelay $0x1  }
0x1b2: {  	_ =	swait.ge [sflag:s13], $0x1900;
	s15 =	sadd.s32 @!p0 s10, s15  }
0x1b3: {  	s28 =	simm.s32 @!p0 $0x0;
	[sflag:s13] =	ssyncset.done $0x0;
	s15 =	sshrl.u32 @!p0 s15, $0x3  }
0x1b4: {  	s29 =	simm.s32 @!p0 $0x50;
	[sflag:s13] =	ssyncadd.s32 $0xFFFFE700;
	s21 =	sadd.s32 @!p0 s8, s15  }
0x1b5: {  	[tilespmem:s29], [sflag:$0x2] =	stream.linear.gather @!p0 [hbm4b:s21+s28], $0x50, $0x38;
	[tilespmem:$0x17100] =	vst v63  }
0x1b6: {  	s15 =	sadd.s32 @!p0 s9, s15;
	s21 =	simm.s32 @!p0 $0xF0  }
0x1b7: {  	[tilespmem:s21], [sflag:$0x2] =	stream.linear.gather @!p0 [hbm4b:s15+s28], $0x50, $0x38;
	[tilespmem:$0x17100] =	vst v63  }
0x1b8: {  	_ =	swait.ge [sflag:s0], $0x1400  }
0x1b9: {  	[sflag:s0] =	ssyncset.done $0x0  }
0x1ba: {  	[sflag:s0] =	ssyncadd.s32 $0xFFFFEC00  }
0x1bb: {  	_ =	swait.ge [sflag:s2], $0x1400  }
0x1bc: {  	[sflag:s2] =	ssyncset.done $0x0  }
0x1bd: {  	[sflag:s2] =	ssyncadd.s32 $0xFFFFEC00  }
0x1be: {  	_ =	swait.ge [sflag:s1], $0x1400  }
0x1bf: {  	[sflag:s1] =	ssyncset.done $0x0  }
0x1c0: {  	[sflag:s1] =	ssyncadd.s32 $0xFFFFEC00  }
0x1c1: {  	v1 =	vld [tilespmem:$0xAB40]  }
0x1c2: {  	v2 =	vld [tilespmem:$0xAB50]  }
0x1c3: {  	v3 =	vld [tilespmem:$0xAB60]  }
0x1c4: {  	s15 =	simm.s32 $0x0;
	s21 =	simm.s32 $0x79E0;
	v4 =	vld [tilespmem:$0xAB70]  }
.LBB2_7:
0x1c5: {  	s28 =	sshra.s32 s15, $0x2  }
0x1c6: {  	v5 =	vld [tilespmem:s28+$0x140]  }
0x1c7: {  	v6 =	vld [tilespmem:s28+$0x150]  }
0x1c8: {  	v7 =	vld [tilespmem:s28+$0x160]  }
0x1c9: {  	v8 =	vld [tilespmem:s28+$0x2940]  }
0x1ca: {  	v9 =	vld [tilespmem:s28+$0x170]  }
0x1cb: {  	v10 =	vld [tilespmem:s28+$0x5140]  }
0x1cc: {  	v11 =	vld [tilespmem:s28+$0x2950]  }
0x1cd: {  	v13 =	vld [tilespmem:s28+$0x2960]  }
0x1ce: {  	v12 =	vld [tilespmem:s28+$0x5150]  }
0x1cf: {  	v14 =	vld [tilespmem:s28+$0x5160];
	v8 =	vadd.f32 v8, v5  }
0x1d0: {  	v60 =	vld [tilespmem:s28+$0x2970]  }
0x1d1: {  	v11 =	vadd.f32 v11, v6;
	v8 =	vadd.f32 v10, v8  }
0x1d2: {  	v16 =	vld [tilespmem:s28+$0x5170];
	v61 =	vadd.f32 v13, v7  }
0x1d3: {  	v11 =	vadd.f32 v12, v11;
	v15 =	vmul.f32 $2.000000030e-01, v8  }
0x1d4: {  	v12 =	vadd.f32 v14, v61;
	vm0 =	vgt.f32 v8, $0.0e+00  }
0x1d5: {  	v10 =	vadd.f32 v60, v9;
	v62 =	vmul.f32 $2.000000030e-01, v11;
	v8 =	vsel vm0, v8, v15  }
0x1d6: {  	vm13 =	vgt.f32 v11, $0.0e+00;
	v8 =	vmul.f32 v8, v1  }
0x1d7: {  	v63 =	vmul.f32 $2.000000030e-01, v12;
	v10 =	vadd.f32 v16, v10;
	v11 =	vsel vm13, v11, v62  }
0x1d8: {  	vm14 =	vgt.f32 v12, $0.0e+00;
	v11 =	vmul.f32 v11, v2;
	v8 =	vadd.f32 $0.0e+00, v8  }
0x1d9: {  	v12 =	vsel vm14, v12, v63;
	v17 =	vmul.f32 $2.000000030e-01, v10  }
0x1da: {  	vm15 =	vgt.f32 v10, $0.0e+00;
	v18 =	vmul.f32 v12, v3;
	v8 =	vadd.f32 v11, v8  }
0x1db: {  	v10 =	vsel vm15, v10, v17  }
0x1dc: {  	v10 =	vmul.f32 v10, v4;
	v8 =	vadd.f32 v18, v8;
	_ =	sdelay $0x1  }
0x1dd: {  	v8 =	vadd.f32 v10, v8;
	_ =	sdelay $0x1  }
0x1de: {  	(xrf2) =	vadd.scan.msk.f32 $0xffff, v8;
	_ =	sdelay $0x9  }
0x1df: {  	v8, _, _ =	vpop (xrf2)  }
0x1e0: {  	v8 =	vmul.f32 $1.442695020e+00, v8;
	_ =	sdelay $0x1  }
0x1e1: {  	v8 =	vbroadcast v8, $0xF;
	_ =	sdelay $0x1  }
0x1e2: {  	(erf) = vpow2.f32 v8;
	_ =	sdelay $0x8  }
0x1e3: {  	v8 =	vpop (erf)  }
0x1e4: {  	v5 =	vmul.f32 v8, v5  }
0x1e5: {  	v6 =	vmul.f32 v8, v6  }
0x1e6: {  	[tilespmem:s21+$0xFFFFFF60] =	vst v5;
	v5 =	vmul.f32 v8, v7  }
0x1e7: {  	[tilespmem:s21+$0xFFFFFF70] =	vst v6;
	v6 =	vmul.f32 v8, v9  }
0x1e8: {  	[tilespmem:s21+$0xFFFFFF80] =	vst v5;
	v5 =	vmul.f32 v0, v8  }
0x1e9: {  	[tilespmem:s21+$0xFFFFFF90] =	vst v6  }
0x1ea: {  	[tilespmem:s21+$0xFFFFFFA0] =	vst v5  }
0x1eb: {  	v5 =	vld [tilespmem:s28+$0x180]  }
0x1ec: {  	v6 =	vld [tilespmem:s28+$0x190]  }
0x1ed: {  	v7 =	vld [tilespmem:s28+$0x1A0]  }
0x1ee: {  	v19 =	vld [tilespmem:s28+$0x2980]  }
0x1ef: {  	v20 =	vld [tilespmem:s28+$0x1B0]  }
0x1f0: {  	v21 =	vld [tilespmem:s28+$0x5180]  }
0x1f1: {  	v22 =	vld [tilespmem:s28+$0x2990]  }
0x1f2: {  	v23 =	vld [tilespmem:s28+$0x5190]  }
0x1f3: {  	v24 =	vld [tilespmem:s28+$0x29A0]  }
0x1f4: {  	v26 =	vld [tilespmem:s28+$0x29B0];
	v8 =	vadd.f32 v19, v5  }
0x1f5: {  	v25 =	vld [tilespmem:s28+$0x51A0]  }
0x1f6: {  	v11 =	vadd.f32 v22, v6;
	v8 =	vadd.f32 v21, v8  }
0x1f7: {  	v28 =	vld [tilespmem:s28+$0x51B0]  }
0x1f8: {  	v29 =	vadd.f32 v24, v7;
	v11 =	vadd.f32 v23, v11;
	v27 =	vmul.f32 $2.000000030e-01, v8  }
0x1f9: {  	v10 =	vadd.f32 v26, v20;
	vm4 =	vgt.f32 v8, $0.0e+00  }
0x1fa: {  	v12 =	vadd.f32 v25, v29;
	v30 =	vmul.f32 $2.000000030e-01, v11;
	v8 =	vsel vm4, v8, v27  }
0x1fb: {  	vm5 =	vgt.f32 v11, $0.0e+00;
	v8 =	vmul.f32 v8, v1  }
0x1fc: {  	v10 =	vadd.f32 v28, v10;
	v31 =	vmul.f32 $2.000000030e-01, v12;
	v11 =	vsel vm5, v11, v30  }
0x1fd: {  	vm6 =	vgt.f32 v12, $0.0e+00;
	v11 =	vmul.f32 v11, v2;
	v8 =	vadd.f32 $0.0e+00, v8  }
0x1fe: {  	v32 =	vmul.f32 $2.000000030e-01, v10;
	v12 =	vsel vm6, v12, v31  }
0x1ff: {  	vm7 =	vgt.f32 v10, $0.0e+00;
	v33 =	vmul.f32 v12, v3;
	v8 =	vadd.f32 v11, v8  }
0x200: {  	v10 =	vsel vm7, v10, v32  }
0x201: {  	v10 =	vmul.f32 v10, v4;
	v8 =	vadd.f32 v33, v8;
	_ =	sdelay $0x1  }
0x202: {  	v8 =	vadd.f32 v10, v8;
	_ =	sdelay $0x1  }
0x203: {  	(xrf2) =	vadd.scan.msk.f32 $0xffff, v8;
	_ =	sdelay $0x9  }
0x204: {  	v8, _, _ =	vpop (xrf2)  }
0x205: {  	v8 =	vmul.f32 $1.442695020e+00, v8;
	_ =	sdelay $0x1  }
0x206: {  	v8 =	vbroadcast v8, $0xF;
	_ =	sdelay $0x1  }
0x207: {  	(erf) = vpow2.f32 v8;
	_ =	sdelay $0x8  }
0x208: {  	v8 =	vpop (erf)  }
0x209: {  	v5 =	vmul.f32 v8, v5  }
0x20a: {  	v6 =	vmul.f32 v8, v6  }
0x20b: {  	[tilespmem:s21+$0xFFFFFFB0] =	vst v5;
	v5 =	vmul.f32 v8, v7  }
0x20c: {  	[tilespmem:s21+$0xFFFFFFC0] =	vst v6;
	v6 =	vmul.f32 v8, v20  }
0x20d: {  	[tilespmem:s21+$0xFFFFFFD0] =	vst v5;
	v5 =	vmul.f32 v0, v8  }
0x20e: {  	[tilespmem:s21+$0xFFFFFFE0] =	vst v6  }
0x20f: {  	[tilespmem:s21+$0xFFFFFFF0] =	vst v5  }
0x210: {  	v5 =	vld [tilespmem:s28+$0x1C0]  }
0x211: {  	v6 =	vld [tilespmem:s28+$0x1D0]  }
0x212: {  	v7 =	vld [tilespmem:s28+$0x1E0]  }
0x213: {  	v34 =	vld [tilespmem:s28+$0x29C0]  }
0x214: {  	v35 =	vld [tilespmem:s28+$0x1F0]  }
0x215: {  	v36 =	vld [tilespmem:s28+$0x51C0]  }
0x216: {  	v37 =	vld [tilespmem:s28+$0x29D0]  }
0x217: {  	v38 =	vld [tilespmem:s28+$0x51D0]  }
0x218: {  	v39 =	vld [tilespmem:s28+$0x29E0]  }
0x219: {  	v41 =	vld [tilespmem:s28+$0x29F0];
	v8 =	vadd.f32 v34, v5  }
0x21a: {  	v40 =	vld [tilespmem:s28+$0x51E0]  }
0x21b: {  	v11 =	vadd.f32 v37, v6;
	v8 =	vadd.f32 v36, v8  }
0x21c: {  	v43 =	vld [tilespmem:s28+$0x51F0]  }
0x21d: {  	v44 =	vadd.f32 v39, v7;
	v11 =	vadd.f32 v38, v11;
	v42 =	vmul.f32 $2.000000030e-01, v8  }
0x21e: {  	v10 =	vadd.f32 v41, v35;
	vm8 =	vgt.f32 v8, $0.0e+00  }
0x21f: {  	v12 =	vadd.f32 v40, v44;
	v45 =	vmul.f32 $2.000000030e-01, v11;
	v8 =	vsel vm8, v8, v42  }
0x220: {  	vm9 =	vgt.f32 v11, $0.0e+00;
	v8 =	vmul.f32 v8, v1  }
0x221: {  	v10 =	vadd.f32 v43, v10;
	v46 =	vmul.f32 $2.000000030e-01, v12;
	v11 =	vsel vm9, v11, v45  }
0x222: {  	vm10 =	vgt.f32 v12, $0.0e+00;
	v11 =	vmul.f32 v11, v2;
	v8 =	vadd.f32 $0.0e+00, v8  }
0x223: {  	v47 =	vmul.f32 $2.000000030e-01, v10;
	v12 =	vsel vm10, v12, v46  }
0x224: {  	vm11 =	vgt.f32 v10, $0.0e+00;
	v48 =	vmul.f32 v12, v3;
	v8 =	vadd.f32 v11, v8  }
0x225: {  	v10 =	vsel vm11, v10, v47  }
0x226: {  	v10 =	vmul.f32 v10, v4;
	v8 =	vadd.f32 v48, v8;
	_ =	sdelay $0x1  }
0x227: {  	v8 =	vadd.f32 v10, v8;
	_ =	sdelay $0x1  }
0x228: {  	(xrf2) =	vadd.scan.msk.f32 $0xffff, v8;
	_ =	sdelay $0x9  }
0x229: {  	v8, _, _ =	vpop (xrf2)  }
0x22a: {  	v8 =	vmul.f32 $1.442695020e+00, v8;
	_ =	sdelay $0x1  }
0x22b: {  	v8 =	vbroadcast v8, $0xF;
	_ =	sdelay $0x1  }
0x22c: {  	(erf) = vpow2.f32 v8;
	_ =	sdelay $0x8  }
0x22d: {  	v8 =	vpop (erf)  }
0x22e: {  	v5 =	vmul.f32 v8, v5  }
0x22f: {  	v6 =	vmul.f32 v8, v6  }
0x230: {  	[tilespmem:s21+$0x0] =	vst v5;
	v5 =	vmul.f32 v8, v7  }
0x231: {  	[tilespmem:s21+$0x10] =	vst v6;
	v6 =	vmul.f32 v8, v35  }
0x232: {  	[tilespmem:s21+$0x20] =	vst v5;
	v5 =	vmul.f32 v0, v8  }
0x233: {  	[tilespmem:s21+$0x30] =	vst v6  }
0x234: {  	[tilespmem:s21+$0x40] =	vst v5  }
0x235: {  	v5 =	vld [tilespmem:s28+$0x200]  }
0x236: {  	v6 =	vld [tilespmem:s28+$0x210]  }
0x237: {  	v7 =	vld [tilespmem:s28+$0x220]  }
0x238: {  	v49 =	vld [tilespmem:s28+$0x2A00]  }
0x239: {  	v50 =	vld [tilespmem:s28+$0x230]  }
0x23a: {  	v51 =	vld [tilespmem:s28+$0x5200]  }
0x23b: {  	v52 =	vld [tilespmem:s28+$0x2A10]  }
0x23c: {  	v53 =	vld [tilespmem:s28+$0x5210]  }
0x23d: {  	v54 =	vld [tilespmem:s28+$0x2A20]  }
0x23e: {  	v56 =	vld [tilespmem:s28+$0x2A30];
	v8 =	vadd.f32 v49, v5  }
0x23f: {  	v55 =	vld [tilespmem:s28+$0x5220]  }
0x240: {  	v11 =	vadd.f32 v52, v6;
	v8 =	vadd.f32 v51, v8  }
0x241: {  	v58 =	vld [tilespmem:s28+$0x5230]  }
0x242: {  	v59 =	vadd.f32 v54, v7;
	v11 =	vadd.f32 v53, v11;
	v57 =	vmul.f32 $2.000000030e-01, v8  }
0x243: {  	v10 =	vadd.f32 v56, v50;
	vm12 =	vgt.f32 v8, $0.0e+00  }
0x244: {  	v12 =	vadd.f32 v55, v59;
	v60 =	vmul.f32 $2.000000030e-01, v11;
	v8 =	vsel vm12, v8, v57  }
0x245: {  	vm13 =	vgt.f32 v11, $0.0e+00;
	v8 =	vmul.f32 v8, v1  }
0x246: {  	v10 =	vadd.f32 v58, v10;
	v61 =	vmul.f32 $2.000000030e-01, v12;
	v11 =	vsel vm13, v11, v60  }
0x247: {  	vm14 =	vgt.f32 v12, $0.0e+00;
	v11 =	vmul.f32 v11, v2;
	v8 =	vadd.f32 $0.0e+00, v8  }
0x248: {  	v62 =	vmul.f32 $2.000000030e-01, v10;
	v12 =	vsel vm14, v12, v61  }
0x249: {  	vm15 =	vgt.f32 v10, $0.0e+00;
	v63 =	vmul.f32 v12, v3;
	v8 =	vadd.f32 v11, v8  }
0x24a: {  	v10 =	vsel vm15, v10, v62  }
0x24b: {  	v10 =	vmul.f32 v10, v4;
	v8 =	vadd.f32 v63, v8;
	_ =	sdelay $0x1  }
0x24c: {  	v8 =	vadd.f32 v10, v8;
	_ =	sdelay $0x1  }
0x24d: {  	(xrf2) =	vadd.scan.msk.f32 $0xffff, v8;
	_ =	sdelay $0x9  }
0x24e: {  	v8, _, _ =	vpop (xrf2)  }
0x24f: {  	v8 =	vmul.f32 $1.442695020e+00, v8;
	_ =	sdelay $0x1  }
0x250: {  	v8 =	vbroadcast v8, $0xF;
	_ =	sdelay $0x1  }
0x251: {  	(erf) = vpow2.f32 v8;
	_ =	sdelay $0x8  }
0x252: {  	v8 =	vpop (erf)  }
0x253: {  	v5 =	vmul.f32 v8, v5  }
0x254: {  	p1 =	sne.s32 s15, $0x4C00;
	v6 =	vmul.f32 v8, v6  }
.Ltmp4:
0x255: {  	[tilespmem:s21+$0x50] =	vst v5;
	v5 =	vmul.f32 v8, v7;
	(pc) =	sbr.rel @p1 .LBB2_7-.Ltmp4, $4  }
0x256: {  	[tilespmem:s21+$0x60] =	vst v6;
	v6 =	vmul.f32 v8, v50  }
0x257: {  	[tilespmem:s21+$0x70] =	vst v5;
	v5 =	vmul.f32 v0, v8  }
0x258: {  	[tilespmem:s21+$0x80] =	vst v6  }
0x259: {  	s15 =	sadd.s32 $0x400, s15;
	[tilespmem:s21+$0x90] =	vst v5;
	s21 =	sadd.s32 $0x140, s21  }
.Ltmp5:
0x25a: {  	(pc) =	sbr.rel @p0 .LBB2_10-.Ltmp5, $2  }
0x25b: {  	_ =	sdelay $0x2  }
0x25c: {  	[spmem:s3] =	stream.indirect.scatter.add.f32 [tilespmem:s24], [sflag:$0x9], $0x50, s25, s26, $0xb8;
	[tilespmem:$0x17100] =	vst v63  }
0x25d: {  	_ =	swait.ge [sflag:s11], $0x50  }
0x25e: {  	[sflag:s11] =	ssyncset.done $0x0  }
0x25f: {  	[sflag:s11] =	ssyncadd.s32 $0xFFFFFFB0  }
0x260: {  	s14 =	smul.u32 $0x50, s14;
	_ =	swait.ge [sflag:s11], $0x50  }
0x261: {  	[sflag:s11] =	ssyncset.done $0x0  }
0x262: {  	s15 =	simm.s32 $0x1540;
	s14 =	sadd.s32 s10, s14;
	[sflag:s11] =	ssyncadd.s32 $0xFFFFFFB0  }
0x263: {  	[tilespmem:s15], [sflag:$0x4] =	stream.indirect.gather [hbm4b:s5+s26], $0x40, s26, s26, $0xb8;
	[tilespmem:$0x17100] =	vst v63  }
.Ltmp6:
0x264: {  	s14 =	sshll.u32 s14, $0x3;
	(pc) =	sbr.rel .LBB2_4-.Ltmp6, $4  }
0x265: {  	s28 =	simm.s32 $0x3D40;
	s14 =	sand.u32 $0x1FFFFF80, s14  }
0x266: {  	[tilespmem:s28], [sflag:$0x6] =	stream.indirect.gather [hbm4b:s6+s26], $0x40, s31, s26, $0xb8;
	[tilespmem:$0x17100] =	vst v63  }
0x267: {  	s29 =	simm.s32 $0x6540;
	s12 =	sadd.s32 $0x1, s12;
	s14 =	sadd.s32 s7, s14  }
0x268: {  	[tilespmem:s29], [sflag:$0x8] =	stream.linear.gather [hbm4b:s14+s4], $0x1400, $0x38;
	[tilespmem:$0x17100] =	vst v63  }
.LBB2_11:
0x269: {  	_ =	sfence.sel $0x180000  }
0x26a: {  	[bflag:$0x0] =	sbarrier.arrive $0xFFFF  }
0x26b: {  	_ =	strace $0x9000004D  }
0x26c: {  	s0 =	stileid.u32;
	[bflag:$0x2] =	sbarrier.arrive $0xFFFF  }
0x26d: {  	p0 =	sne.s32 s0, $0x0;
	s0 =	rddreg [dreg:$0x3]  }
0x26e: {  	s0 =	sadd.s32 @!p0 $0x100000, s0  }
0x26f: {  	[sflag:s0] =	ssyncadd.tile.s32 @!p0 $0x1;
	_ =	shalt  }
.Lfunc_end2:
_tile_overlayer_lowered:
.L_overlay_start_2:
0x270: {  	(tag) =	ssettag $0x2  }
0x271: {  	s0 =	rddreg [dreg:$0x0];
	s2 =	stileid.u32  }
0x272: {  	s1 =	rddreg [dreg:$0x1];
	p0 =	sne.s32 s2, $0x0  }
0x273: {  	s3 =	rddreg [dreg:$0x2];
	[bflag:$0x3] =	sbarrier.arrive $0xFFFF;
	s2 =	simm.s32 @!p0 $0x1C0B  }
0x274: {  	[timem:s3], [sflag:s2] =	dma.local @!p0 [hbm:s0], s1  }
0x275: {  	s0 =	simm.s32 @!p0 $0xB  }
0x276: {  	_ =	swait.ge @!p0 [sflag:s0], s1  }
0x277: {  	s1 =	ssub.s32 @!p0 $0x0, s1;
	[sflag:s0] =	ssyncset.done @!p0 $0x0  }
0x278: {  	[sflag:s0] =	ssyncadd.s32 @!p0 s1  }
0x279: {  	[bflag:$0x3] =	sbarrier.arrive $0xFFFF  }
0x27a: {  	_ =	shalt  }

// kernel: kernel.20.cloned.1.call-start
scs
__scs_entry_jumppad:
0x0: {  	(pc) =	sbr.rel $0x88, $3  }
0x1: {  	(tag) =	ssettag $0x0;
	lr =	simm.s32 $0x1  }
0x2: {  	[smem:$0x3F88] =	sst lr;
	_ =	strace $0xD0000000  }
0x3: {  	_ = 	snop  }
0x4: {  	_ = 	snop  }
0x5: {  	_ = 	snop  }
0x6: {  	_ = 	snop  }
0x7: {  	_ = 	snop  }
__scs_overlays_trampoline_lowered:
0x8: {  	[smem:$0x3F97] =	sst s0  }
0x9: {  	[smem:$0x3F98] =	sst s1  }
0xa: {  	[smem:$0x3F99] =	sst s2  }
0xb: {  	[smem:$0x3F9A] =	sst s3  }
0xc: {  	[smem:$0x3F9B] =	sst s4  }
0xd: {  	[smem:$0x3F9C] =	sst s5  }
0xe: {  	[smem:$0x3F9D] =	sst s6  }
0xf: {  	[smem:$0x3F9E] =	sst s7  }
0x10: {  	[smem:$0x3F9F] =	sst s8  }
0x11: {  	[smem:$0x3FA0] =	sst s9;
	s0 =	simm.s32 @!p0 $0x0  }
0x12: {  	s1 =	sld [smem:$0x3F86];
	s0 =	simm.s32 @p0 $0x1  }
0x13: {  	[smem:$0x3FA1] =	sst s0;
	s0 =	simm.s32 @!p1 $0x0  }
0x14: {  	s2 =	sld [smem:$0x3F85];
	s0 =	simm.s32 @p1 $0x1  }
0x15: {  	[smem:$0x3FA2] =	sst s0;
	s0 =	simm.s32 @!p2 $0x0  }
0x16: {  	s3 =	sld [smem:$0x3FDB];
	s0 =	simm.s32 @p2 $0x1  }
0x17: {  	s4 =	simm.s32 $0x1BF5;
	[smem:$0x3FA4] =	sst s0  }
0x18: {  	s0 =	sld [smem:$0x3F87];
	_ =	swait.ge [sflag:s4], $0x0  }
0x19: {  	s7 =	sld [smem:$0x3F88]  }
0x1a: {  	s8 =	sadd.s32 $0xFFFFE003, lr  }
0x1b: {  	s9 =	sadd.s32 $0xFFFFFEF7, lr;
	s5 =	simm.s32 $0xFFFFFFFF;
	p2 =	slt.u32 s8, $0xFFFFF086  }
0x1c: {  	p1 =	slt.u32 s9, $0xF7A;
	s5 =	simm.s32 @!p2 $0x0  }
0x1d: {  	s5 =	simm.s32 @p1 $0x1;
	p0 =	seq.s32 s7, s2  }
0x1e: {  	s7 =	smul.u32 @!p0 $0xF7A, s2;
	p2 =	seq.s32 @!p0 s5, $0x0  }
0x1f: {  	s9 =	smul.u32 $0xF7A, s1;
	s8 =	simm.s32 @!p0 $0x1BF5;
	p2 =	por !p2, p0  }
0x20: {  	[sflag:s8] =	ssyncset.s32 @!p0 $0xFFFFF086;
	s6 =	sadd.s32 @!p0 s3, s7;
	s7 =	simm.s32 @!p0 $0x108  }
0x21: {  	s3 =	sadd.s32 s3, s9;
	s6 =	sadd.s32 @!p0 $0x88, s6;
	s7 =	simm.s32 @p2 $0x1082  }
0x22: {  	[simem:s7], [sflag:s8] =	dma.local @!p0 [hbm:s6], $0xF7A  }
0x23: {  	s9 =	sor.u32 $0xD0000000, s2;
	s6 =	simm.s32 $0x108;
	_ =	swait.ge @!p0 [sflag:s8], $0x0  }
0x24: {  	s3 =	sadd.s32 $0x88, s3;
	s6 =	simm.s32 @!p1 $0x1082;
	[sflag:s4] =	ssyncset.s32 $0xFFFFF086  }
0x25: {  	[simem:s6], [sflag:s4] =	dma.local [hbm:s3], $0xF7A  }
0x26: {  	[smem:$0x3F88] =	sst s1;
	(tag) =	ssettag s2;
	_ =	strace s9  }
0x27: {  	s1 =	sld [smem:$0x3F98]  }
0x28: {  	s2 =	sld [smem:$0x3F99]  }
0x29: {  	s4 =	sld [smem:$0x3F9B]  }
0x2a: {  	p0 =	seq.s32 s5, $0x0;
	s5 =	sld [smem:$0x3F9C]  }
0x2b: {  	s6 =	sld [smem:$0x3F9D]  }
0x2c: {  	s7 =	sld [smem:$0x3F9E]  }
0x2d: {  	s3 =	simm.s32 $0x108;
	s8 =	sld [smem:$0x3F9F]  }
0x2e: {  	s3 =	simm.s32 @!p0 $0x1082;
	s9 =	sld [smem:$0x3FA0]  }
0x2f: {  	lr =	sadd.s32 s0, s3;
	s0 =	sld [smem:$0x3F97]  }
0x30: {  	s3 =	sld [smem:$0x3F9A]  }
0x31: {  	[smem:$0x3FA3] =	sst s10  }
0x32: {  	s10 =	sld [smem:$0x3FA1];
	_ =	sdelay $0x3  }
0x33: {  	p0 =	seq.s32 s10, $0x1;
	s10 =	sld [smem:$0x3FA3];
	_ =	sdelay $0x3  }
0x34: {  	[smem:$0x3FA3] =	sst s10  }
0x35: {  	s10 =	sld [smem:$0x3FA2];
	_ =	sdelay $0x3  }
0x36: {  	p1 =	seq.s32 s10, $0x1;
	s10 =	sld [smem:$0x3FA3];
	_ =	sdelay $0x3  }
0x37: {  	[smem:$0x3FA3] =	sst s10  }
0x38: {  	s10 =	sld [smem:$0x3FA4]  }
0x39: {  	_ = 	snop;
	(pc) =	sbr.ind lr, $3  }
0x3a: {  	_ = 	snop  }
0x3b: {  	_ = 	snop  }
0x3c: {  	p2 =	seq.s32 s10, $0x1;
	s10 =	sld [smem:$0x3FA3]  }
0x3d: {  	_ =	shalt  }
0x3e: {  	_ =	shalt  }
0x3f: {  	_ =	shalt  }
0x40: {  	_ =	shalt  }
0x41: {  	_ =	shalt  }
0x42: {  	_ =	shalt  }
0x43: {  	_ =	shalt  }
0x44: {  	_ =	shalt  }
0x45: {  	_ =	shalt  }
0x46: {  	_ =	shalt  }
0x47: {  	_ =	shalt  }
0x48: {  	_ =	shalt  }
0x49: {  	_ =	shalt  }
0x4a: {  	_ =	shalt  }
0x4b: {  	_ =	shalt  }
0x4c: {  	_ =	shalt  }
0x4d: {  	_ =	shalt  }
0x4e: {  	_ =	shalt  }
0x4f: {  	_ =	shalt  }
0x50: {  	_ =	shalt  }
0x51: {  	_ =	shalt  }
0x52: {  	_ =	shalt  }
0x53: {  	_ =	shalt  }
0x54: {  	_ =	shalt  }
0x55: {  	_ =	shalt  }
0x56: {  	_ =	shalt  }
0x57: {  	_ =	shalt  }
0x58: {  	_ =	shalt  }
0x59: {  	_ =	shalt  }
0x5a: {  	_ =	shalt  }
0x5b: {  	_ =	shalt  }
0x5c: {  	_ =	shalt  }
0x5d: {  	_ =	shalt  }
0x5e: {  	_ =	shalt  }
0x5f: {  	_ =	shalt  }
0x60: {  	_ =	shalt  }
0x61: {  	_ =	shalt  }
0x62: {  	_ =	shalt  }
0x63: {  	_ =	shalt  }
0x64: {  	_ =	shalt  }
0x65: {  	_ =	shalt  }
0x66: {  	_ =	shalt  }
0x67: {  	_ =	shalt  }
0x68: {  	_ =	shalt  }
0x69: {  	_ =	shalt  }
0x6a: {  	_ =	shalt  }
0x6b: {  	_ =	shalt  }
0x6c: {  	_ =	shalt  }
0x6d: {  	_ =	shalt  }
0x6e: {  	_ =	shalt  }
0x6f: {  	_ =	shalt  }
0x70: {  	_ =	shalt  }
0x71: {  	_ =	shalt  }
0x72: {  	_ =	shalt  }
0x73: {  	_ =	shalt  }
0x74: {  	_ =	shalt  }
0x75: {  	_ =	shalt  }
0x76: {  	_ =	shalt  }
0x77: {  	_ =	shalt  }
0x78: {  	_ =	shalt  }
0x79: {  	_ =	shalt  }
0x7a: {  	_ =	shalt  }
0x7b: {  	_ =	shalt  }
0x7c: {  	_ =	shalt  }
0x7d: {  	_ =	shalt  }
0x7e: {  	_ =	shalt  }
0x7f: {  	_ =	shalt  }
0x80: {  	_ =	shalt  }
0x81: {  	_ =	shalt  }
0x82: {  	_ =	shalt  }
0x83: {  	_ =	shalt  }
0x84: {  	_ =	shalt  }
0x85: {  	_ =	shalt  }
0x86: {  	_ =	shalt  }
0x87: {  	_ =	shalt  }
.Lfunc_end0:
.L_simem_size_0:
called_computation.3_lowered:
.L_overlay_start_0:
0x88: {  	s2 =	sld [smem:$0x3FD9]  }
0x89: {  	s3 =	sld [smem:$0x3FFE];
	_ =	sdelay $0x1  }
0x8a: {  	s1 =	srdreg.scid  }
0x8b: {  	s0 =	sand.u32 $0x1, s1  }
0x8c: {  	s17 =	sshll.u32 s0, $0xA;
	s2 =	sadd.s32 s3, s2  }
0x8d: {  	s2 =	sadd.s32 s2, s17  }
0x8e: {  	[smem:$0x3FAF] =	sst s2  }
0x8f: {  	_ = 	snop  }
0x90: {  	s2 =	sld [smem:$0x3FC5];
	(tm) =	ssettm $0x1  }
0x91: {  	s18 =	sld [smem:$0x3FFB];
	_ =	sdelay $0x3  }
0x92: {  	_ =	strace s18  }
0x93: {  	s3 =	sld [smem:$0x3FFC];
	_ =	sdelay $0x3  }
0x94: {  	_ =	strace s3  }
0x95: {  	s3 =	sld [smem:$0x3FFD];
	_ =	sdelay $0x3  }
0x96: {  	_ =	strace s3  }
0x97: {  	_ =	strace $0x8FFFFFFF  }
0x98: {  	s19 =	sld [smem:$0x3FDB];
	_ =	sdelay $0x1  }
0x99: {  	s4 =	simm.s32 $_scs_section_size  }
0x9a: {  	s5 =	simm.s32 $_size__tile_overlayer_lowered;
	s6 =	simm.s32 $_tile_overlayer_lowered  }
0x9b: {  	s22 =	simm.s32 $0x1BFF;
	s21 =	sshll.u32 s6, $0x1;
	s3 =	sadd.s32 s4, s19  }
0x9c: {  	s7 =	simm.s32 $0x0;
	s20 =	sshll.u32 s5, $0x1;
	s5 =	sadd.s32 s21, s3  }
0x9d: {  	[timem:s7], [sflag:s22] =	dma.local [hbm:s5], s20  }
0x9e: {  	_ =	swait.ge [sflag:s22], s20  }
0x9f: {  	s4 =	ssub.s32 $0x0, s20;
	[sflag:s22] =	ssyncset.done $0x0  }
0xa0: {  	[sflag:s22] =	ssyncadd.s32 s4;
	_ =	sdelay $0x1  }
0xa1: {  	s23 =	simm.s32 $0x1B8B  }
0xa2: {  	_ =	swait.ge [sflag:s23], $0x1  }
0xa3: {  	[sflag:s23] =	ssyncset.done $0x0  }
0xa4: {  	s25 =	simm.s32 $0x1B8E;
	s24 =	sld [smem:$0x3FFE];
	[sflag:s23] =	ssyncadd.s32 $0xFFFFFFFF  }
0xa5: {  	s26 =	simm.s32 $execute0_lowered;
	[smem:$0x3FD2] =	sst s25  }
0xa6: {  	s5 =	sshll.u32 s26, $0x1;
	_ =	strace $0x8000004F;
	[dreg:$0x1] =	wrdreg $0xFFFFFFFF  }
0xa7: {  	s28 =	simm.s32 $_size_execute0_lowered;
	s3 =	sadd.s32 s3, s5;
	[dreg:$0x0] =	wrdreg $0x0  }
0xa8: {  	s5 =	sshll.u32 s28, $0x1;
	[dreg:$0x2] =	wrdreg s3  }
0xa9: {  	[dreg:$0x3] =	wrdreg s5  }
0xaa: {  	[dreg:$0x4] =	wrdreg $0xC0  }
0xab: {  	_ =	task [dreg:s7], $0x5FFFF  }
0xac: {  	[dreg:$0x1] =	wrdreg $0xFFFFFFFF  }
0xad: {  	[dreg:$0x0] =	wrdreg $0x60  }
0xae: {  	[dreg:$0x2] =	wrdreg s24  }
0xaf: {  	[dreg:$0x3] =	wrdreg s2  }
0xb0: {  	[dreg:$0x4] =	wrdreg $0x9  }
0xb1: {  	_ =	task.clear_ibuf [dreg:s7], $0x5FFFF;
	_ =	strace $0x9000004F  }
0xb2: {  	s29 =	simm.s32 $0x9;
	_ =	strace $0x80000051  }
0xb3: {  	_ =	swait.ge [sflag:s29], $0x1  }
0xb4: {  	[sflag:s29] =	ssyncadd.s32 $0xFFFFFFFF  }
0xb5: {  	_ =	strace $0x90000051  }
0xb6: {  	_ =	sfence  }
0xb7: {  	s30 =	sld [smem:$0x0];
	_ =	sdelay $0x2  }
0xb8: {  	s31 =	sshll.u32 s1, $0xD;
	s1 =	sshrl.u32 s1, $0x2  }
0xb9: {  	s3 =	sand.u32 $0x4000, s31;
	s1 =	sadd.s32 s1, s30  }
0xba: {  	s0 =	sor.u32 s3, s0;
	s1 =	sshll.u32 s1, $0x11  }
0xbb: {  	s0 =	sor.u32 s1, s0  }
0xbc: {  	s0 =	sadd.s32 $0x8F2B, s0  }
0xbd: {  	[sflag:s0] =	ssyncadd.remote.s32 $0x1  }
0xbe: {  	_ =	sfence.sel $0xFFFF  }
0xbf: {  	[dreg:$0x0] =	wrdreg $0xFFFFFFFF;
	(pc) =	sbr.abs _section_cstart, $3  }
0xc0: {  	[dreg:$0x1] =	wrdreg $0xFFFFFFFF  }
0xc1: {  	_ =	task.clear_ibuf [dreg:s7], $0x2FFFF;
	_ =	strace $0x9FFFFFFF  }
0xc2: {  	(tm) =	ssettm $0x7FFFFFFF  }
0xc3: {  	_ =	shalt  }
tec
execute0_lowered:
.L_overlay_start_1:
0x0: {  	(tag) =	ssettag $0x1  }
0x1: {  	s1 =	srdreg.scid  }
0x2: {  	s8 =	rddreg [dreg:$0x0];
	s0 =	stileid.u32  }
0x3: {  	s3 =	rddreg [dreg:$0x1];
	s2 =	simm.s32 $0x0;
	s6 =	sand.u32 $0x1, s1  }
0x4: {  	s5 =	sshll.u32 s0, $0x5;
	s1 =	rddreg [dreg:$0x2];
	s4 =	sshll.u32 s6, $0x9  }
0x5: {  	s7 =	simm.s32 $0x1;
	[smem:$0x7FF] =	sst s2;
	s9 =	sor.u32 s5, s4  }
0x6: {  	_ =	strace $0x80000050;
	s10 =	ssub.s32 $0x2, s6;
	s4 =	sshrl.u32 s9, $0x3  }
0x7: {  	s6 =	simm.s32 $0x20;
	s4 =	sadd.s32 s3, s4;
	s3 =	simm.s32 $0x2  }
0x8: {  	[tilespmem:s2], [sflag:$0x2] =	stream.linear.gather [hbm4b:s4+s2], $0x20, $0x38;
	[tilespmem:$0x220] =	vst v63  }
0x9: {  	s5 =	sadd.s32 $0x5E00, s8;
	s11 =	sshrl.u32 s10, $0x1;
	_ =	swait.ge [sflag:s3], $0x20  }
0xa: {  	s9 =	sshll.u32 s9, $0x1;
	s31 =	ssub.s32 s10, s11;
	[sflag:s3] =	ssyncset.done $0x0  }
0xb: {  	s8 =	sadd.s32 s9, s8;
	s9 =	smax.u32 s31, $0x1;
	[sflag:s3] =	ssyncadd.s32 $0xFFFFFFE0  }
0xc: {  	[tilespmem:s6], [sflag:$0x1] =	stream.indirect.gather [hbm4b:s5+s6], $0x10, s2, s6, $0xb8;
	[tilespmem:$0x220] =	vst v63  }
0xd: {  	p0 =	sne.s32 s9, $0x1;
	_ =	swait.ge [sflag:s7], $0x200  }
.Ltmp0:
0xe: {  	[sflag:s7] =	ssyncset.done $0x0;
	(pc) =	sbr.rel @!p0 .LBB2_2-.Ltmp0, $4  }
0xf: {  	s8 =	sadd.s32 $0xAE00, s8;
	[sflag:s7] =	ssyncadd.s32 $0xFFFFFE00  }
0x10: {  	[hbm4b:s8+s2] =	stream.linear.scatter [tilespmem:s6], [sflag:$0x2], $0x200, $0x38;
	[tilespmem:$0x220] =	vst v63  }
0x11: {  	_ =	swait.ge [sflag:s3], $0x200  }
0x12: {  	s9 =	sadd.s32 $0xFFFFFFFF, s9;
	[sflag:s3] =	ssyncset.done $0x0  }
.LBB2_1:
0x13: {  	p0 =	sne.s32 s9, $0x1;
	s9 =	sadd.s32 $0xFFFFFFFF, s9;
	[sflag:s3] =	ssyncadd.s32 $0xFFFFFE00  }
0x14: {  	[tilespmem:s2], [sflag:$0x2] =	stream.linear.gather [hbm4b:s4+s2], $0x20, $0x38;
	[tilespmem:$0x220] =	vst v63  }
0x15: {  	_ =	swait.ge [sflag:s3], $0x20  }
0x16: {  	[sflag:s3] =	ssyncset.done $0x0  }
0x17: {  	[sflag:s3] =	ssyncadd.s32 $0xFFFFFFE0  }
0x18: {  	[tilespmem:s6], [sflag:$0x1] =	stream.indirect.gather [hbm4b:s5+s6], $0x10, s2, s6, $0xb8;
	[tilespmem:$0x220] =	vst v63  }
0x19: {  	_ =	swait.ge [sflag:s7], $0x200  }
.Ltmp1:
0x1a: {  	[sflag:s7] =	ssyncset.done $0x0;
	(pc) =	sbr.rel @p0 .LBB2_1-.Ltmp1, $4  }
0x1b: {  	[sflag:s7] =	ssyncadd.s32 $0xFFFFFE00  }
0x1c: {  	[hbm4b:s8+s2] =	stream.linear.scatter [tilespmem:s6], [sflag:$0x2], $0x200, $0x38;
	[tilespmem:$0x220] =	vst v63  }
0x1d: {  	_ =	swait.ge [sflag:s3], $0x200  }
0x1e: {  	[sflag:s3] =	ssyncset.done $0x0  }
.LBB2_2:
0x1f: {  	[sflag:s3] =	ssyncadd.s32 $0xFFFFFE00  }
0x20: {  	_ =	sfence.sel $0x180000  }
0x21: {  	[bflag:$0x0] =	sbarrier.arrive $0xFFFF  }
0x22: {  	p0 =	sne.s32 s0, $0x0;
	_ =	strace $0x90000050  }
0x23: {  	s0 =	sadd.s32 @!p0 $0x100000, s1;
	[bflag:$0x2] =	sbarrier.arrive $0xFFFF  }
0x24: {  	[sflag:s0] =	ssyncadd.tile.s32 @!p0 $0x1;
	_ =	shalt  }
.Lfunc_end2:
_tile_overlayer_lowered:
.L_overlay_start_2:
0x25: {  	(tag) =	ssettag $0x2  }
0x26: {  	s0 =	rddreg [dreg:$0x0];
	s2 =	stileid.u32  }
0x27: {  	s1 =	rddreg [dreg:$0x1];
	p0 =	sne.s32 s2, $0x0  }
0x28: {  	s3 =	rddreg [dreg:$0x2];
	[bflag:$0x3] =	sbarrier.arrive $0xFFFF;
	s2 =	simm.s32 @!p0 $0x1C02  }
0x29: {  	[timem:s3], [sflag:s2] =	dma.local @!p0 [hbm:s0], s1  }
0x2a: {  	s0 =	simm.s32 @!p0 $0x2  }
0x2b: {  	_ =	swait.ge @!p0 [sflag:s0], s1  }
0x2c: {  	s1 =	ssub.s32 @!p0 $0x0, s1;
	[sflag:s0] =	ssyncset.done @!p0 $0x0  }
0x2d: {  	[sflag:s0] =	ssyncadd.s32 @!p0 s1  }
0x2e: {  	[bflag:$0x3] =	sbarrier.arrive $0xFFFF  }
0x2f: {  	_ =	shalt  }

</sc_bundles>
